<compile_context>
chip_gen: v7x
topology: tpu7x:2x2x1
jax: 0.10.2.dev20260603
libtpu: 0.0.44.dev20260713+nightly
codegen_flags: <defaults>
</compile_context>

<pallas_src>
import functools

import jax
import jax.numpy as jnp
from jax import lax
from jax.experimental import pallas as pl
from jax.experimental.pallas import tpu as pltpu
from jax.experimental.pallas import tpu_sc as plsc

N = 10000
E = 160000
D = 256
DH = 128
NC = 2
NS = 16
CH = 128
K = 80
HK = 40
EPAD = NS * CH * K
NPAD = 10240
RPS = NPAD // NS
TRASH = N



def _sc_body(with_cnt, xa, xb, srcs, dsts, agg_out, cnt_out,
             agg_sh, cnt_sh, src_v, dst_v, buf, ones_v, cbuf,
             semg0, semg1, sems0, sems1):
    cid = lax.axis_index("c")
    sid = lax.axis_index("s")

    @pl.loop(0, CH)
    def _(i):
        for j in range(DH // 16):
            buf[0, i, pl.ds(j * 16, 16)] = jnp.zeros((16,), jnp.float32)

    @pl.loop(0, CH // 16)
    def _(i):
        ones_v[pl.ds(i * 16, 16)] = jnp.ones((16,), jnp.float32)

    @pl.loop(0, RPS // 16)
    def _(i):
        cbuf[pl.ds(i * 16, 16)] = jnp.zeros((16,), jnp.float32)

    for r in range(RPS // CH):
        pltpu.sync_copy(buf.at[0], agg_sh.at[pl.ds(sid * RPS + r * CH, CH)])
    pltpu.sync_copy(cbuf, cnt_sh.at[pl.ds(sid * RPS, RPS)])
    plsc.subcore_barrier()

    semg = (semg0, semg1)

    def edge_loop(x_ref, cnt_halves):
        for half in range(K // HK):
            do_cnt = cnt_halves[half]
            pltpu.sync_copy(srcs.at[sid, pl.ds(half * HK, HK)], src_v)
            pltpu.sync_copy(dsts.at[sid, pl.ds(half * HK, HK)], dst_v)
            pltpu.async_copy(x_ref.at[src_v.at[0]], buf.at[0], semg[0])

            @pl.loop(0, HK, step=2)
            def _(j):
                for b in range(2):
                    cur = j + b

                    @pl.when(cur + 1 < HK)
                    def _():
                        pltpu.async_copy(x_ref.at[src_v.at[cur + 1]],
                                         buf.at[1 - b], semg[1 - b])
                    pltpu.make_async_copy(x_ref.at[src_v.at[cur]],
                                          buf.at[b], semg[b]).wait()
                    pltpu.sync_copy(buf.at[b], agg_sh.at[dst_v.at[cur]],
                                    add=True)
                    if do_cnt:
                        pltpu.sync_copy(ones_v, cnt_sh.at[dst_v.at[cur]],
                                        add=True)

    @pl.when(cid == 0)
    def _():
        edge_loop(xa, (with_cnt, with_cnt))

    @pl.when(cid == 1)
    def _():
        edge_loop(xb, (False, False))

    plsc.subcore_barrier()

    for r in range(RPS // CH):
        rows = pl.ds(sid * RPS + r * CH, CH)
        pltpu.sync_copy(agg_sh.at[rows], buf.at[0])
        pltpu.sync_copy(buf.at[0], agg_out.at[cid, rows])
    if with_cnt:
        @pl.when(cid == 0)
        def _():
            pltpu.sync_copy(cnt_sh.at[pl.ds(sid * RPS, RPS)], cbuf)
            pltpu.sync_copy(cbuf, cnt_out.at[pl.ds(sid * RPS, RPS)])


def _make_sc_agg(with_cnt):
    mesh = plsc.VectorSubcoreMesh(core_axis_name="c", subcore_axis_name="s")
    out_type = (jax.ShapeDtypeStruct((NC, NPAD, DH), jnp.float32),
                jax.ShapeDtypeStruct((NPAD,), jnp.float32))
    return pl.kernel(
        functools.partial(_sc_body, with_cnt),
        out_type,
        mesh=mesh,
        scratch_types=[
            pltpu.VMEM_SHARED((NPAD, DH), jnp.float32),
            pltpu.VMEM_SHARED((NPAD,), jnp.float32),
            pltpu.VMEM((HK, CH), jnp.int32),
            pltpu.VMEM((HK, CH), jnp.int32),
            pltpu.VMEM((2, CH, DH), jnp.float32),
            pltpu.VMEM((CH,), jnp.float32),
            pltpu.VMEM((RPS,), jnp.float32),
            pltpu.SemaphoreType.DMA,
            pltpu.SemaphoreType.DMA,
            pltpu.SemaphoreType.DMA,
            pltpu.SemaphoreType.DMA,
        ],
        name=f"sage_sc_agg_cnt{int(with_cnt)}",
    )



RB = 400


def _tc_layer_body(split_out, relu, agga, aggb, cnta, cntb, ha, hb,
                   wl, wra, wrb, b, *outs):
    cnt = cnta[...] + cntb[...]
    rinv = 1.0 / jnp.maximum(cnt, 1.0)
    mean = jnp.concatenate([agga[0], aggb[0]], axis=1) * rinv
    acc = jnp.dot(mean, wl[...], preferred_element_type=jnp.float32)
    acc += jnp.dot(ha[...], wra[...], preferred_element_type=jnp.float32)
    acc += jnp.dot(hb[...], wrb[...], preferred_element_type=jnp.float32)
    acc += b[...]
    if relu:
        acc = jnp.maximum(acc, 0.0)
    if split_out:
        outs[0][...] = acc[:, :DH]
        outs[1][...] = acc[:, DH:]
    else:
        outs[0][...] = acc


def _tc_layer(split_out, relu, agg, cnta, cntb, ha, hb, wl, wra, wrb, b):
    grid = N // RB
    wspec = pl.BlockSpec((D, D), lambda i: (0, 0))
    hspec = pl.BlockSpec((RB, DH), lambda i: (i, 0))
    cspec = pl.BlockSpec((RB, 1), lambda i: (i, 0))
    if split_out:
        out_specs = (hspec, hspec)
        out_shape = (jax.ShapeDtypeStruct((N, DH), jnp.float32),
                     jax.ShapeDtypeStruct((N, DH), jnp.float32))
    else:
        out_specs = pl.BlockSpec((RB, D), lambda i: (i, 0))
        out_shape = jax.ShapeDtypeStruct((N, D), jnp.float32)
    return pl.pallas_call(
        functools.partial(_tc_layer_body, split_out, relu),
        grid=(grid,),
        in_specs=[
            pl.BlockSpec((1, RB, DH), lambda i: (0, i, 0)),
            pl.BlockSpec((1, RB, DH), lambda i: (1, i, 0)),
            cspec,
            cspec,
            hspec,
            hspec,
            wspec,
            pl.BlockSpec((DH, D), lambda i: (0, 0)),
            pl.BlockSpec((DH, D), lambda i: (0, 0)),
            pl.BlockSpec((1, D), lambda i: (0, 0)),
        ],
        out_specs=out_specs,
        out_shape=out_shape,
        name=f"sage_tc_layer_relu{int(relu)}",
    )(agg, agg, cnta, cntb, ha, hb, wl, wra, wrb, b)



def kernel(x, edge_index, W1l, W1r, b1, W2l, W2r, b2):
    src = edge_index[0].astype(jnp.int32)
    dst = edge_index[1].astype(jnp.int32)
    srcp = jnp.concatenate([src, jnp.zeros((EPAD - E,), jnp.int32)])
    dstp = jnp.concatenate([dst, jnp.full((EPAD - E,), TRASH, jnp.int32)])
    srcs = srcp.reshape(NS, K, CH)
    dsts = dstp.reshape(NS, K, CH)

    xa = x[:, :DH]
    xb = x[:, DH:]

    agg1, cnt1 = _make_sc_agg(True)(xa, xb, srcs, dsts)
    cnta = cnt1.reshape(NPAD, 1)
    cntb = jnp.zeros((NPAD, 1), jnp.float32)

    w1l = W1l.T
    w1ra = W1r.T[:DH]
    w1rb = W1r.T[DH:]
    ha, hb = _tc_layer(True, True, agg1, cnta, cntb, xa, xb,
                       w1l, w1ra, w1rb, b1.reshape(1, D))

    agg2, _ = _make_sc_agg(False)(ha, hb, srcs, dsts)
    out = _tc_layer(False, False, agg2, cnta, cntb, ha, hb,
                    W2l.T, W2r.T[:DH], W2r.T[DH:], b2.reshape(1, D))
    return out

# --- scband reference (transcript-rebuilt; emitter-appended) ---
"""Pipeline reference for scband-gnnmodel-wrapper-51032801411298 (READ-ONLY COPY).

The authoritative reference and input builder live on the scoring server;
editing this copy changes nothing except your own understanding.
"""

import jax, jax.numpy as jnp
import numpy as np

N_NODES = 10000
N_EDGES = 160000
D_IN = 256
D_HID = 256
D_OUT = 256


def setup_inputs(seed: int = 0) -> dict:
    key = jax.random.key(seed)
    ks = jax.random.split(key, 10)
    x = jax.random.normal(ks[0], (N_NODES, D_IN), dtype=jnp.float32)
    edge_index = jax.random.randint(ks[1], (2, N_EDGES), 0, N_NODES, dtype=jnp.int64)
    # SAGEConv params: lin_l (neighbor, with bias), lin_r (root, no bias). Kaiming-ish init.
    s1 = 1.0 / np.sqrt(D_IN)
    s2 = 1.0 / np.sqrt(D_HID)
    W1l = jax.random.uniform(ks[2], (D_HID, D_IN), jnp.float32, -s1, s1)
    W1r = jax.random.uniform(ks[3], (D_HID, D_IN), jnp.float32, -s1, s1)
    b1 = jax.random.uniform(ks[4], (D_HID,), jnp.float32, -s1, s1)
    W2l = jax.random.uniform(ks[5], (D_OUT, D_HID), jnp.float32, -s2, s2)
    W2r = jax.random.uniform(ks[6], (D_OUT, D_HID), jnp.float32, -s2, s2)
    b2 = jax.random.uniform(ks[7], (D_OUT,), jnp.float32, -s2, s2)
    return {"x": x, "edge_index": edge_index, "W1l": W1l, "W1r": W1r, "b1": b1,
            "W2l": W2l, "W2r": W2r, "b2": b2}


def _sage_conv(x, src, dst, Wl, Wr, b):
    # mean aggregation of neighbor messages x_j over destination nodes
    msg = jnp.take(x, src, axis=0)
    agg = jax.ops.segment_sum(msg, dst, num_segments=N_NODES)
    cnt = jax.ops.segment_sum(jnp.ones((src.shape[0],), jnp.float32), dst, num_segments=N_NODES)
    mean = agg / jnp.clip(cnt, 1.0)[:, None]
    return mean @ Wl.T + x @ Wr.T + b


def reference(x, edge_index, W1l, W1r, b1, W2l, W2r, b2):
    src = edge_index[0]
    dst = edge_index[1]
    h = _sage_conv(x, src, dst, W1l, W1r, b1)
    h = jax.nn.relu(h)
    # dropout(0.1) is identity in eval mode
    out = _sage_conv(h, src, dst, W2l, W2r, b2)
    return out

if __name__ == "__main__":
    import jax
    _d = setup_inputs()
    print(jax.jit(kernel)(*tuple(_d.values())))

</pallas_src>

<mosaic_0001>
#map = affine_map<(d0, d1) -> (0, 0)>
#map1 = affine_map<(d0, d1) -> (0, 0, 0)>
#map2 = affine_map<(d0, d1) -> (0)>
module attributes {stable_mosaic.version = 14 : i64} {
  func.func @sage_sc_agg_cnt1(%arg0: i32, %arg1: i32, %arg2: memref<10000x128xf32, #tpu.memory_space<hbm>>, %arg3: memref<10000x128xf32, #tpu.memory_space<hbm>>, %arg4: memref<16x80x128xi32, #tpu.memory_space<hbm>>, %arg5: memref<16x80x128xi32, #tpu.memory_space<hbm>>, %arg6: memref<2x10240x128xf32, #tpu.memory_space<hbm>>, %arg7: memref<10240xf32, #tpu.memory_space<hbm>>, %arg8: memref<10240x128xf32, #tpu.memory_space<vmem_shared>>, %arg9: memref<10240xf32, #tpu.memory_space<vmem_shared>>, %arg10: memref<40x128xi32, #tpu.memory_space<vmem>>, %arg11: memref<40x128xi32, #tpu.memory_space<vmem>>, %arg12: memref<2x128x128xf32, #tpu.memory_space<vmem>>, %arg13: memref<128xf32, #tpu.memory_space<vmem>>, %arg14: memref<640xf32, #tpu.memory_space<vmem>>, %arg15: memref<!tpu.dma_semaphore, #tpu.memory_space<semaphore_mem>>, %arg16: memref<!tpu.dma_semaphore, #tpu.memory_space<semaphore_mem>>, %arg17: memref<!tpu.dma_semaphore, #tpu.memory_space<semaphore_mem>>, %arg18: memref<!tpu.dma_semaphore, #tpu.memory_space<semaphore_mem>>) attributes {dimension_semantics = [#tpu.dimension_semantics<core_parallel>, #tpu.dimension_semantics<subcore_parallel>], iteration_bounds = array<i64: 2, 16>, scalar_prefetch = 0 : i64, scratch_operands = 11 : i64, tpu.core_type = #tpu.core_type<sc_vector_subcore>, window_params = [{transform_indices = #map}, {transform_indices = #map}, {transform_indices = #map1}, {transform_indices = #map1}, {transform_indices = #map1}, {transform_indices = #map2}]} {
    %scan3A = arith.constant 0 : i32
    %scan3A_0 = arith.constant 128 : i32
    %scan3A_1 = arith.addi %scan3A, %scan3A_0 : i32
    %scan3A_2 = arith.constant 1 : i32
    scf.for %scan3A_81 = %scan3A to %scan3A_1 step %scan3A_2  : i32 {
      %mul3A_82 = arith.constant 1 : i32
      %mul3A_83 = arith.muli %scan3A_81, %mul3A_82 : i32
      %add3A_84 = arith.constant 0 : i32
      %add3A_85 = arith.addi %add3A_84, %mul3A_83 : i32
      %broadcast_in_dim3A = arith.constant 0.000000e+00 : f32
      %broadcast_in_dim3A_86 = vector.broadcast %broadcast_in_dim3A : f32 to vector<16xf32>
      %swap3A = arith.constant 0 : i32
      %swap3A_87 = arith.index_cast %swap3A : i32 to index
      %swap3A_88 = arith.index_cast %add3A_85 : i32 to index
      %swap3A_89 = arith.constant 0 : index
      %swap3A_90 = tpu.vector_load %arg12[%swap3A_87, %swap3A_88, %swap3A_89] {strides = array<i32>} : memref<2x128x128xf32, #tpu.memory_space<vmem>>, vector<1x1x16xf32>,
      %swap3A_91 = vector.shape_cast %swap3A_90 : vector<1x1x16xf32> to vector<16xf32>
      %swap3A_92 = vector.shape_cast %broadcast_in_dim3A_86 : vector<16xf32> to vector<1x1x16xf32>
      tpu.vector_store %arg12[%swap3A_87, %swap3A_88, %swap3A_89], %swap3A_92 {strides = array<i32>} : memref<2x128x128xf32, #tpu.memory_space<vmem>>, vector<1x1x16xf32>,
      %broadcast_in_dim3A_93 = arith.constant 0.000000e+00 : f32
      %broadcast_in_dim3A_94 = vector.broadcast %broadcast_in_dim3A_93 : f32 to vector<16xf32>
      %swap3A_95 = arith.constant 0 : i32
      %swap3A_96 = arith.index_cast %swap3A_95 : i32 to index
      %swap3A_97 = arith.index_cast %add3A_85 : i32 to index
      %swap3A_98 = arith.constant 16 : index
      %swap3A_99 = tpu.vector_load %arg12[%swap3A_96, %swap3A_97, %swap3A_98] {strides = array<i32>} : memref<2x128x128xf32, #tpu.memory_space<vmem>>, vector<1x1x16xf32>,
      %swap3A_100 = vector.shape_cast %swap3A_99 : vector<1x1x16xf32> to vector<16xf32>
      %swap3A_101 = vector.shape_cast %broadcast_in_dim3A_94 : vector<16xf32> to vector<1x1x16xf32>
      tpu.vector_store %arg12[%swap3A_96, %swap3A_97, %swap3A_98], %swap3A_101 {strides = array<i32>} : memref<2x128x128xf32, #tpu.memory_space<vmem>>, vector<1x1x16xf32>,
      %broadcast_in_dim3A_102 = arith.constant 0.000000e+00 : f32
      %broadcast_in_dim3A_103 = vector.broadcast %broadcast_in_dim3A_102 : f32 to vector<16xf32>
      %swap3A_104 = arith.constant 0 : i32
      %swap3A_105 = arith.index_cast %swap3A_104 : i32 to index
      %swap3A_106 = arith.index_cast %add3A_85 : i32 to index
      %swap3A_107 = arith.constant 32 : index
      %swap3A_108 = tpu.vector_load %arg12[%swap3A_105, %swap3A_106, %swap3A_107] {strides = array<i32>} : memref<2x128x128xf32, #tpu.memory_space<vmem>>, vector<1x1x16xf32>,
      %swap3A_109 = vector.shape_cast %swap3A_108 : vector<1x1x16xf32> to vector<16xf32>
      %swap3A_110 = vector.shape_cast %broadcast_in_dim3A_103 : vector<16xf32> to vector<1x1x16xf32>
      tpu.vector_store %arg12[%swap3A_105, %swap3A_106, %swap3A_107], %swap3A_110 {strides = array<i32>} : memref<2x128x128xf32, #tpu.memory_space<vmem>>, vector<1x1x16xf32>,
      %broadcast_in_dim3A_111 = arith.constant 0.000000e+00 : f32
      %broadcast_in_dim3A_112 = vector.broadcast %broadcast_in_dim3A_111 : f32 to vector<16xf32>
      %swap3A_113 = arith.constant 0 : i32
      %swap3A_114 = arith.index_cast %swap3A_113 : i32 to index
      %swap3A_115 = arith.index_cast %add3A_85 : i32 to index
      %swap3A_116 = arith.constant 48 : index
      %swap3A_117 = tpu.vector_load %arg12[%swap3A_114, %swap3A_115, %swap3A_116] {strides = array<i32>} : memref<2x128x128xf32, #tpu.memory_space<vmem>>, vector<1x1x16xf32>,
      %swap3A_118 = vector.shape_cast %swap3A_117 : vector<1x1x16xf32> to vector<16xf32>
      %swap3A_119 = vector.shape_cast %broadcast_in_dim3A_112 : vector<16xf32> to vector<1x1x16xf32>
      tpu.vector_store %arg12[%swap3A_114, %swap3A_115, %swap3A_116], %swap3A_119 {strides = array<i32>} : memref<2x128x128xf32, #tpu.memory_space<vmem>>, vector<1x1x16xf32>,
      %broadcast_in_dim3A_120 = arith.constant 0.000000e+00 : f32
      %broadcast_in_dim3A_121 = vector.broadcast %broadcast_in_dim3A_120 : f32 to vector<16xf32>
      %swap3A_122 = arith.constant 0 : i32
      %swap3A_123 = arith.index_cast %swap3A_122 : i32 to index
      %swap3A_124 = arith.index_cast %add3A_85 : i32 to index
      %swap3A_125 = arith.constant 64 : index
      %swap3A_126 = tpu.vector_load %arg12[%swap3A_123, %swap3A_124, %swap3A_125] {strides = array<i32>} : memref<2x128x128xf32, #tpu.memory_space<vmem>>, vector<1x1x16xf32>,
      %swap3A_127 = vector.shape_cast %swap3A_126 : vector<1x1x16xf32> to vector<16xf32>
      %swap3A_128 = vector.shape_cast %broadcast_in_dim3A_121 : vector<16xf32> to vector<1x1x16xf32>
      tpu.vector_store %arg12[%swap3A_123, %swap3A_124, %swap3A_125], %swap3A_128 {strides = array<i32>} : memref<2x128x128xf32, #tpu.memory_space<vmem>>, vector<1x1x16xf32>,
      %broadcast_in_dim3A_129 = arith.constant 0.000000e+00 : f32
      %broadcast_in_dim3A_130 = vector.broadcast %broadcast_in_dim3A_129 : f32 to vector<16xf32>
      %swap3A_131 = arith.constant 0 : i32
      %swap3A_132 = arith.index_cast %swap3A_131 : i32 to index
      %swap3A_133 = arith.index_cast %add3A_85 : i32 to index
      %swap3A_134 = arith.constant 80 : index
      %swap3A_135 = tpu.vector_load %arg12[%swap3A_132, %swap3A_133, %swap3A_134] {strides = array<i32>} : memref<2x128x128xf32, #tpu.memory_space<vmem>>, vector<1x1x16xf32>,
      %swap3A_136 = vector.shape_cast %swap3A_135 : vector<1x1x16xf32> to vector<16xf32>
      %swap3A_137 = vector.shape_cast %broadcast_in_dim3A_130 : vector<16xf32> to vector<1x1x16xf32>
      tpu.vector_store %arg12[%swap3A_132, %swap3A_133, %swap3A_134], %swap3A_137 {strides = array<i32>} : memref<2x128x128xf32, #tpu.memory_space<vmem>>, vector<1x1x16xf32>,
      %broadcast_in_dim3A_138 = arith.constant 0.000000e+00 : f32
      %broadcast_in_dim3A_139 = vector.broadcast %broadcast_in_dim3A_138 : f32 to vector<16xf32>
      %swap3A_140 = arith.constant 0 : i32
      %swap3A_141 = arith.index_cast %swap3A_140 : i32 to index
      %swap3A_142 = arith.index_cast %add3A_85 : i32 to index
      %swap3A_143 = arith.constant 96 : index
      %swap3A_144 = tpu.vector_load %arg12[%swap3A_141, %swap3A_142, %swap3A_143] {strides = array<i32>} : memref<2x128x128xf32, #tpu.memory_space<vmem>>, vector<1x1x16xf32>,
      %swap3A_145 = vector.shape_cast %swap3A_144 : vector<1x1x16xf32> to vector<16xf32>
      %swap3A_146 = vector.shape_cast %broadcast_in_dim3A_139 : vector<16xf32> to vector<1x1x16xf32>
      tpu.vector_store %arg12[%swap3A_141, %swap3A_142, %swap3A_143], %swap3A_146 {strides = array<i32>} : memref<2x128x128xf32, #tpu.memory_space<vmem>>, vector<1x1x16xf32>,
      %broadcast_in_dim3A_147 = arith.constant 0.000000e+00 : f32
      %broadcast_in_dim3A_148 = vector.broadcast %broadcast_in_dim3A_147 : f32 to vector<16xf32>
      %swap3A_149 = arith.constant 0 : i32
      %swap3A_150 = arith.index_cast %swap3A_149 : i32 to index
      %swap3A_151 = arith.index_cast %add3A_85 : i32 to index
      %swap3A_152 = arith.constant 112 : index
      %swap3A_153 = tpu.vector_load %arg12[%swap3A_150, %swap3A_151, %swap3A_152] {strides = array<i32>} : memref<2x128x128xf32, #tpu.memory_space<vmem>>, vector<1x1x16xf32>,
      %swap3A_154 = vector.shape_cast %swap3A_153 : vector<1x1x16xf32> to vector<16xf32>
      %swap3A_155 = vector.shape_cast %broadcast_in_dim3A_148 : vector<16xf32> to vector<1x1x16xf32>
      tpu.vector_store %arg12[%swap3A_150, %swap3A_151, %swap3A_152], %swap3A_155 {strides = array<i32>} : memref<2x128x128xf32, #tpu.memory_space<vmem>>, vector<1x1x16xf32>,
    }
    %scan3A_3 = arith.constant 128 : i32
    %scan3A_4 = arith.constant 0 : i32
    %scan3A_5 = arith.constant 8 : i32
    %scan3A_6 = arith.addi %scan3A_4, %scan3A_5 : i32
    %scan3A_7 = arith.constant 1 : i32
    scf.for %scan3A_81 = %scan3A_4 to %scan3A_6 step %scan3A_7  : i32 {
      %mul3A_82 = arith.constant 1 : i32
      %mul3A_83 = arith.muli %scan3A_81, %mul3A_82 : i32
      %add3A_84 = arith.constant 0 : i32
      %add3A_85 = arith.addi %add3A_84, %mul3A_83 : i32
      %broadcast_in_dim3A = arith.constant 1.000000e+00 : f32
      %broadcast_in_dim3A_86 = vector.broadcast %broadcast_in_dim3A : f32 to vector<16xf32>
      %mul3A_87 = arith.constant 16 : i32
      %mul3A_88 = arith.muli %add3A_85, %mul3A_87 : i32
      %swap3A = arith.index_cast %mul3A_88 : i32 to index
      %swap3A_89 = tpu.vector_load %arg13[%swap3A] {strides = array<i32>} : memref<128xf32, #tpu.memory_space<vmem>>, vector<16xf32>,
      %swap3A_90 = vector.shape_cast %swap3A_89 : vector<16xf32> to vector<16xf32>
      %swap3A_91 = vector.shape_cast %broadcast_in_dim3A_86 : vector<16xf32> to vector<16xf32>
      tpu.vector_store %arg13[%swap3A], %swap3A_91 {strides = array<i32>} : memref<128xf32, #tpu.memory_space<vmem>>, vector<16xf32>,
    }
    %scan3A_8 = arith.constant 8 : i32
    %scan3A_9 = arith.constant 0 : i32
    %scan3A_10 = arith.constant 40 : i32
    %scan3A_11 = arith.addi %scan3A_9, %scan3A_10 : i32
    %scan3A_12 = arith.constant 1 : i32
    scf.for %scan3A_81 = %scan3A_9 to %scan3A_11 step %scan3A_12  : i32 {
      %mul3A_82 = arith.constant 1 : i32
      %mul3A_83 = arith.muli %scan3A_81, %mul3A_82 : i32
      %add3A_84 = arith.constant 0 : i32
      %add3A_85 = arith.addi %add3A_84, %mul3A_83 : i32
      %broadcast_in_dim3A = arith.constant 0.000000e+00 : f32
      %broadcast_in_dim3A_86 = vector.broadcast %broadcast_in_dim3A : f32 to vector<16xf32>
      %mul3A_87 = arith.constant 16 : i32
      %mul3A_88 = arith.muli %add3A_85, %mul3A_87 : i32
      %swap3A = arith.index_cast %mul3A_88 : i32 to index
      %swap3A_89 = tpu.vector_load %arg14[%swap3A] {strides = array<i32>} : memref<640xf32, #tpu.memory_space<vmem>>, vector<16xf32>,
      %swap3A_90 = vector.shape_cast %swap3A_89 : vector<16xf32> to vector<16xf32>
      %swap3A_91 = vector.shape_cast %broadcast_in_dim3A_86 : vector<16xf32> to vector<16xf32>
      tpu.vector_store %arg14[%swap3A], %swap3A_91 {strides = array<i32>} : memref<640xf32, #tpu.memory_space<vmem>>, vector<16xf32>,
    }
    %scan3A_13 = arith.constant 40 : i32
    %mul3A = arith.constant 640 : i32
    %mul3A_14 = arith.muli %arg1, %mul3A : i32
    %add3A = arith.constant 0 : i32
    %add3A_15 = arith.addi %mul3A_14, %add3A : i32
    %run_scoped3A = arith.constant 0 : i32
    "tpu.region"() ({
      %run_scoped3A_81 = tpu.sem_alloc : memref<!tpu.dma_semaphore, #tpu.memory_space<semaphore_mem>>
      %dma_start3A = arith.constant 0 : i32
      %dma_start3A_82 = arith.constant 0 : i32
      %dma_start3A_83 = tpu.memref_slice %arg12[%run_scoped3A, %dma_start3A, %dma_start3A_82] : memref<2x128x128xf32, #tpu.memory_space<vmem>> -> memref<1x128x128xf32, #tpu.memory_space<vmem>>
      %dma_start3A_84 = tpu.memref_squeeze %dma_start3A_83 : memref<1x128x128xf32, #tpu.memory_space<vmem>> -> memref<128x128xf32, #tpu.memory_space<vmem>>
      %dma_start3A_85 = arith.constant 0 : i32
      %dma_start3A_86 = tpu.memref_slice %arg8[%add3A_15, %dma_start3A_85] : memref<10240x128xf32, #tpu.memory_space<vmem_shared>> -> memref<128x128xf32, #tpu.memory_space<vmem_shared>>
      %dma_start3A_87 = arith.constant 0 : i32
      %dma_start3A_88 = tpu.memref_slice %arg8[%add3A_15, %dma_start3A_87] : memref<10240x128xf32, #tpu.memory_space<vmem_shared>> -> memref<128x128xf32, #tpu.memory_space<vmem_shared>>
      %dma_start3A_89 = arith.constant 0 : i32
      %dma_start3A_90 = arith.constant 0 : i32
      %dma_start3A_91 = tpu.memref_slice %arg12[%run_scoped3A, %dma_start3A_89, %dma_start3A_90] : memref<2x128x128xf32, #tpu.memory_space<vmem>> -> memref<1x128x128xf32, #tpu.memory_space<vmem>>
      %dma_start3A_92 = tpu.memref_squeeze %dma_start3A_91 : memref<1x128x128xf32, #tpu.memory_space<vmem>> -> memref<128x128xf32, #tpu.memory_space<vmem>>
      tpu.enqueue_dma source(%dma_start3A_92 : memref<128x128xf32, #tpu.memory_space<vmem>>) target(%dma_start3A_88 : memref<128x128xf32, #tpu.memory_space<vmem_shared>>) target_semaphore(%run_scoped3A_81 : memref<!tpu.dma_semaphore, #tpu.memory_space<semaphore_mem>>)
      %dma_wait3A = arith.constant 0 : i32
      %dma_wait3A_93 = arith.constant 0 : i32
      %dma_wait3A_94 = tpu.memref_slice %arg12[%run_scoped3A, %dma_wait3A, %dma_wait3A_93] : memref<2x128x128xf32, #tpu.memory_space<vmem>> -> memref<1x128x128xf32, #tpu.memory_space<vmem>>
      %dma_wait3A_95 = tpu.memref_squeeze %dma_wait3A_94 : memref<1x128x128xf32, #tpu.memory_space<vmem>> -> memref<128x128xf32, #tpu.memory_space<vmem>>
      %dma_wait3A_96 = arith.constant 0 : i32
      %dma_wait3A_97 = tpu.memref_slice %arg8[%add3A_15, %dma_wait3A_96] : memref<10240x128xf32, #tpu.memory_space<vmem_shared>> -> memref<128x128xf32, #tpu.memory_space<vmem_shared>>
      %dma_wait3A_98 = arith.constant 0 : i32
      %dma_wait3A_99 = tpu.memref_slice %arg8[%add3A_15, %dma_wait3A_98] : memref<10240x128xf32, #tpu.memory_space<vmem_shared>> -> memref<128x128xf32, #tpu.memory_space<vmem_shared>>
      %dma_wait3A_100 = arith.constant 0 : i32
      %dma_wait3A_101 = arith.constant 0 : i32
      %dma_wait3A_102 = tpu.memref_slice %arg12[%run_scoped3A, %dma_wait3A_100, %dma_wait3A_101] : memref<2x128x128xf32, #tpu.memory_space<vmem>> -> memref<1x128x128xf32, #tpu.memory_space<vmem>>
      %dma_wait3A_103 = tpu.memref_squeeze %dma_wait3A_102 : memref<1x128x128xf32, #tpu.memory_space<vmem>> -> memref<128x128xf32, #tpu.memory_space<vmem>>
      tpu.wait_dma2 semaphore(%run_scoped3A_81 : memref<!tpu.dma_semaphore, #tpu.memory_space<semaphore_mem>>) src(%dma_wait3A_103 : memref<128x128xf32, #tpu.memory_space<vmem>>) dst(%dma_wait3A_99 : memref<128x128xf32, #tpu.memory_space<vmem_shared>>)
      tpu.yield
    }) : () -> ()
    %mul3A_16 = arith.constant 640 : i32
    %mul3A_17 = arith.muli %arg1, %mul3A_16 : i32
    %add3A_18 = arith.constant 128 : i32
    %add3A_19 = arith.addi %mul3A_17, %add3A_18 : i32
    %run_scoped3A_20 = arith.constant 0 : i32
    "tpu.region"() ({
      %run_scoped3A_81 = tpu.sem_alloc : memref<!tpu.dma_semaphore, #tpu.memory_space<semaphore_mem>>
      %dma_start3A = arith.constant 0 : i32
      %dma_start3A_82 = arith.constant 0 : i32
      %dma_start3A_83 = tpu.memref_slice %arg12[%run_scoped3A_20, %dma_start3A, %dma_start3A_82] : memref<2x128x128xf32, #tpu.memory_space<vmem>> -> memref<1x128x128xf32, #tpu.memory_space<vmem>>
      %dma_start3A_84 = tpu.memref_squeeze %dma_start3A_83 : memref<1x128x128xf32, #tpu.memory_space<vmem>> -> memref<128x128xf32, #tpu.memory_space<vmem>>
      %dma_start3A_85 = arith.constant 0 : i32
      %dma_start3A_86 = tpu.memref_slice %arg8[%add3A_19, %dma_start3A_85] : memref<10240x128xf32, #tpu.memory_space<vmem_shared>> -> memref<128x128xf32, #tpu.memory_space<vmem_shared>>
      %dma_start3A_87 = arith.constant 0 : i32
      %dma_start3A_88 = tpu.memref_slice %arg8[%add3A_19, %dma_start3A_87] : memref<10240x128xf32, #tpu.memory_space<vmem_shared>> -> memref<128x128xf32, #tpu.memory_space<vmem_shared>>
      %dma_start3A_89 = arith.constant 0 : i32
      %dma_start3A_90 = arith.constant 0 : i32
      %dma_start3A_91 = tpu.memref_slice %arg12[%run_scoped3A_20, %dma_start3A_89, %dma_start3A_90] : memref<2x128x128xf32, #tpu.memory_space<vmem>> -> memref<1x128x128xf32, #tpu.memory_space<vmem>>
      %dma_start3A_92 = tpu.memref_squeeze %dma_start3A_91 : memref<1x128x128xf32, #tpu.memory_space<vmem>> -> memref<128x128xf32, #tpu.memory_space<vmem>>
      tpu.enqueue_dma source(%dma_start3A_92 : memref<128x128xf32, #tpu.memory_space<vmem>>) target(%dma_start3A_88 : memref<128x128xf32, #tpu.memory_space<vmem_shared>>) target_semaphore(%run_scoped3A_81 : memref<!tpu.dma_semaphore, #tpu.memory_space<semaphore_mem>>)
      %dma_wait3A = arith.constant 0 : i32
      %dma_wait3A_93 = arith.constant 0 : i32
      %dma_wait3A_94 = tpu.memref_slice %arg12[%run_scoped3A_20, %dma_wait3A, %dma_wait3A_93] : memref<2x128x128xf32, #tpu.memory_space<vmem>> -> memref<1x128x128xf32, #tpu.memory_space<vmem>>
      %dma_wait3A_95 = tpu.memref_squeeze %dma_wait3A_94 : memref<1x128x128xf32, #tpu.memory_space<vmem>> -> memref<128x128xf32, #tpu.memory_space<vmem>>
      %dma_wait3A_96 = arith.constant 0 : i32
      %dma_wait3A_97 = tpu.memref_slice %arg8[%add3A_19, %dma_wait3A_96] : memref<10240x128xf32, #tpu.memory_space<vmem_shared>> -> memref<128x128xf32, #tpu.memory_space<vmem_shared>>
      %dma_wait3A_98 = arith.constant 0 : i32
      %dma_wait3A_99 = tpu.memref_slice %arg8[%add3A_19, %dma_wait3A_98] : memref<10240x128xf32, #tpu.memory_space<vmem_shared>> -> memref<128x128xf32, #tpu.memory_space<vmem_shared>>
      %dma_wait3A_100 = arith.constant 0 : i32
      %dma_wait3A_101 = arith.constant 0 : i32
      %dma_wait3A_102 = tpu.memref_slice %arg12[%run_scoped3A_20, %dma_wait3A_100, %dma_wait3A_101] : memref<2x128x128xf32, #tpu.memory_space<vmem>> -> memref<1x128x128xf32, #tpu.memory_space<vmem>>
      %dma_wait3A_103 = tpu.memref_squeeze %dma_wait3A_102 : memref<1x128x128xf32, #tpu.memory_space<vmem>> -> memref<128x128xf32, #tpu.memory_space<vmem>>
      tpu.wait_dma2 semaphore(%run_scoped3A_81 : memref<!tpu.dma_semaphore, #tpu.memory_space<semaphore_mem>>) src(%dma_wait3A_103 : memref<128x128xf32, #tpu.memory_space<vmem>>) dst(%dma_wait3A_99 : memref<128x128xf32, #tpu.memory_space<vmem_shared>>)
      tpu.yield
    }) : () -> ()
    %mul3A_21 = arith.constant 640 : i32
    %mul3A_22 = arith.muli %arg1, %mul3A_21 : i32
    %add3A_23 = arith.constant 256 : i32
    %add3A_24 = arith.addi %mul3A_22, %add3A_23 : i32
    %run_scoped3A_25 = arith.constant 0 : i32
    "tpu.region"() ({
      %run_scoped3A_81 = tpu.sem_alloc : memref<!tpu.dma_semaphore, #tpu.memory_space<semaphore_mem>>
      %dma_start3A = arith.constant 0 : i32
      %dma_start3A_82 = arith.constant 0 : i32
      %dma_start3A_83 = tpu.memref_slice %arg12[%run_scoped3A_25, %dma_start3A, %dma_start3A_82] : memref<2x128x128xf32, #tpu.memory_space<vmem>> -> memref<1x128x128xf32, #tpu.memory_space<vmem>>
      %dma_start3A_84 = tpu.memref_squeeze %dma_start3A_83 : memref<1x128x128xf32, #tpu.memory_space<vmem>> -> memref<128x128xf32, #tpu.memory_space<vmem>>
      %dma_start3A_85 = arith.constant 0 : i32
      %dma_start3A_86 = tpu.memref_slice %arg8[%add3A_24, %dma_start3A_85] : memref<10240x128xf32, #tpu.memory_space<vmem_shared>> -> memref<128x128xf32, #tpu.memory_space<vmem_shared>>
      %dma_start3A_87 = arith.constant 0 : i32
      %dma_start3A_88 = tpu.memref_slice %arg8[%add3A_24, %dma_start3A_87] : memref<10240x128xf32, #tpu.memory_space<vmem_shared>> -> memref<128x128xf32, #tpu.memory_space<vmem_shared>>
      %dma_start3A_89 = arith.constant 0 : i32
      %dma_start3A_90 = arith.constant 0 : i32
      %dma_start3A_91 = tpu.memref_slice %arg12[%run_scoped3A_25, %dma_start3A_89, %dma_start3A_90] : memref<2x128x128xf32, #tpu.memory_space<vmem>> -> memref<1x128x128xf32, #tpu.memory_space<vmem>>
      %dma_start3A_92 = tpu.memref_squeeze %dma_start3A_91 : memref<1x128x128xf32, #tpu.memory_space<vmem>> -> memref<128x128xf32, #tpu.memory_space<vmem>>
      tpu.enqueue_dma source(%dma_start3A_92 : memref<128x128xf32, #tpu.memory_space<vmem>>) target(%dma_start3A_88 : memref<128x128xf32, #tpu.memory_space<vmem_shared>>) target_semaphore(%run_scoped3A_81 : memref<!tpu.dma_semaphore, #tpu.memory_space<semaphore_mem>>)
      %dma_wait3A = arith.constant 0 : i32
      %dma_wait3A_93 = arith.constant 0 : i32
      %dma_wait3A_94 = tpu.memref_slice %arg12[%run_scoped3A_25, %dma_wait3A, %dma_wait3A_93] : memref<2x128x128xf32, #tpu.memory_space<vmem>> -> memref<1x128x128xf32, #tpu.memory_space<vmem>>
      %dma_wait3A_95 = tpu.memref_squeeze %dma_wait3A_94 : memref<1x128x128xf32, #tpu.memory_space<vmem>> -> memref<128x128xf32, #tpu.memory_space<vmem>>
      %dma_wait3A_96 = arith.constant 0 : i32
      %dma_wait3A_97 = tpu.memref_slice %arg8[%add3A_24, %dma_wait3A_96] : memref<10240x128xf32, #tpu.memory_space<vmem_shared>> -> memref<128x128xf32, #tpu.memory_space<vmem_shared>>
      %dma_wait3A_98 = arith.constant 0 : i32
      %dma_wait3A_99 = tpu.memref_slice %arg8[%add3A_24, %dma_wait3A_98] : memref<10240x128xf32, #tpu.memory_space<vmem_shared>> -> memref<128x128xf32, #tpu.memory_space<vmem_shared>>
      %dma_wait3A_100 = arith.constant 0 : i32
      %dma_wait3A_101 = arith.constant 0 : i32
      %dma_wait3A_102 = tpu.memref_slice %arg12[%run_scoped3A_25, %dma_wait3A_100, %dma_wait3A_101] : memref<2x128x128xf32, #tpu.memory_space<vmem>> -> memref<1x128x128xf32, #tpu.memory_space<vmem>>
      %dma_wait3A_103 = tpu.memref_squeeze %dma_wait3A_102 : memref<1x128x128xf32, #tpu.memory_space<vmem>> -> memref<128x128xf32, #tpu.memory_space<vmem>>
      tpu.wait_dma2 semaphore(%run_scoped3A_81 : memref<!tpu.dma_semaphore, #tpu.memory_space<semaphore_mem>>) src(%dma_wait3A_103 : memref<128x128xf32, #tpu.memory_space<vmem>>) dst(%dma_wait3A_99 : memref<128x128xf32, #tpu.memory_space<vmem_shared>>)
      tpu.yield
    }) : () -> ()
    %mul3A_26 = arith.constant 640 : i32
    %mul3A_27 = arith.muli %arg1, %mul3A_26 : i32
    %add3A_28 = arith.constant 384 : i32
    %add3A_29 = arith.addi %mul3A_27, %add3A_28 : i32
    %run_scoped3A_30 = arith.constant 0 : i32
    "tpu.region"() ({
      %run_scoped3A_81 = tpu.sem_alloc : memref<!tpu.dma_semaphore, #tpu.memory_space<semaphore_mem>>
      %dma_start3A = arith.constant 0 : i32
      %dma_start3A_82 = arith.constant 0 : i32
      %dma_start3A_83 = tpu.memref_slice %arg12[%run_scoped3A_30, %dma_start3A, %dma_start3A_82] : memref<2x128x128xf32, #tpu.memory_space<vmem>> -> memref<1x128x128xf32, #tpu.memory_space<vmem>>
      %dma_start3A_84 = tpu.memref_squeeze %dma_start3A_83 : memref<1x128x128xf32, #tpu.memory_space<vmem>> -> memref<128x128xf32, #tpu.memory_space<vmem>>
      %dma_start3A_85 = arith.constant 0 : i32
      %dma_start3A_86 = tpu.memref_slice %arg8[%add3A_29, %dma_start3A_85] : memref<10240x128xf32, #tpu.memory_space<vmem_shared>> -> memref<128x128xf32, #tpu.memory_space<vmem_shared>>
      %dma_start3A_87 = arith.constant 0 : i32
      %dma_start3A_88 = tpu.memref_slice %arg8[%add3A_29, %dma_start3A_87] : memref<10240x128xf32, #tpu.memory_space<vmem_shared>> -> memref<128x128xf32, #tpu.memory_space<vmem_shared>>
      %dma_start3A_89 = arith.constant 0 : i32
      %dma_start3A_90 = arith.constant 0 : i32
      %dma_start3A_91 = tpu.memref_slice %arg12[%run_scoped3A_30, %dma_start3A_89, %dma_start3A_90] : memref<2x128x128xf32, #tpu.memory_space<vmem>> -> memref<1x128x128xf32, #tpu.memory_space<vmem>>
      %dma_start3A_92 = tpu.memref_squeeze %dma_start3A_91 : memref<1x128x128xf32, #tpu.memory_space<vmem>> -> memref<128x128xf32, #tpu.memory_space<vmem>>
      tpu.enqueue_dma source(%dma_start3A_92 : memref<128x128xf32, #tpu.memory_space<vmem>>) target(%dma_start3A_88 : memref<128x128xf32, #tpu.memory_space<vmem_shared>>) target_semaphore(%run_scoped3A_81 : memref<!tpu.dma_semaphore, #tpu.memory_space<semaphore_mem>>)
      %dma_wait3A = arith.constant 0 : i32
      %dma_wait3A_93 = arith.constant 0 : i32
      %dma_wait3A_94 = tpu.memref_slice %arg12[%run_scoped3A_30, %dma_wait3A, %dma_wait3A_93] : memref<2x128x128xf32, #tpu.memory_space<vmem>> -> memref<1x128x128xf32, #tpu.memory_space<vmem>>
      %dma_wait3A_95 = tpu.memref_squeeze %dma_wait3A_94 : memref<1x128x128xf32, #tpu.memory_space<vmem>> -> memref<128x128xf32, #tpu.memory_space<vmem>>
      %dma_wait3A_96 = arith.constant 0 : i32
      %dma_wait3A_97 = tpu.memref_slice %arg8[%add3A_29, %dma_wait3A_96] : memref<10240x128xf32, #tpu.memory_space<vmem_shared>> -> memref<128x128xf32, #tpu.memory_space<vmem_shared>>
      %dma_wait3A_98 = arith.constant 0 : i32
      %dma_wait3A_99 = tpu.memref_slice %arg8[%add3A_29, %dma_wait3A_98] : memref<10240x128xf32, #tpu.memory_space<vmem_shared>> -> memref<128x128xf32, #tpu.memory_space<vmem_shared>>
      %dma_wait3A_100 = arith.constant 0 : i32
      %dma_wait3A_101 = arith.constant 0 : i32
      %dma_wait3A_102 = tpu.memref_slice %arg12[%run_scoped3A_30, %dma_wait3A_100, %dma_wait3A_101] : memref<2x128x128xf32, #tpu.memory_space<vmem>> -> memref<1x128x128xf32, #tpu.memory_space<vmem>>
      %dma_wait3A_103 = tpu.memref_squeeze %dma_wait3A_102 : memref<1x128x128xf32, #tpu.memory_space<vmem>> -> memref<128x128xf32, #tpu.memory_space<vmem>>
      tpu.wait_dma2 semaphore(%run_scoped3A_81 : memref<!tpu.dma_semaphore, #tpu.memory_space<semaphore_mem>>) src(%dma_wait3A_103 : memref<128x128xf32, #tpu.memory_space<vmem>>) dst(%dma_wait3A_99 : memref<128x128xf32, #tpu.memory_space<vmem_shared>>)
      tpu.yield
    }) : () -> ()
    %mul3A_31 = arith.constant 640 : i32
    %mul3A_32 = arith.muli %arg1, %mul3A_31 : i32
    %add3A_33 = arith.constant 512 : i32
    %add3A_34 = arith.addi %mul3A_32, %add3A_33 : i32
    %run_scoped3A_35 = arith.constant 0 : i32
    "tpu.region"() ({
      %run_scoped3A_81 = tpu.sem_alloc : memref<!tpu.dma_semaphore, #tpu.memory_space<semaphore_mem>>
      %dma_start3A = arith.constant 0 : i32
      %dma_start3A_82 = arith.constant 0 : i32
      %dma_start3A_83 = tpu.memref_slice %arg12[%run_scoped3A_35, %dma_start3A, %dma_start3A_82] : memref<2x128x128xf32, #tpu.memory_space<vmem>> -> memref<1x128x128xf32, #tpu.memory_space<vmem>>
      %dma_start3A_84 = tpu.memref_squeeze %dma_start3A_83 : memref<1x128x128xf32, #tpu.memory_space<vmem>> -> memref<128x128xf32, #tpu.memory_space<vmem>>
      %dma_start3A_85 = arith.constant 0 : i32
      %dma_start3A_86 = tpu.memref_slice %arg8[%add3A_34, %dma_start3A_85] : memref<10240x128xf32, #tpu.memory_space<vmem_shared>> -> memref<128x128xf32, #tpu.memory_space<vmem_shared>>
      %dma_start3A_87 = arith.constant 0 : i32
      %dma_start3A_88 = tpu.memref_slice %arg8[%add3A_34, %dma_start3A_87] : memref<10240x128xf32, #tpu.memory_space<vmem_shared>> -> memref<128x128xf32, #tpu.memory_space<vmem_shared>>
      %dma_start3A_89 = arith.constant 0 : i32
      %dma_start3A_90 = arith.constant 0 : i32
      %dma_start3A_91 = tpu.memref_slice %arg12[%run_scoped3A_35, %dma_start3A_89, %dma_start3A_90] : memref<2x128x128xf32, #tpu.memory_space<vmem>> -> memref<1x128x128xf32, #tpu.memory_space<vmem>>
      %dma_start3A_92 = tpu.memref_squeeze %dma_start3A_91 : memref<1x128x128xf32, #tpu.memory_space<vmem>> -> memref<128x128xf32, #tpu.memory_space<vmem>>
      tpu.enqueue_dma source(%dma_start3A_92 : memref<128x128xf32, #tpu.memory_space<vmem>>) target(%dma_start3A_88 : memref<128x128xf32, #tpu.memory_space<vmem_shared>>) target_semaphore(%run_scoped3A_81 : memref<!tpu.dma_semaphore, #tpu.memory_space<semaphore_mem>>)
      %dma_wait3A = arith.constant 0 : i32
      %dma_wait3A_93 = arith.constant 0 : i32
      %dma_wait3A_94 = tpu.memref_slice %arg12[%run_scoped3A_35, %dma_wait3A, %dma_wait3A_93] : memref<2x128x128xf32, #tpu.memory_space<vmem>> -> memref<1x128x128xf32, #tpu.memory_space<vmem>>
      %dma_wait3A_95 = tpu.memref_squeeze %dma_wait3A_94 : memref<1x128x128xf32, #tpu.memory_space<vmem>> -> memref<128x128xf32, #tpu.memory_space<vmem>>
      %dma_wait3A_96 = arith.constant 0 : i32
      %dma_wait3A_97 = tpu.memref_slice %arg8[%add3A_34, %dma_wait3A_96] : memref<10240x128xf32, #tpu.memory_space<vmem_shared>> -> memref<128x128xf32, #tpu.memory_space<vmem_shared>>
      %dma_wait3A_98 = arith.constant 0 : i32
      %dma_wait3A_99 = tpu.memref_slice %arg8[%add3A_34, %dma_wait3A_98] : memref<10240x128xf32, #tpu.memory_space<vmem_shared>> -> memref<128x128xf32, #tpu.memory_space<vmem_shared>>
      %dma_wait3A_100 = arith.constant 0 : i32
      %dma_wait3A_101 = arith.constant 0 : i32
      %dma_wait3A_102 = tpu.memref_slice %arg12[%run_scoped3A_35, %dma_wait3A_100, %dma_wait3A_101] : memref<2x128x128xf32, #tpu.memory_space<vmem>> -> memref<1x128x128xf32, #tpu.memory_space<vmem>>
      %dma_wait3A_103 = tpu.memref_squeeze %dma_wait3A_102 : memref<1x128x128xf32, #tpu.memory_space<vmem>> -> memref<128x128xf32, #tpu.memory_space<vmem>>
      tpu.wait_dma2 semaphore(%run_scoped3A_81 : memref<!tpu.dma_semaphore, #tpu.memory_space<semaphore_mem>>) src(%dma_wait3A_103 : memref<128x128xf32, #tpu.memory_space<vmem>>) dst(%dma_wait3A_99 : memref<128x128xf32, #tpu.memory_space<vmem_shared>>)
      tpu.yield
    }) : () -> ()
    %mul3A_36 = arith.constant 640 : i32
    %mul3A_37 = arith.muli %arg1, %mul3A_36 : i32
    "tpu.region"() ({
      %run_scoped3A_81 = tpu.sem_alloc : memref<!tpu.dma_semaphore, #tpu.memory_space<semaphore_mem>>
      %dma_start3A = tpu.memref_slice %arg9[%mul3A_37] : memref<10240xf32, #tpu.memory_space<vmem_shared>> -> memref<640xf32, #tpu.memory_space<vmem_shared>>
      %dma_start3A_82 = tpu.memref_slice %arg9[%mul3A_37] : memref<10240xf32, #tpu.memory_space<vmem_shared>> -> memref<640xf32, #tpu.memory_space<vmem_shared>>
      tpu.enqueue_dma source(%arg14 : memref<640xf32, #tpu.memory_space<vmem>>) target(%dma_start3A_82 : memref<640xf32, #tpu.memory_space<vmem_shared>>) target_semaphore(%run_scoped3A_81 : memref<!tpu.dma_semaphore, #tpu.memory_space<semaphore_mem>>)
      %dma_wait3A = tpu.memref_slice %arg9[%mul3A_37] : memref<10240xf32, #tpu.memory_space<vmem_shared>> -> memref<640xf32, #tpu.memory_space<vmem_shared>>
      %dma_wait3A_83 = tpu.memref_slice %arg9[%mul3A_37] : memref<10240xf32, #tpu.memory_space<vmem_shared>> -> memref<640xf32, #tpu.memory_space<vmem_shared>>
      tpu.wait_dma2 semaphore(%run_scoped3A_81 : memref<!tpu.dma_semaphore, #tpu.memory_space<semaphore_mem>>) src(%arg14 : memref<640xf32, #tpu.memory_space<vmem>>) dst(%dma_wait3A_83 : memref<640xf32, #tpu.memory_space<vmem_shared>>)
      tpu.yield
    }) : () -> ()
    %barrier3A = arith.constant 0 : index
    tpu.barrier barrier_id(%barrier3A)
    %eq3A = arith.constant 0 : i32
    %eq3A_38 = arith.cmpi eq, %arg0, %eq3A : i32
    %convert_element_type3A = arith.extui %eq3A_38 : i1 to i32
    %cond3A = arith.constant 0 : i32
    %cond3A_39 = arith.cmpi ne, %convert_element_type3A, %cond3A : i32
    scf.if %cond3A_39 {
      "tpu.region"() ({
        %run_scoped3A_114 = tpu.sem_alloc : memref<!tpu.dma_semaphore, #tpu.memory_space<semaphore_mem>>
        %dma_start3A_115 = arith.constant 0 : i32
        %dma_start3A_116 = arith.constant 0 : i32
        %dma_start3A_117 = tpu.memref_slice %arg4[%arg1, %dma_start3A_115, %dma_start3A_116] : memref<16x80x128xi32, #tpu.memory_space<hbm>> -> memref<1x40x128xi32, #tpu.memory_space<hbm>>
        %dma_start3A_118 = tpu.memref_squeeze %dma_start3A_117 : memref<1x40x128xi32, #tpu.memory_space<hbm>> -> memref<40x128xi32, #tpu.memory_space<hbm>>
        %dma_start3A_119 = arith.constant 0 : i32
        %dma_start3A_120 = arith.constant 0 : i32
        %dma_start3A_121 = tpu.memref_slice %arg4[%arg1, %dma_start3A_119, %dma_start3A_120] : memref<16x80x128xi32, #tpu.memory_space<hbm>> -> memref<1x40x128xi32, #tpu.memory_space<hbm>>
        %dma_start3A_122 = tpu.memref_squeeze %dma_start3A_121 : memref<1x40x128xi32, #tpu.memory_space<hbm>> -> memref<40x128xi32, #tpu.memory_space<hbm>>
        tpu.enqueue_dma source(%dma_start3A_122 : memref<40x128xi32, #tpu.memory_space<hbm>>) target(%arg10 : memref<40x128xi32, #tpu.memory_space<vmem>>) target_semaphore(%run_scoped3A_114 : memref<!tpu.dma_semaphore, #tpu.memory_space<semaphore_mem>>)
        %dma_wait3A = arith.constant 0 : i32
        %dma_wait3A_123 = arith.constant 0 : i32
        %dma_wait3A_124 = tpu.memref_slice %arg4[%arg1, %dma_wait3A, %dma_wait3A_123] : memref<16x80x128xi32, #tpu.memory_space<hbm>> -> memref<1x40x128xi32, #tpu.memory_space<hbm>>
        %dma_wait3A_125 = tpu.memref_squeeze %dma_wait3A_124 : memref<1x40x128xi32, #tpu.memory_space<hbm>> -> memref<40x128xi32, #tpu.memory_space<hbm>>
        %dma_wait3A_126 = arith.constant 0 : i32
        %dma_wait3A_127 = arith.constant 0 : i32
        %dma_wait3A_128 = tpu.memref_slice %arg4[%arg1, %dma_wait3A_126, %dma_wait3A_127] : memref<16x80x128xi32, #tpu.memory_space<hbm>> -> memref<1x40x128xi32, #tpu.memory_space<hbm>>
        %dma_wait3A_129 = tpu.memref_squeeze %dma_wait3A_128 : memref<1x40x128xi32, #tpu.memory_space<hbm>> -> memref<40x128xi32, #tpu.memory_space<hbm>>
        tpu.wait_dma2 semaphore(%run_scoped3A_114 : memref<!tpu.dma_semaphore, #tpu.memory_space<semaphore_mem>>) src(%dma_wait3A_129 : memref<40x128xi32, #tpu.memory_space<hbm>>) dst(%arg10 : memref<40x128xi32, #tpu.memory_space<vmem>>)
        tpu.yield
      }) : () -> ()
      "tpu.region"() ({
        %run_scoped3A_114 = tpu.sem_alloc : memref<!tpu.dma_semaphore, #tpu.memory_space<semaphore_mem>>
        %dma_start3A_115 = arith.constant 0 : i32
        %dma_start3A_116 = arith.constant 0 : i32
        %dma_start3A_117 = tpu.memref_slice %arg5[%arg1, %dma_start3A_115, %dma_start3A_116] : memref<16x80x128xi32, #tpu.memory_space<hbm>> -> memref<1x40x128xi32, #tpu.memory_space<hbm>>
        %dma_start3A_118 = tpu.memref_squeeze %dma_start3A_117 : memref<1x40x128xi32, #tpu.memory_space<hbm>> -> memref<40x128xi32, #tpu.memory_space<hbm>>
        %dma_start3A_119 = arith.constant 0 : i32
        %dma_start3A_120 = arith.constant 0 : i32
        %dma_start3A_121 = tpu.memref_slice %arg5[%arg1, %dma_start3A_119, %dma_start3A_120] : memref<16x80x128xi32, #tpu.memory_space<hbm>> -> memref<1x40x128xi32, #tpu.memory_space<hbm>>
        %dma_start3A_122 = tpu.memref_squeeze %dma_start3A_121 : memref<1x40x128xi32, #tpu.memory_space<hbm>> -> memref<40x128xi32, #tpu.memory_space<hbm>>
        tpu.enqueue_dma source(%dma_start3A_122 : memref<40x128xi32, #tpu.memory_space<hbm>>) target(%arg11 : memref<40x128xi32, #tpu.memory_space<vmem>>) target_semaphore(%run_scoped3A_114 : memref<!tpu.dma_semaphore, #tpu.memory_space<semaphore_mem>>)
        %dma_wait3A = arith.constant 0 : i32
        %dma_wait3A_123 = arith.constant 0 : i32
        %dma_wait3A_124 = tpu.memref_slice %arg5[%arg1, %dma_wait3A, %dma_wait3A_123] : memref<16x80x128xi32, #tpu.memory_space<hbm>> -> memref<1x40x128xi32, #tpu.memory_space<hbm>>
        %dma_wait3A_125 = tpu.memref_squeeze %dma_wait3A_124 : memref<1x40x128xi32, #tpu.memory_space<hbm>> -> memref<40x128xi32, #tpu.memory_space<hbm>>
        %dma_wait3A_126 = arith.constant 0 : i32
        %dma_wait3A_127 = arith.constant 0 : i32
        %dma_wait3A_128 = tpu.memref_slice %arg5[%arg1, %dma_wait3A_126, %dma_wait3A_127] : memref<16x80x128xi32, #tpu.memory_space<hbm>> -> memref<1x40x128xi32, #tpu.memory_space<hbm>>
        %dma_wait3A_129 = tpu.memref_squeeze %dma_wait3A_128 : memref<1x40x128xi32, #tpu.memory_space<hbm>> -> memref<40x128xi32, #tpu.memory_space<hbm>>
        tpu.wait_dma2 semaphore(%run_scoped3A_114 : memref<!tpu.dma_semaphore, #tpu.memory_space<semaphore_mem>>) src(%dma_wait3A_129 : memref<40x128xi32, #tpu.memory_space<hbm>>) dst(%arg11 : memref<40x128xi32, #tpu.memory_space<vmem>>)
        tpu.yield
      }) : () -> ()
      %dma_start3A = arith.constant 0 : i32
      %dma_start3A_81 = arith.constant 0 : i32
      %dma_start3A_82 = arith.constant 0 : i32
      %dma_start3A_83 = arith.constant 0 : i32
      %dma_start3A_84 = tpu.memref_slice %arg12[%dma_start3A_81, %dma_start3A_82, %dma_start3A_83] : memref<2x128x128xf32, #tpu.memory_space<vmem>> -> memref<1x128x128xf32, #tpu.memory_space<vmem>>
      %dma_start3A_85 = tpu.memref_squeeze %dma_start3A_84 : memref<1x128x128xf32, #tpu.memory_space<vmem>> -> memref<128x128xf32, #tpu.memory_space<vmem>>
      %dma_start3A_86 = arith.constant 0 : i32
      %dma_start3A_87 = tpu.memref_slice %arg10[%dma_start3A, %dma_start3A_86] : memref<40x128xi32, #tpu.memory_space<vmem>> -> memref<1x128xi32, #tpu.memory_space<vmem>>
      %dma_start3A_88 = tpu.memref_squeeze %dma_start3A_87 : memref<1x128xi32, #tpu.memory_space<vmem>> -> memref<128xi32, #tpu.memory_space<vmem>>
      %dma_start3A_89 = arith.constant 0 : i32
      %dma_start3A_90 = arith.constant 0 : i32
      %dma_start3A_91 = tpu.memref_slice %arg2[%dma_start3A_89, %dma_start3A_90] : memref<10000x128xf32, #tpu.memory_space<hbm>> -> memref<10000x128xf32, #tpu.memory_space<hbm>>
      tpu.enqueue_indirect_dma source(%dma_start3A_91 : memref<10000x128xf32, #tpu.memory_space<hbm>>) target(%dma_start3A_85 : memref<128x128xf32, #tpu.memory_space<vmem>>) offsets(%dma_start3A_88 : memref<128xi32, #tpu.memory_space<vmem>>) semaphore(%arg15 : memref<!tpu.dma_semaphore, #tpu.memory_space<semaphore_mem>>)
      %scan3A_92 = arith.constant 0 : i32
      %scan3A_93 = arith.constant 20 : i32
      %scan3A_94 = arith.addi %scan3A_92, %scan3A_93 : i32
      %scan3A_95 = arith.constant 1 : i32
      scf.for %scan3A_114 = %scan3A_92 to %scan3A_94 step %scan3A_95  : i32 {
        %mul3A_115 = arith.constant 2 : i32
        %mul3A_116 = arith.muli %scan3A_114, %mul3A_115 : i32
        %add3A_117 = arith.constant 0 : i32
        %add3A_118 = arith.addi %add3A_117, %mul3A_116 : i32
        %add3A_119 = arith.constant 0 : i32
        %add3A_120 = arith.addi %add3A_118, %add3A_119 : i32
        %add3A_121 = arith.constant 1 : i32
        %add3A_122 = arith.addi %add3A_120, %add3A_121 : i32
        %lt3A = arith.constant 40 : i32
        %lt3A_123 = arith.cmpi slt, %add3A_122, %lt3A : i32
        %convert_element_type3A_124 = arith.extui %lt3A_123 : i1 to i32
        %cond3A_125 = arith.constant 0 : i32
        %cond3A_126 = arith.cmpi ne, %convert_element_type3A_124, %cond3A_125 : i32
        scf.if %cond3A_126 {
          %add3A_159 = arith.constant 1 : i32
          %add3A_160 = arith.addi %add3A_120, %add3A_159 : i32
          %dma_start3A_161 = arith.constant 1 : i32
          %dma_start3A_162 = arith.constant 0 : i32
          %dma_start3A_163 = arith.constant 0 : i32
          %dma_start3A_164 = tpu.memref_slice %arg12[%dma_start3A_161, %dma_start3A_162, %dma_start3A_163] : memref<2x128x128xf32, #tpu.memory_space<vmem>> -> memref<1x128x128xf32, #tpu.memory_space<vmem>>
          %dma_start3A_165 = tpu.memref_squeeze %dma_start3A_164 : memref<1x128x128xf32, #tpu.memory_space<vmem>> -> memref<128x128xf32, #tpu.memory_space<vmem>>
          %dma_start3A_166 = arith.constant 0 : i32
          %dma_start3A_167 = tpu.memref_slice %arg10[%add3A_160, %dma_start3A_166] : memref<40x128xi32, #tpu.memory_space<vmem>> -> memref<1x128xi32, #tpu.memory_space<vmem>>
          %dma_start3A_168 = tpu.memref_squeeze %dma_start3A_167 : memref<1x128xi32, #tpu.memory_space<vmem>> -> memref<128xi32, #tpu.memory_space<vmem>>
          %dma_start3A_169 = arith.constant 0 : i32
          %dma_start3A_170 = arith.constant 0 : i32
          %dma_start3A_171 = tpu.memref_slice %arg2[%dma_start3A_169, %dma_start3A_170] : memref<10000x128xf32, #tpu.memory_space<hbm>> -> memref<10000x128xf32, #tpu.memory_space<hbm>>
          tpu.enqueue_indirect_dma source(%dma_start3A_171 : memref<10000x128xf32, #tpu.memory_space<hbm>>) target(%dma_start3A_165 : memref<128x128xf32, #tpu.memory_space<vmem>>) offsets(%dma_start3A_168 : memref<128xi32, #tpu.memory_space<vmem>>) semaphore(%arg16 : memref<!tpu.dma_semaphore, #tpu.memory_space<semaphore_mem>>)
        } else {
        }
        %dma_wait3A = arith.constant 0 : i32
        %dma_wait3A_127 = arith.constant 0 : i32
        %dma_wait3A_128 = arith.constant 0 : i32
        %dma_wait3A_129 = tpu.memref_slice %arg12[%dma_wait3A, %dma_wait3A_127, %dma_wait3A_128] : memref<2x128x128xf32, #tpu.memory_space<vmem>> -> memref<1x128x128xf32, #tpu.memory_space<vmem>>
        %dma_wait3A_130 = tpu.memref_squeeze %dma_wait3A_129 : memref<1x128x128xf32, #tpu.memory_space<vmem>> -> memref<128x128xf32, #tpu.memory_space<vmem>>
        %dma_wait3A_131 = arith.constant 0 : i32
        %dma_wait3A_132 = tpu.memref_slice %arg10[%add3A_120, %dma_wait3A_131] : memref<40x128xi32, #tpu.memory_space<vmem>> -> memref<1x128xi32, #tpu.memory_space<vmem>>
        %dma_wait3A_133 = tpu.memref_squeeze %dma_wait3A_132 : memref<1x128xi32, #tpu.memory_space<vmem>> -> memref<128xi32, #tpu.memory_space<vmem>>
        %dma_wait3A_134 = arith.constant 0 : i32
        %dma_wait3A_135 = arith.constant 0 : i32
        %dma_wait3A_136 = tpu.memref_slice %arg2[%dma_wait3A_134, %dma_wait3A_135] : memref<10000x128xf32, #tpu.memory_space<hbm>> -> memref<10000x128xf32, #tpu.memory_space<hbm>>
        tpu.wait_indirect_dma semaphore(%arg15 : memref<!tpu.dma_semaphore, #tpu.memory_space<semaphore_mem>>) src(%dma_wait3A_136 : memref<10000x128xf32, #tpu.memory_space<hbm>>) dst(%dma_wait3A_130 : memref<128x128xf32, #tpu.memory_space<vmem>>)
        %run_scoped3A_137 = arith.constant 0 : i32
        "tpu.region"() ({
          %run_scoped3A_159 = tpu.sem_alloc : memref<!tpu.dma_semaphore, #tpu.memory_space<semaphore_mem>>
          %dma_start3A_160 = arith.constant 0 : i32
          %dma_start3A_161 = arith.constant 0 : i32
          %dma_start3A_162 = tpu.memref_slice %arg12[%run_scoped3A_137, %dma_start3A_160, %dma_start3A_161] : memref<2x128x128xf32, #tpu.memory_space<vmem>> -> memref<1x128x128xf32, #tpu.memory_space<vmem>>
          %dma_start3A_163 = tpu.memref_squeeze %dma_start3A_162 : memref<1x128x128xf32, #tpu.memory_space<vmem>> -> memref<128x128xf32, #tpu.memory_space<vmem>>
          %dma_start3A_164 = arith.constant 0 : i32
          %dma_start3A_165 = tpu.memref_slice %arg11[%add3A_120, %dma_start3A_164] : memref<40x128xi32, #tpu.memory_space<vmem>> -> memref<1x128xi32, #tpu.memory_space<vmem>>
          %dma_start3A_166 = tpu.memref_squeeze %dma_start3A_165 : memref<1x128xi32, #tpu.memory_space<vmem>> -> memref<128xi32, #tpu.memory_space<vmem>>
          %dma_start3A_167 = arith.constant 0 : i32
          %dma_start3A_168 = arith.constant 0 : i32
          %dma_start3A_169 = tpu.memref_slice %arg8[%dma_start3A_167, %dma_start3A_168] : memref<10240x128xf32, #tpu.memory_space<vmem_shared>> -> memref<10240x128xf32, #tpu.memory_space<vmem_shared>>
          tpu.enqueue_indirect_dma source(%dma_start3A_163 : memref<128x128xf32, #tpu.memory_space<vmem>>) target(%dma_start3A_169 : memref<10240x128xf32, #tpu.memory_space<vmem_shared>>) offsets(%dma_start3A_166 : memref<128xi32, #tpu.memory_space<vmem>>) semaphore(%run_scoped3A_159 : memref<!tpu.dma_semaphore, #tpu.memory_space<semaphore_mem>>) {add = true}
          %dma_wait3A_170 = arith.constant 0 : i32
          %dma_wait3A_171 = arith.constant 0 : i32
          %dma_wait3A_172 = tpu.memref_slice %arg12[%run_scoped3A_137, %dma_wait3A_170, %dma_wait3A_171] : memref<2x128x128xf32, #tpu.memory_space<vmem>> -> memref<1x128x128xf32, #tpu.memory_space<vmem>>
          %dma_wait3A_173 = tpu.memref_squeeze %dma_wait3A_172 : memref<1x128x128xf32, #tpu.memory_space<vmem>> -> memref<128x128xf32, #tpu.memory_space<vmem>>
          %dma_wait3A_174 = arith.constant 0 : i32
          %dma_wait3A_175 = tpu.memref_slice %arg11[%add3A_120, %dma_wait3A_174] : memref<40x128xi32, #tpu.memory_space<vmem>> -> memref<1x128xi32, #tpu.memory_space<vmem>>
          %dma_wait3A_176 = tpu.memref_squeeze %dma_wait3A_175 : memref<1x128xi32, #tpu.memory_space<vmem>> -> memref<128xi32, #tpu.memory_space<vmem>>
          %dma_wait3A_177 = arith.constant 0 : i32
          %dma_wait3A_178 = arith.constant 0 : i32
          %dma_wait3A_179 = tpu.memref_slice %arg8[%dma_wait3A_177, %dma_wait3A_178] : memref<10240x128xf32, #tpu.memory_space<vmem_shared>> -> memref<10240x128xf32, #tpu.memory_space<vmem_shared>>
          tpu.wait_indirect_dma semaphore(%run_scoped3A_159 : memref<!tpu.dma_semaphore, #tpu.memory_space<semaphore_mem>>) src(%dma_wait3A_173 : memref<128x128xf32, #tpu.memory_space<vmem>>) dst(%dma_wait3A_179 : memref<10240x128xf32, #tpu.memory_space<vmem_shared>>)
          tpu.yield
        }) : () -> ()
        "tpu.region"() ({
          %run_scoped3A_159 = tpu.sem_alloc : memref<!tpu.dma_semaphore, #tpu.memory_space<semaphore_mem>>
          %dma_start3A_160 = arith.constant 0 : i32
          %dma_start3A_161 = tpu.memref_slice %arg11[%add3A_120, %dma_start3A_160] : memref<40x128xi32, #tpu.memory_space<vmem>> -> memref<1x128xi32, #tpu.memory_space<vmem>>
          %dma_start3A_162 = tpu.memref_squeeze %dma_start3A_161 : memref<1x128xi32, #tpu.memory_space<vmem>> -> memref<128xi32, #tpu.memory_space<vmem>>
          %dma_start3A_163 = arith.constant 0 : i32
          %dma_start3A_164 = tpu.memref_slice %arg9[%dma_start3A_163] : memref<10240xf32, #tpu.memory_space<vmem_shared>> -> memref<10240xf32, #tpu.memory_space<vmem_shared>>
          tpu.enqueue_indirect_dma source(%arg13 : memref<128xf32, #tpu.memory_space<vmem>>) target(%dma_start3A_164 : memref<10240xf32, #tpu.memory_space<vmem_shared>>) offsets(%dma_start3A_162 : memref<128xi32, #tpu.memory_space<vmem>>) semaphore(%run_scoped3A_159 : memref<!tpu.dma_semaphore, #tpu.memory_space<semaphore_mem>>) {add = true}
          %dma_wait3A_165 = arith.constant 0 : i32
          %dma_wait3A_166 = tpu.memref_slice %arg11[%add3A_120, %dma_wait3A_165] : memref<40x128xi32, #tpu.memory_space<vmem>> -> memref<1x128xi32, #tpu.memory_space<vmem>>
          %dma_wait3A_167 = tpu.memref_squeeze %dma_wait3A_166 : memref<1x128xi32, #tpu.memory_space<vmem>> -> memref<128xi32, #tpu.memory_space<vmem>>
          %dma_wait3A_168 = arith.constant 0 : i32
          %dma_wait3A_169 = tpu.memref_slice %arg9[%dma_wait3A_168] : memref<10240xf32, #tpu.memory_space<vmem_shared>> -> memref<10240xf32, #tpu.memory_space<vmem_shared>>
          tpu.wait_indirect_dma semaphore(%run_scoped3A_159 : memref<!tpu.dma_semaphore, #tpu.memory_space<semaphore_mem>>) src(%arg13 : memref<128xf32, #tpu.memory_space<vmem>>) dst(%dma_wait3A_169 : memref<10240xf32, #tpu.memory_space<vmem_shared>>)
          tpu.yield
        }) : () -> ()
        %add3A_138 = arith.constant 1 : i32
        %add3A_139 = arith.addi %add3A_118, %add3A_138 : i32
        %add3A_140 = arith.constant 1 : i32
        %add3A_141 = arith.addi %add3A_139, %add3A_140 : i32
        %lt3A_142 = arith.constant 40 : i32
        %lt3A_143 = arith.cmpi slt, %add3A_141, %lt3A_142 : i32
        %convert_element_type3A_144 = arith.extui %lt3A_143 : i1 to i32
        %cond3A_145 = arith.constant 0 : i32
        %cond3A_146 = arith.cmpi ne, %convert_element_type3A_144, %cond3A_145 : i32
        scf.if %cond3A_146 {
          %add3A_159 = arith.constant 1 : i32
          %add3A_160 = arith.addi %add3A_139, %add3A_159 : i32
          %dma_start3A_161 = arith.constant 0 : i32
          %dma_start3A_162 = arith.constant 0 : i32
          %dma_start3A_163 = arith.constant 0 : i32
          %dma_start3A_164 = tpu.memref_slice %arg12[%dma_start3A_161, %dma_start3A_162, %dma_start3A_163] : memref<2x128x128xf32, #tpu.memory_space<vmem>> -> memref<1x128x128xf32, #tpu.memory_space<vmem>>
          %dma_start3A_165 = tpu.memref_squeeze %dma_start3A_164 : memref<1x128x128xf32, #tpu.memory_space<vmem>> -> memref<128x128xf32, #tpu.memory_space<vmem>>
          %dma_start3A_166 = arith.constant 0 : i32
          %dma_start3A_167 = tpu.memref_slice %arg10[%add3A_160, %dma_start3A_166] : memref<40x128xi32, #tpu.memory_space<vmem>> -> memref<1x128xi32, #tpu.memory_space<vmem>>
          %dma_start3A_168 = tpu.memref_squeeze %dma_start3A_167 : memref<1x128xi32, #tpu.memory_space<vmem>> -> memref<128xi32, #tpu.memory_space<vmem>>
          %dma_start3A_169 = arith.constant 0 : i32
          %dma_start3A_170 = arith.constant 0 : i32
          %dma_start3A_171 = tpu.memref_slice %arg2[%dma_start3A_169, %dma_start3A_170] : memref<10000x128xf32, #tpu.memory_space<hbm>> -> memref<10000x128xf32, #tpu.memory_space<hbm>>
          tpu.enqueue_indirect_dma source(%dma_start3A_171 : memref<10000x128xf32, #tpu.memory_space<hbm>>) target(%dma_start3A_165 : memref<128x128xf32, #tpu.memory_space<vmem>>) offsets(%dma_start3A_168 : memref<128xi32, #tpu.memory_space<vmem>>) semaphore(%arg15 : memref<!tpu.dma_semaphore, #tpu.memory_space<semaphore_mem>>)
        } else {
        }
        %dma_wait3A_147 = arith.constant 1 : i32
        %dma_wait3A_148 = arith.constant 0 : i32
        %dma_wait3A_149 = arith.constant 0 : i32
        %dma_wait3A_150 = tpu.memref_slice %arg12[%dma_wait3A_147, %dma_wait3A_148, %dma_wait3A_149] : memref<2x128x128xf32, #tpu.memory_space<vmem>> -> memref<1x128x128xf32, #tpu.memory_space<vmem>>
        %dma_wait3A_151 = tpu.memref_squeeze %dma_wait3A_150 : memref<1x128x128xf32, #tpu.memory_space<vmem>> -> memref<128x128xf32, #tpu.memory_space<vmem>>
        %dma_wait3A_152 = arith.constant 0 : i32
        %dma_wait3A_153 = tpu.memref_slice %arg10[%add3A_139, %dma_wait3A_152] : memref<40x128xi32, #tpu.memory_space<vmem>> -> memref<1x128xi32, #tpu.memory_space<vmem>>
        %dma_wait3A_154 = tpu.memref_squeeze %dma_wait3A_153 : memref<1x128xi32, #tpu.memory_space<vmem>> -> memref<128xi32, #tpu.memory_space<vmem>>
        %dma_wait3A_155 = arith.constant 0 : i32
        %dma_wait3A_156 = arith.constant 0 : i32
        %dma_wait3A_157 = tpu.memref_slice %arg2[%dma_wait3A_155, %dma_wait3A_156] : memref<10000x128xf32, #tpu.memory_space<hbm>> -> memref<10000x128xf32, #tpu.memory_space<hbm>>
        tpu.wait_indirect_dma semaphore(%arg16 : memref<!tpu.dma_semaphore, #tpu.memory_space<semaphore_mem>>) src(%dma_wait3A_157 : memref<10000x128xf32, #tpu.memory_space<hbm>>) dst(%dma_wait3A_151 : memref<128x128xf32, #tpu.memory_space<vmem>>)
        %run_scoped3A_158 = arith.constant 1 : i32
        "tpu.region"() ({
          %run_scoped3A_159 = tpu.sem_alloc : memref<!tpu.dma_semaphore, #tpu.memory_space<semaphore_mem>>
          %dma_start3A_160 = arith.constant 0 : i32
          %dma_start3A_161 = arith.constant 0 : i32
          %dma_start3A_162 = tpu.memref_slice %arg12[%run_scoped3A_158, %dma_start3A_160, %dma_start3A_161] : memref<2x128x128xf32, #tpu.memory_space<vmem>> -> memref<1x128x128xf32, #tpu.memory_space<vmem>>
          %dma_start3A_163 = tpu.memref_squeeze %dma_start3A_162 : memref<1x128x128xf32, #tpu.memory_space<vmem>> -> memref<128x128xf32, #tpu.memory_space<vmem>>
          %dma_start3A_164 = arith.constant 0 : i32
          %dma_start3A_165 = tpu.memref_slice %arg11[%add3A_139, %dma_start3A_164] : memref<40x128xi32, #tpu.memory_space<vmem>> -> memref<1x128xi32, #tpu.memory_space<vmem>>
          %dma_start3A_166 = tpu.memref_squeeze %dma_start3A_165 : memref<1x128xi32, #tpu.memory_space<vmem>> -> memref<128xi32, #tpu.memory_space<vmem>>
          %dma_start3A_167 = arith.constant 0 : i32
          %dma_start3A_168 = arith.constant 0 : i32
          %dma_start3A_169 = tpu.memref_slice %arg8[%dma_start3A_167, %dma_start3A_168] : memref<10240x128xf32, #tpu.memory_space<vmem_shared>> -> memref<10240x128xf32, #tpu.memory_space<vmem_shared>>
          tpu.enqueue_indirect_dma source(%dma_start3A_163 : memref<128x128xf32, #tpu.memory_space<vmem>>) target(%dma_start3A_169 : memref<10240x128xf32, #tpu.memory_space<vmem_shared>>) offsets(%dma_start3A_166 : memref<128xi32, #tpu.memory_space<vmem>>) semaphore(%run_scoped3A_159 : memref<!tpu.dma_semaphore, #tpu.memory_space<semaphore_mem>>) {add = true}
          %dma_wait3A_170 = arith.constant 0 : i32
          %dma_wait3A_171 = arith.constant 0 : i32
          %dma_wait3A_172 = tpu.memref_slice %arg12[%run_scoped3A_158, %dma_wait3A_170, %dma_wait3A_171] : memref<2x128x128xf32, #tpu.memory_space<vmem>> -> memref<1x128x128xf32, #tpu.memory_space<vmem>>
          %dma_wait3A_173 = tpu.memref_squeeze %dma_wait3A_172 : memref<1x128x128xf32, #tpu.memory_space<vmem>> -> memref<128x128xf32, #tpu.memory_space<vmem>>
          %dma_wait3A_174 = arith.constant 0 : i32
          %dma_wait3A_175 = tpu.memref_slice %arg11[%add3A_139, %dma_wait3A_174] : memref<40x128xi32, #tpu.memory_space<vmem>> -> memref<1x128xi32, #tpu.memory_space<vmem>>
          %dma_wait3A_176 = tpu.memref_squeeze %dma_wait3A_175 : memref<1x128xi32, #tpu.memory_space<vmem>> -> memref<128xi32, #tpu.memory_space<vmem>>
          %dma_wait3A_177 = arith.constant 0 : i32
          %dma_wait3A_178 = arith.constant 0 : i32
          %dma_wait3A_179 = tpu.memref_slice %arg8[%dma_wait3A_177, %dma_wait3A_178] : memref<10240x128xf32, #tpu.memory_space<vmem_shared>> -> memref<10240x128xf32, #tpu.memory_space<vmem_shared>>
          tpu.wait_indirect_dma semaphore(%run_scoped3A_159 : memref<!tpu.dma_semaphore, #tpu.memory_space<semaphore_mem>>) src(%dma_wait3A_173 : memref<128x128xf32, #tpu.memory_space<vmem>>) dst(%dma_wait3A_179 : memref<10240x128xf32, #tpu.memory_space<vmem_shared>>)
          tpu.yield
        }) : () -> ()
        "tpu.region"() ({
          %run_scoped3A_159 = tpu.sem_alloc : memref<!tpu.dma_semaphore, #tpu.memory_space<semaphore_mem>>
          %dma_start3A_160 = arith.constant 0 : i32
          %dma_start3A_161 = tpu.memref_slice %arg11[%add3A_139, %dma_start3A_160] : memref<40x128xi32, #tpu.memory_space<vmem>> -> memref<1x128xi32, #tpu.memory_space<vmem>>
          %dma_start3A_162 = tpu.memref_squeeze %dma_start3A_161 : memref<1x128xi32, #tpu.memory_space<vmem>> -> memref<128xi32, #tpu.memory_space<vmem>>
          %dma_start3A_163 = arith.constant 0 : i32
          %dma_start3A_164 = tpu.memref_slice %arg9[%dma_start3A_163] : memref<10240xf32, #tpu.memory_space<vmem_shared>> -> memref<10240xf32, #tpu.memory_space<vmem_shared>>
          tpu.enqueue_indirect_dma source(%arg13 : memref<128xf32, #tpu.memory_space<vmem>>) target(%dma_start3A_164 : memref<10240xf32, #tpu.memory_space<vmem_shared>>) offsets(%dma_start3A_162 : memref<128xi32, #tpu.memory_space<vmem>>) semaphore(%run_scoped3A_159 : memref<!tpu.dma_semaphore, #tpu.memory_space<semaphore_mem>>) {add = true}
          %dma_wait3A_165 = arith.constant 0 : i32
          %dma_wait3A_166 = tpu.memref_slice %arg11[%add3A_139, %dma_wait3A_165] : memref<40x128xi32, #tpu.memory_space<vmem>> -> memref<1x128xi32, #tpu.memory_space<vmem>>
          %dma_wait3A_167 = tpu.memref_squeeze %dma_wait3A_166 : memref<1x128xi32, #tpu.memory_space<vmem>> -> memref<128xi32, #tpu.memory_space<vmem>>
          %dma_wait3A_168 = arith.constant 0 : i32
          %dma_wait3A_169 = tpu.memref_slice %arg9[%dma_wait3A_168] : memref<10240xf32, #tpu.memory_space<vmem_shared>> -> memref<10240xf32, #tpu.memory_space<vmem_shared>>
          tpu.wait_indirect_dma semaphore(%run_scoped3A_159 : memref<!tpu.dma_semaphore, #tpu.memory_space<semaphore_mem>>) src(%arg13 : memref<128xf32, #tpu.memory_space<vmem>>) dst(%dma_wait3A_169 : memref<10240xf32, #tpu.memory_space<vmem_shared>>)
          tpu.yield
        }) : () -> ()
      }
      %scan3A_96 = arith.constant 20 : i32
      "tpu.region"() ({
        %run_scoped3A_114 = tpu.sem_alloc : memref<!tpu.dma_semaphore, #tpu.memory_space<semaphore_mem>>
        %dma_start3A_115 = arith.constant 40 : i32
        %dma_start3A_116 = arith.constant 0 : i32
        %dma_start3A_117 = tpu.memref_slice %arg4[%arg1, %dma_start3A_115, %dma_start3A_116] : memref<16x80x128xi32, #tpu.memory_space<hbm>> -> memref<1x40x128xi32, #tpu.memory_space<hbm>>
        %dma_start3A_118 = tpu.memref_squeeze %dma_start3A_117 : memref<1x40x128xi32, #tpu.memory_space<hbm>> -> memref<40x128xi32, #tpu.memory_space<hbm>>
        %dma_start3A_119 = arith.constant 40 : i32
        %dma_start3A_120 = arith.constant 0 : i32
        %dma_start3A_121 = tpu.memref_slice %arg4[%arg1, %dma_start3A_119, %dma_start3A_120] : memref<16x80x128xi32, #tpu.memory_space<hbm>> -> memref<1x40x128xi32, #tpu.memory_space<hbm>>
        %dma_start3A_122 = tpu.memref_squeeze %dma_start3A_121 : memref<1x40x128xi32, #tpu.memory_space<hbm>> -> memref<40x128xi32, #tpu.memory_space<hbm>>
        tpu.enqueue_dma source(%dma_start3A_122 : memref<40x128xi32, #tpu.memory_space<hbm>>) target(%arg10 : memref<40x128xi32, #tpu.memory_space<vmem>>) target_semaphore(%run_scoped3A_114 : memref<!tpu.dma_semaphore, #tpu.memory_space<semaphore_mem>>)
        %dma_wait3A = arith.constant 40 : i32
        %dma_wait3A_123 = arith.constant 0 : i32
        %dma_wait3A_124 = tpu.memref_slice %arg4[%arg1, %dma_wait3A, %dma_wait3A_123] : memref<16x80x128xi32, #tpu.memory_space<hbm>> -> memref<1x40x128xi32, #tpu.memory_space<hbm>>
        %dma_wait3A_125 = tpu.memref_squeeze %dma_wait3A_124 : memref<1x40x128xi32, #tpu.memory_space<hbm>> -> memref<40x128xi32, #tpu.memory_space<hbm>>
        %dma_wait3A_126 = arith.constant 40 : i32
        %dma_wait3A_127 = arith.constant 0 : i32
        %dma_wait3A_128 = tpu.memref_slice %arg4[%arg1, %dma_wait3A_126, %dma_wait3A_127] : memref<16x80x128xi32, #tpu.memory_space<hbm>> -> memref<1x40x128xi32, #tpu.memory_space<hbm>>
        %dma_wait3A_129 = tpu.memref_squeeze %dma_wait3A_128 : memref<1x40x128xi32, #tpu.memory_space<hbm>> -> memref<40x128xi32, #tpu.memory_space<hbm>>
        tpu.wait_dma2 semaphore(%run_scoped3A_114 : memref<!tpu.dma_semaphore, #tpu.memory_space<semaphore_mem>>) src(%dma_wait3A_129 : memref<40x128xi32, #tpu.memory_space<hbm>>) dst(%arg10 : memref<40x128xi32, #tpu.memory_space<vmem>>)
        tpu.yield
      }) : () -> ()
      "tpu.region"() ({
        %run_scoped3A_114 = tpu.sem_alloc : memref<!tpu.dma_semaphore, #tpu.memory_space<semaphore_mem>>
        %dma_start3A_115 = arith.constant 40 : i32
        %dma_start3A_116 = arith.constant 0 : i32
        %dma_start3A_117 = tpu.memref_slice %arg5[%arg1, %dma_start3A_115, %dma_start3A_116] : memref<16x80x128xi32, #tpu.memory_space<hbm>> -> memref<1x40x128xi32, #tpu.memory_space<hbm>>
        %dma_start3A_118 = tpu.memref_squeeze %dma_start3A_117 : memref<1x40x128xi32, #tpu.memory_space<hbm>> -> memref<40x128xi32, #tpu.memory_space<hbm>>
        %dma_start3A_119 = arith.constant 40 : i32
        %dma_start3A_120 = arith.constant 0 : i32
        %dma_start3A_121 = tpu.memref_slice %arg5[%arg1, %dma_start3A_119, %dma_start3A_120] : memref<16x80x128xi32, #tpu.memory_space<hbm>> -> memref<1x40x128xi32, #tpu.memory_space<hbm>>
        %dma_start3A_122 = tpu.memref_squeeze %dma_start3A_121 : memref<1x40x128xi32, #tpu.memory_space<hbm>> -> memref<40x128xi32, #tpu.memory_space<hbm>>
        tpu.enqueue_dma source(%dma_start3A_122 : memref<40x128xi32, #tpu.memory_space<hbm>>) target(%arg11 : memref<40x128xi32, #tpu.memory_space<vmem>>) target_semaphore(%run_scoped3A_114 : memref<!tpu.dma_semaphore, #tpu.memory_space<semaphore_mem>>)
        %dma_wait3A = arith.constant 40 : i32
        %dma_wait3A_123 = arith.constant 0 : i32
        %dma_wait3A_124 = tpu.memref_slice %arg5[%arg1, %dma_wait3A, %dma_wait3A_123] : memref<16x80x128xi32, #tpu.memory_space<hbm>> -> memref<1x40x128xi32, #tpu.memory_space<hbm>>
        %dma_wait3A_125 = tpu.memref_squeeze %dma_wait3A_124 : memref<1x40x128xi32, #tpu.memory_space<hbm>> -> memref<40x128xi32, #tpu.memory_space<hbm>>
        %dma_wait3A_126 = arith.constant 40 : i32
        %dma_wait3A_127 = arith.constant 0 : i32
        %dma_wait3A_128 = tpu.memref_slice %arg5[%arg1, %dma_wait3A_126, %dma_wait3A_127] : memref<16x80x128xi32, #tpu.memory_space<hbm>> -> memref<1x40x128xi32, #tpu.memory_space<hbm>>
        %dma_wait3A_129 = tpu.memref_squeeze %dma_wait3A_128 : memref<1x40x128xi32, #tpu.memory_space<hbm>> -> memref<40x128xi32, #tpu.memory_space<hbm>>
        tpu.wait_dma2 semaphore(%run_scoped3A_114 : memref<!tpu.dma_semaphore, #tpu.memory_space<semaphore_mem>>) src(%dma_wait3A_129 : memref<40x128xi32, #tpu.memory_space<hbm>>) dst(%arg11 : memref<40x128xi32, #tpu.memory_space<vmem>>)
        tpu.yield
      }) : () -> ()
      %dma_start3A_97 = arith.constant 0 : i32
      %dma_start3A_98 = arith.constant 0 : i32
      %dma_start3A_99 = arith.constant 0 : i32
      %dma_start3A_100 = arith.constant 0 : i32
      %dma_start3A_101 = tpu.memref_slice %arg12[%dma_start3A_98, %dma_start3A_99, %dma_start3A_100] : memref<2x128x128xf32, #tpu.memory_space<vmem>> -> memref<1x128x128xf32, #tpu.memory_space<vmem>>
      %dma_start3A_102 = tpu.memref_squeeze %dma_start3A_101 : memref<1x128x128xf32, #tpu.memory_space<vmem>> -> memref<128x128xf32, #tpu.memory_space<vmem>>
      %dma_start3A_103 = arith.constant 0 : i32
      %dma_start3A_104 = tpu.memref_slice %arg10[%dma_start3A_97, %dma_start3A_103] : memref<40x128xi32, #tpu.memory_space<vmem>> -> memref<1x128xi32, #tpu.memory_space<vmem>>
      %dma_start3A_105 = tpu.memref_squeeze %dma_start3A_104 : memref<1x128xi32, #tpu.memory_space<vmem>> -> memref<128xi32, #tpu.memory_space<vmem>>
      %dma_start3A_106 = arith.constant 0 : i32
      %dma_start3A_107 = arith.constant 0 : i32
      %dma_start3A_108 = tpu.memref_slice %arg2[%dma_start3A_106, %dma_start3A_107] : memref<10000x128xf32, #tpu.memory_space<hbm>> -> memref<10000x128xf32, #tpu.memory_space<hbm>>
      tpu.enqueue_indirect_dma source(%dma_start3A_108 : memref<10000x128xf32, #tpu.memory_space<hbm>>) target(%dma_start3A_102 : memref<128x128xf32, #tpu.memory_space<vmem>>) offsets(%dma_start3A_105 : memref<128xi32, #tpu.memory_space<vmem>>) semaphore(%arg15 : memref<!tpu.dma_semaphore, #tpu.memory_space<semaphore_mem>>)
      %scan3A_109 = arith.constant 0 : i32
      %scan3A_110 = arith.constant 20 : i32
      %scan3A_111 = arith.addi %scan3A_109, %scan3A_110 : i32
      %scan3A_112 = arith.constant 1 : i32
      scf.for %scan3A_114 = %scan3A_109 to %scan3A_111 step %scan3A_112  : i32 {
        %mul3A_115 = arith.constant 2 : i32
        %mul3A_116 = arith.muli %scan3A_114, %mul3A_115 : i32
        %add3A_117 = arith.constant 0 : i32
        %add3A_118 = arith.addi %add3A_117, %mul3A_116 : i32
        %add3A_119 = arith.constant 0 : i32
        %add3A_120 = arith.addi %add3A_118, %add3A_119 : i32
        %add3A_121 = arith.constant 1 : i32
        %add3A_122 = arith.addi %add3A_120, %add3A_121 : i32
        %lt3A = arith.constant 40 : i32
        %lt3A_123 = arith.cmpi slt, %add3A_122, %lt3A : i32
        %convert_element_type3A_124 = arith.extui %lt3A_123 : i1 to i32
        %cond3A_125 = arith.constant 0 : i32
        %cond3A_126 = arith.cmpi ne, %convert_element_type3A_124, %cond3A_125 : i32
        scf.if %cond3A_126 {
          %add3A_159 = arith.constant 1 : i32
          %add3A_160 = arith.addi %add3A_120, %add3A_159 : i32
          %dma_start3A_161 = arith.constant 1 : i32
          %dma_start3A_162 = arith.constant 0 : i32
          %dma_start3A_163 = arith.constant 0 : i32
          %dma_start3A_164 = tpu.memref_slice %arg12[%dma_start3A_161, %dma_start3A_162, %dma_start3A_163] : memref<2x128x128xf32, #tpu.memory_space<vmem>> -> memref<1x128x128xf32, #tpu.memory_space<vmem>>
          %dma_start3A_165 = tpu.memref_squeeze %dma_start3A_164 : memref<1x128x128xf32, #tpu.memory_space<vmem>> -> memref<128x128xf32, #tpu.memory_space<vmem>>
          %dma_start3A_166 = arith.constant 0 : i32
          %dma_start3A_167 = tpu.memref_slice %arg10[%add3A_160, %dma_start3A_166] : memref<40x128xi32, #tpu.memory_space<vmem>> -> memref<1x128xi32, #tpu.memory_space<vmem>>
          %dma_start3A_168 = tpu.memref_squeeze %dma_start3A_167 : memref<1x128xi32, #tpu.memory_space<vmem>> -> memref<128xi32, #tpu.memory_space<vmem>>
          %dma_start3A_169 = arith.constant 0 : i32
          %dma_start3A_170 = arith.constant 0 : i32
          %dma_start3A_171 = tpu.memref_slice %arg2[%dma_start3A_169, %dma_start3A_170] : memref<10000x128xf32, #tpu.memory_space<hbm>> -> memref<10000x128xf32, #tpu.memory_space<hbm>>
          tpu.enqueue_indirect_dma source(%dma_start3A_171 : memref<10000x128xf32, #tpu.memory_space<hbm>>) target(%dma_start3A_165 : memref<128x128xf32, #tpu.memory_space<vmem>>) offsets(%dma_start3A_168 : memref<128xi32, #tpu.memory_space<vmem>>) semaphore(%arg16 : memref<!tpu.dma_semaphore, #tpu.memory_space<semaphore_mem>>)
        } else {
        }
        %dma_wait3A = arith.constant 0 : i32
        %dma_wait3A_127 = arith.constant 0 : i32
        %dma_wait3A_128 = arith.constant 0 : i32
        %dma_wait3A_129 = tpu.memref_slice %arg12[%dma_wait3A, %dma_wait3A_127, %dma_wait3A_128] : memref<2x128x128xf32, #tpu.memory_space<vmem>> -> memref<1x128x128xf32, #tpu.memory_space<vmem>>
        %dma_wait3A_130 = tpu.memref_squeeze %dma_wait3A_129 : memref<1x128x128xf32, #tpu.memory_space<vmem>> -> memref<128x128xf32, #tpu.memory_space<vmem>>
        %dma_wait3A_131 = arith.constant 0 : i32
        %dma_wait3A_132 = tpu.memref_slice %arg10[%add3A_120, %dma_wait3A_131] : memref<40x128xi32, #tpu.memory_space<vmem>> -> memref<1x128xi32, #tpu.memory_space<vmem>>
        %dma_wait3A_133 = tpu.memref_squeeze %dma_wait3A_132 : memref<1x128xi32, #tpu.memory_space<vmem>> -> memref<128xi32, #tpu.memory_space<vmem>>
        %dma_wait3A_134 = arith.constant 0 : i32
        %dma_wait3A_135 = arith.constant 0 : i32
        %dma_wait3A_136 = tpu.memref_slice %arg2[%dma_wait3A_134, %dma_wait3A_135] : memref<10000x128xf32, #tpu.memory_space<hbm>> -> memref<10000x128xf32, #tpu.memory_space<hbm>>
        tpu.wait_indirect_dma semaphore(%arg15 : memref<!tpu.dma_semaphore, #tpu.memory_space<semaphore_mem>>) src(%dma_wait3A_136 : memref<10000x128xf32, #tpu.memory_space<hbm>>) dst(%dma_wait3A_130 : memref<128x128xf32, #tpu.memory_space<vmem>>)
        %run_scoped3A_137 = arith.constant 0 : i32
        "tpu.region"() ({
          %run_scoped3A_159 = tpu.sem_alloc : memref<!tpu.dma_semaphore, #tpu.memory_space<semaphore_mem>>
          %dma_start3A_160 = arith.constant 0 : i32
          %dma_start3A_161 = arith.constant 0 : i32
          %dma_start3A_162 = tpu.memref_slice %arg12[%run_scoped3A_137, %dma_start3A_160, %dma_start3A_161] : memref<2x128x128xf32, #tpu.memory_space<vmem>> -> memref<1x128x128xf32, #tpu.memory_space<vmem>>
          %dma_start3A_163 = tpu.memref_squeeze %dma_start3A_162 : memref<1x128x128xf32, #tpu.memory_space<vmem>> -> memref<128x128xf32, #tpu.memory_space<vmem>>
          %dma_start3A_164 = arith.constant 0 : i32
          %dma_start3A_165 = tpu.memref_slice %arg11[%add3A_120, %dma_start3A_164] : memref<40x128xi32, #tpu.memory_space<vmem>> -> memref<1x128xi32, #tpu.memory_space<vmem>>
          %dma_start3A_166 = tpu.memref_squeeze %dma_start3A_165 : memref<1x128xi32, #tpu.memory_space<vmem>> -> memref<128xi32, #tpu.memory_space<vmem>>
          %dma_start3A_167 = arith.constant 0 : i32
          %dma_start3A_168 = arith.constant 0 : i32
          %dma_start3A_169 = tpu.memref_slice %arg8[%dma_start3A_167, %dma_start3A_168] : memref<10240x128xf32, #tpu.memory_space<vmem_shared>> -> memref<10240x128xf32, #tpu.memory_space<vmem_shared>>
          tpu.enqueue_indirect_dma source(%dma_start3A_163 : memref<128x128xf32, #tpu.memory_space<vmem>>) target(%dma_start3A_169 : memref<10240x128xf32, #tpu.memory_space<vmem_shared>>) offsets(%dma_start3A_166 : memref<128xi32, #tpu.memory_space<vmem>>) semaphore(%run_scoped3A_159 : memref<!tpu.dma_semaphore, #tpu.memory_space<semaphore_mem>>) {add = true}
          %dma_wait3A_170 = arith.constant 0 : i32
          %dma_wait3A_171 = arith.constant 0 : i32
          %dma_wait3A_172 = tpu.memref_slice %arg12[%run_scoped3A_137, %dma_wait3A_170, %dma_wait3A_171] : memref<2x128x128xf32, #tpu.memory_space<vmem>> -> memref<1x128x128xf32, #tpu.memory_space<vmem>>
          %dma_wait3A_173 = tpu.memref_squeeze %dma_wait3A_172 : memref<1x128x128xf32, #tpu.memory_space<vmem>> -> memref<128x128xf32, #tpu.memory_space<vmem>>
          %dma_wait3A_174 = arith.constant 0 : i32
          %dma_wait3A_175 = tpu.memref_slice %arg11[%add3A_120, %dma_wait3A_174] : memref<40x128xi32, #tpu.memory_space<vmem>> -> memref<1x128xi32, #tpu.memory_space<vmem>>
          %dma_wait3A_176 = tpu.memref_squeeze %dma_wait3A_175 : memref<1x128xi32, #tpu.memory_space<vmem>> -> memref<128xi32, #tpu.memory_space<vmem>>
          %dma_wait3A_177 = arith.constant 0 : i32
          %dma_wait3A_178 = arith.constant 0 : i32
          %dma_wait3A_179 = tpu.memref_slice %arg8[%dma_wait3A_177, %dma_wait3A_178] : memref<10240x128xf32, #tpu.memory_space<vmem_shared>> -> memref<10240x128xf32, #tpu.memory_space<vmem_shared>>
          tpu.wait_indirect_dma semaphore(%run_scoped3A_159 : memref<!tpu.dma_semaphore, #tpu.memory_space<semaphore_mem>>) src(%dma_wait3A_173 : memref<128x128xf32, #tpu.memory_space<vmem>>) dst(%dma_wait3A_179 : memref<10240x128xf32, #tpu.memory_space<vmem_shared>>)
          tpu.yield
        }) : () -> ()
        "tpu.region"() ({
          %run_scoped3A_159 = tpu.sem_alloc : memref<!tpu.dma_semaphore, #tpu.memory_space<semaphore_mem>>
          %dma_start3A_160 = arith.constant 0 : i32
          %dma_start3A_161 = tpu.memref_slice %arg11[%add3A_120, %dma_start3A_160] : memref<40x128xi32, #tpu.memory_space<vmem>> -> memref<1x128xi32, #tpu.memory_space<vmem>>
          %dma_start3A_162 = tpu.memref_squeeze %dma_start3A_161 : memref<1x128xi32, #tpu.memory_space<vmem>> -> memref<128xi32, #tpu.memory_space<vmem>>
          %dma_start3A_163 = arith.constant 0 : i32
          %dma_start3A_164 = tpu.memref_slice %arg9[%dma_start3A_163] : memref<10240xf32, #tpu.memory_space<vmem_shared>> -> memref<10240xf32, #tpu.memory_space<vmem_shared>>
          tpu.enqueue_indirect_dma source(%arg13 : memref<128xf32, #tpu.memory_space<vmem>>) target(%dma_start3A_164 : memref<10240xf32, #tpu.memory_space<vmem_shared>>) offsets(%dma_start3A_162 : memref<128xi32, #tpu.memory_space<vmem>>) semaphore(%run_scoped3A_159 : memref<!tpu.dma_semaphore, #tpu.memory_space<semaphore_mem>>) {add = true}
          %dma_wait3A_165 = arith.constant 0 : i32
          %dma_wait3A_166 = tpu.memref_slice %arg11[%add3A_120, %dma_wait3A_165] : memref<40x128xi32, #tpu.memory_space<vmem>> -> memref<1x128xi32, #tpu.memory_space<vmem>>
          %dma_wait3A_167 = tpu.memref_squeeze %dma_wait3A_166 : memref<1x128xi32, #tpu.memory_space<vmem>> -> memref<128xi32, #tpu.memory_space<vmem>>
          %dma_wait3A_168 = arith.constant 0 : i32
          %dma_wait3A_169 = tpu.memref_slice %arg9[%dma_wait3A_168] : memref<10240xf32, #tpu.memory_space<vmem_shared>> -> memref<10240xf32, #tpu.memory_space<vmem_shared>>
          tpu.wait_indirect_dma semaphore(%run_scoped3A_159 : memref<!tpu.dma_semaphore, #tpu.memory_space<semaphore_mem>>) src(%arg13 : memref<128xf32, #tpu.memory_space<vmem>>) dst(%dma_wait3A_169 : memref<10240xf32, #tpu.memory_space<vmem_shared>>)
          tpu.yield
        }) : () -> ()
        %add3A_138 = arith.constant 1 : i32
        %add3A_139 = arith.addi %add3A_118, %add3A_138 : i32
        %add3A_140 = arith.constant 1 : i32
        %add3A_141 = arith.addi %add3A_139, %add3A_140 : i32
        %lt3A_142 = arith.constant 40 : i32
        %lt3A_143 = arith.cmpi slt, %add3A_141, %lt3A_142 : i32
        %convert_element_type3A_144 = arith.extui %lt3A_143 : i1 to i32
        %cond3A_145 = arith.constant 0 : i32
        %cond3A_146 = arith.cmpi ne, %convert_element_type3A_144, %cond3A_145 : i32
        scf.if %cond3A_146 {
          %add3A_159 = arith.constant 1 : i32
          %add3A_160 = arith.addi %add3A_139, %add3A_159 : i32
          %dma_start3A_161 = arith.constant 0 : i32
          %dma_start3A_162 = arith.constant 0 : i32
          %dma_start3A_163 = arith.constant 0 : i32
          %dma_start3A_164 = tpu.memref_slice %arg12[%dma_start3A_161, %dma_start3A_162, %dma_start3A_163] : memref<2x128x128xf32, #tpu.memory_space<vmem>> -> memref<1x128x128xf32, #tpu.memory_space<vmem>>
          %dma_start3A_165 = tpu.memref_squeeze %dma_start3A_164 : memref<1x128x128xf32, #tpu.memory_space<vmem>> -> memref<128x128xf32, #tpu.memory_space<vmem>>
          %dma_start3A_166 = arith.constant 0 : i32
          %dma_start3A_167 = tpu.memref_slice %arg10[%add3A_160, %dma_start3A_166] : memref<40x128xi32, #tpu.memory_space<vmem>> -> memref<1x128xi32, #tpu.memory_space<vmem>>
          %dma_start3A_168 = tpu.memref_squeeze %dma_start3A_167 : memref<1x128xi32, #tpu.memory_space<vmem>> -> memref<128xi32, #tpu.memory_space<vmem>>
          %dma_start3A_169 = arith.constant 0 : i32
          %dma_start3A_170 = arith.constant 0 : i32
          %dma_start3A_171 = tpu.memref_slice %arg2[%dma_start3A_169, %dma_start3A_170] : memref<10000x128xf32, #tpu.memory_space<hbm>> -> memref<10000x128xf32, #tpu.memory_space<hbm>>
          tpu.enqueue_indirect_dma source(%dma_start3A_171 : memref<10000x128xf32, #tpu.memory_space<hbm>>) target(%dma_start3A_165 : memref<128x128xf32, #tpu.memory_space<vmem>>) offsets(%dma_start3A_168 : memref<128xi32, #tpu.memory_space<vmem>>) semaphore(%arg15 : memref<!tpu.dma_semaphore, #tpu.memory_space<semaphore_mem>>)
        } else {
        }
        %dma_wait3A_147 = arith.constant 1 : i32
        %dma_wait3A_148 = arith.constant 0 : i32
        %dma_wait3A_149 = arith.constant 0 : i32
        %dma_wait3A_150 = tpu.memref_slice %arg12[%dma_wait3A_147, %dma_wait3A_148, %dma_wait3A_149] : memref<2x128x128xf32, #tpu.memory_space<vmem>> -> memref<1x128x128xf32, #tpu.memory_space<vmem>>
        %dma_wait3A_151 = tpu.memref_squeeze %dma_wait3A_150 : memref<1x128x128xf32, #tpu.memory_space<vmem>> -> memref<128x128xf32, #tpu.memory_space<vmem>>
        %dma_wait3A_152 = arith.constant 0 : i32
        %dma_wait3A_153 = tpu.memref_slice %arg10[%add3A_139, %dma_wait3A_152] : memref<40x128xi32, #tpu.memory_space<vmem>> -> memref<1x128xi32, #tpu.memory_space<vmem>>
        %dma_wait3A_154 = tpu.memref_squeeze %dma_wait3A_153 : memref<1x128xi32, #tpu.memory_space<vmem>> -> memref<128xi32, #tpu.memory_space<vmem>>
        %dma_wait3A_155 = arith.constant 0 : i32
        %dma_wait3A_156 = arith.constant 0 : i32
        %dma_wait3A_157 = tpu.memref_slice %arg2[%dma_wait3A_155, %dma_wait3A_156] : memref<10000x128xf32, #tpu.memory_space<hbm>> -> memref<10000x128xf32, #tpu.memory_space<hbm>>
        tpu.wait_indirect_dma semaphore(%arg16 : memref<!tpu.dma_semaphore, #tpu.memory_space<semaphore_mem>>) src(%dma_wait3A_157 : memref<10000x128xf32, #tpu.memory_space<hbm>>) dst(%dma_wait3A_151 : memref<128x128xf32, #tpu.memory_space<vmem>>)
        %run_scoped3A_158 = arith.constant 1 : i32
        "tpu.region"() ({
          %run_scoped3A_159 = tpu.sem_alloc : memref<!tpu.dma_semaphore, #tpu.memory_space<semaphore_mem>>
          %dma_start3A_160 = arith.constant 0 : i32
          %dma_start3A_161 = arith.constant 0 : i32
          %dma_start3A_162 = tpu.memref_slice %arg12[%run_scoped3A_158, %dma_start3A_160, %dma_start3A_161] : memref<2x128x128xf32, #tpu.memory_space<vmem>> -> memref<1x128x128xf32, #tpu.memory_space<vmem>>
          %dma_start3A_163 = tpu.memref_squeeze %dma_start3A_162 : memref<1x128x128xf32, #tpu.memory_space<vmem>> -> memref<128x128xf32, #tpu.memory_space<vmem>>
          %dma_start3A_164 = arith.constant 0 : i32
          %dma_start3A_165 = tpu.memref_slice %arg11[%add3A_139, %dma_start3A_164] : memref<40x128xi32, #tpu.memory_space<vmem>> -> memref<1x128xi32, #tpu.memory_space<vmem>>
          %dma_start3A_166 = tpu.memref_squeeze %dma_start3A_165 : memref<1x128xi32, #tpu.memory_space<vmem>> -> memref<128xi32, #tpu.memory_space<vmem>>
          %dma_start3A_167 = arith.constant 0 : i32
          %dma_start3A_168 = arith.constant 0 : i32
          %dma_start3A_169 = tpu.memref_slice %arg8[%dma_start3A_167, %dma_start3A_168] : memref<10240x128xf32, #tpu.memory_space<vmem_shared>> -> memref<10240x128xf32, #tpu.memory_space<vmem_shared>>
          tpu.enqueue_indirect_dma source(%dma_start3A_163 : memref<128x128xf32, #tpu.memory_space<vmem>>) target(%dma_start3A_169 : memref<10240x128xf32, #tpu.memory_space<vmem_shared>>) offsets(%dma_start3A_166 : memref<128xi32, #tpu.memory_space<vmem>>) semaphore(%run_scoped3A_159 : memref<!tpu.dma_semaphore, #tpu.memory_space<semaphore_mem>>) {add = true}
          %dma_wait3A_170 = arith.constant 0 : i32
          %dma_wait3A_171 = arith.constant 0 : i32
          %dma_wait3A_172 = tpu.memref_slice %arg12[%run_scoped3A_158, %dma_wait3A_170, %dma_wait3A_171] : memref<2x128x128xf32, #tpu.memory_space<vmem>> -> memref<1x128x128xf32, #tpu.memory_space<vmem>>
          %dma_wait3A_173 = tpu.memref_squeeze %dma_wait3A_172 : memref<1x128x128xf32, #tpu.memory_space<vmem>> -> memref<128x128xf32, #tpu.memory_space<vmem>>
          %dma_wait3A_174 = arith.constant 0 : i32
          %dma_wait3A_175 = tpu.memref_slice %arg11[%add3A_139, %dma_wait3A_174] : memref<40x128xi32, #tpu.memory_space<vmem>> -> memref<1x128xi32, #tpu.memory_space<vmem>>
          %dma_wait3A_176 = tpu.memref_squeeze %dma_wait3A_175 : memref<1x128xi32, #tpu.memory_space<vmem>> -> memref<128xi32, #tpu.memory_space<vmem>>
          %dma_wait3A_177 = arith.constant 0 : i32
          %dma_wait3A_178 = arith.constant 0 : i32
          %dma_wait3A_179 = tpu.memref_slice %arg8[%dma_wait3A_177, %dma_wait3A_178] : memref<10240x128xf32, #tpu.memory_space<vmem_shared>> -> memref<10240x128xf32, #tpu.memory_space<vmem_shared>>
          tpu.wait_indirect_dma semaphore(%run_scoped3A_159 : memref<!tpu.dma_semaphore, #tpu.memory_space<semaphore_mem>>) src(%dma_wait3A_173 : memref<128x128xf32, #tpu.memory_space<vmem>>) dst(%dma_wait3A_179 : memref<10240x128xf32, #tpu.memory_space<vmem_shared>>)
          tpu.yield
        }) : () -> ()
        "tpu.region"() ({
          %run_scoped3A_159 = tpu.sem_alloc : memref<!tpu.dma_semaphore, #tpu.memory_space<semaphore_mem>>
          %dma_start3A_160 = arith.constant 0 : i32
          %dma_start3A_161 = tpu.memref_slice %arg11[%add3A_139, %dma_start3A_160] : memref<40x128xi32, #tpu.memory_space<vmem>> -> memref<1x128xi32, #tpu.memory_space<vmem>>
          %dma_start3A_162 = tpu.memref_squeeze %dma_start3A_161 : memref<1x128xi32, #tpu.memory_space<vmem>> -> memref<128xi32, #tpu.memory_space<vmem>>
          %dma_start3A_163 = arith.constant 0 : i32
          %dma_start3A_164 = tpu.memref_slice %arg9[%dma_start3A_163] : memref<10240xf32, #tpu.memory_space<vmem_shared>> -> memref<10240xf32, #tpu.memory_space<vmem_shared>>
          tpu.enqueue_indirect_dma source(%arg13 : memref<128xf32, #tpu.memory_space<vmem>>) target(%dma_start3A_164 : memref<10240xf32, #tpu.memory_space<vmem_shared>>) offsets(%dma_start3A_162 : memref<128xi32, #tpu.memory_space<vmem>>) semaphore(%run_scoped3A_159 : memref<!tpu.dma_semaphore, #tpu.memory_space<semaphore_mem>>) {add = true}
          %dma_wait3A_165 = arith.constant 0 : i32
          %dma_wait3A_166 = tpu.memref_slice %arg11[%add3A_139, %dma_wait3A_165] : memref<40x128xi32, #tpu.memory_space<vmem>> -> memref<1x128xi32, #tpu.memory_space<vmem>>
          %dma_wait3A_167 = tpu.memref_squeeze %dma_wait3A_166 : memref<1x128xi32, #tpu.memory_space<vmem>> -> memref<128xi32, #tpu.memory_space<vmem>>
          %dma_wait3A_168 = arith.constant 0 : i32
          %dma_wait3A_169 = tpu.memref_slice %arg9[%dma_wait3A_168] : memref<10240xf32, #tpu.memory_space<vmem_shared>> -> memref<10240xf32, #tpu.memory_space<vmem_shared>>
          tpu.wait_indirect_dma semaphore(%run_scoped3A_159 : memref<!tpu.dma_semaphore, #tpu.memory_space<semaphore_mem>>) src(%arg13 : memref<128xf32, #tpu.memory_space<vmem>>) dst(%dma_wait3A_169 : memref<10240xf32, #tpu.memory_space<vmem_shared>>)
          tpu.yield
        }) : () -> ()
      }
      %scan3A_113 = arith.constant 20 : i32
    } else {
    }
    %eq3A_40 = arith.constant 1 : i32
    %eq3A_41 = arith.cmpi eq, %arg0, %eq3A_40 : i32
    %convert_element_type3A_42 = arith.extui %eq3A_41 : i1 to i32
    %cond3A_43 = arith.constant 0 : i32
    %cond3A_44 = arith.cmpi ne, %convert_element_type3A_42, %cond3A_43 : i32
    scf.if %cond3A_44 {
      "tpu.region"() ({
        %run_scoped3A_114 = tpu.sem_alloc : memref<!tpu.dma_semaphore, #tpu.memory_space<semaphore_mem>>
        %dma_start3A_115 = arith.constant 0 : i32
        %dma_start3A_116 = arith.constant 0 : i32
        %dma_start3A_117 = tpu.memref_slice %arg4[%arg1, %dma_start3A_115, %dma_start3A_116] : memref<16x80x128xi32, #tpu.memory_space<hbm>> -> memref<1x40x128xi32, #tpu.memory_space<hbm>>
        %dma_start3A_118 = tpu.memref_squeeze %dma_start3A_117 : memref<1x40x128xi32, #tpu.memory_space<hbm>> -> memref<40x128xi32, #tpu.memory_space<hbm>>
        %dma_start3A_119 = arith.constant 0 : i32
        %dma_start3A_120 = arith.constant 0 : i32
        %dma_start3A_121 = tpu.memref_slice %arg4[%arg1, %dma_start3A_119, %dma_start3A_120] : memref<16x80x128xi32, #tpu.memory_space<hbm>> -> memref<1x40x128xi32, #tpu.memory_space<hbm>>
        %dma_start3A_122 = tpu.memref_squeeze %dma_start3A_121 : memref<1x40x128xi32, #tpu.memory_space<hbm>> -> memref<40x128xi32, #tpu.memory_space<hbm>>
        tpu.enqueue_dma source(%dma_start3A_122 : memref<40x128xi32, #tpu.memory_space<hbm>>) target(%arg10 : memref<40x128xi32, #tpu.memory_space<vmem>>) target_semaphore(%run_scoped3A_114 : memref<!tpu.dma_semaphore, #tpu.memory_space<semaphore_mem>>)
        %dma_wait3A = arith.constant 0 : i32
        %dma_wait3A_123 = arith.constant 0 : i32
        %dma_wait3A_124 = tpu.memref_slice %arg4[%arg1, %dma_wait3A, %dma_wait3A_123] : memref<16x80x128xi32, #tpu.memory_space<hbm>> -> memref<1x40x128xi32, #tpu.memory_space<hbm>>
        %dma_wait3A_125 = tpu.memref_squeeze %dma_wait3A_124 : memref<1x40x128xi32, #tpu.memory_space<hbm>> -> memref<40x128xi32, #tpu.memory_space<hbm>>
        %dma_wait3A_126 = arith.constant 0 : i32
        %dma_wait3A_127 = arith.constant 0 : i32
        %dma_wait3A_128 = tpu.memref_slice %arg4[%arg1, %dma_wait3A_126, %dma_wait3A_127] : memref<16x80x128xi32, #tpu.memory_space<hbm>> -> memref<1x40x128xi32, #tpu.memory_space<hbm>>
        %dma_wait3A_129 = tpu.memref_squeeze %dma_wait3A_128 : memref<1x40x128xi32, #tpu.memory_space<hbm>> -> memref<40x128xi32, #tpu.memory_space<hbm>>
        tpu.wait_dma2 semaphore(%run_scoped3A_114 : memref<!tpu.dma_semaphore, #tpu.memory_space<semaphore_mem>>) src(%dma_wait3A_129 : memref<40x128xi32, #tpu.memory_space<hbm>>) dst(%arg10 : memref<40x128xi32, #tpu.memory_space<vmem>>)
        tpu.yield
      }) : () -> ()
      "tpu.region"() ({
        %run_scoped3A_114 = tpu.sem_alloc : memref<!tpu.dma_semaphore, #tpu.memory_space<semaphore_mem>>
        %dma_start3A_115 = arith.constant 0 : i32
        %dma_start3A_116 = arith.constant 0 : i32
        %dma_start3A_117 = tpu.memref_slice %arg5[%arg1, %dma_start3A_115, %dma_start3A_116] : memref<16x80x128xi32, #tpu.memory_space<hbm>> -> memref<1x40x128xi32, #tpu.memory_space<hbm>>
        %dma_start3A_118 = tpu.memref_squeeze %dma_start3A_117 : memref<1x40x128xi32, #tpu.memory_space<hbm>> -> memref<40x128xi32, #tpu.memory_space<hbm>>
        %dma_start3A_119 = arith.constant 0 : i32
        %dma_start3A_120 = arith.constant 0 : i32
        %dma_start3A_121 = tpu.memref_slice %arg5[%arg1, %dma_start3A_119, %dma_start3A_120] : memref<16x80x128xi32, #tpu.memory_space<hbm>> -> memref<1x40x128xi32, #tpu.memory_space<hbm>>
        %dma_start3A_122 = tpu.memref_squeeze %dma_start3A_121 : memref<1x40x128xi32, #tpu.memory_space<hbm>> -> memref<40x128xi32, #tpu.memory_space<hbm>>
        tpu.enqueue_dma source(%dma_start3A_122 : memref<40x128xi32, #tpu.memory_space<hbm>>) target(%arg11 : memref<40x128xi32, #tpu.memory_space<vmem>>) target_semaphore(%run_scoped3A_114 : memref<!tpu.dma_semaphore, #tpu.memory_space<semaphore_mem>>)
        %dma_wait3A = arith.constant 0 : i32
        %dma_wait3A_123 = arith.constant 0 : i32
        %dma_wait3A_124 = tpu.memref_slice %arg5[%arg1, %dma_wait3A, %dma_wait3A_123] : memref<16x80x128xi32, #tpu.memory_space<hbm>> -> memref<1x40x128xi32, #tpu.memory_space<hbm>>
        %dma_wait3A_125 = tpu.memref_squeeze %dma_wait3A_124 : memref<1x40x128xi32, #tpu.memory_space<hbm>> -> memref<40x128xi32, #tpu.memory_space<hbm>>
        %dma_wait3A_126 = arith.constant 0 : i32
        %dma_wait3A_127 = arith.constant 0 : i32
        %dma_wait3A_128 = tpu.memref_slice %arg5[%arg1, %dma_wait3A_126, %dma_wait3A_127] : memref<16x80x128xi32, #tpu.memory_space<hbm>> -> memref<1x40x128xi32, #tpu.memory_space<hbm>>
        %dma_wait3A_129 = tpu.memref_squeeze %dma_wait3A_128 : memref<1x40x128xi32, #tpu.memory_space<hbm>> -> memref<40x128xi32, #tpu.memory_space<hbm>>
        tpu.wait_dma2 semaphore(%run_scoped3A_114 : memref<!tpu.dma_semaphore, #tpu.memory_space<semaphore_mem>>) src(%dma_wait3A_129 : memref<40x128xi32, #tpu.memory_space<hbm>>) dst(%arg11 : memref<40x128xi32, #tpu.memory_space<vmem>>)
        tpu.yield
      }) : () -> ()
      %dma_start3A = arith.constant 0 : i32
      %dma_start3A_81 = arith.constant 0 : i32
      %dma_start3A_82 = arith.constant 0 : i32
      %dma_start3A_83 = arith.constant 0 : i32
      %dma_start3A_84 = tpu.memref_slice %arg12[%dma_start3A_81, %dma_start3A_82, %dma_start3A_83] : memref<2x128x128xf32, #tpu.memory_space<vmem>> -> memref<1x128x128xf32, #tpu.memory_space<vmem>>
      %dma_start3A_85 = tpu.memref_squeeze %dma_start3A_84 : memref<1x128x128xf32, #tpu.memory_space<vmem>> -> memref<128x128xf32, #tpu.memory_space<vmem>>
      %dma_start3A_86 = arith.constant 0 : i32
      %dma_start3A_87 = tpu.memref_slice %arg10[%dma_start3A, %dma_start3A_86] : memref<40x128xi32, #tpu.memory_space<vmem>> -> memref<1x128xi32, #tpu.memory_space<vmem>>
      %dma_start3A_88 = tpu.memref_squeeze %dma_start3A_87 : memref<1x128xi32, #tpu.memory_space<vmem>> -> memref<128xi32, #tpu.memory_space<vmem>>
      %dma_start3A_89 = arith.constant 0 : i32
      %dma_start3A_90 = arith.constant 0 : i32
      %dma_start3A_91 = tpu.memref_slice %arg3[%dma_start3A_89, %dma_start3A_90] : memref<10000x128xf32, #tpu.memory_space<hbm>> -> memref<10000x128xf32, #tpu.memory_space<hbm>>
      tpu.enqueue_indirect_dma source(%dma_start3A_91 : memref<10000x128xf32, #tpu.memory_space<hbm>>) target(%dma_start3A_85 : memref<128x128xf32, #tpu.memory_space<vmem>>) offsets(%dma_start3A_88 : memref<128xi32, #tpu.memory_space<vmem>>) semaphore(%arg15 : memref<!tpu.dma_semaphore, #tpu.memory_space<semaphore_mem>>)
      %scan3A_92 = arith.constant 0 : i32
      %scan3A_93 = arith.constant 20 : i32
      %scan3A_94 = arith.addi %scan3A_92, %scan3A_93 : i32
      %scan3A_95 = arith.constant 1 : i32
      scf.for %scan3A_114 = %scan3A_92 to %scan3A_94 step %scan3A_95  : i32 {
        %mul3A_115 = arith.constant 2 : i32
        %mul3A_116 = arith.muli %scan3A_114, %mul3A_115 : i32
        %add3A_117 = arith.constant 0 : i32
        %add3A_118 = arith.addi %add3A_117, %mul3A_116 : i32
        %add3A_119 = arith.constant 0 : i32
        %add3A_120 = arith.addi %add3A_118, %add3A_119 : i32
        %add3A_121 = arith.constant 1 : i32
        %add3A_122 = arith.addi %add3A_120, %add3A_121 : i32
        %lt3A = arith.constant 40 : i32
        %lt3A_123 = arith.cmpi slt, %add3A_122, %lt3A : i32
        %convert_element_type3A_124 = arith.extui %lt3A_123 : i1 to i32
        %cond3A_125 = arith.constant 0 : i32
        %cond3A_126 = arith.cmpi ne, %convert_element_type3A_124, %cond3A_125 : i32
        scf.if %cond3A_126 {
          %add3A_159 = arith.constant 1 : i32
          %add3A_160 = arith.addi %add3A_120, %add3A_159 : i32
          %dma_start3A_161 = arith.constant 1 : i32
          %dma_start3A_162 = arith.constant 0 : i32
          %dma_start3A_163 = arith.constant 0 : i32
          %dma_start3A_164 = tpu.memref_slice %arg12[%dma_start3A_161, %dma_start3A_162, %dma_start3A_163] : memref<2x128x128xf32, #tpu.memory_space<vmem>> -> memref<1x128x128xf32, #tpu.memory_space<vmem>>
          %dma_start3A_165 = tpu.memref_squeeze %dma_start3A_164 : memref<1x128x128xf32, #tpu.memory_space<vmem>> -> memref<128x128xf32, #tpu.memory_space<vmem>>
          %dma_start3A_166 = arith.constant 0 : i32
          %dma_start3A_167 = tpu.memref_slice %arg10[%add3A_160, %dma_start3A_166] : memref<40x128xi32, #tpu.memory_space<vmem>> -> memref<1x128xi32, #tpu.memory_space<vmem>>
          %dma_start3A_168 = tpu.memref_squeeze %dma_start3A_167 : memref<1x128xi32, #tpu.memory_space<vmem>> -> memref<128xi32, #tpu.memory_space<vmem>>
          %dma_start3A_169 = arith.constant 0 : i32
          %dma_start3A_170 = arith.constant 0 : i32
          %dma_start3A_171 = tpu.memref_slice %arg3[%dma_start3A_169, %dma_start3A_170] : memref<10000x128xf32, #tpu.memory_space<hbm>> -> memref<10000x128xf32, #tpu.memory_space<hbm>>
          tpu.enqueue_indirect_dma source(%dma_start3A_171 : memref<10000x128xf32, #tpu.memory_space<hbm>>) target(%dma_start3A_165 : memref<128x128xf32, #tpu.memory_space<vmem>>) offsets(%dma_start3A_168 : memref<128xi32, #tpu.memory_space<vmem>>) semaphore(%arg16 : memref<!tpu.dma_semaphore, #tpu.memory_space<semaphore_mem>>)
        } else {
        }
        %dma_wait3A = arith.constant 0 : i32
        %dma_wait3A_127 = arith.constant 0 : i32
        %dma_wait3A_128 = arith.constant 0 : i32
        %dma_wait3A_129 = tpu.memref_slice %arg12[%dma_wait3A, %dma_wait3A_127, %dma_wait3A_128] : memref<2x128x128xf32, #tpu.memory_space<vmem>> -> memref<1x128x128xf32, #tpu.memory_space<vmem>>
        %dma_wait3A_130 = tpu.memref_squeeze %dma_wait3A_129 : memref<1x128x128xf32, #tpu.memory_space<vmem>> -> memref<128x128xf32, #tpu.memory_space<vmem>>
        %dma_wait3A_131 = arith.constant 0 : i32
        %dma_wait3A_132 = tpu.memref_slice %arg10[%add3A_120, %dma_wait3A_131] : memref<40x128xi32, #tpu.memory_space<vmem>> -> memref<1x128xi32, #tpu.memory_space<vmem>>
        %dma_wait3A_133 = tpu.memref_squeeze %dma_wait3A_132 : memref<1x128xi32, #tpu.memory_space<vmem>> -> memref<128xi32, #tpu.memory_space<vmem>>
        %dma_wait3A_134 = arith.constant 0 : i32
        %dma_wait3A_135 = arith.constant 0 : i32
        %dma_wait3A_136 = tpu.memref_slice %arg3[%dma_wait3A_134, %dma_wait3A_135] : memref<10000x128xf32, #tpu.memory_space<hbm>> -> memref<10000x128xf32, #tpu.memory_space<hbm>>
        tpu.wait_indirect_dma semaphore(%arg15 : memref<!tpu.dma_semaphore, #tpu.memory_space<semaphore_mem>>) src(%dma_wait3A_136 : memref<10000x128xf32, #tpu.memory_space<hbm>>) dst(%dma_wait3A_130 : memref<128x128xf32, #tpu.memory_space<vmem>>)
        %run_scoped3A_137 = arith.constant 0 : i32
        "tpu.region"() ({
          %run_scoped3A_159 = tpu.sem_alloc : memref<!tpu.dma_semaphore, #tpu.memory_space<semaphore_mem>>
          %dma_start3A_160 = arith.constant 0 : i32
          %dma_start3A_161 = arith.constant 0 : i32
          %dma_start3A_162 = tpu.memref_slice %arg12[%run_scoped3A_137, %dma_start3A_160, %dma_start3A_161] : memref<2x128x128xf32, #tpu.memory_space<vmem>> -> memref<1x128x128xf32, #tpu.memory_space<vmem>>
          %dma_start3A_163 = tpu.memref_squeeze %dma_start3A_162 : memref<1x128x128xf32, #tpu.memory_space<vmem>> -> memref<128x128xf32, #tpu.memory_space<vmem>>
          %dma_start3A_164 = arith.constant 0 : i32
          %dma_start3A_165 = tpu.memref_slice %arg11[%add3A_120, %dma_start3A_164] : memref<40x128xi32, #tpu.memory_space<vmem>> -> memref<1x128xi32, #tpu.memory_space<vmem>>
          %dma_start3A_166 = tpu.memref_squeeze %dma_start3A_165 : memref<1x128xi32, #tpu.memory_space<vmem>> -> memref<128xi32, #tpu.memory_space<vmem>>
          %dma_start3A_167 = arith.constant 0 : i32
          %dma_start3A_168 = arith.constant 0 : i32
          %dma_start3A_169 = tpu.memref_slice %arg8[%dma_start3A_167, %dma_start3A_168] : memref<10240x128xf32, #tpu.memory_space<vmem_shared>> -> memref<10240x128xf32, #tpu.memory_space<vmem_shared>>
          tpu.enqueue_indirect_dma source(%dma_start3A_163 : memref<128x128xf32, #tpu.memory_space<vmem>>) target(%dma_start3A_169 : memref<10240x128xf32, #tpu.memory_space<vmem_shared>>) offsets(%dma_start3A_166 : memref<128xi32, #tpu.memory_space<vmem>>) semaphore(%run_scoped3A_159 : memref<!tpu.dma_semaphore, #tpu.memory_space<semaphore_mem>>) {add = true}
          %dma_wait3A_170 = arith.constant 0 : i32
          %dma_wait3A_171 = arith.constant 0 : i32
          %dma_wait3A_172 = tpu.memref_slice %arg12[%run_scoped3A_137, %dma_wait3A_170, %dma_wait3A_171] : memref<2x128x128xf32, #tpu.memory_space<vmem>> -> memref<1x128x128xf32, #tpu.memory_space<vmem>>
          %dma_wait3A_173 = tpu.memref_squeeze %dma_wait3A_172 : memref<1x128x128xf32, #tpu.memory_space<vmem>> -> memref<128x128xf32, #tpu.memory_space<vmem>>
          %dma_wait3A_174 = arith.constant 0 : i32
          %dma_wait3A_175 = tpu.memref_slice %arg11[%add3A_120, %dma_wait3A_174] : memref<40x128xi32, #tpu.memory_space<vmem>> -> memref<1x128xi32, #tpu.memory_space<vmem>>
          %dma_wait3A_176 = tpu.memref_squeeze %dma_wait3A_175 : memref<1x128xi32, #tpu.memory_space<vmem>> -> memref<128xi32, #tpu.memory_space<vmem>>
          %dma_wait3A_177 = arith.constant 0 : i32
          %dma_wait3A_178 = arith.constant 0 : i32
          %dma_wait3A_179 = tpu.memref_slice %arg8[%dma_wait3A_177, %dma_wait3A_178] : memref<10240x128xf32, #tpu.memory_space<vmem_shared>> -> memref<10240x128xf32, #tpu.memory_space<vmem_shared>>
          tpu.wait_indirect_dma semaphore(%run_scoped3A_159 : memref<!tpu.dma_semaphore, #tpu.memory_space<semaphore_mem>>) src(%dma_wait3A_173 : memref<128x128xf32, #tpu.memory_space<vmem>>) dst(%dma_wait3A_179 : memref<10240x128xf32, #tpu.memory_space<vmem_shared>>)
          tpu.yield
        }) : () -> ()
        %add3A_138 = arith.constant 1 : i32
        %add3A_139 = arith.addi %add3A_118, %add3A_138 : i32
        %add3A_140 = arith.constant 1 : i32
        %add3A_141 = arith.addi %add3A_139, %add3A_140 : i32
        %lt3A_142 = arith.constant 40 : i32
        %lt3A_143 = arith.cmpi slt, %add3A_141, %lt3A_142 : i32
        %convert_element_type3A_144 = arith.extui %lt3A_143 : i1 to i32
        %cond3A_145 = arith.constant 0 : i32
        %cond3A_146 = arith.cmpi ne, %convert_element_type3A_144, %cond3A_145 : i32
        scf.if %cond3A_146 {
          %add3A_159 = arith.constant 1 : i32
          %add3A_160 = arith.addi %add3A_139, %add3A_159 : i32
          %dma_start3A_161 = arith.constant 0 : i32
          %dma_start3A_162 = arith.constant 0 : i32
          %dma_start3A_163 = arith.constant 0 : i32
          %dma_start3A_164 = tpu.memref_slice %arg12[%dma_start3A_161, %dma_start3A_162, %dma_start3A_163] : memref<2x128x128xf32, #tpu.memory_space<vmem>> -> memref<1x128x128xf32, #tpu.memory_space<vmem>>
          %dma_start3A_165 = tpu.memref_squeeze %dma_start3A_164 : memref<1x128x128xf32, #tpu.memory_space<vmem>> -> memref<128x128xf32, #tpu.memory_space<vmem>>
          %dma_start3A_166 = arith.constant 0 : i32
          %dma_start3A_167 = tpu.memref_slice %arg10[%add3A_160, %dma_start3A_166] : memref<40x128xi32, #tpu.memory_space<vmem>> -> memref<1x128xi32, #tpu.memory_space<vmem>>
          %dma_start3A_168 = tpu.memref_squeeze %dma_start3A_167 : memref<1x128xi32, #tpu.memory_space<vmem>> -> memref<128xi32, #tpu.memory_space<vmem>>
          %dma_start3A_169 = arith.constant 0 : i32
          %dma_start3A_170 = arith.constant 0 : i32
          %dma_start3A_171 = tpu.memref_slice %arg3[%dma_start3A_169, %dma_start3A_170] : memref<10000x128xf32, #tpu.memory_space<hbm>> -> memref<10000x128xf32, #tpu.memory_space<hbm>>
          tpu.enqueue_indirect_dma source(%dma_start3A_171 : memref<10000x128xf32, #tpu.memory_space<hbm>>) target(%dma_start3A_165 : memref<128x128xf32, #tpu.memory_space<vmem>>) offsets(%dma_start3A_168 : memref<128xi32, #tpu.memory_space<vmem>>) semaphore(%arg15 : memref<!tpu.dma_semaphore, #tpu.memory_space<semaphore_mem>>)
        } else {
        }
        %dma_wait3A_147 = arith.constant 1 : i32
        %dma_wait3A_148 = arith.constant 0 : i32
        %dma_wait3A_149 = arith.constant 0 : i32
        %dma_wait3A_150 = tpu.memref_slice %arg12[%dma_wait3A_147, %dma_wait3A_148, %dma_wait3A_149] : memref<2x128x128xf32, #tpu.memory_space<vmem>> -> memref<1x128x128xf32, #tpu.memory_space<vmem>>
        %dma_wait3A_151 = tpu.memref_squeeze %dma_wait3A_150 : memref<1x128x128xf32, #tpu.memory_space<vmem>> -> memref<128x128xf32, #tpu.memory_space<vmem>>
        %dma_wait3A_152 = arith.constant 0 : i32
        %dma_wait3A_153 = tpu.memref_slice %arg10[%add3A_139, %dma_wait3A_152] : memref<40x128xi32, #tpu.memory_space<vmem>> -> memref<1x128xi32, #tpu.memory_space<vmem>>
        %dma_wait3A_154 = tpu.memref_squeeze %dma_wait3A_153 : memref<1x128xi32, #tpu.memory_space<vmem>> -> memref<128xi32, #tpu.memory_space<vmem>>
        %dma_wait3A_155 = arith.constant 0 : i32
        %dma_wait3A_156 = arith.constant 0 : i32
        %dma_wait3A_157 = tpu.memref_slice %arg3[%dma_wait3A_155, %dma_wait3A_156] : memref<10000x128xf32, #tpu.memory_space<hbm>> -> memref<10000x128xf32, #tpu.memory_space<hbm>>
        tpu.wait_indirect_dma semaphore(%arg16 : memref<!tpu.dma_semaphore, #tpu.memory_space<semaphore_mem>>) src(%dma_wait3A_157 : memref<10000x128xf32, #tpu.memory_space<hbm>>) dst(%dma_wait3A_151 : memref<128x128xf32, #tpu.memory_space<vmem>>)
        %run_scoped3A_158 = arith.constant 1 : i32
        "tpu.region"() ({
          %run_scoped3A_159 = tpu.sem_alloc : memref<!tpu.dma_semaphore, #tpu.memory_space<semaphore_mem>>
          %dma_start3A_160 = arith.constant 0 : i32
          %dma_start3A_161 = arith.constant 0 : i32
          %dma_start3A_162 = tpu.memref_slice %arg12[%run_scoped3A_158, %dma_start3A_160, %dma_start3A_161] : memref<2x128x128xf32, #tpu.memory_space<vmem>> -> memref<1x128x128xf32, #tpu.memory_space<vmem>>
          %dma_start3A_163 = tpu.memref_squeeze %dma_start3A_162 : memref<1x128x128xf32, #tpu.memory_space<vmem>> -> memref<128x128xf32, #tpu.memory_space<vmem>>
          %dma_start3A_164 = arith.constant 0 : i32
          %dma_start3A_165 = tpu.memref_slice %arg11[%add3A_139, %dma_start3A_164] : memref<40x128xi32, #tpu.memory_space<vmem>> -> memref<1x128xi32, #tpu.memory_space<vmem>>
          %dma_start3A_166 = tpu.memref_squeeze %dma_start3A_165 : memref<1x128xi32, #tpu.memory_space<vmem>> -> memref<128xi32, #tpu.memory_space<vmem>>
          %dma_start3A_167 = arith.constant 0 : i32
          %dma_start3A_168 = arith.constant 0 : i32
          %dma_start3A_169 = tpu.memref_slice %arg8[%dma_start3A_167, %dma_start3A_168] : memref<10240x128xf32, #tpu.memory_space<vmem_shared>> -> memref<10240x128xf32, #tpu.memory_space<vmem_shared>>
          tpu.enqueue_indirect_dma source(%dma_start3A_163 : memref<128x128xf32, #tpu.memory_space<vmem>>) target(%dma_start3A_169 : memref<10240x128xf32, #tpu.memory_space<vmem_shared>>) offsets(%dma_start3A_166 : memref<128xi32, #tpu.memory_space<vmem>>) semaphore(%run_scoped3A_159 : memref<!tpu.dma_semaphore, #tpu.memory_space<semaphore_mem>>) {add = true}
          %dma_wait3A_170 = arith.constant 0 : i32
          %dma_wait3A_171 = arith.constant 0 : i32
          %dma_wait3A_172 = tpu.memref_slice %arg12[%run_scoped3A_158, %dma_wait3A_170, %dma_wait3A_171] : memref<2x128x128xf32, #tpu.memory_space<vmem>> -> memref<1x128x128xf32, #tpu.memory_space<vmem>>
          %dma_wait3A_173 = tpu.memref_squeeze %dma_wait3A_172 : memref<1x128x128xf32, #tpu.memory_space<vmem>> -> memref<128x128xf32, #tpu.memory_space<vmem>>
          %dma_wait3A_174 = arith.constant 0 : i32
          %dma_wait3A_175 = tpu.memref_slice %arg11[%add3A_139, %dma_wait3A_174] : memref<40x128xi32, #tpu.memory_space<vmem>> -> memref<1x128xi32, #tpu.memory_space<vmem>>
          %dma_wait3A_176 = tpu.memref_squeeze %dma_wait3A_175 : memref<1x128xi32, #tpu.memory_space<vmem>> -> memref<128xi32, #tpu.memory_space<vmem>>
          %dma_wait3A_177 = arith.constant 0 : i32
          %dma_wait3A_178 = arith.constant 0 : i32
          %dma_wait3A_179 = tpu.memref_slice %arg8[%dma_wait3A_177, %dma_wait3A_178] : memref<10240x128xf32, #tpu.memory_space<vmem_shared>> -> memref<10240x128xf32, #tpu.memory_space<vmem_shared>>
          tpu.wait_indirect_dma semaphore(%run_scoped3A_159 : memref<!tpu.dma_semaphore, #tpu.memory_space<semaphore_mem>>) src(%dma_wait3A_173 : memref<128x128xf32, #tpu.memory_space<vmem>>) dst(%dma_wait3A_179 : memref<10240x128xf32, #tpu.memory_space<vmem_shared>>)
          tpu.yield
        }) : () -> ()
      }
      %scan3A_96 = arith.constant 20 : i32
      "tpu.region"() ({
        %run_scoped3A_114 = tpu.sem_alloc : memref<!tpu.dma_semaphore, #tpu.memory_space<semaphore_mem>>
        %dma_start3A_115 = arith.constant 40 : i32
        %dma_start3A_116 = arith.constant 0 : i32
        %dma_start3A_117 = tpu.memref_slice %arg4[%arg1, %dma_start3A_115, %dma_start3A_116] : memref<16x80x128xi32, #tpu.memory_space<hbm>> -> memref<1x40x128xi32, #tpu.memory_space<hbm>>
        %dma_start3A_118 = tpu.memref_squeeze %dma_start3A_117 : memref<1x40x128xi32, #tpu.memory_space<hbm>> -> memref<40x128xi32, #tpu.memory_space<hbm>>
        %dma_start3A_119 = arith.constant 40 : i32
        %dma_start3A_120 = arith.constant 0 : i32
        %dma_start3A_121 = tpu.memref_slice %arg4[%arg1, %dma_start3A_119, %dma_start3A_120] : memref<16x80x128xi32, #tpu.memory_space<hbm>> -> memref<1x40x128xi32, #tpu.memory_space<hbm>>
        %dma_start3A_122 = tpu.memref_squeeze %dma_start3A_121 : memref<1x40x128xi32, #tpu.memory_space<hbm>> -> memref<40x128xi32, #tpu.memory_space<hbm>>
        tpu.enqueue_dma source(%dma_start3A_122 : memref<40x128xi32, #tpu.memory_space<hbm>>) target(%arg10 : memref<40x128xi32, #tpu.memory_space<vmem>>) target_semaphore(%run_scoped3A_114 : memref<!tpu.dma_semaphore, #tpu.memory_space<semaphore_mem>>)
        %dma_wait3A = arith.constant 40 : i32
        %dma_wait3A_123 = arith.constant 0 : i32
        %dma_wait3A_124 = tpu.memref_slice %arg4[%arg1, %dma_wait3A, %dma_wait3A_123] : memref<16x80x128xi32, #tpu.memory_space<hbm>> -> memref<1x40x128xi32, #tpu.memory_space<hbm>>
        %dma_wait3A_125 = tpu.memref_squeeze %dma_wait3A_124 : memref<1x40x128xi32, #tpu.memory_space<hbm>> -> memref<40x128xi32, #tpu.memory_space<hbm>>
        %dma_wait3A_126 = arith.constant 40 : i32
        %dma_wait3A_127 = arith.constant 0 : i32
        %dma_wait3A_128 = tpu.memref_slice %arg4[%arg1, %dma_wait3A_126, %dma_wait3A_127] : memref<16x80x128xi32, #tpu.memory_space<hbm>> -> memref<1x40x128xi32, #tpu.memory_space<hbm>>
        %dma_wait3A_129 = tpu.memref_squeeze %dma_wait3A_128 : memref<1x40x128xi32, #tpu.memory_space<hbm>> -> memref<40x128xi32, #tpu.memory_space<hbm>>
        tpu.wait_dma2 semaphore(%run_scoped3A_114 : memref<!tpu.dma_semaphore, #tpu.memory_space<semaphore_mem>>) src(%dma_wait3A_129 : memref<40x128xi32, #tpu.memory_space<hbm>>) dst(%arg10 : memref<40x128xi32, #tpu.memory_space<vmem>>)
        tpu.yield
      }) : () -> ()
      "tpu.region"() ({
        %run_scoped3A_114 = tpu.sem_alloc : memref<!tpu.dma_semaphore, #tpu.memory_space<semaphore_mem>>
        %dma_start3A_115 = arith.constant 40 : i32
        %dma_start3A_116 = arith.constant 0 : i32
        %dma_start3A_117 = tpu.memref_slice %arg5[%arg1, %dma_start3A_115, %dma_start3A_116] : memref<16x80x128xi32, #tpu.memory_space<hbm>> -> memref<1x40x128xi32, #tpu.memory_space<hbm>>
        %dma_start3A_118 = tpu.memref_squeeze %dma_start3A_117 : memref<1x40x128xi32, #tpu.memory_space<hbm>> -> memref<40x128xi32, #tpu.memory_space<hbm>>
        %dma_start3A_119 = arith.constant 40 : i32
        %dma_start3A_120 = arith.constant 0 : i32
        %dma_start3A_121 = tpu.memref_slice %arg5[%arg1, %dma_start3A_119, %dma_start3A_120] : memref<16x80x128xi32, #tpu.memory_space<hbm>> -> memref<1x40x128xi32, #tpu.memory_space<hbm>>
        %dma_start3A_122 = tpu.memref_squeeze %dma_start3A_121 : memref<1x40x128xi32, #tpu.memory_space<hbm>> -> memref<40x128xi32, #tpu.memory_space<hbm>>
        tpu.enqueue_dma source(%dma_start3A_122 : memref<40x128xi32, #tpu.memory_space<hbm>>) target(%arg11 : memref<40x128xi32, #tpu.memory_space<vmem>>) target_semaphore(%run_scoped3A_114 : memref<!tpu.dma_semaphore, #tpu.memory_space<semaphore_mem>>)
        %dma_wait3A = arith.constant 40 : i32
        %dma_wait3A_123 = arith.constant 0 : i32
        %dma_wait3A_124 = tpu.memref_slice %arg5[%arg1, %dma_wait3A, %dma_wait3A_123] : memref<16x80x128xi32, #tpu.memory_space<hbm>> -> memref<1x40x128xi32, #tpu.memory_space<hbm>>
        %dma_wait3A_125 = tpu.memref_squeeze %dma_wait3A_124 : memref<1x40x128xi32, #tpu.memory_space<hbm>> -> memref<40x128xi32, #tpu.memory_space<hbm>>
        %dma_wait3A_126 = arith.constant 40 : i32
        %dma_wait3A_127 = arith.constant 0 : i32
        %dma_wait3A_128 = tpu.memref_slice %arg5[%arg1, %dma_wait3A_126, %dma_wait3A_127] : memref<16x80x128xi32, #tpu.memory_space<hbm>> -> memref<1x40x128xi32, #tpu.memory_space<hbm>>
        %dma_wait3A_129 = tpu.memref_squeeze %dma_wait3A_128 : memref<1x40x128xi32, #tpu.memory_space<hbm>> -> memref<40x128xi32, #tpu.memory_space<hbm>>
        tpu.wait_dma2 semaphore(%run_scoped3A_114 : memref<!tpu.dma_semaphore, #tpu.memory_space<semaphore_mem>>) src(%dma_wait3A_129 : memref<40x128xi32, #tpu.memory_space<hbm>>) dst(%arg11 : memref<40x128xi32, #tpu.memory_space<vmem>>)
        tpu.yield
      }) : () -> ()
      %dma_start3A_97 = arith.constant 0 : i32
      %dma_start3A_98 = arith.constant 0 : i32
      %dma_start3A_99 = arith.constant 0 : i32
      %dma_start3A_100 = arith.constant 0 : i32
      %dma_start3A_101 = tpu.memref_slice %arg12[%dma_start3A_98, %dma_start3A_99, %dma_start3A_100] : memref<2x128x128xf32, #tpu.memory_space<vmem>> -> memref<1x128x128xf32, #tpu.memory_space<vmem>>
      %dma_start3A_102 = tpu.memref_squeeze %dma_start3A_101 : memref<1x128x128xf32, #tpu.memory_space<vmem>> -> memref<128x128xf32, #tpu.memory_space<vmem>>
      %dma_start3A_103 = arith.constant 0 : i32
      %dma_start3A_104 = tpu.memref_slice %arg10[%dma_start3A_97, %dma_start3A_103] : memref<40x128xi32, #tpu.memory_space<vmem>> -> memref<1x128xi32, #tpu.memory_space<vmem>>
      %dma_start3A_105 = tpu.memref_squeeze %dma_start3A_104 : memref<1x128xi32, #tpu.memory_space<vmem>> -> memref<128xi32, #tpu.memory_space<vmem>>
      %dma_start3A_106 = arith.constant 0 : i32
      %dma_start3A_107 = arith.constant 0 : i32
      %dma_start3A_108 = tpu.memref_slice %arg3[%dma_start3A_106, %dma_start3A_107] : memref<10000x128xf32, #tpu.memory_space<hbm>> -> memref<10000x128xf32, #tpu.memory_space<hbm>>
      tpu.enqueue_indirect_dma source(%dma_start3A_108 : memref<10000x128xf32, #tpu.memory_space<hbm>>) target(%dma_start3A_102 : memref<128x128xf32, #tpu.memory_space<vmem>>) offsets(%dma_start3A_105 : memref<128xi32, #tpu.memory_space<vmem>>) semaphore(%arg15 : memref<!tpu.dma_semaphore, #tpu.memory_space<semaphore_mem>>)
      %scan3A_109 = arith.constant 0 : i32
      %scan3A_110 = arith.constant 20 : i32
      %scan3A_111 = arith.addi %scan3A_109, %scan3A_110 : i32
      %scan3A_112 = arith.constant 1 : i32
      scf.for %scan3A_114 = %scan3A_109 to %scan3A_111 step %scan3A_112  : i32 {
        %mul3A_115 = arith.constant 2 : i32
        %mul3A_116 = arith.muli %scan3A_114, %mul3A_115 : i32
        %add3A_117 = arith.constant 0 : i32
        %add3A_118 = arith.addi %add3A_117, %mul3A_116 : i32
        %add3A_119 = arith.constant 0 : i32
        %add3A_120 = arith.addi %add3A_118, %add3A_119 : i32
        %add3A_121 = arith.constant 1 : i32
        %add3A_122 = arith.addi %add3A_120, %add3A_121 : i32
        %lt3A = arith.constant 40 : i32
        %lt3A_123 = arith.cmpi slt, %add3A_122, %lt3A : i32
        %convert_element_type3A_124 = arith.extui %lt3A_123 : i1 to i32
        %cond3A_125 = arith.constant 0 : i32
        %cond3A_126 = arith.cmpi ne, %convert_element_type3A_124, %cond3A_125 : i32
        scf.if %cond3A_126 {
          %add3A_159 = arith.constant 1 : i32
          %add3A_160 = arith.addi %add3A_120, %add3A_159 : i32
          %dma_start3A_161 = arith.constant 1 : i32
          %dma_start3A_162 = arith.constant 0 : i32
          %dma_start3A_163 = arith.constant 0 : i32
          %dma_start3A_164 = tpu.memref_slice %arg12[%dma_start3A_161, %dma_start3A_162, %dma_start3A_163] : memref<2x128x128xf32, #tpu.memory_space<vmem>> -> memref<1x128x128xf32, #tpu.memory_space<vmem>>
          %dma_start3A_165 = tpu.memref_squeeze %dma_start3A_164 : memref<1x128x128xf32, #tpu.memory_space<vmem>> -> memref<128x128xf32, #tpu.memory_space<vmem>>
          %dma_start3A_166 = arith.constant 0 : i32
          %dma_start3A_167 = tpu.memref_slice %arg10[%add3A_160, %dma_start3A_166] : memref<40x128xi32, #tpu.memory_space<vmem>> -> memref<1x128xi32, #tpu.memory_space<vmem>>
          %dma_start3A_168 = tpu.memref_squeeze %dma_start3A_167 : memref<1x128xi32, #tpu.memory_space<vmem>> -> memref<128xi32, #tpu.memory_space<vmem>>
          %dma_start3A_169 = arith.constant 0 : i32
          %dma_start3A_170 = arith.constant 0 : i32
          %dma_start3A_171 = tpu.memref_slice %arg3[%dma_start3A_169, %dma_start3A_170] : memref<10000x128xf32, #tpu.memory_space<hbm>> -> memref<10000x128xf32, #tpu.memory_space<hbm>>
          tpu.enqueue_indirect_dma source(%dma_start3A_171 : memref<10000x128xf32, #tpu.memory_space<hbm>>) target(%dma_start3A_165 : memref<128x128xf32, #tpu.memory_space<vmem>>) offsets(%dma_start3A_168 : memref<128xi32, #tpu.memory_space<vmem>>) semaphore(%arg16 : memref<!tpu.dma_semaphore, #tpu.memory_space<semaphore_mem>>)
        } else {
        }
        %dma_wait3A = arith.constant 0 : i32
        %dma_wait3A_127 = arith.constant 0 : i32
        %dma_wait3A_128 = arith.constant 0 : i32
        %dma_wait3A_129 = tpu.memref_slice %arg12[%dma_wait3A, %dma_wait3A_127, %dma_wait3A_128] : memref<2x128x128xf32, #tpu.memory_space<vmem>> -> memref<1x128x128xf32, #tpu.memory_space<vmem>>
        %dma_wait3A_130 = tpu.memref_squeeze %dma_wait3A_129 : memref<1x128x128xf32, #tpu.memory_space<vmem>> -> memref<128x128xf32, #tpu.memory_space<vmem>>
        %dma_wait3A_131 = arith.constant 0 : i32
        %dma_wait3A_132 = tpu.memref_slice %arg10[%add3A_120, %dma_wait3A_131] : memref<40x128xi32, #tpu.memory_space<vmem>> -> memref<1x128xi32, #tpu.memory_space<vmem>>
        %dma_wait3A_133 = tpu.memref_squeeze %dma_wait3A_132 : memref<1x128xi32, #tpu.memory_space<vmem>> -> memref<128xi32, #tpu.memory_space<vmem>>
        %dma_wait3A_134 = arith.constant 0 : i32
        %dma_wait3A_135 = arith.constant 0 : i32
        %dma_wait3A_136 = tpu.memref_slice %arg3[%dma_wait3A_134, %dma_wait3A_135] : memref<10000x128xf32, #tpu.memory_space<hbm>> -> memref<10000x128xf32, #tpu.memory_space<hbm>>
        tpu.wait_indirect_dma semaphore(%arg15 : memref<!tpu.dma_semaphore, #tpu.memory_space<semaphore_mem>>) src(%dma_wait3A_136 : memref<10000x128xf32, #tpu.memory_space<hbm>>) dst(%dma_wait3A_130 : memref<128x128xf32, #tpu.memory_space<vmem>>)
        %run_scoped3A_137 = arith.constant 0 : i32
        "tpu.region"() ({
          %run_scoped3A_159 = tpu.sem_alloc : memref<!tpu.dma_semaphore, #tpu.memory_space<semaphore_mem>>
          %dma_start3A_160 = arith.constant 0 : i32
          %dma_start3A_161 = arith.constant 0 : i32
          %dma_start3A_162 = tpu.memref_slice %arg12[%run_scoped3A_137, %dma_start3A_160, %dma_start3A_161] : memref<2x128x128xf32, #tpu.memory_space<vmem>> -> memref<1x128x128xf32, #tpu.memory_space<vmem>>
          %dma_start3A_163 = tpu.memref_squeeze %dma_start3A_162 : memref<1x128x128xf32, #tpu.memory_space<vmem>> -> memref<128x128xf32, #tpu.memory_space<vmem>>
          %dma_start3A_164 = arith.constant 0 : i32
          %dma_start3A_165 = tpu.memref_slice %arg11[%add3A_120, %dma_start3A_164] : memref<40x128xi32, #tpu.memory_space<vmem>> -> memref<1x128xi32, #tpu.memory_space<vmem>>
          %dma_start3A_166 = tpu.memref_squeeze %dma_start3A_165 : memref<1x128xi32, #tpu.memory_space<vmem>> -> memref<128xi32, #tpu.memory_space<vmem>>
          %dma_start3A_167 = arith.constant 0 : i32
          %dma_start3A_168 = arith.constant 0 : i32
          %dma_start3A_169 = tpu.memref_slice %arg8[%dma_start3A_167, %dma_start3A_168] : memref<10240x128xf32, #tpu.memory_space<vmem_shared>> -> memref<10240x128xf32, #tpu.memory_space<vmem_shared>>
          tpu.enqueue_indirect_dma source(%dma_start3A_163 : memref<128x128xf32, #tpu.memory_space<vmem>>) target(%dma_start3A_169 : memref<10240x128xf32, #tpu.memory_space<vmem_shared>>) offsets(%dma_start3A_166 : memref<128xi32, #tpu.memory_space<vmem>>) semaphore(%run_scoped3A_159 : memref<!tpu.dma_semaphore, #tpu.memory_space<semaphore_mem>>) {add = true}
          %dma_wait3A_170 = arith.constant 0 : i32
          %dma_wait3A_171 = arith.constant 0 : i32
          %dma_wait3A_172 = tpu.memref_slice %arg12[%run_scoped3A_137, %dma_wait3A_170, %dma_wait3A_171] : memref<2x128x128xf32, #tpu.memory_space<vmem>> -> memref<1x128x128xf32, #tpu.memory_space<vmem>>
          %dma_wait3A_173 = tpu.memref_squeeze %dma_wait3A_172 : memref<1x128x128xf32, #tpu.memory_space<vmem>> -> memref<128x128xf32, #tpu.memory_space<vmem>>
          %dma_wait3A_174 = arith.constant 0 : i32
          %dma_wait3A_175 = tpu.memref_slice %arg11[%add3A_120, %dma_wait3A_174] : memref<40x128xi32, #tpu.memory_space<vmem>> -> memref<1x128xi32, #tpu.memory_space<vmem>>
          %dma_wait3A_176 = tpu.memref_squeeze %dma_wait3A_175 : memref<1x128xi32, #tpu.memory_space<vmem>> -> memref<128xi32, #tpu.memory_space<vmem>>
          %dma_wait3A_177 = arith.constant 0 : i32
          %dma_wait3A_178 = arith.constant 0 : i32
          %dma_wait3A_179 = tpu.memref_slice %arg8[%dma_wait3A_177, %dma_wait3A_178] : memref<10240x128xf32, #tpu.memory_space<vmem_shared>> -> memref<10240x128xf32, #tpu.memory_space<vmem_shared>>
          tpu.wait_indirect_dma semaphore(%run_scoped3A_159 : memref<!tpu.dma_semaphore, #tpu.memory_space<semaphore_mem>>) src(%dma_wait3A_173 : memref<128x128xf32, #tpu.memory_space<vmem>>) dst(%dma_wait3A_179 : memref<10240x128xf32, #tpu.memory_space<vmem_shared>>)
          tpu.yield
        }) : () -> ()
        %add3A_138 = arith.constant 1 : i32
        %add3A_139 = arith.addi %add3A_118, %add3A_138 : i32
        %add3A_140 = arith.constant 1 : i32
        %add3A_141 = arith.addi %add3A_139, %add3A_140 : i32
        %lt3A_142 = arith.constant 40 : i32
        %lt3A_143 = arith.cmpi slt, %add3A_141, %lt3A_142 : i32
        %convert_element_type3A_144 = arith.extui %lt3A_143 : i1 to i32
        %cond3A_145 = arith.constant 0 : i32
        %cond3A_146 = arith.cmpi ne, %convert_element_type3A_144, %cond3A_145 : i32
        scf.if %cond3A_146 {
          %add3A_159 = arith.constant 1 : i32
          %add3A_160 = arith.addi %add3A_139, %add3A_159 : i32
          %dma_start3A_161 = arith.constant 0 : i32
          %dma_start3A_162 = arith.constant 0 : i32
          %dma_start3A_163 = arith.constant 0 : i32
          %dma_start3A_164 = tpu.memref_slice %arg12[%dma_start3A_161, %dma_start3A_162, %dma_start3A_163] : memref<2x128x128xf32, #tpu.memory_space<vmem>> -> memref<1x128x128xf32, #tpu.memory_space<vmem>>
          %dma_start3A_165 = tpu.memref_squeeze %dma_start3A_164 : memref<1x128x128xf32, #tpu.memory_space<vmem>> -> memref<128x128xf32, #tpu.memory_space<vmem>>
          %dma_start3A_166 = arith.constant 0 : i32
          %dma_start3A_167 = tpu.memref_slice %arg10[%add3A_160, %dma_start3A_166] : memref<40x128xi32, #tpu.memory_space<vmem>> -> memref<1x128xi32, #tpu.memory_space<vmem>>
          %dma_start3A_168 = tpu.memref_squeeze %dma_start3A_167 : memref<1x128xi32, #tpu.memory_space<vmem>> -> memref<128xi32, #tpu.memory_space<vmem>>
          %dma_start3A_169 = arith.constant 0 : i32
          %dma_start3A_170 = arith.constant 0 : i32
          %dma_start3A_171 = tpu.memref_slice %arg3[%dma_start3A_169, %dma_start3A_170] : memref<10000x128xf32, #tpu.memory_space<hbm>> -> memref<10000x128xf32, #tpu.memory_space<hbm>>
          tpu.enqueue_indirect_dma source(%dma_start3A_171 : memref<10000x128xf32, #tpu.memory_space<hbm>>) target(%dma_start3A_165 : memref<128x128xf32, #tpu.memory_space<vmem>>) offsets(%dma_start3A_168 : memref<128xi32, #tpu.memory_space<vmem>>) semaphore(%arg15 : memref<!tpu.dma_semaphore, #tpu.memory_space<semaphore_mem>>)
        } else {
        }
        %dma_wait3A_147 = arith.constant 1 : i32
        %dma_wait3A_148 = arith.constant 0 : i32
        %dma_wait3A_149 = arith.constant 0 : i32
        %dma_wait3A_150 = tpu.memref_slice %arg12[%dma_wait3A_147, %dma_wait3A_148, %dma_wait3A_149] : memref<2x128x128xf32, #tpu.memory_space<vmem>> -> memref<1x128x128xf32, #tpu.memory_space<vmem>>
        %dma_wait3A_151 = tpu.memref_squeeze %dma_wait3A_150 : memref<1x128x128xf32, #tpu.memory_space<vmem>> -> memref<128x128xf32, #tpu.memory_space<vmem>>
        %dma_wait3A_152 = arith.constant 0 : i32
        %dma_wait3A_153 = tpu.memref_slice %arg10[%add3A_139, %dma_wait3A_152] : memref<40x128xi32, #tpu.memory_space<vmem>> -> memref<1x128xi32, #tpu.memory_space<vmem>>
        %dma_wait3A_154 = tpu.memref_squeeze %dma_wait3A_153 : memref<1x128xi32, #tpu.memory_space<vmem>> -> memref<128xi32, #tpu.memory_space<vmem>>
        %dma_wait3A_155 = arith.constant 0 : i32
        %dma_wait3A_156 = arith.constant 0 : i32
        %dma_wait3A_157 = tpu.memref_slice %arg3[%dma_wait3A_155, %dma_wait3A_156] : memref<10000x128xf32, #tpu.memory_space<hbm>> -> memref<10000x128xf32, #tpu.memory_space<hbm>>
        tpu.wait_indirect_dma semaphore(%arg16 : memref<!tpu.dma_semaphore, #tpu.memory_space<semaphore_mem>>) src(%dma_wait3A_157 : memref<10000x128xf32, #tpu.memory_space<hbm>>) dst(%dma_wait3A_151 : memref<128x128xf32, #tpu.memory_space<vmem>>)
        %run_scoped3A_158 = arith.constant 1 : i32
        "tpu.region"() ({
          %run_scoped3A_159 = tpu.sem_alloc : memref<!tpu.dma_semaphore, #tpu.memory_space<semaphore_mem>>
          %dma_start3A_160 = arith.constant 0 : i32
          %dma_start3A_161 = arith.constant 0 : i32
          %dma_start3A_162 = tpu.memref_slice %arg12[%run_scoped3A_158, %dma_start3A_160, %dma_start3A_161] : memref<2x128x128xf32, #tpu.memory_space<vmem>> -> memref<1x128x128xf32, #tpu.memory_space<vmem>>
          %dma_start3A_163 = tpu.memref_squeeze %dma_start3A_162 : memref<1x128x128xf32, #tpu.memory_space<vmem>> -> memref<128x128xf32, #tpu.memory_space<vmem>>
          %dma_start3A_164 = arith.constant 0 : i32
          %dma_start3A_165 = tpu.memref_slice %arg11[%add3A_139, %dma_start3A_164] : memref<40x128xi32, #tpu.memory_space<vmem>> -> memref<1x128xi32, #tpu.memory_space<vmem>>
          %dma_start3A_166 = tpu.memref_squeeze %dma_start3A_165 : memref<1x128xi32, #tpu.memory_space<vmem>> -> memref<128xi32, #tpu.memory_space<vmem>>
          %dma_start3A_167 = arith.constant 0 : i32
          %dma_start3A_168 = arith.constant 0 : i32
          %dma_start3A_169 = tpu.memref_slice %arg8[%dma_start3A_167, %dma_start3A_168] : memref<10240x128xf32, #tpu.memory_space<vmem_shared>> -> memref<10240x128xf32, #tpu.memory_space<vmem_shared>>
          tpu.enqueue_indirect_dma source(%dma_start3A_163 : memref<128x128xf32, #tpu.memory_space<vmem>>) target(%dma_start3A_169 : memref<10240x128xf32, #tpu.memory_space<vmem_shared>>) offsets(%dma_start3A_166 : memref<128xi32, #tpu.memory_space<vmem>>) semaphore(%run_scoped3A_159 : memref<!tpu.dma_semaphore, #tpu.memory_space<semaphore_mem>>) {add = true}
          %dma_wait3A_170 = arith.constant 0 : i32
          %dma_wait3A_171 = arith.constant 0 : i32
          %dma_wait3A_172 = tpu.memref_slice %arg12[%run_scoped3A_158, %dma_wait3A_170, %dma_wait3A_171] : memref<2x128x128xf32, #tpu.memory_space<vmem>> -> memref<1x128x128xf32, #tpu.memory_space<vmem>>
          %dma_wait3A_173 = tpu.memref_squeeze %dma_wait3A_172 : memref<1x128x128xf32, #tpu.memory_space<vmem>> -> memref<128x128xf32, #tpu.memory_space<vmem>>
          %dma_wait3A_174 = arith.constant 0 : i32
          %dma_wait3A_175 = tpu.memref_slice %arg11[%add3A_139, %dma_wait3A_174] : memref<40x128xi32, #tpu.memory_space<vmem>> -> memref<1x128xi32, #tpu.memory_space<vmem>>
          %dma_wait3A_176 = tpu.memref_squeeze %dma_wait3A_175 : memref<1x128xi32, #tpu.memory_space<vmem>> -> memref<128xi32, #tpu.memory_space<vmem>>
          %dma_wait3A_177 = arith.constant 0 : i32
          %dma_wait3A_178 = arith.constant 0 : i32
          %dma_wait3A_179 = tpu.memref_slice %arg8[%dma_wait3A_177, %dma_wait3A_178] : memref<10240x128xf32, #tpu.memory_space<vmem_shared>> -> memref<10240x128xf32, #tpu.memory_space<vmem_shared>>
          tpu.wait_indirect_dma semaphore(%run_scoped3A_159 : memref<!tpu.dma_semaphore, #tpu.memory_space<semaphore_mem>>) src(%dma_wait3A_173 : memref<128x128xf32, #tpu.memory_space<vmem>>) dst(%dma_wait3A_179 : memref<10240x128xf32, #tpu.memory_space<vmem_shared>>)
          tpu.yield
        }) : () -> ()
      }
      %scan3A_113 = arith.constant 20 : i32
    } else {
    }
    %barrier3A_45 = arith.constant 0 : index
    tpu.barrier barrier_id(%barrier3A_45)
    %mul3A_46 = arith.constant 640 : i32
    %mul3A_47 = arith.muli %arg1, %mul3A_46 : i32
    %add3A_48 = arith.constant 0 : i32
    %add3A_49 = arith.addi %mul3A_47, %add3A_48 : i32
    %run_scoped3A_50 = arith.constant 0 : i32
    "tpu.region"() ({
      %run_scoped3A_81 = tpu.sem_alloc : memref<!tpu.dma_semaphore, #tpu.memory_space<semaphore_mem>>
      %dma_start3A = arith.constant 0 : i32
      %dma_start3A_82 = arith.constant 0 : i32
      %dma_start3A_83 = tpu.memref_slice %arg12[%run_scoped3A_50, %dma_start3A, %dma_start3A_82] : memref<2x128x128xf32, #tpu.memory_space<vmem>> -> memref<1x128x128xf32, #tpu.memory_space<vmem>>
      %dma_start3A_84 = tpu.memref_squeeze %dma_start3A_83 : memref<1x128x128xf32, #tpu.memory_space<vmem>> -> memref<128x128xf32, #tpu.memory_space<vmem>>
      %dma_start3A_85 = arith.constant 0 : i32
      %dma_start3A_86 = tpu.memref_slice %arg8[%add3A_49, %dma_start3A_85] : memref<10240x128xf32, #tpu.memory_space<vmem_shared>> -> memref<128x128xf32, #tpu.memory_space<vmem_shared>>
      %dma_start3A_87 = arith.constant 0 : i32
      %dma_start3A_88 = arith.constant 0 : i32
      %dma_start3A_89 = tpu.memref_slice %arg12[%run_scoped3A_50, %dma_start3A_87, %dma_start3A_88] : memref<2x128x128xf32, #tpu.memory_space<vmem>> -> memref<1x128x128xf32, #tpu.memory_space<vmem>>
      %dma_start3A_90 = tpu.memref_squeeze %dma_start3A_89 : memref<1x128x128xf32, #tpu.memory_space<vmem>> -> memref<128x128xf32, #tpu.memory_space<vmem>>
      %dma_start3A_91 = arith.constant 0 : i32
      %dma_start3A_92 = tpu.memref_slice %arg8[%add3A_49, %dma_start3A_91] : memref<10240x128xf32, #tpu.memory_space<vmem_shared>> -> memref<128x128xf32, #tpu.memory_space<vmem_shared>>
      tpu.enqueue_dma source(%dma_start3A_92 : memref<128x128xf32, #tpu.memory_space<vmem_shared>>) target(%dma_start3A_90 : memref<128x128xf32, #tpu.memory_space<vmem>>) target_semaphore(%run_scoped3A_81 : memref<!tpu.dma_semaphore, #tpu.memory_space<semaphore_mem>>)
      %dma_wait3A = arith.constant 0 : i32
      %dma_wait3A_93 = arith.constant 0 : i32
      %dma_wait3A_94 = tpu.memref_slice %arg12[%run_scoped3A_50, %dma_wait3A, %dma_wait3A_93] : memref<2x128x128xf32, #tpu.memory_space<vmem>> -> memref<1x128x128xf32, #tpu.memory_space<vmem>>
      %dma_wait3A_95 = tpu.memref_squeeze %dma_wait3A_94 : memref<1x128x128xf32, #tpu.memory_space<vmem>> -> memref<128x128xf32, #tpu.memory_space<vmem>>
      %dma_wait3A_96 = arith.constant 0 : i32
      %dma_wait3A_97 = tpu.memref_slice %arg8[%add3A_49, %dma_wait3A_96] : memref<10240x128xf32, #tpu.memory_space<vmem_shared>> -> memref<128x128xf32, #tpu.memory_space<vmem_shared>>
      %dma_wait3A_98 = arith.constant 0 : i32
      %dma_wait3A_99 = arith.constant 0 : i32
      %dma_wait3A_100 = tpu.memref_slice %arg12[%run_scoped3A_50, %dma_wait3A_98, %dma_wait3A_99] : memref<2x128x128xf32, #tpu.memory_space<vmem>> -> memref<1x128x128xf32, #tpu.memory_space<vmem>>
      %dma_wait3A_101 = tpu.memref_squeeze %dma_wait3A_100 : memref<1x128x128xf32, #tpu.memory_space<vmem>> -> memref<128x128xf32, #tpu.memory_space<vmem>>
      %dma_wait3A_102 = arith.constant 0 : i32
      %dma_wait3A_103 = tpu.memref_slice %arg8[%add3A_49, %dma_wait3A_102] : memref<10240x128xf32, #tpu.memory_space<vmem_shared>> -> memref<128x128xf32, #tpu.memory_space<vmem_shared>>
      tpu.wait_dma2 semaphore(%run_scoped3A_81 : memref<!tpu.dma_semaphore, #tpu.memory_space<semaphore_mem>>) src(%dma_wait3A_103 : memref<128x128xf32, #tpu.memory_space<vmem_shared>>) dst(%dma_wait3A_101 : memref<128x128xf32, #tpu.memory_space<vmem>>)
      tpu.yield
    }) : () -> ()
    %run_scoped3A_51 = arith.constant 0 : i32
    "tpu.region"() ({
      %run_scoped3A_81 = tpu.sem_alloc : memref<!tpu.dma_semaphore, #tpu.memory_space<semaphore_mem>>
      %dma_start3A = arith.constant 0 : i32
      %dma_start3A_82 = arith.constant 0 : i32
      %dma_start3A_83 = tpu.memref_slice %arg12[%run_scoped3A_51, %dma_start3A, %dma_start3A_82] : memref<2x128x128xf32, #tpu.memory_space<vmem>> -> memref<1x128x128xf32, #tpu.memory_space<vmem>>
      %dma_start3A_84 = tpu.memref_squeeze %dma_start3A_83 : memref<1x128x128xf32, #tpu.memory_space<vmem>> -> memref<128x128xf32, #tpu.memory_space<vmem>>
      %dma_start3A_85 = arith.constant 0 : i32
      %dma_start3A_86 = tpu.memref_slice %arg6[%arg0, %add3A_49, %dma_start3A_85] : memref<2x10240x128xf32, #tpu.memory_space<hbm>> -> memref<1x128x128xf32, #tpu.memory_space<hbm>>
      %dma_start3A_87 = tpu.memref_squeeze %dma_start3A_86 : memref<1x128x128xf32, #tpu.memory_space<hbm>> -> memref<128x128xf32, #tpu.memory_space<hbm>>
      %dma_start3A_88 = arith.constant 0 : i32
      %dma_start3A_89 = tpu.memref_slice %arg6[%arg0, %add3A_49, %dma_start3A_88] : memref<2x10240x128xf32, #tpu.memory_space<hbm>> -> memref<1x128x128xf32, #tpu.memory_space<hbm>>
      %dma_start3A_90 = tpu.memref_squeeze %dma_start3A_89 : memref<1x128x128xf32, #tpu.memory_space<hbm>> -> memref<128x128xf32, #tpu.memory_space<hbm>>
      %dma_start3A_91 = arith.constant 0 : i32
      %dma_start3A_92 = arith.constant 0 : i32
      %dma_start3A_93 = tpu.memref_slice %arg12[%run_scoped3A_51, %dma_start3A_91, %dma_start3A_92] : memref<2x128x128xf32, #tpu.memory_space<vmem>> -> memref<1x128x128xf32, #tpu.memory_space<vmem>>
      %dma_start3A_94 = tpu.memref_squeeze %dma_start3A_93 : memref<1x128x128xf32, #tpu.memory_space<vmem>> -> memref<128x128xf32, #tpu.memory_space<vmem>>
      tpu.enqueue_dma source(%dma_start3A_94 : memref<128x128xf32, #tpu.memory_space<vmem>>) target(%dma_start3A_90 : memref<128x128xf32, #tpu.memory_space<hbm>>) target_semaphore(%run_scoped3A_81 : memref<!tpu.dma_semaphore, #tpu.memory_space<semaphore_mem>>)
      %dma_wait3A = arith.constant 0 : i32
      %dma_wait3A_95 = arith.constant 0 : i32
      %dma_wait3A_96 = tpu.memref_slice %arg12[%run_scoped3A_51, %dma_wait3A, %dma_wait3A_95] : memref<2x128x128xf32, #tpu.memory_space<vmem>> -> memref<1x128x128xf32, #tpu.memory_space<vmem>>
      %dma_wait3A_97 = tpu.memref_squeeze %dma_wait3A_96 : memref<1x128x128xf32, #tpu.memory_space<vmem>> -> memref<128x128xf32, #tpu.memory_space<vmem>>
      %dma_wait3A_98 = arith.constant 0 : i32
      %dma_wait3A_99 = tpu.memref_slice %arg6[%arg0, %add3A_49, %dma_wait3A_98] : memref<2x10240x128xf32, #tpu.memory_space<hbm>> -> memref<1x128x128xf32, #tpu.memory_space<hbm>>
      %dma_wait3A_100 = tpu.memref_squeeze %dma_wait3A_99 : memref<1x128x128xf32, #tpu.memory_space<hbm>> -> memref<128x128xf32, #tpu.memory_space<hbm>>
      %dma_wait3A_101 = arith.constant 0 : i32
      %dma_wait3A_102 = tpu.memref_slice %arg6[%arg0, %add3A_49, %dma_wait3A_101] : memref<2x10240x128xf32, #tpu.memory_space<hbm>> -> memref<1x128x128xf32, #tpu.memory_space<hbm>>
      %dma_wait3A_103 = tpu.memref_squeeze %dma_wait3A_102 : memref<1x128x128xf32, #tpu.memory_space<hbm>> -> memref<128x128xf32, #tpu.memory_space<hbm>>
      %dma_wait3A_104 = arith.constant 0 : i32
      %dma_wait3A_105 = arith.constant 0 : i32
      %dma_wait3A_106 = tpu.memref_slice %arg12[%run_scoped3A_51, %dma_wait3A_104, %dma_wait3A_105] : memref<2x128x128xf32, #tpu.memory_space<vmem>> -> memref<1x128x128xf32, #tpu.memory_space<vmem>>
      %dma_wait3A_107 = tpu.memref_squeeze %dma_wait3A_106 : memref<1x128x128xf32, #tpu.memory_space<vmem>> -> memref<128x128xf32, #tpu.memory_space<vmem>>
      tpu.wait_dma2 semaphore(%run_scoped3A_81 : memref<!tpu.dma_semaphore, #tpu.memory_space<semaphore_mem>>) src(%dma_wait3A_107 : memref<128x128xf32, #tpu.memory_space<vmem>>) dst(%dma_wait3A_103 : memref<128x128xf32, #tpu.memory_space<hbm>>)
      tpu.yield
    }) : () -> ()
    %mul3A_52 = arith.constant 640 : i32
    %mul3A_53 = arith.muli %arg1, %mul3A_52 : i32
    %add3A_54 = arith.constant 128 : i32
    %add3A_55 = arith.addi %mul3A_53, %add3A_54 : i32
    %run_scoped3A_56 = arith.constant 0 : i32
    "tpu.region"() ({
      %run_scoped3A_81 = tpu.sem_alloc : memref<!tpu.dma_semaphore, #tpu.memory_space<semaphore_mem>>
      %dma_start3A = arith.constant 0 : i32
      %dma_start3A_82 = arith.constant 0 : i32
      %dma_start3A_83 = tpu.memref_slice %arg12[%run_scoped3A_56, %dma_start3A, %dma_start3A_82] : memref<2x128x128xf32, #tpu.memory_space<vmem>> -> memref<1x128x128xf32, #tpu.memory_space<vmem>>
      %dma_start3A_84 = tpu.memref_squeeze %dma_start3A_83 : memref<1x128x128xf32, #tpu.memory_space<vmem>> -> memref<128x128xf32, #tpu.memory_space<vmem>>
      %dma_start3A_85 = arith.constant 0 : i32
      %dma_start3A_86 = tpu.memref_slice %arg8[%add3A_55, %dma_start3A_85] : memref<10240x128xf32, #tpu.memory_space<vmem_shared>> -> memref<128x128xf32, #tpu.memory_space<vmem_shared>>
      %dma_start3A_87 = arith.constant 0 : i32
      %dma_start3A_88 = arith.constant 0 : i32
      %dma_start3A_89 = tpu.memref_slice %arg12[%run_scoped3A_56, %dma_start3A_87, %dma_start3A_88] : memref<2x128x128xf32, #tpu.memory_space<vmem>> -> memref<1x128x128xf32, #tpu.memory_space<vmem>>
      %dma_start3A_90 = tpu.memref_squeeze %dma_start3A_89 : memref<1x128x128xf32, #tpu.memory_space<vmem>> -> memref<128x128xf32, #tpu.memory_space<vmem>>
      %dma_start3A_91 = arith.constant 0 : i32
      %dma_start3A_92 = tpu.memref_slice %arg8[%add3A_55, %dma_start3A_91] : memref<10240x128xf32, #tpu.memory_space<vmem_shared>> -> memref<128x128xf32, #tpu.memory_space<vmem_shared>>
      tpu.enqueue_dma source(%dma_start3A_92 : memref<128x128xf32, #tpu.memory_space<vmem_shared>>) target(%dma_start3A_90 : memref<128x128xf32, #tpu.memory_space<vmem>>) target_semaphore(%run_scoped3A_81 : memref<!tpu.dma_semaphore, #tpu.memory_space<semaphore_mem>>)
      %dma_wait3A = arith.constant 0 : i32
      %dma_wait3A_93 = arith.constant 0 : i32
      %dma_wait3A_94 = tpu.memref_slice %arg12[%run_scoped3A_56, %dma_wait3A, %dma_wait3A_93] : memref<2x128x128xf32, #tpu.memory_space<vmem>> -> memref<1x128x128xf32, #tpu.memory_space<vmem>>
      %dma_wait3A_95 = tpu.memref_squeeze %dma_wait3A_94 : memref<1x128x128xf32, #tpu.memory_space<vmem>> -> memref<128x128xf32, #tpu.memory_space<vmem>>
      %dma_wait3A_96 = arith.constant 0 : i32
      %dma_wait3A_97 = tpu.memref_slice %arg8[%add3A_55, %dma_wait3A_96] : memref<10240x128xf32, #tpu.memory_space<vmem_shared>> -> memref<128x128xf32, #tpu.memory_space<vmem_shared>>
      %dma_wait3A_98 = arith.constant 0 : i32
      %dma_wait3A_99 = arith.constant 0 : i32
      %dma_wait3A_100 = tpu.memref_slice %arg12[%run_scoped3A_56, %dma_wait3A_98, %dma_wait3A_99] : memref<2x128x128xf32, #tpu.memory_space<vmem>> -> memref<1x128x128xf32, #tpu.memory_space<vmem>>
      %dma_wait3A_101 = tpu.memref_squeeze %dma_wait3A_100 : memref<1x128x128xf32, #tpu.memory_space<vmem>> -> memref<128x128xf32, #tpu.memory_space<vmem>>
      %dma_wait3A_102 = arith.constant 0 : i32
      %dma_wait3A_103 = tpu.memref_slice %arg8[%add3A_55, %dma_wait3A_102] : memref<10240x128xf32, #tpu.memory_space<vmem_shared>> -> memref<128x128xf32, #tpu.memory_space<vmem_shared>>
      tpu.wait_dma2 semaphore(%run_scoped3A_81 : memref<!tpu.dma_semaphore, #tpu.memory_space<semaphore_mem>>) src(%dma_wait3A_103 : memref<128x128xf32, #tpu.memory_space<vmem_shared>>) dst(%dma_wait3A_101 : memref<128x128xf32, #tpu.memory_space<vmem>>)
      tpu.yield
    }) : () -> ()
    %run_scoped3A_57 = arith.constant 0 : i32
    "tpu.region"() ({
      %run_scoped3A_81 = tpu.sem_alloc : memref<!tpu.dma_semaphore, #tpu.memory_space<semaphore_mem>>
      %dma_start3A = arith.constant 0 : i32
      %dma_start3A_82 = arith.constant 0 : i32
      %dma_start3A_83 = tpu.memref_slice %arg12[%run_scoped3A_57, %dma_start3A, %dma_start3A_82] : memref<2x128x128xf32, #tpu.memory_space<vmem>> -> memref<1x128x128xf32, #tpu.memory_space<vmem>>
      %dma_start3A_84 = tpu.memref_squeeze %dma_start3A_83 : memref<1x128x128xf32, #tpu.memory_space<vmem>> -> memref<128x128xf32, #tpu.memory_space<vmem>>
      %dma_start3A_85 = arith.constant 0 : i32
      %dma_start3A_86 = tpu.memref_slice %arg6[%arg0, %add3A_55, %dma_start3A_85] : memref<2x10240x128xf32, #tpu.memory_space<hbm>> -> memref<1x128x128xf32, #tpu.memory_space<hbm>>
      %dma_start3A_87 = tpu.memref_squeeze %dma_start3A_86 : memref<1x128x128xf32, #tpu.memory_space<hbm>> -> memref<128x128xf32, #tpu.memory_space<hbm>>
      %dma_start3A_88 = arith.constant 0 : i32
      %dma_start3A_89 = tpu.memref_slice %arg6[%arg0, %add3A_55, %dma_start3A_88] : memref<2x10240x128xf32, #tpu.memory_space<hbm>> -> memref<1x128x128xf32, #tpu.memory_space<hbm>>
      %dma_start3A_90 = tpu.memref_squeeze %dma_start3A_89 : memref<1x128x128xf32, #tpu.memory_space<hbm>> -> memref<128x128xf32, #tpu.memory_space<hbm>>
      %dma_start3A_91 = arith.constant 0 : i32
      %dma_start3A_92 = arith.constant 0 : i32
      %dma_start3A_93 = tpu.memref_slice %arg12[%run_scoped3A_57, %dma_start3A_91, %dma_start3A_92] : memref<2x128x128xf32, #tpu.memory_space<vmem>> -> memref<1x128x128xf32, #tpu.memory_space<vmem>>
      %dma_start3A_94 = tpu.memref_squeeze %dma_start3A_93 : memref<1x128x128xf32, #tpu.memory_space<vmem>> -> memref<128x128xf32, #tpu.memory_space<vmem>>
      tpu.enqueue_dma source(%dma_start3A_94 : memref<128x128xf32, #tpu.memory_space<vmem>>) target(%dma_start3A_90 : memref<128x128xf32, #tpu.memory_space<hbm>>) target_semaphore(%run_scoped3A_81 : memref<!tpu.dma_semaphore, #tpu.memory_space<semaphore_mem>>)
      %dma_wait3A = arith.constant 0 : i32
      %dma_wait3A_95 = arith.constant 0 : i32
      %dma_wait3A_96 = tpu.memref_slice %arg12[%run_scoped3A_57, %dma_wait3A, %dma_wait3A_95] : memref<2x128x128xf32, #tpu.memory_space<vmem>> -> memref<1x128x128xf32, #tpu.memory_space<vmem>>
      %dma_wait3A_97 = tpu.memref_squeeze %dma_wait3A_96 : memref<1x128x128xf32, #tpu.memory_space<vmem>> -> memref<128x128xf32, #tpu.memory_space<vmem>>
      %dma_wait3A_98 = arith.constant 0 : i32
      %dma_wait3A_99 = tpu.memref_slice %arg6[%arg0, %add3A_55, %dma_wait3A_98] : memref<2x10240x128xf32, #tpu.memory_space<hbm>> -> memref<1x128x128xf32, #tpu.memory_space<hbm>>
      %dma_wait3A_100 = tpu.memref_squeeze %dma_wait3A_99 : memref<1x128x128xf32, #tpu.memory_space<hbm>> -> memref<128x128xf32, #tpu.memory_space<hbm>>
      %dma_wait3A_101 = arith.constant 0 : i32
      %dma_wait3A_102 = tpu.memref_slice %arg6[%arg0, %add3A_55, %dma_wait3A_101] : memref<2x10240x128xf32, #tpu.memory_space<hbm>> -> memref<1x128x128xf32, #tpu.memory_space<hbm>>
      %dma_wait3A_103 = tpu.memref_squeeze %dma_wait3A_102 : memref<1x128x128xf32, #tpu.memory_space<hbm>> -> memref<128x128xf32, #tpu.memory_space<hbm>>
      %dma_wait3A_104 = arith.constant 0 : i32
      %dma_wait3A_105 = arith.constant 0 : i32
      %dma_wait3A_106 = tpu.memref_slice %arg12[%run_scoped3A_57, %dma_wait3A_104, %dma_wait3A_105] : memref<2x128x128xf32, #tpu.memory_space<vmem>> -> memref<1x128x128xf32, #tpu.memory_space<vmem>>
      %dma_wait3A_107 = tpu.memref_squeeze %dma_wait3A_106 : memref<1x128x128xf32, #tpu.memory_space<vmem>> -> memref<128x128xf32, #tpu.memory_space<vmem>>
      tpu.wait_dma2 semaphore(%run_scoped3A_81 : memref<!tpu.dma_semaphore, #tpu.memory_space<semaphore_mem>>) src(%dma_wait3A_107 : memref<128x128xf32, #tpu.memory_space<vmem>>) dst(%dma_wait3A_103 : memref<128x128xf32, #tpu.memory_space<hbm>>)
      tpu.yield
    }) : () -> ()
    %mul3A_58 = arith.constant 640 : i32
    %mul3A_59 = arith.muli %arg1, %mul3A_58 : i32
    %add3A_60 = arith.constant 256 : i32
    %add3A_61 = arith.addi %mul3A_59, %add3A_60 : i32
    %run_scoped3A_62 = arith.constant 0 : i32
    "tpu.region"() ({
      %run_scoped3A_81 = tpu.sem_alloc : memref<!tpu.dma_semaphore, #tpu.memory_space<semaphore_mem>>
      %dma_start3A = arith.constant 0 : i32
      %dma_start3A_82 = arith.constant 0 : i32
      %dma_start3A_83 = tpu.memref_slice %arg12[%run_scoped3A_62, %dma_start3A, %dma_start3A_82] : memref<2x128x128xf32, #tpu.memory_space<vmem>> -> memref<1x128x128xf32, #tpu.memory_space<vmem>>
      %dma_start3A_84 = tpu.memref_squeeze %dma_start3A_83 : memref<1x128x128xf32, #tpu.memory_space<vmem>> -> memref<128x128xf32, #tpu.memory_space<vmem>>
      %dma_start3A_85 = arith.constant 0 : i32
      %dma_start3A_86 = tpu.memref_slice %arg8[%add3A_61, %dma_start3A_85] : memref<10240x128xf32, #tpu.memory_space<vmem_shared>> -> memref<128x128xf32, #tpu.memory_space<vmem_shared>>
      %dma_start3A_87 = arith.constant 0 : i32
      %dma_start3A_88 = arith.constant 0 : i32
      %dma_start3A_89 = tpu.memref_slice %arg12[%run_scoped3A_62, %dma_start3A_87, %dma_start3A_88] : memref<2x128x128xf32, #tpu.memory_space<vmem>> -> memref<1x128x128xf32, #tpu.memory_space<vmem>>
      %dma_start3A_90 = tpu.memref_squeeze %dma_start3A_89 : memref<1x128x128xf32, #tpu.memory_space<vmem>> -> memref<128x128xf32, #tpu.memory_space<vmem>>
      %dma_start3A_91 = arith.constant 0 : i32
      %dma_start3A_92 = tpu.memref_slice %arg8[%add3A_61, %dma_start3A_91] : memref<10240x128xf32, #tpu.memory_space<vmem_shared>> -> memref<128x128xf32, #tpu.memory_space<vmem_shared>>
      tpu.enqueue_dma source(%dma_start3A_92 : memref<128x128xf32, #tpu.memory_space<vmem_shared>>) target(%dma_start3A_90 : memref<128x128xf32, #tpu.memory_space<vmem>>) target_semaphore(%run_scoped3A_81 : memref<!tpu.dma_semaphore, #tpu.memory_space<semaphore_mem>>)
      %dma_wait3A = arith.constant 0 : i32
      %dma_wait3A_93 = arith.constant 0 : i32
      %dma_wait3A_94 = tpu.memref_slice %arg12[%run_scoped3A_62, %dma_wait3A, %dma_wait3A_93] : memref<2x128x128xf32, #tpu.memory_space<vmem>> -> memref<1x128x128xf32, #tpu.memory_space<vmem>>
      %dma_wait3A_95 = tpu.memref_squeeze %dma_wait3A_94 : memref<1x128x128xf32, #tpu.memory_space<vmem>> -> memref<128x128xf32, #tpu.memory_space<vmem>>
      %dma_wait3A_96 = arith.constant 0 : i32
      %dma_wait3A_97 = tpu.memref_slice %arg8[%add3A_61, %dma_wait3A_96] : memref<10240x128xf32, #tpu.memory_space<vmem_shared>> -> memref<128x128xf32, #tpu.memory_space<vmem_shared>>
      %dma_wait3A_98 = arith.constant 0 : i32
      %dma_wait3A_99 = arith.constant 0 : i32
      %dma_wait3A_100 = tpu.memref_slice %arg12[%run_scoped3A_62, %dma_wait3A_98, %dma_wait3A_99] : memref<2x128x128xf32, #tpu.memory_space<vmem>> -> memref<1x128x128xf32, #tpu.memory_space<vmem>>
      %dma_wait3A_101 = tpu.memref_squeeze %dma_wait3A_100 : memref<1x128x128xf32, #tpu.memory_space<vmem>> -> memref<128x128xf32, #tpu.memory_space<vmem>>
      %dma_wait3A_102 = arith.constant 0 : i32
      %dma_wait3A_103 = tpu.memref_slice %arg8[%add3A_61, %dma_wait3A_102] : memref<10240x128xf32, #tpu.memory_space<vmem_shared>> -> memref<128x128xf32, #tpu.memory_space<vmem_shared>>
      tpu.wait_dma2 semaphore(%run_scoped3A_81 : memref<!tpu.dma_semaphore, #tpu.memory_space<semaphore_mem>>) src(%dma_wait3A_103 : memref<128x128xf32, #tpu.memory_space<vmem_shared>>) dst(%dma_wait3A_101 : memref<128x128xf32, #tpu.memory_space<vmem>>)
      tpu.yield
    }) : () -> ()
    %run_scoped3A_63 = arith.constant 0 : i32
    "tpu.region"() ({
      %run_scoped3A_81 = tpu.sem_alloc : memref<!tpu.dma_semaphore, #tpu.memory_space<semaphore_mem>>
      %dma_start3A = arith.constant 0 : i32
      %dma_start3A_82 = arith.constant 0 : i32
      %dma_start3A_83 = tpu.memref_slice %arg12[%run_scoped3A_63, %dma_start3A, %dma_start3A_82] : memref<2x128x128xf32, #tpu.memory_space<vmem>> -> memref<1x128x128xf32, #tpu.memory_space<vmem>>
      %dma_start3A_84 = tpu.memref_squeeze %dma_start3A_83 : memref<1x128x128xf32, #tpu.memory_space<vmem>> -> memref<128x128xf32, #tpu.memory_space<vmem>>
      %dma_start3A_85 = arith.constant 0 : i32
      %dma_start3A_86 = tpu.memref_slice %arg6[%arg0, %add3A_61, %dma_start3A_85] : memref<2x10240x128xf32, #tpu.memory_space<hbm>> -> memref<1x128x128xf32, #tpu.memory_space<hbm>>
      %dma_start3A_87 = tpu.memref_squeeze %dma_start3A_86 : memref<1x128x128xf32, #tpu.memory_space<hbm>> -> memref<128x128xf32, #tpu.memory_space<hbm>>
      %dma_start3A_88 = arith.constant 0 : i32
      %dma_start3A_89 = tpu.memref_slice %arg6[%arg0, %add3A_61, %dma_start3A_88] : memref<2x10240x128xf32, #tpu.memory_space<hbm>> -> memref<1x128x128xf32, #tpu.memory_space<hbm>>
      %dma_start3A_90 = tpu.memref_squeeze %dma_start3A_89 : memref<1x128x128xf32, #tpu.memory_space<hbm>> -> memref<128x128xf32, #tpu.memory_space<hbm>>
      %dma_start3A_91 = arith.constant 0 : i32
      %dma_start3A_92 = arith.constant 0 : i32
      %dma_start3A_93 = tpu.memref_slice %arg12[%run_scoped3A_63, %dma_start3A_91, %dma_start3A_92] : memref<2x128x128xf32, #tpu.memory_space<vmem>> -> memref<1x128x128xf32, #tpu.memory_space<vmem>>
      %dma_start3A_94 = tpu.memref_squeeze %dma_start3A_93 : memref<1x128x128xf32, #tpu.memory_space<vmem>> -> memref<128x128xf32, #tpu.memory_space<vmem>>
      tpu.enqueue_dma source(%dma_start3A_94 : memref<128x128xf32, #tpu.memory_space<vmem>>) target(%dma_start3A_90 : memref<128x128xf32, #tpu.memory_space<hbm>>) target_semaphore(%run_scoped3A_81 : memref<!tpu.dma_semaphore, #tpu.memory_space<semaphore_mem>>)
      %dma_wait3A = arith.constant 0 : i32
      %dma_wait3A_95 = arith.constant 0 : i32
      %dma_wait3A_96 = tpu.memref_slice %arg12[%run_scoped3A_63, %dma_wait3A, %dma_wait3A_95] : memref<2x128x128xf32, #tpu.memory_space<vmem>> -> memref<1x128x128xf32, #tpu.memory_space<vmem>>
      %dma_wait3A_97 = tpu.memref_squeeze %dma_wait3A_96 : memref<1x128x128xf32, #tpu.memory_space<vmem>> -> memref<128x128xf32, #tpu.memory_space<vmem>>
      %dma_wait3A_98 = arith.constant 0 : i32
      %dma_wait3A_99 = tpu.memref_slice %arg6[%arg0, %add3A_61, %dma_wait3A_98] : memref<2x10240x128xf32, #tpu.memory_space<hbm>> -> memref<1x128x128xf32, #tpu.memory_space<hbm>>
      %dma_wait3A_100 = tpu.memref_squeeze %dma_wait3A_99 : memref<1x128x128xf32, #tpu.memory_space<hbm>> -> memref<128x128xf32, #tpu.memory_space<hbm>>
      %dma_wait3A_101 = arith.constant 0 : i32
      %dma_wait3A_102 = tpu.memref_slice %arg6[%arg0, %add3A_61, %dma_wait3A_101] : memref<2x10240x128xf32, #tpu.memory_space<hbm>> -> memref<1x128x128xf32, #tpu.memory_space<hbm>>
      %dma_wait3A_103 = tpu.memref_squeeze %dma_wait3A_102 : memref<1x128x128xf32, #tpu.memory_space<hbm>> -> memref<128x128xf32, #tpu.memory_space<hbm>>
      %dma_wait3A_104 = arith.constant 0 : i32
      %dma_wait3A_105 = arith.constant 0 : i32
      %dma_wait3A_106 = tpu.memref_slice %arg12[%run_scoped3A_63, %dma_wait3A_104, %dma_wait3A_105] : memref<2x128x128xf32, #tpu.memory_space<vmem>> -> memref<1x128x128xf32, #tpu.memory_space<vmem>>
      %dma_wait3A_107 = tpu.memref_squeeze %dma_wait3A_106 : memref<1x128x128xf32, #tpu.memory_space<vmem>> -> memref<128x128xf32, #tpu.memory_space<vmem>>
      tpu.wait_dma2 semaphore(%run_scoped3A_81 : memref<!tpu.dma_semaphore, #tpu.memory_space<semaphore_mem>>) src(%dma_wait3A_107 : memref<128x128xf32, #tpu.memory_space<vmem>>) dst(%dma_wait3A_103 : memref<128x128xf32, #tpu.memory_space<hbm>>)
      tpu.yield
    }) : () -> ()
    %mul3A_64 = arith.constant 640 : i32
    %mul3A_65 = arith.muli %arg1, %mul3A_64 : i32
    %add3A_66 = arith.constant 384 : i32
    %add3A_67 = arith.addi %mul3A_65, %add3A_66 : i32
    %run_scoped3A_68 = arith.constant 0 : i32
    "tpu.region"() ({
      %run_scoped3A_81 = tpu.sem_alloc : memref<!tpu.dma_semaphore, #tpu.memory_space<semaphore_mem>>
      %dma_start3A = arith.constant 0 : i32
      %dma_start3A_82 = arith.constant 0 : i32
      %dma_start3A_83 = tpu.memref_slice %arg12[%run_scoped3A_68, %dma_start3A, %dma_start3A_82] : memref<2x128x128xf32, #tpu.memory_space<vmem>> -> memref<1x128x128xf32, #tpu.memory_space<vmem>>
      %dma_start3A_84 = tpu.memref_squeeze %dma_start3A_83 : memref<1x128x128xf32, #tpu.memory_space<vmem>> -> memref<128x128xf32, #tpu.memory_space<vmem>>
      %dma_start3A_85 = arith.constant 0 : i32
      %dma_start3A_86 = tpu.memref_slice %arg8[%add3A_67, %dma_start3A_85] : memref<10240x128xf32, #tpu.memory_space<vmem_shared>> -> memref<128x128xf32, #tpu.memory_space<vmem_shared>>
      %dma_start3A_87 = arith.constant 0 : i32
      %dma_start3A_88 = arith.constant 0 : i32
      %dma_start3A_89 = tpu.memref_slice %arg12[%run_scoped3A_68, %dma_start3A_87, %dma_start3A_88] : memref<2x128x128xf32, #tpu.memory_space<vmem>> -> memref<1x128x128xf32, #tpu.memory_space<vmem>>
      %dma_start3A_90 = tpu.memref_squeeze %dma_start3A_89 : memref<1x128x128xf32, #tpu.memory_space<vmem>> -> memref<128x128xf32, #tpu.memory_space<vmem>>
      %dma_start3A_91 = arith.constant 0 : i32
      %dma_start3A_92 = tpu.memref_slice %arg8[%add3A_67, %dma_start3A_91] : memref<10240x128xf32, #tpu.memory_space<vmem_shared>> -> memref<128x128xf32, #tpu.memory_space<vmem_shared>>
      tpu.enqueue_dma source(%dma_start3A_92 : memref<128x128xf32, #tpu.memory_space<vmem_shared>>) target(%dma_start3A_90 : memref<128x128xf32, #tpu.memory_space<vmem>>) target_semaphore(%run_scoped3A_81 : memref<!tpu.dma_semaphore, #tpu.memory_space<semaphore_mem>>)
      %dma_wait3A = arith.constant 0 : i32
      %dma_wait3A_93 = arith.constant 0 : i32
      %dma_wait3A_94 = tpu.memref_slice %arg12[%run_scoped3A_68, %dma_wait3A, %dma_wait3A_93] : memref<2x128x128xf32, #tpu.memory_space<vmem>> -> memref<1x128x128xf32, #tpu.memory_space<vmem>>
      %dma_wait3A_95 = tpu.memref_squeeze %dma_wait3A_94 : memref<1x128x128xf32, #tpu.memory_space<vmem>> -> memref<128x128xf32, #tpu.memory_space<vmem>>
      %dma_wait3A_96 = arith.constant 0 : i32
      %dma_wait3A_97 = tpu.memref_slice %arg8[%add3A_67, %dma_wait3A_96] : memref<10240x128xf32, #tpu.memory_space<vmem_shared>> -> memref<128x128xf32, #tpu.memory_space<vmem_shared>>
      %dma_wait3A_98 = arith.constant 0 : i32
      %dma_wait3A_99 = arith.constant 0 : i32
      %dma_wait3A_100 = tpu.memref_slice %arg12[%run_scoped3A_68, %dma_wait3A_98, %dma_wait3A_99] : memref<2x128x128xf32, #tpu.memory_space<vmem>> -> memref<1x128x128xf32, #tpu.memory_space<vmem>>
      %dma_wait3A_101 = tpu.memref_squeeze %dma_wait3A_100 : memref<1x128x128xf32, #tpu.memory_space<vmem>> -> memref<128x128xf32, #tpu.memory_space<vmem>>
      %dma_wait3A_102 = arith.constant 0 : i32
      %dma_wait3A_103 = tpu.memref_slice %arg8[%add3A_67, %dma_wait3A_102] : memref<10240x128xf32, #tpu.memory_space<vmem_shared>> -> memref<128x128xf32, #tpu.memory_space<vmem_shared>>
      tpu.wait_dma2 semaphore(%run_scoped3A_81 : memref<!tpu.dma_semaphore, #tpu.memory_space<semaphore_mem>>) src(%dma_wait3A_103 : memref<128x128xf32, #tpu.memory_space<vmem_shared>>) dst(%dma_wait3A_101 : memref<128x128xf32, #tpu.memory_space<vmem>>)
      tpu.yield
    }) : () -> ()
    %run_scoped3A_69 = arith.constant 0 : i32
    "tpu.region"() ({
      %run_scoped3A_81 = tpu.sem_alloc : memref<!tpu.dma_semaphore, #tpu.memory_space<semaphore_mem>>
      %dma_start3A = arith.constant 0 : i32
      %dma_start3A_82 = arith.constant 0 : i32
      %dma_start3A_83 = tpu.memref_slice %arg12[%run_scoped3A_69, %dma_start3A, %dma_start3A_82] : memref<2x128x128xf32, #tpu.memory_space<vmem>> -> memref<1x128x128xf32, #tpu.memory_space<vmem>>
      %dma_start3A_84 = tpu.memref_squeeze %dma_start3A_83 : memref<1x128x128xf32, #tpu.memory_space<vmem>> -> memref<128x128xf32, #tpu.memory_space<vmem>>
      %dma_start3A_85 = arith.constant 0 : i32
      %dma_start3A_86 = tpu.memref_slice %arg6[%arg0, %add3A_67, %dma_start3A_85] : memref<2x10240x128xf32, #tpu.memory_space<hbm>> -> memref<1x128x128xf32, #tpu.memory_space<hbm>>
      %dma_start3A_87 = tpu.memref_squeeze %dma_start3A_86 : memref<1x128x128xf32, #tpu.memory_space<hbm>> -> memref<128x128xf32, #tpu.memory_space<hbm>>
      %dma_start3A_88 = arith.constant 0 : i32
      %dma_start3A_89 = tpu.memref_slice %arg6[%arg0, %add3A_67, %dma_start3A_88] : memref<2x10240x128xf32, #tpu.memory_space<hbm>> -> memref<1x128x128xf32, #tpu.memory_space<hbm>>
      %dma_start3A_90 = tpu.memref_squeeze %dma_start3A_89 : memref<1x128x128xf32, #tpu.memory_space<hbm>> -> memref<128x128xf32, #tpu.memory_space<hbm>>
      %dma_start3A_91 = arith.constant 0 : i32
      %dma_start3A_92 = arith.constant 0 : i32
      %dma_start3A_93 = tpu.memref_slice %arg12[%run_scoped3A_69, %dma_start3A_91, %dma_start3A_92] : memref<2x128x128xf32, #tpu.memory_space<vmem>> -> memref<1x128x128xf32, #tpu.memory_space<vmem>>
      %dma_start3A_94 = tpu.memref_squeeze %dma_start3A_93 : memref<1x128x128xf32, #tpu.memory_space<vmem>> -> memref<128x128xf32, #tpu.memory_space<vmem>>
      tpu.enqueue_dma source(%dma_start3A_94 : memref<128x128xf32, #tpu.memory_space<vmem>>) target(%dma_start3A_90 : memref<128x128xf32, #tpu.memory_space<hbm>>) target_semaphore(%run_scoped3A_81 : memref<!tpu.dma_semaphore, #tpu.memory_space<semaphore_mem>>)
      %dma_wait3A = arith.constant 0 : i32
      %dma_wait3A_95 = arith.constant 0 : i32
      %dma_wait3A_96 = tpu.memref_slice %arg12[%run_scoped3A_69, %dma_wait3A, %dma_wait3A_95] : memref<2x128x128xf32, #tpu.memory_space<vmem>> -> memref<1x128x128xf32, #tpu.memory_space<vmem>>
      %dma_wait3A_97 = tpu.memref_squeeze %dma_wait3A_96 : memref<1x128x128xf32, #tpu.memory_space<vmem>> -> memref<128x128xf32, #tpu.memory_space<vmem>>
      %dma_wait3A_98 = arith.constant 0 : i32
      %dma_wait3A_99 = tpu.memref_slice %arg6[%arg0, %add3A_67, %dma_wait3A_98] : memref<2x10240x128xf32, #tpu.memory_space<hbm>> -> memref<1x128x128xf32, #tpu.memory_space<hbm>>
      %dma_wait3A_100 = tpu.memref_squeeze %dma_wait3A_99 : memref<1x128x128xf32, #tpu.memory_space<hbm>> -> memref<128x128xf32, #tpu.memory_space<hbm>>
      %dma_wait3A_101 = arith.constant 0 : i32
      %dma_wait3A_102 = tpu.memref_slice %arg6[%arg0, %add3A_67, %dma_wait3A_101] : memref<2x10240x128xf32, #tpu.memory_space<hbm>> -> memref<1x128x128xf32, #tpu.memory_space<hbm>>
      %dma_wait3A_103 = tpu.memref_squeeze %dma_wait3A_102 : memref<1x128x128xf32, #tpu.memory_space<hbm>> -> memref<128x128xf32, #tpu.memory_space<hbm>>
      %dma_wait3A_104 = arith.constant 0 : i32
      %dma_wait3A_105 = arith.constant 0 : i32
      %dma_wait3A_106 = tpu.memref_slice %arg12[%run_scoped3A_69, %dma_wait3A_104, %dma_wait3A_105] : memref<2x128x128xf32, #tpu.memory_space<vmem>> -> memref<1x128x128xf32, #tpu.memory_space<vmem>>
      %dma_wait3A_107 = tpu.memref_squeeze %dma_wait3A_106 : memref<1x128x128xf32, #tpu.memory_space<vmem>> -> memref<128x128xf32, #tpu.memory_space<vmem>>
      tpu.wait_dma2 semaphore(%run_scoped3A_81 : memref<!tpu.dma_semaphore, #tpu.memory_space<semaphore_mem>>) src(%dma_wait3A_107 : memref<128x128xf32, #tpu.memory_space<vmem>>) dst(%dma_wait3A_103 : memref<128x128xf32, #tpu.memory_space<hbm>>)
      tpu.yield
    }) : () -> ()
    %mul3A_70 = arith.constant 640 : i32
    %mul3A_71 = arith.muli %arg1, %mul3A_70 : i32
    %add3A_72 = arith.constant 512 : i32
    %add3A_73 = arith.addi %mul3A_71, %add3A_72 : i32
    %run_scoped3A_74 = arith.constant 0 : i32
    "tpu.region"() ({
      %run_scoped3A_81 = tpu.sem_alloc : memref<!tpu.dma_semaphore, #tpu.memory_space<semaphore_mem>>
      %dma_start3A = arith.constant 0 : i32
      %dma_start3A_82 = arith.constant 0 : i32
      %dma_start3A_83 = tpu.memref_slice %arg12[%run_scoped3A_74, %dma_start3A, %dma_start3A_82] : memref<2x128x128xf32, #tpu.memory_space<vmem>> -> memref<1x128x128xf32, #tpu.memory_space<vmem>>
      %dma_start3A_84 = tpu.memref_squeeze %dma_start3A_83 : memref<1x128x128xf32, #tpu.memory_space<vmem>> -> memref<128x128xf32, #tpu.memory_space<vmem>>
      %dma_start3A_85 = arith.constant 0 : i32
      %dma_start3A_86 = tpu.memref_slice %arg8[%add3A_73, %dma_start3A_85] : memref<10240x128xf32, #tpu.memory_space<vmem_shared>> -> memref<128x128xf32, #tpu.memory_space<vmem_shared>>
      %dma_start3A_87 = arith.constant 0 : i32
      %dma_start3A_88 = arith.constant 0 : i32
      %dma_start3A_89 = tpu.memref_slice %arg12[%run_scoped3A_74, %dma_start3A_87, %dma_start3A_88] : memref<2x128x128xf32, #tpu.memory_space<vmem>> -> memref<1x128x128xf32, #tpu.memory_space<vmem>>
      %dma_start3A_90 = tpu.memref_squeeze %dma_start3A_89 : memref<1x128x128xf32, #tpu.memory_space<vmem>> -> memref<128x128xf32, #tpu.memory_space<vmem>>
      %dma_start3A_91 = arith.constant 0 : i32
      %dma_start3A_92 = tpu.memref_slice %arg8[%add3A_73, %dma_start3A_91] : memref<10240x128xf32, #tpu.memory_space<vmem_shared>> -> memref<128x128xf32, #tpu.memory_space<vmem_shared>>
      tpu.enqueue_dma source(%dma_start3A_92 : memref<128x128xf32, #tpu.memory_space<vmem_shared>>) target(%dma_start3A_90 : memref<128x128xf32, #tpu.memory_space<vmem>>) target_semaphore(%run_scoped3A_81 : memref<!tpu.dma_semaphore, #tpu.memory_space<semaphore_mem>>)
      %dma_wait3A = arith.constant 0 : i32
      %dma_wait3A_93 = arith.constant 0 : i32
      %dma_wait3A_94 = tpu.memref_slice %arg12[%run_scoped3A_74, %dma_wait3A, %dma_wait3A_93] : memref<2x128x128xf32, #tpu.memory_space<vmem>> -> memref<1x128x128xf32, #tpu.memory_space<vmem>>
      %dma_wait3A_95 = tpu.memref_squeeze %dma_wait3A_94 : memref<1x128x128xf32, #tpu.memory_space<vmem>> -> memref<128x128xf32, #tpu.memory_space<vmem>>
      %dma_wait3A_96 = arith.constant 0 : i32
      %dma_wait3A_97 = tpu.memref_slice %arg8[%add3A_73, %dma_wait3A_96] : memref<10240x128xf32, #tpu.memory_space<vmem_shared>> -> memref<128x128xf32, #tpu.memory_space<vmem_shared>>
      %dma_wait3A_98 = arith.constant 0 : i32
      %dma_wait3A_99 = arith.constant 0 : i32
      %dma_wait3A_100 = tpu.memref_slice %arg12[%run_scoped3A_74, %dma_wait3A_98, %dma_wait3A_99] : memref<2x128x128xf32, #tpu.memory_space<vmem>> -> memref<1x128x128xf32, #tpu.memory_space<vmem>>
      %dma_wait3A_101 = tpu.memref_squeeze %dma_wait3A_100 : memref<1x128x128xf32, #tpu.memory_space<vmem>> -> memref<128x128xf32, #tpu.memory_space<vmem>>
      %dma_wait3A_102 = arith.constant 0 : i32
      %dma_wait3A_103 = tpu.memref_slice %arg8[%add3A_73, %dma_wait3A_102] : memref<10240x128xf32, #tpu.memory_space<vmem_shared>> -> memref<128x128xf32, #tpu.memory_space<vmem_shared>>
      tpu.wait_dma2 semaphore(%run_scoped3A_81 : memref<!tpu.dma_semaphore, #tpu.memory_space<semaphore_mem>>) src(%dma_wait3A_103 : memref<128x128xf32, #tpu.memory_space<vmem_shared>>) dst(%dma_wait3A_101 : memref<128x128xf32, #tpu.memory_space<vmem>>)
      tpu.yield
    }) : () -> ()
    %run_scoped3A_75 = arith.constant 0 : i32
    "tpu.region"() ({
      %run_scoped3A_81 = tpu.sem_alloc : memref<!tpu.dma_semaphore, #tpu.memory_space<semaphore_mem>>
      %dma_start3A = arith.constant 0 : i32
      %dma_start3A_82 = arith.constant 0 : i32
      %dma_start3A_83 = tpu.memref_slice %arg12[%run_scoped3A_75, %dma_start3A, %dma_start3A_82] : memref<2x128x128xf32, #tpu.memory_space<vmem>> -> memref<1x128x128xf32, #tpu.memory_space<vmem>>
      %dma_start3A_84 = tpu.memref_squeeze %dma_start3A_83 : memref<1x128x128xf32, #tpu.memory_space<vmem>> -> memref<128x128xf32, #tpu.memory_space<vmem>>
      %dma_start3A_85 = arith.constant 0 : i32
      %dma_start3A_86 = tpu.memref_slice %arg6[%arg0, %add3A_73, %dma_start3A_85] : memref<2x10240x128xf32, #tpu.memory_space<hbm>> -> memref<1x128x128xf32, #tpu.memory_space<hbm>>
      %dma_start3A_87 = tpu.memref_squeeze %dma_start3A_86 : memref<1x128x128xf32, #tpu.memory_space<hbm>> -> memref<128x128xf32, #tpu.memory_space<hbm>>
      %dma_start3A_88 = arith.constant 0 : i32
      %dma_start3A_89 = tpu.memref_slice %arg6[%arg0, %add3A_73, %dma_start3A_88] : memref<2x10240x128xf32, #tpu.memory_space<hbm>> -> memref<1x128x128xf32, #tpu.memory_space<hbm>>
      %dma_start3A_90 = tpu.memref_squeeze %dma_start3A_89 : memref<1x128x128xf32, #tpu.memory_space<hbm>> -> memref<128x128xf32, #tpu.memory_space<hbm>>
      %dma_start3A_91 = arith.constant 0 : i32
      %dma_start3A_92 = arith.constant 0 : i32
      %dma_start3A_93 = tpu.memref_slice %arg12[%run_scoped3A_75, %dma_start3A_91, %dma_start3A_92] : memref<2x128x128xf32, #tpu.memory_space<vmem>> -> memref<1x128x128xf32, #tpu.memory_space<vmem>>
      %dma_start3A_94 = tpu.memref_squeeze %dma_start3A_93 : memref<1x128x128xf32, #tpu.memory_space<vmem>> -> memref<128x128xf32, #tpu.memory_space<vmem>>
      tpu.enqueue_dma source(%dma_start3A_94 : memref<128x128xf32, #tpu.memory_space<vmem>>) target(%dma_start3A_90 : memref<128x128xf32, #tpu.memory_space<hbm>>) target_semaphore(%run_scoped3A_81 : memref<!tpu.dma_semaphore, #tpu.memory_space<semaphore_mem>>)
      %dma_wait3A = arith.constant 0 : i32
      %dma_wait3A_95 = arith.constant 0 : i32
      %dma_wait3A_96 = tpu.memref_slice %arg12[%run_scoped3A_75, %dma_wait3A, %dma_wait3A_95] : memref<2x128x128xf32, #tpu.memory_space<vmem>> -> memref<1x128x128xf32, #tpu.memory_space<vmem>>
      %dma_wait3A_97 = tpu.memref_squeeze %dma_wait3A_96 : memref<1x128x128xf32, #tpu.memory_space<vmem>> -> memref<128x128xf32, #tpu.memory_space<vmem>>
      %dma_wait3A_98 = arith.constant 0 : i32
      %dma_wait3A_99 = tpu.memref_slice %arg6[%arg0, %add3A_73, %dma_wait3A_98] : memref<2x10240x128xf32, #tpu.memory_space<hbm>> -> memref<1x128x128xf32, #tpu.memory_space<hbm>>
      %dma_wait3A_100 = tpu.memref_squeeze %dma_wait3A_99 : memref<1x128x128xf32, #tpu.memory_space<hbm>> -> memref<128x128xf32, #tpu.memory_space<hbm>>
      %dma_wait3A_101 = arith.constant 0 : i32
      %dma_wait3A_102 = tpu.memref_slice %arg6[%arg0, %add3A_73, %dma_wait3A_101] : memref<2x10240x128xf32, #tpu.memory_space<hbm>> -> memref<1x128x128xf32, #tpu.memory_space<hbm>>
      %dma_wait3A_103 = tpu.memref_squeeze %dma_wait3A_102 : memref<1x128x128xf32, #tpu.memory_space<hbm>> -> memref<128x128xf32, #tpu.memory_space<hbm>>
      %dma_wait3A_104 = arith.constant 0 : i32
      %dma_wait3A_105 = arith.constant 0 : i32
      %dma_wait3A_106 = tpu.memref_slice %arg12[%run_scoped3A_75, %dma_wait3A_104, %dma_wait3A_105] : memref<2x128x128xf32, #tpu.memory_space<vmem>> -> memref<1x128x128xf32, #tpu.memory_space<vmem>>
      %dma_wait3A_107 = tpu.memref_squeeze %dma_wait3A_106 : memref<1x128x128xf32, #tpu.memory_space<vmem>> -> memref<128x128xf32, #tpu.memory_space<vmem>>
      tpu.wait_dma2 semaphore(%run_scoped3A_81 : memref<!tpu.dma_semaphore, #tpu.memory_space<semaphore_mem>>) src(%dma_wait3A_107 : memref<128x128xf32, #tpu.memory_space<vmem>>) dst(%dma_wait3A_103 : memref<128x128xf32, #tpu.memory_space<hbm>>)
      tpu.yield
    }) : () -> ()
    %eq3A_76 = arith.constant 0 : i32
    %eq3A_77 = arith.cmpi eq, %arg0, %eq3A_76 : i32
    %convert_element_type3A_78 = arith.extui %eq3A_77 : i1 to i32
    %cond3A_79 = arith.constant 0 : i32
    %cond3A_80 = arith.cmpi ne, %convert_element_type3A_78, %cond3A_79 : i32
    scf.if %cond3A_80 {
      %mul3A_81 = arith.constant 640 : i32
      %mul3A_82 = arith.muli %arg1, %mul3A_81 : i32
      "tpu.region"() ({
        %run_scoped3A_85 = tpu.sem_alloc : memref<!tpu.dma_semaphore, #tpu.memory_space<semaphore_mem>>
        %dma_start3A = tpu.memref_slice %arg9[%mul3A_82] : memref<10240xf32, #tpu.memory_space<vmem_shared>> -> memref<640xf32, #tpu.memory_space<vmem_shared>>
        %dma_start3A_86 = tpu.memref_slice %arg9[%mul3A_82] : memref<10240xf32, #tpu.memory_space<vmem_shared>> -> memref<640xf32, #tpu.memory_space<vmem_shared>>
        tpu.enqueue_dma source(%dma_start3A_86 : memref<640xf32, #tpu.memory_space<vmem_shared>>) target(%arg14 : memref<640xf32, #tpu.memory_space<vmem>>) target_semaphore(%run_scoped3A_85 : memref<!tpu.dma_semaphore, #tpu.memory_space<semaphore_mem>>)
        %dma_wait3A = tpu.memref_slice %arg9[%mul3A_82] : memref<10240xf32, #tpu.memory_space<vmem_shared>> -> memref<640xf32, #tpu.memory_space<vmem_shared>>
        %dma_wait3A_87 = tpu.memref_slice %arg9[%mul3A_82] : memref<10240xf32, #tpu.memory_space<vmem_shared>> -> memref<640xf32, #tpu.memory_space<vmem_shared>>
        tpu.wait_dma2 semaphore(%run_scoped3A_85 : memref<!tpu.dma_semaphore, #tpu.memory_space<semaphore_mem>>) src(%dma_wait3A_87 : memref<640xf32, #tpu.memory_space<vmem_shared>>) dst(%arg14 : memref<640xf32, #tpu.memory_space<vmem>>)
        tpu.yield
      }) : () -> ()
      %mul3A_83 = arith.constant 640 : i32
      %mul3A_84 = arith.muli %arg1, %mul3A_83 : i32
      "tpu.region"() ({
        %run_scoped3A_85 = tpu.sem_alloc : memref<!tpu.dma_semaphore, #tpu.memory_space<semaphore_mem>>
        %dma_start3A = tpu.memref_slice %arg7[%mul3A_84] : memref<10240xf32, #tpu.memory_space<hbm>> -> memref<640xf32, #tpu.memory_space<hbm>>
        %dma_start3A_86 = tpu.memref_slice %arg7[%mul3A_84] : memref<10240xf32, #tpu.memory_space<hbm>> -> memref<640xf32, #tpu.memory_space<hbm>>
        tpu.enqueue_dma source(%arg14 : memref<640xf32, #tpu.memory_space<vmem>>) target(%dma_start3A_86 : memref<640xf32, #tpu.memory_space<hbm>>) target_semaphore(%run_scoped3A_85 : memref<!tpu.dma_semaphore, #tpu.memory_space<semaphore_mem>>)
        %dma_wait3A = tpu.memref_slice %arg7[%mul3A_84] : memref<10240xf32, #tpu.memory_space<hbm>> -> memref<640xf32, #tpu.memory_space<hbm>>
        %dma_wait3A_87 = tpu.memref_slice %arg7[%mul3A_84] : memref<10240xf32, #tpu.memory_space<hbm>> -> memref<640xf32, #tpu.memory_space<hbm>>
        tpu.wait_dma2 semaphore(%run_scoped3A_85 : memref<!tpu.dma_semaphore, #tpu.memory_space<semaphore_mem>>) src(%arg14 : memref<640xf32, #tpu.memory_space<vmem>>) dst(%dma_wait3A_87 : memref<640xf32, #tpu.memory_space<hbm>>)
        tpu.yield
      }) : () -> ()
    } else {
    }
    return
  }
}

#map = affine_map<(d0, d1) -> (0, 0)>
#map1 = affine_map<(d0, d1) -> (0, 0, 0)>
#map2 = affine_map<(d0, d1) -> (0)>
module attributes {stable_mosaic.version = 14 : i64} {
  func.func @sage_sc_agg_cnt0(%arg0: i32, %arg1: i32, %arg2: memref<10000x128xf32, #tpu.memory_space<hbm>>, %arg3: memref<10000x128xf32, #tpu.memory_space<hbm>>, %arg4: memref<16x80x128xi32, #tpu.memory_space<hbm>>, %arg5: memref<16x80x128xi32, #tpu.memory_space<hbm>>, %arg6: memref<2x10240x128xf32, #tpu.memory_space<hbm>>, %arg7: memref<10240xf32, #tpu.memory_space<hbm>>, %arg8: memref<10240x128xf32, #tpu.memory_space<vmem_shared>>, %arg9: memref<10240xf32, #tpu.memory_space<vmem_shared>>, %arg10: memref<40x128xi32, #tpu.memory_space<vmem>>, %arg11: memref<40x128xi32, #tpu.memory_space<vmem>>, %arg12: memref<2x128x128xf32, #tpu.memory_space<vmem>>, %arg13: memref<128xf32, #tpu.memory_space<vmem>>, %arg14: memref<640xf32, #tpu.memory_space<vmem>>, %arg15: memref<!tpu.dma_semaphore, #tpu.memory_space<semaphore_mem>>, %arg16: memref<!tpu.dma_semaphore, #tpu.memory_space<semaphore_mem>>, %arg17: memref<!tpu.dma_semaphore, #tpu.memory_space<semaphore_mem>>, %arg18: memref<!tpu.dma_semaphore, #tpu.memory_space<semaphore_mem>>) attributes {dimension_semantics = [#tpu.dimension_semantics<core_parallel>, #tpu.dimension_semantics<subcore_parallel>], iteration_bounds = array<i64: 2, 16>, scalar_prefetch = 0 : i64, scratch_operands = 11 : i64, tpu.core_type = #tpu.core_type<sc_vector_subcore>, window_params = [{transform_indices = #map}, {transform_indices = #map}, {transform_indices = #map1}, {transform_indices = #map1}, {transform_indices = #map1}, {transform_indices = #map2}]} {
    %scan3A = arith.constant 0 : i32
    %scan3A_0 = arith.constant 128 : i32
    %scan3A_1 = arith.addi %scan3A, %scan3A_0 : i32
    %scan3A_2 = arith.constant 1 : i32
    scf.for %scan3A_76 = %scan3A to %scan3A_1 step %scan3A_2  : i32 {
      %mul3A_77 = arith.constant 1 : i32
      %mul3A_78 = arith.muli %scan3A_76, %mul3A_77 : i32
      %add3A_79 = arith.constant 0 : i32
      %add3A_80 = arith.addi %add3A_79, %mul3A_78 : i32
      %broadcast_in_dim3A = arith.constant 0.000000e+00 : f32
      %broadcast_in_dim3A_81 = vector.broadcast %broadcast_in_dim3A : f32 to vector<16xf32>
      %swap3A = arith.constant 0 : i32
      %swap3A_82 = arith.index_cast %swap3A : i32 to index
      %swap3A_83 = arith.index_cast %add3A_80 : i32 to index
      %swap3A_84 = arith.constant 0 : index
      %swap3A_85 = tpu.vector_load %arg12[%swap3A_82, %swap3A_83, %swap3A_84] {strides = array<i32>} : memref<2x128x128xf32, #tpu.memory_space<vmem>>, vector<1x1x16xf32>,
      %swap3A_86 = vector.shape_cast %swap3A_85 : vector<1x1x16xf32> to vector<16xf32>
      %swap3A_87 = vector.shape_cast %broadcast_in_dim3A_81 : vector<16xf32> to vector<1x1x16xf32>
      tpu.vector_store %arg12[%swap3A_82, %swap3A_83, %swap3A_84], %swap3A_87 {strides = array<i32>} : memref<2x128x128xf32, #tpu.memory_space<vmem>>, vector<1x1x16xf32>,
      %broadcast_in_dim3A_88 = arith.constant 0.000000e+00 : f32
      %broadcast_in_dim3A_89 = vector.broadcast %broadcast_in_dim3A_88 : f32 to vector<16xf32>
      %swap3A_90 = arith.constant 0 : i32
      %swap3A_91 = arith.index_cast %swap3A_90 : i32 to index
      %swap3A_92 = arith.index_cast %add3A_80 : i32 to index
      %swap3A_93 = arith.constant 16 : index
      %swap3A_94 = tpu.vector_load %arg12[%swap3A_91, %swap3A_92, %swap3A_93] {strides = array<i32>} : memref<2x128x128xf32, #tpu.memory_space<vmem>>, vector<1x1x16xf32>,
      %swap3A_95 = vector.shape_cast %swap3A_94 : vector<1x1x16xf32> to vector<16xf32>
      %swap3A_96 = vector.shape_cast %broadcast_in_dim3A_89 : vector<16xf32> to vector<1x1x16xf32>
      tpu.vector_store %arg12[%swap3A_91, %swap3A_92, %swap3A_93], %swap3A_96 {strides = array<i32>} : memref<2x128x128xf32, #tpu.memory_space<vmem>>, vector<1x1x16xf32>,
      %broadcast_in_dim3A_97 = arith.constant 0.000000e+00 : f32
      %broadcast_in_dim3A_98 = vector.broadcast %broadcast_in_dim3A_97 : f32 to vector<16xf32>
      %swap3A_99 = arith.constant 0 : i32
      %swap3A_100 = arith.index_cast %swap3A_99 : i32 to index
      %swap3A_101 = arith.index_cast %add3A_80 : i32 to index
      %swap3A_102 = arith.constant 32 : index
      %swap3A_103 = tpu.vector_load %arg12[%swap3A_100, %swap3A_101, %swap3A_102] {strides = array<i32>} : memref<2x128x128xf32, #tpu.memory_space<vmem>>, vector<1x1x16xf32>,
      %swap3A_104 = vector.shape_cast %swap3A_103 : vector<1x1x16xf32> to vector<16xf32>
      %swap3A_105 = vector.shape_cast %broadcast_in_dim3A_98 : vector<16xf32> to vector<1x1x16xf32>
      tpu.vector_store %arg12[%swap3A_100, %swap3A_101, %swap3A_102], %swap3A_105 {strides = array<i32>} : memref<2x128x128xf32, #tpu.memory_space<vmem>>, vector<1x1x16xf32>,
      %broadcast_in_dim3A_106 = arith.constant 0.000000e+00 : f32
      %broadcast_in_dim3A_107 = vector.broadcast %broadcast_in_dim3A_106 : f32 to vector<16xf32>
      %swap3A_108 = arith.constant 0 : i32
      %swap3A_109 = arith.index_cast %swap3A_108 : i32 to index
      %swap3A_110 = arith.index_cast %add3A_80 : i32 to index
      %swap3A_111 = arith.constant 48 : index
      %swap3A_112 = tpu.vector_load %arg12[%swap3A_109, %swap3A_110, %swap3A_111] {strides = array<i32>} : memref<2x128x128xf32, #tpu.memory_space<vmem>>, vector<1x1x16xf32>,
      %swap3A_113 = vector.shape_cast %swap3A_112 : vector<1x1x16xf32> to vector<16xf32>
      %swap3A_114 = vector.shape_cast %broadcast_in_dim3A_107 : vector<16xf32> to vector<1x1x16xf32>
      tpu.vector_store %arg12[%swap3A_109, %swap3A_110, %swap3A_111], %swap3A_114 {strides = array<i32>} : memref<2x128x128xf32, #tpu.memory_space<vmem>>, vector<1x1x16xf32>,
      %broadcast_in_dim3A_115 = arith.constant 0.000000e+00 : f32
      %broadcast_in_dim3A_116 = vector.broadcast %broadcast_in_dim3A_115 : f32 to vector<16xf32>
      %swap3A_117 = arith.constant 0 : i32
      %swap3A_118 = arith.index_cast %swap3A_117 : i32 to index
      %swap3A_119 = arith.index_cast %add3A_80 : i32 to index
      %swap3A_120 = arith.constant 64 : index
      %swap3A_121 = tpu.vector_load %arg12[%swap3A_118, %swap3A_119, %swap3A_120] {strides = array<i32>} : memref<2x128x128xf32, #tpu.memory_space<vmem>>, vector<1x1x16xf32>,
      %swap3A_122 = vector.shape_cast %swap3A_121 : vector<1x1x16xf32> to vector<16xf32>
      %swap3A_123 = vector.shape_cast %broadcast_in_dim3A_116 : vector<16xf32> to vector<1x1x16xf32>
      tpu.vector_store %arg12[%swap3A_118, %swap3A_119, %swap3A_120], %swap3A_123 {strides = array<i32>} : memref<2x128x128xf32, #tpu.memory_space<vmem>>, vector<1x1x16xf32>,
      %broadcast_in_dim3A_124 = arith.constant 0.000000e+00 : f32
      %broadcast_in_dim3A_125 = vector.broadcast %broadcast_in_dim3A_124 : f32 to vector<16xf32>
      %swap3A_126 = arith.constant 0 : i32
      %swap3A_127 = arith.index_cast %swap3A_126 : i32 to index
      %swap3A_128 = arith.index_cast %add3A_80 : i32 to index
      %swap3A_129 = arith.constant 80 : index
      %swap3A_130 = tpu.vector_load %arg12[%swap3A_127, %swap3A_128, %swap3A_129] {strides = array<i32>} : memref<2x128x128xf32, #tpu.memory_space<vmem>>, vector<1x1x16xf32>,
      %swap3A_131 = vector.shape_cast %swap3A_130 : vector<1x1x16xf32> to vector<16xf32>
      %swap3A_132 = vector.shape_cast %broadcast_in_dim3A_125 : vector<16xf32> to vector<1x1x16xf32>
      tpu.vector_store %arg12[%swap3A_127, %swap3A_128, %swap3A_129], %swap3A_132 {strides = array<i32>} : memref<2x128x128xf32, #tpu.memory_space<vmem>>, vector<1x1x16xf32>,
      %broadcast_in_dim3A_133 = arith.constant 0.000000e+00 : f32
      %broadcast_in_dim3A_134 = vector.broadcast %broadcast_in_dim3A_133 : f32 to vector<16xf32>
      %swap3A_135 = arith.constant 0 : i32
      %swap3A_136 = arith.index_cast %swap3A_135 : i32 to index
      %swap3A_137 = arith.index_cast %add3A_80 : i32 to index
      %swap3A_138 = arith.constant 96 : index
      %swap3A_139 = tpu.vector_load %arg12[%swap3A_136, %swap3A_137, %swap3A_138] {strides = array<i32>} : memref<2x128x128xf32, #tpu.memory_space<vmem>>, vector<1x1x16xf32>,
      %swap3A_140 = vector.shape_cast %swap3A_139 : vector<1x1x16xf32> to vector<16xf32>
      %swap3A_141 = vector.shape_cast %broadcast_in_dim3A_134 : vector<16xf32> to vector<1x1x16xf32>
      tpu.vector_store %arg12[%swap3A_136, %swap3A_137, %swap3A_138], %swap3A_141 {strides = array<i32>} : memref<2x128x128xf32, #tpu.memory_space<vmem>>, vector<1x1x16xf32>,
      %broadcast_in_dim3A_142 = arith.constant 0.000000e+00 : f32
      %broadcast_in_dim3A_143 = vector.broadcast %broadcast_in_dim3A_142 : f32 to vector<16xf32>
      %swap3A_144 = arith.constant 0 : i32
      %swap3A_145 = arith.index_cast %swap3A_144 : i32 to index
      %swap3A_146 = arith.index_cast %add3A_80 : i32 to index
      %swap3A_147 = arith.constant 112 : index
      %swap3A_148 = tpu.vector_load %arg12[%swap3A_145, %swap3A_146, %swap3A_147] {strides = array<i32>} : memref<2x128x128xf32, #tpu.memory_space<vmem>>, vector<1x1x16xf32>,
      %swap3A_149 = vector.shape_cast %swap3A_148 : vector<1x1x16xf32> to vector<16xf32>
      %swap3A_150 = vector.shape_cast %broadcast_in_dim3A_143 : vector<16xf32> to vector<1x1x16xf32>
      tpu.vector_store %arg12[%swap3A_145, %swap3A_146, %swap3A_147], %swap3A_150 {strides = array<i32>} : memref<2x128x128xf32, #tpu.memory_space<vmem>>, vector<1x1x16xf32>,
    }
    %scan3A_3 = arith.constant 128 : i32
    %scan3A_4 = arith.constant 0 : i32
    %scan3A_5 = arith.constant 8 : i32
    %scan3A_6 = arith.addi %scan3A_4, %scan3A_5 : i32
    %scan3A_7 = arith.constant 1 : i32
    scf.for %scan3A_76 = %scan3A_4 to %scan3A_6 step %scan3A_7  : i32 {
      %mul3A_77 = arith.constant 1 : i32
      %mul3A_78 = arith.muli %scan3A_76, %mul3A_77 : i32
      %add3A_79 = arith.constant 0 : i32
      %add3A_80 = arith.addi %add3A_79, %mul3A_78 : i32
      %broadcast_in_dim3A = arith.constant 1.000000e+00 : f32
      %broadcast_in_dim3A_81 = vector.broadcast %broadcast_in_dim3A : f32 to vector<16xf32>
      %mul3A_82 = arith.constant 16 : i32
      %mul3A_83 = arith.muli %add3A_80, %mul3A_82 : i32
      %swap3A = arith.index_cast %mul3A_83 : i32 to index
      %swap3A_84 = tpu.vector_load %arg13[%swap3A] {strides = array<i32>} : memref<128xf32, #tpu.memory_space<vmem>>, vector<16xf32>,
      %swap3A_85 = vector.shape_cast %swap3A_84 : vector<16xf32> to vector<16xf32>
      %swap3A_86 = vector.shape_cast %broadcast_in_dim3A_81 : vector<16xf32> to vector<16xf32>
      tpu.vector_store %arg13[%swap3A], %swap3A_86 {strides = array<i32>} : memref<128xf32, #tpu.memory_space<vmem>>, vector<16xf32>,
    }
    %scan3A_8 = arith.constant 8 : i32
    %scan3A_9 = arith.constant 0 : i32
    %scan3A_10 = arith.constant 40 : i32
    %scan3A_11 = arith.addi %scan3A_9, %scan3A_10 : i32
    %scan3A_12 = arith.constant 1 : i32
    scf.for %scan3A_76 = %scan3A_9 to %scan3A_11 step %scan3A_12  : i32 {
      %mul3A_77 = arith.constant 1 : i32
      %mul3A_78 = arith.muli %scan3A_76, %mul3A_77 : i32
      %add3A_79 = arith.constant 0 : i32
      %add3A_80 = arith.addi %add3A_79, %mul3A_78 : i32
      %broadcast_in_dim3A = arith.constant 0.000000e+00 : f32
      %broadcast_in_dim3A_81 = vector.broadcast %broadcast_in_dim3A : f32 to vector<16xf32>
      %mul3A_82 = arith.constant 16 : i32
      %mul3A_83 = arith.muli %add3A_80, %mul3A_82 : i32
      %swap3A = arith.index_cast %mul3A_83 : i32 to index
      %swap3A_84 = tpu.vector_load %arg14[%swap3A] {strides = array<i32>} : memref<640xf32, #tpu.memory_space<vmem>>, vector<16xf32>,
      %swap3A_85 = vector.shape_cast %swap3A_84 : vector<16xf32> to vector<16xf32>
      %swap3A_86 = vector.shape_cast %broadcast_in_dim3A_81 : vector<16xf32> to vector<16xf32>
      tpu.vector_store %arg14[%swap3A], %swap3A_86 {strides = array<i32>} : memref<640xf32, #tpu.memory_space<vmem>>, vector<16xf32>,
    }
    %scan3A_13 = arith.constant 40 : i32
    %mul3A = arith.constant 640 : i32
    %mul3A_14 = arith.muli %arg1, %mul3A : i32
    %add3A = arith.constant 0 : i32
    %add3A_15 = arith.addi %mul3A_14, %add3A : i32
    %run_scoped3A = arith.constant 0 : i32
    "tpu.region"() ({
      %run_scoped3A_76 = tpu.sem_alloc : memref<!tpu.dma_semaphore, #tpu.memory_space<semaphore_mem>>
      %dma_start3A = arith.constant 0 : i32
      %dma_start3A_77 = arith.constant 0 : i32
      %dma_start3A_78 = tpu.memref_slice %arg12[%run_scoped3A, %dma_start3A, %dma_start3A_77] : memref<2x128x128xf32, #tpu.memory_space<vmem>> -> memref<1x128x128xf32, #tpu.memory_space<vmem>>
      %dma_start3A_79 = tpu.memref_squeeze %dma_start3A_78 : memref<1x128x128xf32, #tpu.memory_space<vmem>> -> memref<128x128xf32, #tpu.memory_space<vmem>>
      %dma_start3A_80 = arith.constant 0 : i32
      %dma_start3A_81 = tpu.memref_slice %arg8[%add3A_15, %dma_start3A_80] : memref<10240x128xf32, #tpu.memory_space<vmem_shared>> -> memref<128x128xf32, #tpu.memory_space<vmem_shared>>
      %dma_start3A_82 = arith.constant 0 : i32
      %dma_start3A_83 = tpu.memref_slice %arg8[%add3A_15, %dma_start3A_82] : memref<10240x128xf32, #tpu.memory_space<vmem_shared>> -> memref<128x128xf32, #tpu.memory_space<vmem_shared>>
      %dma_start3A_84 = arith.constant 0 : i32
      %dma_start3A_85 = arith.constant 0 : i32
      %dma_start3A_86 = tpu.memref_slice %arg12[%run_scoped3A, %dma_start3A_84, %dma_start3A_85] : memref<2x128x128xf32, #tpu.memory_space<vmem>> -> memref<1x128x128xf32, #tpu.memory_space<vmem>>
      %dma_start3A_87 = tpu.memref_squeeze %dma_start3A_86 : memref<1x128x128xf32, #tpu.memory_space<vmem>> -> memref<128x128xf32, #tpu.memory_space<vmem>>
      tpu.enqueue_dma source(%dma_start3A_87 : memref<128x128xf32, #tpu.memory_space<vmem>>) target(%dma_start3A_83 : memref<128x128xf32, #tpu.memory_space<vmem_shared>>) target_semaphore(%run_scoped3A_76 : memref<!tpu.dma_semaphore, #tpu.memory_space<semaphore_mem>>)
      %dma_wait3A = arith.constant 0 : i32
      %dma_wait3A_88 = arith.constant 0 : i32
      %dma_wait3A_89 = tpu.memref_slice %arg12[%run_scoped3A, %dma_wait3A, %dma_wait3A_88] : memref<2x128x128xf32, #tpu.memory_space<vmem>> -> memref<1x128x128xf32, #tpu.memory_space<vmem>>
      %dma_wait3A_90 = tpu.memref_squeeze %dma_wait3A_89 : memref<1x128x128xf32, #tpu.memory_space<vmem>> -> memref<128x128xf32, #tpu.memory_space<vmem>>
      %dma_wait3A_91 = arith.constant 0 : i32
      %dma_wait3A_92 = tpu.memref_slice %arg8[%add3A_15, %dma_wait3A_91] : memref<10240x128xf32, #tpu.memory_space<vmem_shared>> -> memref<128x128xf32, #tpu.memory_space<vmem_shared>>
      %dma_wait3A_93 = arith.constant 0 : i32
      %dma_wait3A_94 = tpu.memref_slice %arg8[%add3A_15, %dma_wait3A_93] : memref<10240x128xf32, #tpu.memory_space<vmem_shared>> -> memref<128x128xf32, #tpu.memory_space<vmem_shared>>
      %dma_wait3A_95 = arith.constant 0 : i32
      %dma_wait3A_96 = arith.constant 0 : i32
      %dma_wait3A_97 = tpu.memref_slice %arg12[%run_scoped3A, %dma_wait3A_95, %dma_wait3A_96] : memref<2x128x128xf32, #tpu.memory_space<vmem>> -> memref<1x128x128xf32, #tpu.memory_space<vmem>>
      %dma_wait3A_98 = tpu.memref_squeeze %dma_wait3A_97 : memref<1x128x128xf32, #tpu.memory_space<vmem>> -> memref<128x128xf32, #tpu.memory_space<vmem>>
      tpu.wait_dma2 semaphore(%run_scoped3A_76 : memref<!tpu.dma_semaphore, #tpu.memory_space<semaphore_mem>>) src(%dma_wait3A_98 : memref<128x128xf32, #tpu.memory_space<vmem>>) dst(%dma_wait3A_94 : memref<128x128xf32, #tpu.memory_space<vmem_shared>>)
      tpu.yield
    }) : () -> ()
    %mul3A_16 = arith.constant 640 : i32
    %mul3A_17 = arith.muli %arg1, %mul3A_16 : i32
    %add3A_18 = arith.constant 128 : i32
    %add3A_19 = arith.addi %mul3A_17, %add3A_18 : i32
    %run_scoped3A_20 = arith.constant 0 : i32
    "tpu.region"() ({
      %run_scoped3A_76 = tpu.sem_alloc : memref<!tpu.dma_semaphore, #tpu.memory_space<semaphore_mem>>
      %dma_start3A = arith.constant 0 : i32
      %dma_start3A_77 = arith.constant 0 : i32
      %dma_start3A_78 = tpu.memref_slice %arg12[%run_scoped3A_20, %dma_start3A, %dma_start3A_77] : memref<2x128x128xf32, #tpu.memory_space<vmem>> -> memref<1x128x128xf32, #tpu.memory_space<vmem>>
      %dma_start3A_79 = tpu.memref_squeeze %dma_start3A_78 : memref<1x128x128xf32, #tpu.memory_space<vmem>> -> memref<128x128xf32, #tpu.memory_space<vmem>>
      %dma_start3A_80 = arith.constant 0 : i32
      %dma_start3A_81 = tpu.memref_slice %arg8[%add3A_19, %dma_start3A_80] : memref<10240x128xf32, #tpu.memory_space<vmem_shared>> -> memref<128x128xf32, #tpu.memory_space<vmem_shared>>
      %dma_start3A_82 = arith.constant 0 : i32
      %dma_start3A_83 = tpu.memref_slice %arg8[%add3A_19, %dma_start3A_82] : memref<10240x128xf32, #tpu.memory_space<vmem_shared>> -> memref<128x128xf32, #tpu.memory_space<vmem_shared>>
      %dma_start3A_84 = arith.constant 0 : i32
      %dma_start3A_85 = arith.constant 0 : i32
      %dma_start3A_86 = tpu.memref_slice %arg12[%run_scoped3A_20, %dma_start3A_84, %dma_start3A_85] : memref<2x128x128xf32, #tpu.memory_space<vmem>> -> memref<1x128x128xf32, #tpu.memory_space<vmem>>
      %dma_start3A_87 = tpu.memref_squeeze %dma_start3A_86 : memref<1x128x128xf32, #tpu.memory_space<vmem>> -> memref<128x128xf32, #tpu.memory_space<vmem>>
      tpu.enqueue_dma source(%dma_start3A_87 : memref<128x128xf32, #tpu.memory_space<vmem>>) target(%dma_start3A_83 : memref<128x128xf32, #tpu.memory_space<vmem_shared>>) target_semaphore(%run_scoped3A_76 : memref<!tpu.dma_semaphore, #tpu.memory_space<semaphore_mem>>)
      %dma_wait3A = arith.constant 0 : i32
      %dma_wait3A_88 = arith.constant 0 : i32
      %dma_wait3A_89 = tpu.memref_slice %arg12[%run_scoped3A_20, %dma_wait3A, %dma_wait3A_88] : memref<2x128x128xf32, #tpu.memory_space<vmem>> -> memref<1x128x128xf32, #tpu.memory_space<vmem>>
      %dma_wait3A_90 = tpu.memref_squeeze %dma_wait3A_89 : memref<1x128x128xf32, #tpu.memory_space<vmem>> -> memref<128x128xf32, #tpu.memory_space<vmem>>
      %dma_wait3A_91 = arith.constant 0 : i32
      %dma_wait3A_92 = tpu.memref_slice %arg8[%add3A_19, %dma_wait3A_91] : memref<10240x128xf32, #tpu.memory_space<vmem_shared>> -> memref<128x128xf32, #tpu.memory_space<vmem_shared>>
      %dma_wait3A_93 = arith.constant 0 : i32
      %dma_wait3A_94 = tpu.memref_slice %arg8[%add3A_19, %dma_wait3A_93] : memref<10240x128xf32, #tpu.memory_space<vmem_shared>> -> memref<128x128xf32, #tpu.memory_space<vmem_shared>>
      %dma_wait3A_95 = arith.constant 0 : i32
      %dma_wait3A_96 = arith.constant 0 : i32
      %dma_wait3A_97 = tpu.memref_slice %arg12[%run_scoped3A_20, %dma_wait3A_95, %dma_wait3A_96] : memref<2x128x128xf32, #tpu.memory_space<vmem>> -> memref<1x128x128xf32, #tpu.memory_space<vmem>>
      %dma_wait3A_98 = tpu.memref_squeeze %dma_wait3A_97 : memref<1x128x128xf32, #tpu.memory_space<vmem>> -> memref<128x128xf32, #tpu.memory_space<vmem>>
      tpu.wait_dma2 semaphore(%run_scoped3A_76 : memref<!tpu.dma_semaphore, #tpu.memory_space<semaphore_mem>>) src(%dma_wait3A_98 : memref<128x128xf32, #tpu.memory_space<vmem>>) dst(%dma_wait3A_94 : memref<128x128xf32, #tpu.memory_space<vmem_shared>>)
      tpu.yield
    }) : () -> ()
    %mul3A_21 = arith.constant 640 : i32
    %mul3A_22 = arith.muli %arg1, %mul3A_21 : i32
    %add3A_23 = arith.constant 256 : i32
    %add3A_24 = arith.addi %mul3A_22, %add3A_23 : i32
    %run_scoped3A_25 = arith.constant 0 : i32
    "tpu.region"() ({
      %run_scoped3A_76 = tpu.sem_alloc : memref<!tpu.dma_semaphore, #tpu.memory_space<semaphore_mem>>
      %dma_start3A = arith.constant 0 : i32
      %dma_start3A_77 = arith.constant 0 : i32
      %dma_start3A_78 = tpu.memref_slice %arg12[%run_scoped3A_25, %dma_start3A, %dma_start3A_77] : memref<2x128x128xf32, #tpu.memory_space<vmem>> -> memref<1x128x128xf32, #tpu.memory_space<vmem>>
      %dma_start3A_79 = tpu.memref_squeeze %dma_start3A_78 : memref<1x128x128xf32, #tpu.memory_space<vmem>> -> memref<128x128xf32, #tpu.memory_space<vmem>>
      %dma_start3A_80 = arith.constant 0 : i32
      %dma_start3A_81 = tpu.memref_slice %arg8[%add3A_24, %dma_start3A_80] : memref<10240x128xf32, #tpu.memory_space<vmem_shared>> -> memref<128x128xf32, #tpu.memory_space<vmem_shared>>
      %dma_start3A_82 = arith.constant 0 : i32
      %dma_start3A_83 = tpu.memref_slice %arg8[%add3A_24, %dma_start3A_82] : memref<10240x128xf32, #tpu.memory_space<vmem_shared>> -> memref<128x128xf32, #tpu.memory_space<vmem_shared>>
      %dma_start3A_84 = arith.constant 0 : i32
      %dma_start3A_85 = arith.constant 0 : i32
      %dma_start3A_86 = tpu.memref_slice %arg12[%run_scoped3A_25, %dma_start3A_84, %dma_start3A_85] : memref<2x128x128xf32, #tpu.memory_space<vmem>> -> memref<1x128x128xf32, #tpu.memory_space<vmem>>
      %dma_start3A_87 = tpu.memref_squeeze %dma_start3A_86 : memref<1x128x128xf32, #tpu.memory_space<vmem>> -> memref<128x128xf32, #tpu.memory_space<vmem>>
      tpu.enqueue_dma source(%dma_start3A_87 : memref<128x128xf32, #tpu.memory_space<vmem>>) target(%dma_start3A_83 : memref<128x128xf32, #tpu.memory_space<vmem_shared>>) target_semaphore(%run_scoped3A_76 : memref<!tpu.dma_semaphore, #tpu.memory_space<semaphore_mem>>)
      %dma_wait3A = arith.constant 0 : i32
      %dma_wait3A_88 = arith.constant 0 : i32
      %dma_wait3A_89 = tpu.memref_slice %arg12[%run_scoped3A_25, %dma_wait3A, %dma_wait3A_88] : memref<2x128x128xf32, #tpu.memory_space<vmem>> -> memref<1x128x128xf32, #tpu.memory_space<vmem>>
      %dma_wait3A_90 = tpu.memref_squeeze %dma_wait3A_89 : memref<1x128x128xf32, #tpu.memory_space<vmem>> -> memref<128x128xf32, #tpu.memory_space<vmem>>
      %dma_wait3A_91 = arith.constant 0 : i32
      %dma_wait3A_92 = tpu.memref_slice %arg8[%add3A_24, %dma_wait3A_91] : memref<10240x128xf32, #tpu.memory_space<vmem_shared>> -> memref<128x128xf32, #tpu.memory_space<vmem_shared>>
      %dma_wait3A_93 = arith.constant 0 : i32
      %dma_wait3A_94 = tpu.memref_slice %arg8[%add3A_24, %dma_wait3A_93] : memref<10240x128xf32, #tpu.memory_space<vmem_shared>> -> memref<128x128xf32, #tpu.memory_space<vmem_shared>>
      %dma_wait3A_95 = arith.constant 0 : i32
      %dma_wait3A_96 = arith.constant 0 : i32
      %dma_wait3A_97 = tpu.memref_slice %arg12[%run_scoped3A_25, %dma_wait3A_95, %dma_wait3A_96] : memref<2x128x128xf32, #tpu.memory_space<vmem>> -> memref<1x128x128xf32, #tpu.memory_space<vmem>>
      %dma_wait3A_98 = tpu.memref_squeeze %dma_wait3A_97 : memref<1x128x128xf32, #tpu.memory_space<vmem>> -> memref<128x128xf32, #tpu.memory_space<vmem>>
      tpu.wait_dma2 semaphore(%run_scoped3A_76 : memref<!tpu.dma_semaphore, #tpu.memory_space<semaphore_mem>>) src(%dma_wait3A_98 : memref<128x128xf32, #tpu.memory_space<vmem>>) dst(%dma_wait3A_94 : memref<128x128xf32, #tpu.memory_space<vmem_shared>>)
      tpu.yield
    }) : () -> ()
    %mul3A_26 = arith.constant 640 : i32
    %mul3A_27 = arith.muli %arg1, %mul3A_26 : i32
    %add3A_28 = arith.constant 384 : i32
    %add3A_29 = arith.addi %mul3A_27, %add3A_28 : i32
    %run_scoped3A_30 = arith.constant 0 : i32
    "tpu.region"() ({
      %run_scoped3A_76 = tpu.sem_alloc : memref<!tpu.dma_semaphore, #tpu.memory_space<semaphore_mem>>
      %dma_start3A = arith.constant 0 : i32
      %dma_start3A_77 = arith.constant 0 : i32
      %dma_start3A_78 = tpu.memref_slice %arg12[%run_scoped3A_30, %dma_start3A, %dma_start3A_77] : memref<2x128x128xf32, #tpu.memory_space<vmem>> -> memref<1x128x128xf32, #tpu.memory_space<vmem>>
      %dma_start3A_79 = tpu.memref_squeeze %dma_start3A_78 : memref<1x128x128xf32, #tpu.memory_space<vmem>> -> memref<128x128xf32, #tpu.memory_space<vmem>>
      %dma_start3A_80 = arith.constant 0 : i32
      %dma_start3A_81 = tpu.memref_slice %arg8[%add3A_29, %dma_start3A_80] : memref<10240x128xf32, #tpu.memory_space<vmem_shared>> -> memref<128x128xf32, #tpu.memory_space<vmem_shared>>
      %dma_start3A_82 = arith.constant 0 : i32
      %dma_start3A_83 = tpu.memref_slice %arg8[%add3A_29, %dma_start3A_82] : memref<10240x128xf32, #tpu.memory_space<vmem_shared>> -> memref<128x128xf32, #tpu.memory_space<vmem_shared>>
      %dma_start3A_84 = arith.constant 0 : i32
      %dma_start3A_85 = arith.constant 0 : i32
      %dma_start3A_86 = tpu.memref_slice %arg12[%run_scoped3A_30, %dma_start3A_84, %dma_start3A_85] : memref<2x128x128xf32, #tpu.memory_space<vmem>> -> memref<1x128x128xf32, #tpu.memory_space<vmem>>
      %dma_start3A_87 = tpu.memref_squeeze %dma_start3A_86 : memref<1x128x128xf32, #tpu.memory_space<vmem>> -> memref<128x128xf32, #tpu.memory_space<vmem>>
      tpu.enqueue_dma source(%dma_start3A_87 : memref<128x128xf32, #tpu.memory_space<vmem>>) target(%dma_start3A_83 : memref<128x128xf32, #tpu.memory_space<vmem_shared>>) target_semaphore(%run_scoped3A_76 : memref<!tpu.dma_semaphore, #tpu.memory_space<semaphore_mem>>)
      %dma_wait3A = arith.constant 0 : i32
      %dma_wait3A_88 = arith.constant 0 : i32
      %dma_wait3A_89 = tpu.memref_slice %arg12[%run_scoped3A_30, %dma_wait3A, %dma_wait3A_88] : memref<2x128x128xf32, #tpu.memory_space<vmem>> -> memref<1x128x128xf32, #tpu.memory_space<vmem>>
      %dma_wait3A_90 = tpu.memref_squeeze %dma_wait3A_89 : memref<1x128x128xf32, #tpu.memory_space<vmem>> -> memref<128x128xf32, #tpu.memory_space<vmem>>
      %dma_wait3A_91 = arith.constant 0 : i32
      %dma_wait3A_92 = tpu.memref_slice %arg8[%add3A_29, %dma_wait3A_91] : memref<10240x128xf32, #tpu.memory_space<vmem_shared>> -> memref<128x128xf32, #tpu.memory_space<vmem_shared>>
      %dma_wait3A_93 = arith.constant 0 : i32
      %dma_wait3A_94 = tpu.memref_slice %arg8[%add3A_29, %dma_wait3A_93] : memref<10240x128xf32, #tpu.memory_space<vmem_shared>> -> memref<128x128xf32, #tpu.memory_space<vmem_shared>>
      %dma_wait3A_95 = arith.constant 0 : i32
      %dma_wait3A_96 = arith.constant 0 : i32
      %dma_wait3A_97 = tpu.memref_slice %arg12[%run_scoped3A_30, %dma_wait3A_95, %dma_wait3A_96] : memref<2x128x128xf32, #tpu.memory_space<vmem>> -> memref<1x128x128xf32, #tpu.memory_space<vmem>>
      %dma_wait3A_98 = tpu.memref_squeeze %dma_wait3A_97 : memref<1x128x128xf32, #tpu.memory_space<vmem>> -> memref<128x128xf32, #tpu.memory_space<vmem>>
      tpu.wait_dma2 semaphore(%run_scoped3A_76 : memref<!tpu.dma_semaphore, #tpu.memory_space<semaphore_mem>>) src(%dma_wait3A_98 : memref<128x128xf32, #tpu.memory_space<vmem>>) dst(%dma_wait3A_94 : memref<128x128xf32, #tpu.memory_space<vmem_shared>>)
      tpu.yield
    }) : () -> ()
    %mul3A_31 = arith.constant 640 : i32
    %mul3A_32 = arith.muli %arg1, %mul3A_31 : i32
    %add3A_33 = arith.constant 512 : i32
    %add3A_34 = arith.addi %mul3A_32, %add3A_33 : i32
    %run_scoped3A_35 = arith.constant 0 : i32
    "tpu.region"() ({
      %run_scoped3A_76 = tpu.sem_alloc : memref<!tpu.dma_semaphore, #tpu.memory_space<semaphore_mem>>
      %dma_start3A = arith.constant 0 : i32
      %dma_start3A_77 = arith.constant 0 : i32
      %dma_start3A_78 = tpu.memref_slice %arg12[%run_scoped3A_35, %dma_start3A, %dma_start3A_77] : memref<2x128x128xf32, #tpu.memory_space<vmem>> -> memref<1x128x128xf32, #tpu.memory_space<vmem>>
      %dma_start3A_79 = tpu.memref_squeeze %dma_start3A_78 : memref<1x128x128xf32, #tpu.memory_space<vmem>> -> memref<128x128xf32, #tpu.memory_space<vmem>>
      %dma_start3A_80 = arith.constant 0 : i32
      %dma_start3A_81 = tpu.memref_slice %arg8[%add3A_34, %dma_start3A_80] : memref<10240x128xf32, #tpu.memory_space<vmem_shared>> -> memref<128x128xf32, #tpu.memory_space<vmem_shared>>
      %dma_start3A_82 = arith.constant 0 : i32
      %dma_start3A_83 = tpu.memref_slice %arg8[%add3A_34, %dma_start3A_82] : memref<10240x128xf32, #tpu.memory_space<vmem_shared>> -> memref<128x128xf32, #tpu.memory_space<vmem_shared>>
      %dma_start3A_84 = arith.constant 0 : i32
      %dma_start3A_85 = arith.constant 0 : i32
      %dma_start3A_86 = tpu.memref_slice %arg12[%run_scoped3A_35, %dma_start3A_84, %dma_start3A_85] : memref<2x128x128xf32, #tpu.memory_space<vmem>> -> memref<1x128x128xf32, #tpu.memory_space<vmem>>
      %dma_start3A_87 = tpu.memref_squeeze %dma_start3A_86 : memref<1x128x128xf32, #tpu.memory_space<vmem>> -> memref<128x128xf32, #tpu.memory_space<vmem>>
      tpu.enqueue_dma source(%dma_start3A_87 : memref<128x128xf32, #tpu.memory_space<vmem>>) target(%dma_start3A_83 : memref<128x128xf32, #tpu.memory_space<vmem_shared>>) target_semaphore(%run_scoped3A_76 : memref<!tpu.dma_semaphore, #tpu.memory_space<semaphore_mem>>)
      %dma_wait3A = arith.constant 0 : i32
      %dma_wait3A_88 = arith.constant 0 : i32
      %dma_wait3A_89 = tpu.memref_slice %arg12[%run_scoped3A_35, %dma_wait3A, %dma_wait3A_88] : memref<2x128x128xf32, #tpu.memory_space<vmem>> -> memref<1x128x128xf32, #tpu.memory_space<vmem>>
      %dma_wait3A_90 = tpu.memref_squeeze %dma_wait3A_89 : memref<1x128x128xf32, #tpu.memory_space<vmem>> -> memref<128x128xf32, #tpu.memory_space<vmem>>
      %dma_wait3A_91 = arith.constant 0 : i32
      %dma_wait3A_92 = tpu.memref_slice %arg8[%add3A_34, %dma_wait3A_91] : memref<10240x128xf32, #tpu.memory_space<vmem_shared>> -> memref<128x128xf32, #tpu.memory_space<vmem_shared>>
      %dma_wait3A_93 = arith.constant 0 : i32
      %dma_wait3A_94 = tpu.memref_slice %arg8[%add3A_34, %dma_wait3A_93] : memref<10240x128xf32, #tpu.memory_space<vmem_shared>> -> memref<128x128xf32, #tpu.memory_space<vmem_shared>>
      %dma_wait3A_95 = arith.constant 0 : i32
      %dma_wait3A_96 = arith.constant 0 : i32
      %dma_wait3A_97 = tpu.memref_slice %arg12[%run_scoped3A_35, %dma_wait3A_95, %dma_wait3A_96] : memref<2x128x128xf32, #tpu.memory_space<vmem>> -> memref<1x128x128xf32, #tpu.memory_space<vmem>>
      %dma_wait3A_98 = tpu.memref_squeeze %dma_wait3A_97 : memref<1x128x128xf32, #tpu.memory_space<vmem>> -> memref<128x128xf32, #tpu.memory_space<vmem>>
      tpu.wait_dma2 semaphore(%run_scoped3A_76 : memref<!tpu.dma_semaphore, #tpu.memory_space<semaphore_mem>>) src(%dma_wait3A_98 : memref<128x128xf32, #tpu.memory_space<vmem>>) dst(%dma_wait3A_94 : memref<128x128xf32, #tpu.memory_space<vmem_shared>>)
      tpu.yield
    }) : () -> ()
    %mul3A_36 = arith.constant 640 : i32
    %mul3A_37 = arith.muli %arg1, %mul3A_36 : i32
    "tpu.region"() ({
      %run_scoped3A_76 = tpu.sem_alloc : memref<!tpu.dma_semaphore, #tpu.memory_space<semaphore_mem>>
      %dma_start3A = tpu.memref_slice %arg9[%mul3A_37] : memref<10240xf32, #tpu.memory_space<vmem_shared>> -> memref<640xf32, #tpu.memory_space<vmem_shared>>
      %dma_start3A_77 = tpu.memref_slice %arg9[%mul3A_37] : memref<10240xf32, #tpu.memory_space<vmem_shared>> -> memref<640xf32, #tpu.memory_space<vmem_shared>>
      tpu.enqueue_dma source(%arg14 : memref<640xf32, #tpu.memory_space<vmem>>) target(%dma_start3A_77 : memref<640xf32, #tpu.memory_space<vmem_shared>>) target_semaphore(%run_scoped3A_76 : memref<!tpu.dma_semaphore, #tpu.memory_space<semaphore_mem>>)
      %dma_wait3A = tpu.memref_slice %arg9[%mul3A_37] : memref<10240xf32, #tpu.memory_space<vmem_shared>> -> memref<640xf32, #tpu.memory_space<vmem_shared>>
      %dma_wait3A_78 = tpu.memref_slice %arg9[%mul3A_37] : memref<10240xf32, #tpu.memory_space<vmem_shared>> -> memref<640xf32, #tpu.memory_space<vmem_shared>>
      tpu.wait_dma2 semaphore(%run_scoped3A_76 : memref<!tpu.dma_semaphore, #tpu.memory_space<semaphore_mem>>) src(%arg14 : memref<640xf32, #tpu.memory_space<vmem>>) dst(%dma_wait3A_78 : memref<640xf32, #tpu.memory_space<vmem_shared>>)
      tpu.yield
    }) : () -> ()
    %barrier3A = arith.constant 0 : index
    tpu.barrier barrier_id(%barrier3A)
    %eq3A = arith.constant 0 : i32
    %eq3A_38 = arith.cmpi eq, %arg0, %eq3A : i32
    %convert_element_type3A = arith.extui %eq3A_38 : i1 to i32
    %cond3A = arith.constant 0 : i32
    %cond3A_39 = arith.cmpi ne, %convert_element_type3A, %cond3A : i32
    scf.if %cond3A_39 {
      "tpu.region"() ({
        %run_scoped3A_109 = tpu.sem_alloc : memref<!tpu.dma_semaphore, #tpu.memory_space<semaphore_mem>>
        %dma_start3A_110 = arith.constant 0 : i32
        %dma_start3A_111 = arith.constant 0 : i32
        %dma_start3A_112 = tpu.memref_slice %arg4[%arg1, %dma_start3A_110, %dma_start3A_111] : memref<16x80x128xi32, #tpu.memory_space<hbm>> -> memref<1x40x128xi32, #tpu.memory_space<hbm>>
        %dma_start3A_113 = tpu.memref_squeeze %dma_start3A_112 : memref<1x40x128xi32, #tpu.memory_space<hbm>> -> memref<40x128xi32, #tpu.memory_space<hbm>>
        %dma_start3A_114 = arith.constant 0 : i32
        %dma_start3A_115 = arith.constant 0 : i32
        %dma_start3A_116 = tpu.memref_slice %arg4[%arg1, %dma_start3A_114, %dma_start3A_115] : memref<16x80x128xi32, #tpu.memory_space<hbm>> -> memref<1x40x128xi32, #tpu.memory_space<hbm>>
        %dma_start3A_117 = tpu.memref_squeeze %dma_start3A_116 : memref<1x40x128xi32, #tpu.memory_space<hbm>> -> memref<40x128xi32, #tpu.memory_space<hbm>>
        tpu.enqueue_dma source(%dma_start3A_117 : memref<40x128xi32, #tpu.memory_space<hbm>>) target(%arg10 : memref<40x128xi32, #tpu.memory_space<vmem>>) target_semaphore(%run_scoped3A_109 : memref<!tpu.dma_semaphore, #tpu.memory_space<semaphore_mem>>)
        %dma_wait3A = arith.constant 0 : i32
        %dma_wait3A_118 = arith.constant 0 : i32
        %dma_wait3A_119 = tpu.memref_slice %arg4[%arg1, %dma_wait3A, %dma_wait3A_118] : memref<16x80x128xi32, #tpu.memory_space<hbm>> -> memref<1x40x128xi32, #tpu.memory_space<hbm>>
        %dma_wait3A_120 = tpu.memref_squeeze %dma_wait3A_119 : memref<1x40x128xi32, #tpu.memory_space<hbm>> -> memref<40x128xi32, #tpu.memory_space<hbm>>
        %dma_wait3A_121 = arith.constant 0 : i32
        %dma_wait3A_122 = arith.constant 0 : i32
        %dma_wait3A_123 = tpu.memref_slice %arg4[%arg1, %dma_wait3A_121, %dma_wait3A_122] : memref<16x80x128xi32, #tpu.memory_space<hbm>> -> memref<1x40x128xi32, #tpu.memory_space<hbm>>
        %dma_wait3A_124 = tpu.memref_squeeze %dma_wait3A_123 : memref<1x40x128xi32, #tpu.memory_space<hbm>> -> memref<40x128xi32, #tpu.memory_space<hbm>>
        tpu.wait_dma2 semaphore(%run_scoped3A_109 : memref<!tpu.dma_semaphore, #tpu.memory_space<semaphore_mem>>) src(%dma_wait3A_124 : memref<40x128xi32, #tpu.memory_space<hbm>>) dst(%arg10 : memref<40x128xi32, #tpu.memory_space<vmem>>)
        tpu.yield
      }) : () -> ()
      "tpu.region"() ({
        %run_scoped3A_109 = tpu.sem_alloc : memref<!tpu.dma_semaphore, #tpu.memory_space<semaphore_mem>>
        %dma_start3A_110 = arith.constant 0 : i32
        %dma_start3A_111 = arith.constant 0 : i32
        %dma_start3A_112 = tpu.memref_slice %arg5[%arg1, %dma_start3A_110, %dma_start3A_111] : memref<16x80x128xi32, #tpu.memory_space<hbm>> -> memref<1x40x128xi32, #tpu.memory_space<hbm>>
        %dma_start3A_113 = tpu.memref_squeeze %dma_start3A_112 : memref<1x40x128xi32, #tpu.memory_space<hbm>> -> memref<40x128xi32, #tpu.memory_space<hbm>>
        %dma_start3A_114 = arith.constant 0 : i32
        %dma_start3A_115 = arith.constant 0 : i32
        %dma_start3A_116 = tpu.memref_slice %arg5[%arg1, %dma_start3A_114, %dma_start3A_115] : memref<16x80x128xi32, #tpu.memory_space<hbm>> -> memref<1x40x128xi32, #tpu.memory_space<hbm>>
        %dma_start3A_117 = tpu.memref_squeeze %dma_start3A_116 : memref<1x40x128xi32, #tpu.memory_space<hbm>> -> memref<40x128xi32, #tpu.memory_space<hbm>>
        tpu.enqueue_dma source(%dma_start3A_117 : memref<40x128xi32, #tpu.memory_space<hbm>>) target(%arg11 : memref<40x128xi32, #tpu.memory_space<vmem>>) target_semaphore(%run_scoped3A_109 : memref<!tpu.dma_semaphore, #tpu.memory_space<semaphore_mem>>)
        %dma_wait3A = arith.constant 0 : i32
        %dma_wait3A_118 = arith.constant 0 : i32
        %dma_wait3A_119 = tpu.memref_slice %arg5[%arg1, %dma_wait3A, %dma_wait3A_118] : memref<16x80x128xi32, #tpu.memory_space<hbm>> -> memref<1x40x128xi32, #tpu.memory_space<hbm>>
        %dma_wait3A_120 = tpu.memref_squeeze %dma_wait3A_119 : memref<1x40x128xi32, #tpu.memory_space<hbm>> -> memref<40x128xi32, #tpu.memory_space<hbm>>
        %dma_wait3A_121 = arith.constant 0 : i32
        %dma_wait3A_122 = arith.constant 0 : i32
        %dma_wait3A_123 = tpu.memref_slice %arg5[%arg1, %dma_wait3A_121, %dma_wait3A_122] : memref<16x80x128xi32, #tpu.memory_space<hbm>> -> memref<1x40x128xi32, #tpu.memory_space<hbm>>
        %dma_wait3A_124 = tpu.memref_squeeze %dma_wait3A_123 : memref<1x40x128xi32, #tpu.memory_space<hbm>> -> memref<40x128xi32, #tpu.memory_space<hbm>>
        tpu.wait_dma2 semaphore(%run_scoped3A_109 : memref<!tpu.dma_semaphore, #tpu.memory_space<semaphore_mem>>) src(%dma_wait3A_124 : memref<40x128xi32, #tpu.memory_space<hbm>>) dst(%arg11 : memref<40x128xi32, #tpu.memory_space<vmem>>)
        tpu.yield
      }) : () -> ()
      %dma_start3A = arith.constant 0 : i32
      %dma_start3A_76 = arith.constant 0 : i32
      %dma_start3A_77 = arith.constant 0 : i32
      %dma_start3A_78 = arith.constant 0 : i32
      %dma_start3A_79 = tpu.memref_slice %arg12[%dma_start3A_76, %dma_start3A_77, %dma_start3A_78] : memref<2x128x128xf32, #tpu.memory_space<vmem>> -> memref<1x128x128xf32, #tpu.memory_space<vmem>>
      %dma_start3A_80 = tpu.memref_squeeze %dma_start3A_79 : memref<1x128x128xf32, #tpu.memory_space<vmem>> -> memref<128x128xf32, #tpu.memory_space<vmem>>
      %dma_start3A_81 = arith.constant 0 : i32
      %dma_start3A_82 = tpu.memref_slice %arg10[%dma_start3A, %dma_start3A_81] : memref<40x128xi32, #tpu.memory_space<vmem>> -> memref<1x128xi32, #tpu.memory_space<vmem>>
      %dma_start3A_83 = tpu.memref_squeeze %dma_start3A_82 : memref<1x128xi32, #tpu.memory_space<vmem>> -> memref<128xi32, #tpu.memory_space<vmem>>
      %dma_start3A_84 = arith.constant 0 : i32
      %dma_start3A_85 = arith.constant 0 : i32
      %dma_start3A_86 = tpu.memref_slice %arg2[%dma_start3A_84, %dma_start3A_85] : memref<10000x128xf32, #tpu.memory_space<hbm>> -> memref<10000x128xf32, #tpu.memory_space<hbm>>
      tpu.enqueue_indirect_dma source(%dma_start3A_86 : memref<10000x128xf32, #tpu.memory_space<hbm>>) target(%dma_start3A_80 : memref<128x128xf32, #tpu.memory_space<vmem>>) offsets(%dma_start3A_83 : memref<128xi32, #tpu.memory_space<vmem>>) semaphore(%arg15 : memref<!tpu.dma_semaphore, #tpu.memory_space<semaphore_mem>>)
      %scan3A_87 = arith.constant 0 : i32
      %scan3A_88 = arith.constant 20 : i32
      %scan3A_89 = arith.addi %scan3A_87, %scan3A_88 : i32
      %scan3A_90 = arith.constant 1 : i32
      scf.for %scan3A_109 = %scan3A_87 to %scan3A_89 step %scan3A_90  : i32 {
        %mul3A_110 = arith.constant 2 : i32
        %mul3A_111 = arith.muli %scan3A_109, %mul3A_110 : i32
        %add3A_112 = arith.constant 0 : i32
        %add3A_113 = arith.addi %add3A_112, %mul3A_111 : i32
        %add3A_114 = arith.constant 0 : i32
        %add3A_115 = arith.addi %add3A_113, %add3A_114 : i32
        %add3A_116 = arith.constant 1 : i32
        %add3A_117 = arith.addi %add3A_115, %add3A_116 : i32
        %lt3A = arith.constant 40 : i32
        %lt3A_118 = arith.cmpi slt, %add3A_117, %lt3A : i32
        %convert_element_type3A_119 = arith.extui %lt3A_118 : i1 to i32
        %cond3A_120 = arith.constant 0 : i32
        %cond3A_121 = arith.cmpi ne, %convert_element_type3A_119, %cond3A_120 : i32
        scf.if %cond3A_121 {
          %add3A_154 = arith.constant 1 : i32
          %add3A_155 = arith.addi %add3A_115, %add3A_154 : i32
          %dma_start3A_156 = arith.constant 1 : i32
          %dma_start3A_157 = arith.constant 0 : i32
          %dma_start3A_158 = arith.constant 0 : i32
          %dma_start3A_159 = tpu.memref_slice %arg12[%dma_start3A_156, %dma_start3A_157, %dma_start3A_158] : memref<2x128x128xf32, #tpu.memory_space<vmem>> -> memref<1x128x128xf32, #tpu.memory_space<vmem>>
          %dma_start3A_160 = tpu.memref_squeeze %dma_start3A_159 : memref<1x128x128xf32, #tpu.memory_space<vmem>> -> memref<128x128xf32, #tpu.memory_space<vmem>>
          %dma_start3A_161 = arith.constant 0 : i32
          %dma_start3A_162 = tpu.memref_slice %arg10[%add3A_155, %dma_start3A_161] : memref<40x128xi32, #tpu.memory_space<vmem>> -> memref<1x128xi32, #tpu.memory_space<vmem>>
          %dma_start3A_163 = tpu.memref_squeeze %dma_start3A_162 : memref<1x128xi32, #tpu.memory_space<vmem>> -> memref<128xi32, #tpu.memory_space<vmem>>
          %dma_start3A_164 = arith.constant 0 : i32
          %dma_start3A_165 = arith.constant 0 : i32
          %dma_start3A_166 = tpu.memref_slice %arg2[%dma_start3A_164, %dma_start3A_165] : memref<10000x128xf32, #tpu.memory_space<hbm>> -> memref<10000x128xf32, #tpu.memory_space<hbm>>
          tpu.enqueue_indirect_dma source(%dma_start3A_166 : memref<10000x128xf32, #tpu.memory_space<hbm>>) target(%dma_start3A_160 : memref<128x128xf32, #tpu.memory_space<vmem>>) offsets(%dma_start3A_163 : memref<128xi32, #tpu.memory_space<vmem>>) semaphore(%arg16 : memref<!tpu.dma_semaphore, #tpu.memory_space<semaphore_mem>>)
        } else {
        }
        %dma_wait3A = arith.constant 0 : i32
        %dma_wait3A_122 = arith.constant 0 : i32
        %dma_wait3A_123 = arith.constant 0 : i32
        %dma_wait3A_124 = tpu.memref_slice %arg12[%dma_wait3A, %dma_wait3A_122, %dma_wait3A_123] : memref<2x128x128xf32, #tpu.memory_space<vmem>> -> memref<1x128x128xf32, #tpu.memory_space<vmem>>
        %dma_wait3A_125 = tpu.memref_squeeze %dma_wait3A_124 : memref<1x128x128xf32, #tpu.memory_space<vmem>> -> memref<128x128xf32, #tpu.memory_space<vmem>>
        %dma_wait3A_126 = arith.constant 0 : i32
        %dma_wait3A_127 = tpu.memref_slice %arg10[%add3A_115, %dma_wait3A_126] : memref<40x128xi32, #tpu.memory_space<vmem>> -> memref<1x128xi32, #tpu.memory_space<vmem>>
        %dma_wait3A_128 = tpu.memref_squeeze %dma_wait3A_127 : memref<1x128xi32, #tpu.memory_space<vmem>> -> memref<128xi32, #tpu.memory_space<vmem>>
        %dma_wait3A_129 = arith.constant 0 : i32
        %dma_wait3A_130 = arith.constant 0 : i32
        %dma_wait3A_131 = tpu.memref_slice %arg2[%dma_wait3A_129, %dma_wait3A_130] : memref<10000x128xf32, #tpu.memory_space<hbm>> -> memref<10000x128xf32, #tpu.memory_space<hbm>>
        tpu.wait_indirect_dma semaphore(%arg15 : memref<!tpu.dma_semaphore, #tpu.memory_space<semaphore_mem>>) src(%dma_wait3A_131 : memref<10000x128xf32, #tpu.memory_space<hbm>>) dst(%dma_wait3A_125 : memref<128x128xf32, #tpu.memory_space<vmem>>)
        %run_scoped3A_132 = arith.constant 0 : i32
        "tpu.region"() ({
          %run_scoped3A_154 = tpu.sem_alloc : memref<!tpu.dma_semaphore, #tpu.memory_space<semaphore_mem>>
          %dma_start3A_155 = arith.constant 0 : i32
          %dma_start3A_156 = arith.constant 0 : i32
          %dma_start3A_157 = tpu.memref_slice %arg12[%run_scoped3A_132, %dma_start3A_155, %dma_start3A_156] : memref<2x128x128xf32, #tpu.memory_space<vmem>> -> memref<1x128x128xf32, #tpu.memory_space<vmem>>
          %dma_start3A_158 = tpu.memref_squeeze %dma_start3A_157 : memref<1x128x128xf32, #tpu.memory_space<vmem>> -> memref<128x128xf32, #tpu.memory_space<vmem>>
          %dma_start3A_159 = arith.constant 0 : i32
          %dma_start3A_160 = tpu.memref_slice %arg11[%add3A_115, %dma_start3A_159] : memref<40x128xi32, #tpu.memory_space<vmem>> -> memref<1x128xi32, #tpu.memory_space<vmem>>
          %dma_start3A_161 = tpu.memref_squeeze %dma_start3A_160 : memref<1x128xi32, #tpu.memory_space<vmem>> -> memref<128xi32, #tpu.memory_space<vmem>>
          %dma_start3A_162 = arith.constant 0 : i32
          %dma_start3A_163 = arith.constant 0 : i32
          %dma_start3A_164 = tpu.memref_slice %arg8[%dma_start3A_162, %dma_start3A_163] : memref<10240x128xf32, #tpu.memory_space<vmem_shared>> -> memref<10240x128xf32, #tpu.memory_space<vmem_shared>>
          tpu.enqueue_indirect_dma source(%dma_start3A_158 : memref<128x128xf32, #tpu.memory_space<vmem>>) target(%dma_start3A_164 : memref<10240x128xf32, #tpu.memory_space<vmem_shared>>) offsets(%dma_start3A_161 : memref<128xi32, #tpu.memory_space<vmem>>) semaphore(%run_scoped3A_154 : memref<!tpu.dma_semaphore, #tpu.memory_space<semaphore_mem>>) {add = true}
          %dma_wait3A_165 = arith.constant 0 : i32
          %dma_wait3A_166 = arith.constant 0 : i32
          %dma_wait3A_167 = tpu.memref_slice %arg12[%run_scoped3A_132, %dma_wait3A_165, %dma_wait3A_166] : memref<2x128x128xf32, #tpu.memory_space<vmem>> -> memref<1x128x128xf32, #tpu.memory_space<vmem>>
          %dma_wait3A_168 = tpu.memref_squeeze %dma_wait3A_167 : memref<1x128x128xf32, #tpu.memory_space<vmem>> -> memref<128x128xf32, #tpu.memory_space<vmem>>
          %dma_wait3A_169 = arith.constant 0 : i32
          %dma_wait3A_170 = tpu.memref_slice %arg11[%add3A_115, %dma_wait3A_169] : memref<40x128xi32, #tpu.memory_space<vmem>> -> memref<1x128xi32, #tpu.memory_space<vmem>>
          %dma_wait3A_171 = tpu.memref_squeeze %dma_wait3A_170 : memref<1x128xi32, #tpu.memory_space<vmem>> -> memref<128xi32, #tpu.memory_space<vmem>>
          %dma_wait3A_172 = arith.constant 0 : i32
          %dma_wait3A_173 = arith.constant 0 : i32
          %dma_wait3A_174 = tpu.memref_slice %arg8[%dma_wait3A_172, %dma_wait3A_173] : memref<10240x128xf32, #tpu.memory_space<vmem_shared>> -> memref<10240x128xf32, #tpu.memory_space<vmem_shared>>
          tpu.wait_indirect_dma semaphore(%run_scoped3A_154 : memref<!tpu.dma_semaphore, #tpu.memory_space<semaphore_mem>>) src(%dma_wait3A_168 : memref<128x128xf32, #tpu.memory_space<vmem>>) dst(%dma_wait3A_174 : memref<10240x128xf32, #tpu.memory_space<vmem_shared>>)
          tpu.yield
        }) : () -> ()
        %add3A_133 = arith.constant 1 : i32
        %add3A_134 = arith.addi %add3A_113, %add3A_133 : i32
        %add3A_135 = arith.constant 1 : i32
        %add3A_136 = arith.addi %add3A_134, %add3A_135 : i32
        %lt3A_137 = arith.constant 40 : i32
        %lt3A_138 = arith.cmpi slt, %add3A_136, %lt3A_137 : i32
        %convert_element_type3A_139 = arith.extui %lt3A_138 : i1 to i32
        %cond3A_140 = arith.constant 0 : i32
        %cond3A_141 = arith.cmpi ne, %convert_element_type3A_139, %cond3A_140 : i32
        scf.if %cond3A_141 {
          %add3A_154 = arith.constant 1 : i32
          %add3A_155 = arith.addi %add3A_134, %add3A_154 : i32
          %dma_start3A_156 = arith.constant 0 : i32
          %dma_start3A_157 = arith.constant 0 : i32
          %dma_start3A_158 = arith.constant 0 : i32
          %dma_start3A_159 = tpu.memref_slice %arg12[%dma_start3A_156, %dma_start3A_157, %dma_start3A_158] : memref<2x128x128xf32, #tpu.memory_space<vmem>> -> memref<1x128x128xf32, #tpu.memory_space<vmem>>
          %dma_start3A_160 = tpu.memref_squeeze %dma_start3A_159 : memref<1x128x128xf32, #tpu.memory_space<vmem>> -> memref<128x128xf32, #tpu.memory_space<vmem>>
          %dma_start3A_161 = arith.constant 0 : i32
          %dma_start3A_162 = tpu.memref_slice %arg10[%add3A_155, %dma_start3A_161] : memref<40x128xi32, #tpu.memory_space<vmem>> -> memref<1x128xi32, #tpu.memory_space<vmem>>
          %dma_start3A_163 = tpu.memref_squeeze %dma_start3A_162 : memref<1x128xi32, #tpu.memory_space<vmem>> -> memref<128xi32, #tpu.memory_space<vmem>>
          %dma_start3A_164 = arith.constant 0 : i32
          %dma_start3A_165 = arith.constant 0 : i32
          %dma_start3A_166 = tpu.memref_slice %arg2[%dma_start3A_164, %dma_start3A_165] : memref<10000x128xf32, #tpu.memory_space<hbm>> -> memref<10000x128xf32, #tpu.memory_space<hbm>>
          tpu.enqueue_indirect_dma source(%dma_start3A_166 : memref<10000x128xf32, #tpu.memory_space<hbm>>) target(%dma_start3A_160 : memref<128x128xf32, #tpu.memory_space<vmem>>) offsets(%dma_start3A_163 : memref<128xi32, #tpu.memory_space<vmem>>) semaphore(%arg15 : memref<!tpu.dma_semaphore, #tpu.memory_space<semaphore_mem>>)
        } else {
        }
        %dma_wait3A_142 = arith.constant 1 : i32
        %dma_wait3A_143 = arith.constant 0 : i32
        %dma_wait3A_144 = arith.constant 0 : i32
        %dma_wait3A_145 = tpu.memref_slice %arg12[%dma_wait3A_142, %dma_wait3A_143, %dma_wait3A_144] : memref<2x128x128xf32, #tpu.memory_space<vmem>> -> memref<1x128x128xf32, #tpu.memory_space<vmem>>
        %dma_wait3A_146 = tpu.memref_squeeze %dma_wait3A_145 : memref<1x128x128xf32, #tpu.memory_space<vmem>> -> memref<128x128xf32, #tpu.memory_space<vmem>>
        %dma_wait3A_147 = arith.constant 0 : i32
        %dma_wait3A_148 = tpu.memref_slice %arg10[%add3A_134, %dma_wait3A_147] : memref<40x128xi32, #tpu.memory_space<vmem>> -> memref<1x128xi32, #tpu.memory_space<vmem>>
        %dma_wait3A_149 = tpu.memref_squeeze %dma_wait3A_148 : memref<1x128xi32, #tpu.memory_space<vmem>> -> memref<128xi32, #tpu.memory_space<vmem>>
        %dma_wait3A_150 = arith.constant 0 : i32
        %dma_wait3A_151 = arith.constant 0 : i32
        %dma_wait3A_152 = tpu.memref_slice %arg2[%dma_wait3A_150, %dma_wait3A_151] : memref<10000x128xf32, #tpu.memory_space<hbm>> -> memref<10000x128xf32, #tpu.memory_space<hbm>>
        tpu.wait_indirect_dma semaphore(%arg16 : memref<!tpu.dma_semaphore, #tpu.memory_space<semaphore_mem>>) src(%dma_wait3A_152 : memref<10000x128xf32, #tpu.memory_space<hbm>>) dst(%dma_wait3A_146 : memref<128x128xf32, #tpu.memory_space<vmem>>)
        %run_scoped3A_153 = arith.constant 1 : i32
        "tpu.region"() ({
          %run_scoped3A_154 = tpu.sem_alloc : memref<!tpu.dma_semaphore, #tpu.memory_space<semaphore_mem>>
          %dma_start3A_155 = arith.constant 0 : i32
          %dma_start3A_156 = arith.constant 0 : i32
          %dma_start3A_157 = tpu.memref_slice %arg12[%run_scoped3A_153, %dma_start3A_155, %dma_start3A_156] : memref<2x128x128xf32, #tpu.memory_space<vmem>> -> memref<1x128x128xf32, #tpu.memory_space<vmem>>
          %dma_start3A_158 = tpu.memref_squeeze %dma_start3A_157 : memref<1x128x128xf32, #tpu.memory_space<vmem>> -> memref<128x128xf32, #tpu.memory_space<vmem>>
          %dma_start3A_159 = arith.constant 0 : i32
          %dma_start3A_160 = tpu.memref_slice %arg11[%add3A_134, %dma_start3A_159] : memref<40x128xi32, #tpu.memory_space<vmem>> -> memref<1x128xi32, #tpu.memory_space<vmem>>
          %dma_start3A_161 = tpu.memref_squeeze %dma_start3A_160 : memref<1x128xi32, #tpu.memory_space<vmem>> -> memref<128xi32, #tpu.memory_space<vmem>>
          %dma_start3A_162 = arith.constant 0 : i32
          %dma_start3A_163 = arith.constant 0 : i32
          %dma_start3A_164 = tpu.memref_slice %arg8[%dma_start3A_162, %dma_start3A_163] : memref<10240x128xf32, #tpu.memory_space<vmem_shared>> -> memref<10240x128xf32, #tpu.memory_space<vmem_shared>>
          tpu.enqueue_indirect_dma source(%dma_start3A_158 : memref<128x128xf32, #tpu.memory_space<vmem>>) target(%dma_start3A_164 : memref<10240x128xf32, #tpu.memory_space<vmem_shared>>) offsets(%dma_start3A_161 : memref<128xi32, #tpu.memory_space<vmem>>) semaphore(%run_scoped3A_154 : memref<!tpu.dma_semaphore, #tpu.memory_space<semaphore_mem>>) {add = true}
          %dma_wait3A_165 = arith.constant 0 : i32
          %dma_wait3A_166 = arith.constant 0 : i32
          %dma_wait3A_167 = tpu.memref_slice %arg12[%run_scoped3A_153, %dma_wait3A_165, %dma_wait3A_166] : memref<2x128x128xf32, #tpu.memory_space<vmem>> -> memref<1x128x128xf32, #tpu.memory_space<vmem>>
          %dma_wait3A_168 = tpu.memref_squeeze %dma_wait3A_167 : memref<1x128x128xf32, #tpu.memory_space<vmem>> -> memref<128x128xf32, #tpu.memory_space<vmem>>
          %dma_wait3A_169 = arith.constant 0 : i32
          %dma_wait3A_170 = tpu.memref_slice %arg11[%add3A_134, %dma_wait3A_169] : memref<40x128xi32, #tpu.memory_space<vmem>> -> memref<1x128xi32, #tpu.memory_space<vmem>>
          %dma_wait3A_171 = tpu.memref_squeeze %dma_wait3A_170 : memref<1x128xi32, #tpu.memory_space<vmem>> -> memref<128xi32, #tpu.memory_space<vmem>>
          %dma_wait3A_172 = arith.constant 0 : i32
          %dma_wait3A_173 = arith.constant 0 : i32
          %dma_wait3A_174 = tpu.memref_slice %arg8[%dma_wait3A_172, %dma_wait3A_173] : memref<10240x128xf32, #tpu.memory_space<vmem_shared>> -> memref<10240x128xf32, #tpu.memory_space<vmem_shared>>
          tpu.wait_indirect_dma semaphore(%run_scoped3A_154 : memref<!tpu.dma_semaphore, #tpu.memory_space<semaphore_mem>>) src(%dma_wait3A_168 : memref<128x128xf32, #tpu.memory_space<vmem>>) dst(%dma_wait3A_174 : memref<10240x128xf32, #tpu.memory_space<vmem_shared>>)
          tpu.yield
        }) : () -> ()
      }
      %scan3A_91 = arith.constant 20 : i32
      "tpu.region"() ({
        %run_scoped3A_109 = tpu.sem_alloc : memref<!tpu.dma_semaphore, #tpu.memory_space<semaphore_mem>>
        %dma_start3A_110 = arith.constant 40 : i32
        %dma_start3A_111 = arith.constant 0 : i32
        %dma_start3A_112 = tpu.memref_slice %arg4[%arg1, %dma_start3A_110, %dma_start3A_111] : memref<16x80x128xi32, #tpu.memory_space<hbm>> -> memref<1x40x128xi32, #tpu.memory_space<hbm>>
        %dma_start3A_113 = tpu.memref_squeeze %dma_start3A_112 : memref<1x40x128xi32, #tpu.memory_space<hbm>> -> memref<40x128xi32, #tpu.memory_space<hbm>>
        %dma_start3A_114 = arith.constant 40 : i32
        %dma_start3A_115 = arith.constant 0 : i32
        %dma_start3A_116 = tpu.memref_slice %arg4[%arg1, %dma_start3A_114, %dma_start3A_115] : memref<16x80x128xi32, #tpu.memory_space<hbm>> -> memref<1x40x128xi32, #tpu.memory_space<hbm>>
        %dma_start3A_117 = tpu.memref_squeeze %dma_start3A_116 : memref<1x40x128xi32, #tpu.memory_space<hbm>> -> memref<40x128xi32, #tpu.memory_space<hbm>>
        tpu.enqueue_dma source(%dma_start3A_117 : memref<40x128xi32, #tpu.memory_space<hbm>>) target(%arg10 : memref<40x128xi32, #tpu.memory_space<vmem>>) target_semaphore(%run_scoped3A_109 : memref<!tpu.dma_semaphore, #tpu.memory_space<semaphore_mem>>)
        %dma_wait3A = arith.constant 40 : i32
        %dma_wait3A_118 = arith.constant 0 : i32
        %dma_wait3A_119 = tpu.memref_slice %arg4[%arg1, %dma_wait3A, %dma_wait3A_118] : memref<16x80x128xi32, #tpu.memory_space<hbm>> -> memref<1x40x128xi32, #tpu.memory_space<hbm>>
        %dma_wait3A_120 = tpu.memref_squeeze %dma_wait3A_119 : memref<1x40x128xi32, #tpu.memory_space<hbm>> -> memref<40x128xi32, #tpu.memory_space<hbm>>
        %dma_wait3A_121 = arith.constant 40 : i32
        %dma_wait3A_122 = arith.constant 0 : i32
        %dma_wait3A_123 = tpu.memref_slice %arg4[%arg1, %dma_wait3A_121, %dma_wait3A_122] : memref<16x80x128xi32, #tpu.memory_space<hbm>> -> memref<1x40x128xi32, #tpu.memory_space<hbm>>
        %dma_wait3A_124 = tpu.memref_squeeze %dma_wait3A_123 : memref<1x40x128xi32, #tpu.memory_space<hbm>> -> memref<40x128xi32, #tpu.memory_space<hbm>>
        tpu.wait_dma2 semaphore(%run_scoped3A_109 : memref<!tpu.dma_semaphore, #tpu.memory_space<semaphore_mem>>) src(%dma_wait3A_124 : memref<40x128xi32, #tpu.memory_space<hbm>>) dst(%arg10 : memref<40x128xi32, #tpu.memory_space<vmem>>)
        tpu.yield
      }) : () -> ()
      "tpu.region"() ({
        %run_scoped3A_109 = tpu.sem_alloc : memref<!tpu.dma_semaphore, #tpu.memory_space<semaphore_mem>>
        %dma_start3A_110 = arith.constant 40 : i32
        %dma_start3A_111 = arith.constant 0 : i32
        %dma_start3A_112 = tpu.memref_slice %arg5[%arg1, %dma_start3A_110, %dma_start3A_111] : memref<16x80x128xi32, #tpu.memory_space<hbm>> -> memref<1x40x128xi32, #tpu.memory_space<hbm>>
        %dma_start3A_113 = tpu.memref_squeeze %dma_start3A_112 : memref<1x40x128xi32, #tpu.memory_space<hbm>> -> memref<40x128xi32, #tpu.memory_space<hbm>>
        %dma_start3A_114 = arith.constant 40 : i32
        %dma_start3A_115 = arith.constant 0 : i32
        %dma_start3A_116 = tpu.memref_slice %arg5[%arg1, %dma_start3A_114, %dma_start3A_115] : memref<16x80x128xi32, #tpu.memory_space<hbm>> -> memref<1x40x128xi32, #tpu.memory_space<hbm>>
        %dma_start3A_117 = tpu.memref_squeeze %dma_start3A_116 : memref<1x40x128xi32, #tpu.memory_space<hbm>> -> memref<40x128xi32, #tpu.memory_space<hbm>>
        tpu.enqueue_dma source(%dma_start3A_117 : memref<40x128xi32, #tpu.memory_space<hbm>>) target(%arg11 : memref<40x128xi32, #tpu.memory_space<vmem>>) target_semaphore(%run_scoped3A_109 : memref<!tpu.dma_semaphore, #tpu.memory_space<semaphore_mem>>)
        %dma_wait3A = arith.constant 40 : i32
        %dma_wait3A_118 = arith.constant 0 : i32
        %dma_wait3A_119 = tpu.memref_slice %arg5[%arg1, %dma_wait3A, %dma_wait3A_118] : memref<16x80x128xi32, #tpu.memory_space<hbm>> -> memref<1x40x128xi32, #tpu.memory_space<hbm>>
        %dma_wait3A_120 = tpu.memref_squeeze %dma_wait3A_119 : memref<1x40x128xi32, #tpu.memory_space<hbm>> -> memref<40x128xi32, #tpu.memory_space<hbm>>
        %dma_wait3A_121 = arith.constant 40 : i32
        %dma_wait3A_122 = arith.constant 0 : i32
        %dma_wait3A_123 = tpu.memref_slice %arg5[%arg1, %dma_wait3A_121, %dma_wait3A_122] : memref<16x80x128xi32, #tpu.memory_space<hbm>> -> memref<1x40x128xi32, #tpu.memory_space<hbm>>
        %dma_wait3A_124 = tpu.memref_squeeze %dma_wait3A_123 : memref<1x40x128xi32, #tpu.memory_space<hbm>> -> memref<40x128xi32, #tpu.memory_space<hbm>>
        tpu.wait_dma2 semaphore(%run_scoped3A_109 : memref<!tpu.dma_semaphore, #tpu.memory_space<semaphore_mem>>) src(%dma_wait3A_124 : memref<40x128xi32, #tpu.memory_space<hbm>>) dst(%arg11 : memref<40x128xi32, #tpu.memory_space<vmem>>)
        tpu.yield
      }) : () -> ()
      %dma_start3A_92 = arith.constant 0 : i32
      %dma_start3A_93 = arith.constant 0 : i32
      %dma_start3A_94 = arith.constant 0 : i32
      %dma_start3A_95 = arith.constant 0 : i32
      %dma_start3A_96 = tpu.memref_slice %arg12[%dma_start3A_93, %dma_start3A_94, %dma_start3A_95] : memref<2x128x128xf32, #tpu.memory_space<vmem>> -> memref<1x128x128xf32, #tpu.memory_space<vmem>>
      %dma_start3A_97 = tpu.memref_squeeze %dma_start3A_96 : memref<1x128x128xf32, #tpu.memory_space<vmem>> -> memref<128x128xf32, #tpu.memory_space<vmem>>
      %dma_start3A_98 = arith.constant 0 : i32
      %dma_start3A_99 = tpu.memref_slice %arg10[%dma_start3A_92, %dma_start3A_98] : memref<40x128xi32, #tpu.memory_space<vmem>> -> memref<1x128xi32, #tpu.memory_space<vmem>>
      %dma_start3A_100 = tpu.memref_squeeze %dma_start3A_99 : memref<1x128xi32, #tpu.memory_space<vmem>> -> memref<128xi32, #tpu.memory_space<vmem>>
      %dma_start3A_101 = arith.constant 0 : i32
      %dma_start3A_102 = arith.constant 0 : i32
      %dma_start3A_103 = tpu.memref_slice %arg2[%dma_start3A_101, %dma_start3A_102] : memref<10000x128xf32, #tpu.memory_space<hbm>> -> memref<10000x128xf32, #tpu.memory_space<hbm>>
      tpu.enqueue_indirect_dma source(%dma_start3A_103 : memref<10000x128xf32, #tpu.memory_space<hbm>>) target(%dma_start3A_97 : memref<128x128xf32, #tpu.memory_space<vmem>>) offsets(%dma_start3A_100 : memref<128xi32, #tpu.memory_space<vmem>>) semaphore(%arg15 : memref<!tpu.dma_semaphore, #tpu.memory_space<semaphore_mem>>)
      %scan3A_104 = arith.constant 0 : i32
      %scan3A_105 = arith.constant 20 : i32
      %scan3A_106 = arith.addi %scan3A_104, %scan3A_105 : i32
      %scan3A_107 = arith.constant 1 : i32
      scf.for %scan3A_109 = %scan3A_104 to %scan3A_106 step %scan3A_107  : i32 {
        %mul3A_110 = arith.constant 2 : i32
        %mul3A_111 = arith.muli %scan3A_109, %mul3A_110 : i32
        %add3A_112 = arith.constant 0 : i32
        %add3A_113 = arith.addi %add3A_112, %mul3A_111 : i32
        %add3A_114 = arith.constant 0 : i32
        %add3A_115 = arith.addi %add3A_113, %add3A_114 : i32
        %add3A_116 = arith.constant 1 : i32
        %add3A_117 = arith.addi %add3A_115, %add3A_116 : i32
        %lt3A = arith.constant 40 : i32
        %lt3A_118 = arith.cmpi slt, %add3A_117, %lt3A : i32
        %convert_element_type3A_119 = arith.extui %lt3A_118 : i1 to i32
        %cond3A_120 = arith.constant 0 : i32
        %cond3A_121 = arith.cmpi ne, %convert_element_type3A_119, %cond3A_120 : i32
        scf.if %cond3A_121 {
          %add3A_154 = arith.constant 1 : i32
          %add3A_155 = arith.addi %add3A_115, %add3A_154 : i32
          %dma_start3A_156 = arith.constant 1 : i32
          %dma_start3A_157 = arith.constant 0 : i32
          %dma_start3A_158 = arith.constant 0 : i32
          %dma_start3A_159 = tpu.memref_slice %arg12[%dma_start3A_156, %dma_start3A_157, %dma_start3A_158] : memref<2x128x128xf32, #tpu.memory_space<vmem>> -> memref<1x128x128xf32, #tpu.memory_space<vmem>>
          %dma_start3A_160 = tpu.memref_squeeze %dma_start3A_159 : memref<1x128x128xf32, #tpu.memory_space<vmem>> -> memref<128x128xf32, #tpu.memory_space<vmem>>
          %dma_start3A_161 = arith.constant 0 : i32
          %dma_start3A_162 = tpu.memref_slice %arg10[%add3A_155, %dma_start3A_161] : memref<40x128xi32, #tpu.memory_space<vmem>> -> memref<1x128xi32, #tpu.memory_space<vmem>>
          %dma_start3A_163 = tpu.memref_squeeze %dma_start3A_162 : memref<1x128xi32, #tpu.memory_space<vmem>> -> memref<128xi32, #tpu.memory_space<vmem>>
          %dma_start3A_164 = arith.constant 0 : i32
          %dma_start3A_165 = arith.constant 0 : i32
          %dma_start3A_166 = tpu.memref_slice %arg2[%dma_start3A_164, %dma_start3A_165] : memref<10000x128xf32, #tpu.memory_space<hbm>> -> memref<10000x128xf32, #tpu.memory_space<hbm>>
          tpu.enqueue_indirect_dma source(%dma_start3A_166 : memref<10000x128xf32, #tpu.memory_space<hbm>>) target(%dma_start3A_160 : memref<128x128xf32, #tpu.memory_space<vmem>>) offsets(%dma_start3A_163 : memref<128xi32, #tpu.memory_space<vmem>>) semaphore(%arg16 : memref<!tpu.dma_semaphore, #tpu.memory_space<semaphore_mem>>)
        } else {
        }
        %dma_wait3A = arith.constant 0 : i32
        %dma_wait3A_122 = arith.constant 0 : i32
        %dma_wait3A_123 = arith.constant 0 : i32
        %dma_wait3A_124 = tpu.memref_slice %arg12[%dma_wait3A, %dma_wait3A_122, %dma_wait3A_123] : memref<2x128x128xf32, #tpu.memory_space<vmem>> -> memref<1x128x128xf32, #tpu.memory_space<vmem>>
        %dma_wait3A_125 = tpu.memref_squeeze %dma_wait3A_124 : memref<1x128x128xf32, #tpu.memory_space<vmem>> -> memref<128x128xf32, #tpu.memory_space<vmem>>
        %dma_wait3A_126 = arith.constant 0 : i32
        %dma_wait3A_127 = tpu.memref_slice %arg10[%add3A_115, %dma_wait3A_126] : memref<40x128xi32, #tpu.memory_space<vmem>> -> memref<1x128xi32, #tpu.memory_space<vmem>>
        %dma_wait3A_128 = tpu.memref_squeeze %dma_wait3A_127 : memref<1x128xi32, #tpu.memory_space<vmem>> -> memref<128xi32, #tpu.memory_space<vmem>>
        %dma_wait3A_129 = arith.constant 0 : i32
        %dma_wait3A_130 = arith.constant 0 : i32
        %dma_wait3A_131 = tpu.memref_slice %arg2[%dma_wait3A_129, %dma_wait3A_130] : memref<10000x128xf32, #tpu.memory_space<hbm>> -> memref<10000x128xf32, #tpu.memory_space<hbm>>
        tpu.wait_indirect_dma semaphore(%arg15 : memref<!tpu.dma_semaphore, #tpu.memory_space<semaphore_mem>>) src(%dma_wait3A_131 : memref<10000x128xf32, #tpu.memory_space<hbm>>) dst(%dma_wait3A_125 : memref<128x128xf32, #tpu.memory_space<vmem>>)
        %run_scoped3A_132 = arith.constant 0 : i32
        "tpu.region"() ({
          %run_scoped3A_154 = tpu.sem_alloc : memref<!tpu.dma_semaphore, #tpu.memory_space<semaphore_mem>>
          %dma_start3A_155 = arith.constant 0 : i32
          %dma_start3A_156 = arith.constant 0 : i32
          %dma_start3A_157 = tpu.memref_slice %arg12[%run_scoped3A_132, %dma_start3A_155, %dma_start3A_156] : memref<2x128x128xf32, #tpu.memory_space<vmem>> -> memref<1x128x128xf32, #tpu.memory_space<vmem>>
          %dma_start3A_158 = tpu.memref_squeeze %dma_start3A_157 : memref<1x128x128xf32, #tpu.memory_space<vmem>> -> memref<128x128xf32, #tpu.memory_space<vmem>>
          %dma_start3A_159 = arith.constant 0 : i32
          %dma_start3A_160 = tpu.memref_slice %arg11[%add3A_115, %dma_start3A_159] : memref<40x128xi32, #tpu.memory_space<vmem>> -> memref<1x128xi32, #tpu.memory_space<vmem>>
          %dma_start3A_161 = tpu.memref_squeeze %dma_start3A_160 : memref<1x128xi32, #tpu.memory_space<vmem>> -> memref<128xi32, #tpu.memory_space<vmem>>
          %dma_start3A_162 = arith.constant 0 : i32
          %dma_start3A_163 = arith.constant 0 : i32
          %dma_start3A_164 = tpu.memref_slice %arg8[%dma_start3A_162, %dma_start3A_163] : memref<10240x128xf32, #tpu.memory_space<vmem_shared>> -> memref<10240x128xf32, #tpu.memory_space<vmem_shared>>
          tpu.enqueue_indirect_dma source(%dma_start3A_158 : memref<128x128xf32, #tpu.memory_space<vmem>>) target(%dma_start3A_164 : memref<10240x128xf32, #tpu.memory_space<vmem_shared>>) offsets(%dma_start3A_161 : memref<128xi32, #tpu.memory_space<vmem>>) semaphore(%run_scoped3A_154 : memref<!tpu.dma_semaphore, #tpu.memory_space<semaphore_mem>>) {add = true}
          %dma_wait3A_165 = arith.constant 0 : i32
          %dma_wait3A_166 = arith.constant 0 : i32
          %dma_wait3A_167 = tpu.memref_slice %arg12[%run_scoped3A_132, %dma_wait3A_165, %dma_wait3A_166] : memref<2x128x128xf32, #tpu.memory_space<vmem>> -> memref<1x128x128xf32, #tpu.memory_space<vmem>>
          %dma_wait3A_168 = tpu.memref_squeeze %dma_wait3A_167 : memref<1x128x128xf32, #tpu.memory_space<vmem>> -> memref<128x128xf32, #tpu.memory_space<vmem>>
          %dma_wait3A_169 = arith.constant 0 : i32
          %dma_wait3A_170 = tpu.memref_slice %arg11[%add3A_115, %dma_wait3A_169] : memref<40x128xi32, #tpu.memory_space<vmem>> -> memref<1x128xi32, #tpu.memory_space<vmem>>
          %dma_wait3A_171 = tpu.memref_squeeze %dma_wait3A_170 : memref<1x128xi32, #tpu.memory_space<vmem>> -> memref<128xi32, #tpu.memory_space<vmem>>
          %dma_wait3A_172 = arith.constant 0 : i32
          %dma_wait3A_173 = arith.constant 0 : i32
          %dma_wait3A_174 = tpu.memref_slice %arg8[%dma_wait3A_172, %dma_wait3A_173] : memref<10240x128xf32, #tpu.memory_space<vmem_shared>> -> memref<10240x128xf32, #tpu.memory_space<vmem_shared>>
          tpu.wait_indirect_dma semaphore(%run_scoped3A_154 : memref<!tpu.dma_semaphore, #tpu.memory_space<semaphore_mem>>) src(%dma_wait3A_168 : memref<128x128xf32, #tpu.memory_space<vmem>>) dst(%dma_wait3A_174 : memref<10240x128xf32, #tpu.memory_space<vmem_shared>>)
          tpu.yield
        }) : () -> ()
        %add3A_133 = arith.constant 1 : i32
        %add3A_134 = arith.addi %add3A_113, %add3A_133 : i32
        %add3A_135 = arith.constant 1 : i32
        %add3A_136 = arith.addi %add3A_134, %add3A_135 : i32
        %lt3A_137 = arith.constant 40 : i32
        %lt3A_138 = arith.cmpi slt, %add3A_136, %lt3A_137 : i32
        %convert_element_type3A_139 = arith.extui %lt3A_138 : i1 to i32
        %cond3A_140 = arith.constant 0 : i32
        %cond3A_141 = arith.cmpi ne, %convert_element_type3A_139, %cond3A_140 : i32
        scf.if %cond3A_141 {
          %add3A_154 = arith.constant 1 : i32
          %add3A_155 = arith.addi %add3A_134, %add3A_154 : i32
          %dma_start3A_156 = arith.constant 0 : i32
          %dma_start3A_157 = arith.constant 0 : i32
          %dma_start3A_158 = arith.constant 0 : i32
          %dma_start3A_159 = tpu.memref_slice %arg12[%dma_start3A_156, %dma_start3A_157, %dma_start3A_158] : memref<2x128x128xf32, #tpu.memory_space<vmem>> -> memref<1x128x128xf32, #tpu.memory_space<vmem>>
          %dma_start3A_160 = tpu.memref_squeeze %dma_start3A_159 : memref<1x128x128xf32, #tpu.memory_space<vmem>> -> memref<128x128xf32, #tpu.memory_space<vmem>>
          %dma_start3A_161 = arith.constant 0 : i32
          %dma_start3A_162 = tpu.memref_slice %arg10[%add3A_155, %dma_start3A_161] : memref<40x128xi32, #tpu.memory_space<vmem>> -> memref<1x128xi32, #tpu.memory_space<vmem>>
          %dma_start3A_163 = tpu.memref_squeeze %dma_start3A_162 : memref<1x128xi32, #tpu.memory_space<vmem>> -> memref<128xi32, #tpu.memory_space<vmem>>
          %dma_start3A_164 = arith.constant 0 : i32
          %dma_start3A_165 = arith.constant 0 : i32
          %dma_start3A_166 = tpu.memref_slice %arg2[%dma_start3A_164, %dma_start3A_165] : memref<10000x128xf32, #tpu.memory_space<hbm>> -> memref<10000x128xf32, #tpu.memory_space<hbm>>
          tpu.enqueue_indirect_dma source(%dma_start3A_166 : memref<10000x128xf32, #tpu.memory_space<hbm>>) target(%dma_start3A_160 : memref<128x128xf32, #tpu.memory_space<vmem>>) offsets(%dma_start3A_163 : memref<128xi32, #tpu.memory_space<vmem>>) semaphore(%arg15 : memref<!tpu.dma_semaphore, #tpu.memory_space<semaphore_mem>>)
        } else {
        }
        %dma_wait3A_142 = arith.constant 1 : i32
        %dma_wait3A_143 = arith.constant 0 : i32
        %dma_wait3A_144 = arith.constant 0 : i32
        %dma_wait3A_145 = tpu.memref_slice %arg12[%dma_wait3A_142, %dma_wait3A_143, %dma_wait3A_144] : memref<2x128x128xf32, #tpu.memory_space<vmem>> -> memref<1x128x128xf32, #tpu.memory_space<vmem>>
        %dma_wait3A_146 = tpu.memref_squeeze %dma_wait3A_145 : memref<1x128x128xf32, #tpu.memory_space<vmem>> -> memref<128x128xf32, #tpu.memory_space<vmem>>
        %dma_wait3A_147 = arith.constant 0 : i32
        %dma_wait3A_148 = tpu.memref_slice %arg10[%add3A_134, %dma_wait3A_147] : memref<40x128xi32, #tpu.memory_space<vmem>> -> memref<1x128xi32, #tpu.memory_space<vmem>>
        %dma_wait3A_149 = tpu.memref_squeeze %dma_wait3A_148 : memref<1x128xi32, #tpu.memory_space<vmem>> -> memref<128xi32, #tpu.memory_space<vmem>>
        %dma_wait3A_150 = arith.constant 0 : i32
        %dma_wait3A_151 = arith.constant 0 : i32
        %dma_wait3A_152 = tpu.memref_slice %arg2[%dma_wait3A_150, %dma_wait3A_151] : memref<10000x128xf32, #tpu.memory_space<hbm>> -> memref<10000x128xf32, #tpu.memory_space<hbm>>
        tpu.wait_indirect_dma semaphore(%arg16 : memref<!tpu.dma_semaphore, #tpu.memory_space<semaphore_mem>>) src(%dma_wait3A_152 : memref<10000x128xf32, #tpu.memory_space<hbm>>) dst(%dma_wait3A_146 : memref<128x128xf32, #tpu.memory_space<vmem>>)
        %run_scoped3A_153 = arith.constant 1 : i32
        "tpu.region"() ({
          %run_scoped3A_154 = tpu.sem_alloc : memref<!tpu.dma_semaphore, #tpu.memory_space<semaphore_mem>>
          %dma_start3A_155 = arith.constant 0 : i32
          %dma_start3A_156 = arith.constant 0 : i32
          %dma_start3A_157 = tpu.memref_slice %arg12[%run_scoped3A_153, %dma_start3A_155, %dma_start3A_156] : memref<2x128x128xf32, #tpu.memory_space<vmem>> -> memref<1x128x128xf32, #tpu.memory_space<vmem>>
          %dma_start3A_158 = tpu.memref_squeeze %dma_start3A_157 : memref<1x128x128xf32, #tpu.memory_space<vmem>> -> memref<128x128xf32, #tpu.memory_space<vmem>>
          %dma_start3A_159 = arith.constant 0 : i32
          %dma_start3A_160 = tpu.memref_slice %arg11[%add3A_134, %dma_start3A_159] : memref<40x128xi32, #tpu.memory_space<vmem>> -> memref<1x128xi32, #tpu.memory_space<vmem>>
          %dma_start3A_161 = tpu.memref_squeeze %dma_start3A_160 : memref<1x128xi32, #tpu.memory_space<vmem>> -> memref<128xi32, #tpu.memory_space<vmem>>
          %dma_start3A_162 = arith.constant 0 : i32
          %dma_start3A_163 = arith.constant 0 : i32
          %dma_start3A_164 = tpu.memref_slice %arg8[%dma_start3A_162, %dma_start3A_163] : memref<10240x128xf32, #tpu.memory_space<vmem_shared>> -> memref<10240x128xf32, #tpu.memory_space<vmem_shared>>
          tpu.enqueue_indirect_dma source(%dma_start3A_158 : memref<128x128xf32, #tpu.memory_space<vmem>>) target(%dma_start3A_164 : memref<10240x128xf32, #tpu.memory_space<vmem_shared>>) offsets(%dma_start3A_161 : memref<128xi32, #tpu.memory_space<vmem>>) semaphore(%run_scoped3A_154 : memref<!tpu.dma_semaphore, #tpu.memory_space<semaphore_mem>>) {add = true}
          %dma_wait3A_165 = arith.constant 0 : i32
          %dma_wait3A_166 = arith.constant 0 : i32
          %dma_wait3A_167 = tpu.memref_slice %arg12[%run_scoped3A_153, %dma_wait3A_165, %dma_wait3A_166] : memref<2x128x128xf32, #tpu.memory_space<vmem>> -> memref<1x128x128xf32, #tpu.memory_space<vmem>>
          %dma_wait3A_168 = tpu.memref_squeeze %dma_wait3A_167 : memref<1x128x128xf32, #tpu.memory_space<vmem>> -> memref<128x128xf32, #tpu.memory_space<vmem>>
          %dma_wait3A_169 = arith.constant 0 : i32
          %dma_wait3A_170 = tpu.memref_slice %arg11[%add3A_134, %dma_wait3A_169] : memref<40x128xi32, #tpu.memory_space<vmem>> -> memref<1x128xi32, #tpu.memory_space<vmem>>
          %dma_wait3A_171 = tpu.memref_squeeze %dma_wait3A_170 : memref<1x128xi32, #tpu.memory_space<vmem>> -> memref<128xi32, #tpu.memory_space<vmem>>
          %dma_wait3A_172 = arith.constant 0 : i32
          %dma_wait3A_173 = arith.constant 0 : i32
          %dma_wait3A_174 = tpu.memref_slice %arg8[%dma_wait3A_172, %dma_wait3A_173] : memref<10240x128xf32, #tpu.memory_space<vmem_shared>> -> memref<10240x128xf32, #tpu.memory_space<vmem_shared>>
          tpu.wait_indirect_dma semaphore(%run_scoped3A_154 : memref<!tpu.dma_semaphore, #tpu.memory_space<semaphore_mem>>) src(%dma_wait3A_168 : memref<128x128xf32, #tpu.memory_space<vmem>>) dst(%dma_wait3A_174 : memref<10240x128xf32, #tpu.memory_space<vmem_shared>>)
          tpu.yield
        }) : () -> ()
      }
      %scan3A_108 = arith.constant 20 : i32
    } else {
    }
    %eq3A_40 = arith.constant 1 : i32
    %eq3A_41 = arith.cmpi eq, %arg0, %eq3A_40 : i32
    %convert_element_type3A_42 = arith.extui %eq3A_41 : i1 to i32
    %cond3A_43 = arith.constant 0 : i32
    %cond3A_44 = arith.cmpi ne, %convert_element_type3A_42, %cond3A_43 : i32
    scf.if %cond3A_44 {
      "tpu.region"() ({
        %run_scoped3A_109 = tpu.sem_alloc : memref<!tpu.dma_semaphore, #tpu.memory_space<semaphore_mem>>
        %dma_start3A_110 = arith.constant 0 : i32
        %dma_start3A_111 = arith.constant 0 : i32
        %dma_start3A_112 = tpu.memref_slice %arg4[%arg1, %dma_start3A_110, %dma_start3A_111] : memref<16x80x128xi32, #tpu.memory_space<hbm>> -> memref<1x40x128xi32, #tpu.memory_space<hbm>>
        %dma_start3A_113 = tpu.memref_squeeze %dma_start3A_112 : memref<1x40x128xi32, #tpu.memory_space<hbm>> -> memref<40x128xi32, #tpu.memory_space<hbm>>
        %dma_start3A_114 = arith.constant 0 : i32
        %dma_start3A_115 = arith.constant 0 : i32
        %dma_start3A_116 = tpu.memref_slice %arg4[%arg1, %dma_start3A_114, %dma_start3A_115] : memref<16x80x128xi32, #tpu.memory_space<hbm>> -> memref<1x40x128xi32, #tpu.memory_space<hbm>>
        %dma_start3A_117 = tpu.memref_squeeze %dma_start3A_116 : memref<1x40x128xi32, #tpu.memory_space<hbm>> -> memref<40x128xi32, #tpu.memory_space<hbm>>
        tpu.enqueue_dma source(%dma_start3A_117 : memref<40x128xi32, #tpu.memory_space<hbm>>) target(%arg10 : memref<40x128xi32, #tpu.memory_space<vmem>>) target_semaphore(%run_scoped3A_109 : memref<!tpu.dma_semaphore, #tpu.memory_space<semaphore_mem>>)
        %dma_wait3A = arith.constant 0 : i32
        %dma_wait3A_118 = arith.constant 0 : i32
        %dma_wait3A_119 = tpu.memref_slice %arg4[%arg1, %dma_wait3A, %dma_wait3A_118] : memref<16x80x128xi32, #tpu.memory_space<hbm>> -> memref<1x40x128xi32, #tpu.memory_space<hbm>>
        %dma_wait3A_120 = tpu.memref_squeeze %dma_wait3A_119 : memref<1x40x128xi32, #tpu.memory_space<hbm>> -> memref<40x128xi32, #tpu.memory_space<hbm>>
        %dma_wait3A_121 = arith.constant 0 : i32
        %dma_wait3A_122 = arith.constant 0 : i32
        %dma_wait3A_123 = tpu.memref_slice %arg4[%arg1, %dma_wait3A_121, %dma_wait3A_122] : memref<16x80x128xi32, #tpu.memory_space<hbm>> -> memref<1x40x128xi32, #tpu.memory_space<hbm>>
        %dma_wait3A_124 = tpu.memref_squeeze %dma_wait3A_123 : memref<1x40x128xi32, #tpu.memory_space<hbm>> -> memref<40x128xi32, #tpu.memory_space<hbm>>
        tpu.wait_dma2 semaphore(%run_scoped3A_109 : memref<!tpu.dma_semaphore, #tpu.memory_space<semaphore_mem>>) src(%dma_wait3A_124 : memref<40x128xi32, #tpu.memory_space<hbm>>) dst(%arg10 : memref<40x128xi32, #tpu.memory_space<vmem>>)
        tpu.yield
      }) : () -> ()
      "tpu.region"() ({
        %run_scoped3A_109 = tpu.sem_alloc : memref<!tpu.dma_semaphore, #tpu.memory_space<semaphore_mem>>
        %dma_start3A_110 = arith.constant 0 : i32
        %dma_start3A_111 = arith.constant 0 : i32
        %dma_start3A_112 = tpu.memref_slice %arg5[%arg1, %dma_start3A_110, %dma_start3A_111] : memref<16x80x128xi32, #tpu.memory_space<hbm>> -> memref<1x40x128xi32, #tpu.memory_space<hbm>>
        %dma_start3A_113 = tpu.memref_squeeze %dma_start3A_112 : memref<1x40x128xi32, #tpu.memory_space<hbm>> -> memref<40x128xi32, #tpu.memory_space<hbm>>
        %dma_start3A_114 = arith.constant 0 : i32
        %dma_start3A_115 = arith.constant 0 : i32
        %dma_start3A_116 = tpu.memref_slice %arg5[%arg1, %dma_start3A_114, %dma_start3A_115] : memref<16x80x128xi32, #tpu.memory_space<hbm>> -> memref<1x40x128xi32, #tpu.memory_space<hbm>>
        %dma_start3A_117 = tpu.memref_squeeze %dma_start3A_116 : memref<1x40x128xi32, #tpu.memory_space<hbm>> -> memref<40x128xi32, #tpu.memory_space<hbm>>
        tpu.enqueue_dma source(%dma_start3A_117 : memref<40x128xi32, #tpu.memory_space<hbm>>) target(%arg11 : memref<40x128xi32, #tpu.memory_space<vmem>>) target_semaphore(%run_scoped3A_109 : memref<!tpu.dma_semaphore, #tpu.memory_space<semaphore_mem>>)
        %dma_wait3A = arith.constant 0 : i32
        %dma_wait3A_118 = arith.constant 0 : i32
        %dma_wait3A_119 = tpu.memref_slice %arg5[%arg1, %dma_wait3A, %dma_wait3A_118] : memref<16x80x128xi32, #tpu.memory_space<hbm>> -> memref<1x40x128xi32, #tpu.memory_space<hbm>>
        %dma_wait3A_120 = tpu.memref_squeeze %dma_wait3A_119 : memref<1x40x128xi32, #tpu.memory_space<hbm>> -> memref<40x128xi32, #tpu.memory_space<hbm>>
        %dma_wait3A_121 = arith.constant 0 : i32
        %dma_wait3A_122 = arith.constant 0 : i32
        %dma_wait3A_123 = tpu.memref_slice %arg5[%arg1, %dma_wait3A_121, %dma_wait3A_122] : memref<16x80x128xi32, #tpu.memory_space<hbm>> -> memref<1x40x128xi32, #tpu.memory_space<hbm>>
        %dma_wait3A_124 = tpu.memref_squeeze %dma_wait3A_123 : memref<1x40x128xi32, #tpu.memory_space<hbm>> -> memref<40x128xi32, #tpu.memory_space<hbm>>
        tpu.wait_dma2 semaphore(%run_scoped3A_109 : memref<!tpu.dma_semaphore, #tpu.memory_space<semaphore_mem>>) src(%dma_wait3A_124 : memref<40x128xi32, #tpu.memory_space<hbm>>) dst(%arg11 : memref<40x128xi32, #tpu.memory_space<vmem>>)
        tpu.yield
      }) : () -> ()
      %dma_start3A = arith.constant 0 : i32
      %dma_start3A_76 = arith.constant 0 : i32
      %dma_start3A_77 = arith.constant 0 : i32
      %dma_start3A_78 = arith.constant 0 : i32
      %dma_start3A_79 = tpu.memref_slice %arg12[%dma_start3A_76, %dma_start3A_77, %dma_start3A_78] : memref<2x128x128xf32, #tpu.memory_space<vmem>> -> memref<1x128x128xf32, #tpu.memory_space<vmem>>
      %dma_start3A_80 = tpu.memref_squeeze %dma_start3A_79 : memref<1x128x128xf32, #tpu.memory_space<vmem>> -> memref<128x128xf32, #tpu.memory_space<vmem>>
      %dma_start3A_81 = arith.constant 0 : i32
      %dma_start3A_82 = tpu.memref_slice %arg10[%dma_start3A, %dma_start3A_81] : memref<40x128xi32, #tpu.memory_space<vmem>> -> memref<1x128xi32, #tpu.memory_space<vmem>>
      %dma_start3A_83 = tpu.memref_squeeze %dma_start3A_82 : memref<1x128xi32, #tpu.memory_space<vmem>> -> memref<128xi32, #tpu.memory_space<vmem>>
      %dma_start3A_84 = arith.constant 0 : i32
      %dma_start3A_85 = arith.constant 0 : i32
      %dma_start3A_86 = tpu.memref_slice %arg3[%dma_start3A_84, %dma_start3A_85] : memref<10000x128xf32, #tpu.memory_space<hbm>> -> memref<10000x128xf32, #tpu.memory_space<hbm>>
      tpu.enqueue_indirect_dma source(%dma_start3A_86 : memref<10000x128xf32, #tpu.memory_space<hbm>>) target(%dma_start3A_80 : memref<128x128xf32, #tpu.memory_space<vmem>>) offsets(%dma_start3A_83 : memref<128xi32, #tpu.memory_space<vmem>>) semaphore(%arg15 : memref<!tpu.dma_semaphore, #tpu.memory_space<semaphore_mem>>)
      %scan3A_87 = arith.constant 0 : i32
      %scan3A_88 = arith.constant 20 : i32
      %scan3A_89 = arith.addi %scan3A_87, %scan3A_88 : i32
      %scan3A_90 = arith.constant 1 : i32
      scf.for %scan3A_109 = %scan3A_87 to %scan3A_89 step %scan3A_90  : i32 {
        %mul3A_110 = arith.constant 2 : i32
        %mul3A_111 = arith.muli %scan3A_109, %mul3A_110 : i32
        %add3A_112 = arith.constant 0 : i32
        %add3A_113 = arith.addi %add3A_112, %mul3A_111 : i32
        %add3A_114 = arith.constant 0 : i32
        %add3A_115 = arith.addi %add3A_113, %add3A_114 : i32
        %add3A_116 = arith.constant 1 : i32
        %add3A_117 = arith.addi %add3A_115, %add3A_116 : i32
        %lt3A = arith.constant 40 : i32
        %lt3A_118 = arith.cmpi slt, %add3A_117, %lt3A : i32
        %convert_element_type3A_119 = arith.extui %lt3A_118 : i1 to i32
        %cond3A_120 = arith.constant 0 : i32
        %cond3A_121 = arith.cmpi ne, %convert_element_type3A_119, %cond3A_120 : i32
        scf.if %cond3A_121 {
          %add3A_154 = arith.constant 1 : i32
          %add3A_155 = arith.addi %add3A_115, %add3A_154 : i32
          %dma_start3A_156 = arith.constant 1 : i32
          %dma_start3A_157 = arith.constant 0 : i32
          %dma_start3A_158 = arith.constant 0 : i32
          %dma_start3A_159 = tpu.memref_slice %arg12[%dma_start3A_156, %dma_start3A_157, %dma_start3A_158] : memref<2x128x128xf32, #tpu.memory_space<vmem>> -> memref<1x128x128xf32, #tpu.memory_space<vmem>>
          %dma_start3A_160 = tpu.memref_squeeze %dma_start3A_159 : memref<1x128x128xf32, #tpu.memory_space<vmem>> -> memref<128x128xf32, #tpu.memory_space<vmem>>
          %dma_start3A_161 = arith.constant 0 : i32
          %dma_start3A_162 = tpu.memref_slice %arg10[%add3A_155, %dma_start3A_161] : memref<40x128xi32, #tpu.memory_space<vmem>> -> memref<1x128xi32, #tpu.memory_space<vmem>>
          %dma_start3A_163 = tpu.memref_squeeze %dma_start3A_162 : memref<1x128xi32, #tpu.memory_space<vmem>> -> memref<128xi32, #tpu.memory_space<vmem>>
          %dma_start3A_164 = arith.constant 0 : i32
          %dma_start3A_165 = arith.constant 0 : i32
          %dma_start3A_166 = tpu.memref_slice %arg3[%dma_start3A_164, %dma_start3A_165] : memref<10000x128xf32, #tpu.memory_space<hbm>> -> memref<10000x128xf32, #tpu.memory_space<hbm>>
          tpu.enqueue_indirect_dma source(%dma_start3A_166 : memref<10000x128xf32, #tpu.memory_space<hbm>>) target(%dma_start3A_160 : memref<128x128xf32, #tpu.memory_space<vmem>>) offsets(%dma_start3A_163 : memref<128xi32, #tpu.memory_space<vmem>>) semaphore(%arg16 : memref<!tpu.dma_semaphore, #tpu.memory_space<semaphore_mem>>)
        } else {
        }
        %dma_wait3A = arith.constant 0 : i32
        %dma_wait3A_122 = arith.constant 0 : i32
        %dma_wait3A_123 = arith.constant 0 : i32
        %dma_wait3A_124 = tpu.memref_slice %arg12[%dma_wait3A, %dma_wait3A_122, %dma_wait3A_123] : memref<2x128x128xf32, #tpu.memory_space<vmem>> -> memref<1x128x128xf32, #tpu.memory_space<vmem>>
        %dma_wait3A_125 = tpu.memref_squeeze %dma_wait3A_124 : memref<1x128x128xf32, #tpu.memory_space<vmem>> -> memref<128x128xf32, #tpu.memory_space<vmem>>
        %dma_wait3A_126 = arith.constant 0 : i32
        %dma_wait3A_127 = tpu.memref_slice %arg10[%add3A_115, %dma_wait3A_126] : memref<40x128xi32, #tpu.memory_space<vmem>> -> memref<1x128xi32, #tpu.memory_space<vmem>>
        %dma_wait3A_128 = tpu.memref_squeeze %dma_wait3A_127 : memref<1x128xi32, #tpu.memory_space<vmem>> -> memref<128xi32, #tpu.memory_space<vmem>>
        %dma_wait3A_129 = arith.constant 0 : i32
        %dma_wait3A_130 = arith.constant 0 : i32
        %dma_wait3A_131 = tpu.memref_slice %arg3[%dma_wait3A_129, %dma_wait3A_130] : memref<10000x128xf32, #tpu.memory_space<hbm>> -> memref<10000x128xf32, #tpu.memory_space<hbm>>
        tpu.wait_indirect_dma semaphore(%arg15 : memref<!tpu.dma_semaphore, #tpu.memory_space<semaphore_mem>>) src(%dma_wait3A_131 : memref<10000x128xf32, #tpu.memory_space<hbm>>) dst(%dma_wait3A_125 : memref<128x128xf32, #tpu.memory_space<vmem>>)
        %run_scoped3A_132 = arith.constant 0 : i32
        "tpu.region"() ({
          %run_scoped3A_154 = tpu.sem_alloc : memref<!tpu.dma_semaphore, #tpu.memory_space<semaphore_mem>>
          %dma_start3A_155 = arith.constant 0 : i32
          %dma_start3A_156 = arith.constant 0 : i32
          %dma_start3A_157 = tpu.memref_slice %arg12[%run_scoped3A_132, %dma_start3A_155, %dma_start3A_156] : memref<2x128x128xf32, #tpu.memory_space<vmem>> -> memref<1x128x128xf32, #tpu.memory_space<vmem>>
          %dma_start3A_158 = tpu.memref_squeeze %dma_start3A_157 : memref<1x128x128xf32, #tpu.memory_space<vmem>> -> memref<128x128xf32, #tpu.memory_space<vmem>>
          %dma_start3A_159 = arith.constant 0 : i32
          %dma_start3A_160 = tpu.memref_slice %arg11[%add3A_115, %dma_start3A_159] : memref<40x128xi32, #tpu.memory_space<vmem>> -> memref<1x128xi32, #tpu.memory_space<vmem>>
          %dma_start3A_161 = tpu.memref_squeeze %dma_start3A_160 : memref<1x128xi32, #tpu.memory_space<vmem>> -> memref<128xi32, #tpu.memory_space<vmem>>
          %dma_start3A_162 = arith.constant 0 : i32
          %dma_start3A_163 = arith.constant 0 : i32
          %dma_start3A_164 = tpu.memref_slice %arg8[%dma_start3A_162, %dma_start3A_163] : memref<10240x128xf32, #tpu.memory_space<vmem_shared>> -> memref<10240x128xf32, #tpu.memory_space<vmem_shared>>
          tpu.enqueue_indirect_dma source(%dma_start3A_158 : memref<128x128xf32, #tpu.memory_space<vmem>>) target(%dma_start3A_164 : memref<10240x128xf32, #tpu.memory_space<vmem_shared>>) offsets(%dma_start3A_161 : memref<128xi32, #tpu.memory_space<vmem>>) semaphore(%run_scoped3A_154 : memref<!tpu.dma_semaphore, #tpu.memory_space<semaphore_mem>>) {add = true}
          %dma_wait3A_165 = arith.constant 0 : i32
          %dma_wait3A_166 = arith.constant 0 : i32
          %dma_wait3A_167 = tpu.memref_slice %arg12[%run_scoped3A_132, %dma_wait3A_165, %dma_wait3A_166] : memref<2x128x128xf32, #tpu.memory_space<vmem>> -> memref<1x128x128xf32, #tpu.memory_space<vmem>>
          %dma_wait3A_168 = tpu.memref_squeeze %dma_wait3A_167 : memref<1x128x128xf32, #tpu.memory_space<vmem>> -> memref<128x128xf32, #tpu.memory_space<vmem>>
          %dma_wait3A_169 = arith.constant 0 : i32
          %dma_wait3A_170 = tpu.memref_slice %arg11[%add3A_115, %dma_wait3A_169] : memref<40x128xi32, #tpu.memory_space<vmem>> -> memref<1x128xi32, #tpu.memory_space<vmem>>
          %dma_wait3A_171 = tpu.memref_squeeze %dma_wait3A_170 : memref<1x128xi32, #tpu.memory_space<vmem>> -> memref<128xi32, #tpu.memory_space<vmem>>
          %dma_wait3A_172 = arith.constant 0 : i32
          %dma_wait3A_173 = arith.constant 0 : i32
          %dma_wait3A_174 = tpu.memref_slice %arg8[%dma_wait3A_172, %dma_wait3A_173] : memref<10240x128xf32, #tpu.memory_space<vmem_shared>> -> memref<10240x128xf32, #tpu.memory_space<vmem_shared>>
          tpu.wait_indirect_dma semaphore(%run_scoped3A_154 : memref<!tpu.dma_semaphore, #tpu.memory_space<semaphore_mem>>) src(%dma_wait3A_168 : memref<128x128xf32, #tpu.memory_space<vmem>>) dst(%dma_wait3A_174 : memref<10240x128xf32, #tpu.memory_space<vmem_shared>>)
          tpu.yield
        }) : () -> ()
        %add3A_133 = arith.constant 1 : i32
        %add3A_134 = arith.addi %add3A_113, %add3A_133 : i32
        %add3A_135 = arith.constant 1 : i32
        %add3A_136 = arith.addi %add3A_134, %add3A_135 : i32
        %lt3A_137 = arith.constant 40 : i32
        %lt3A_138 = arith.cmpi slt, %add3A_136, %lt3A_137 : i32
        %convert_element_type3A_139 = arith.extui %lt3A_138 : i1 to i32
        %cond3A_140 = arith.constant 0 : i32
        %cond3A_141 = arith.cmpi ne, %convert_element_type3A_139, %cond3A_140 : i32
        scf.if %cond3A_141 {
          %add3A_154 = arith.constant 1 : i32
          %add3A_155 = arith.addi %add3A_134, %add3A_154 : i32
          %dma_start3A_156 = arith.constant 0 : i32
          %dma_start3A_157 = arith.constant 0 : i32
          %dma_start3A_158 = arith.constant 0 : i32
          %dma_start3A_159 = tpu.memref_slice %arg12[%dma_start3A_156, %dma_start3A_157, %dma_start3A_158] : memref<2x128x128xf32, #tpu.memory_space<vmem>> -> memref<1x128x128xf32, #tpu.memory_space<vmem>>
          %dma_start3A_160 = tpu.memref_squeeze %dma_start3A_159 : memref<1x128x128xf32, #tpu.memory_space<vmem>> -> memref<128x128xf32, #tpu.memory_space<vmem>>
          %dma_start3A_161 = arith.constant 0 : i32
          %dma_start3A_162 = tpu.memref_slice %arg10[%add3A_155, %dma_start3A_161] : memref<40x128xi32, #tpu.memory_space<vmem>> -> memref<1x128xi32, #tpu.memory_space<vmem>>
          %dma_start3A_163 = tpu.memref_squeeze %dma_start3A_162 : memref<1x128xi32, #tpu.memory_space<vmem>> -> memref<128xi32, #tpu.memory_space<vmem>>
          %dma_start3A_164 = arith.constant 0 : i32
          %dma_start3A_165 = arith.constant 0 : i32
          %dma_start3A_166 = tpu.memref_slice %arg3[%dma_start3A_164, %dma_start3A_165] : memref<10000x128xf32, #tpu.memory_space<hbm>> -> memref<10000x128xf32, #tpu.memory_space<hbm>>
          tpu.enqueue_indirect_dma source(%dma_start3A_166 : memref<10000x128xf32, #tpu.memory_space<hbm>>) target(%dma_start3A_160 : memref<128x128xf32, #tpu.memory_space<vmem>>) offsets(%dma_start3A_163 : memref<128xi32, #tpu.memory_space<vmem>>) semaphore(%arg15 : memref<!tpu.dma_semaphore, #tpu.memory_space<semaphore_mem>>)
        } else {
        }
        %dma_wait3A_142 = arith.constant 1 : i32
        %dma_wait3A_143 = arith.constant 0 : i32
        %dma_wait3A_144 = arith.constant 0 : i32
        %dma_wait3A_145 = tpu.memref_slice %arg12[%dma_wait3A_142, %dma_wait3A_143, %dma_wait3A_144] : memref<2x128x128xf32, #tpu.memory_space<vmem>> -> memref<1x128x128xf32, #tpu.memory_space<vmem>>
        %dma_wait3A_146 = tpu.memref_squeeze %dma_wait3A_145 : memref<1x128x128xf32, #tpu.memory_space<vmem>> -> memref<128x128xf32, #tpu.memory_space<vmem>>
        %dma_wait3A_147 = arith.constant 0 : i32
        %dma_wait3A_148 = tpu.memref_slice %arg10[%add3A_134, %dma_wait3A_147] : memref<40x128xi32, #tpu.memory_space<vmem>> -> memref<1x128xi32, #tpu.memory_space<vmem>>
        %dma_wait3A_149 = tpu.memref_squeeze %dma_wait3A_148 : memref<1x128xi32, #tpu.memory_space<vmem>> -> memref<128xi32, #tpu.memory_space<vmem>>
        %dma_wait3A_150 = arith.constant 0 : i32
        %dma_wait3A_151 = arith.constant 0 : i32
        %dma_wait3A_152 = tpu.memref_slice %arg3[%dma_wait3A_150, %dma_wait3A_151] : memref<10000x128xf32, #tpu.memory_space<hbm>> -> memref<10000x128xf32, #tpu.memory_space<hbm>>
        tpu.wait_indirect_dma semaphore(%arg16 : memref<!tpu.dma_semaphore, #tpu.memory_space<semaphore_mem>>) src(%dma_wait3A_152 : memref<10000x128xf32, #tpu.memory_space<hbm>>) dst(%dma_wait3A_146 : memref<128x128xf32, #tpu.memory_space<vmem>>)
        %run_scoped3A_153 = arith.constant 1 : i32
        "tpu.region"() ({
          %run_scoped3A_154 = tpu.sem_alloc : memref<!tpu.dma_semaphore, #tpu.memory_space<semaphore_mem>>
          %dma_start3A_155 = arith.constant 0 : i32
          %dma_start3A_156 = arith.constant 0 : i32
          %dma_start3A_157 = tpu.memref_slice %arg12[%run_scoped3A_153, %dma_start3A_155, %dma_start3A_156] : memref<2x128x128xf32, #tpu.memory_space<vmem>> -> memref<1x128x128xf32, #tpu.memory_space<vmem>>
          %dma_start3A_158 = tpu.memref_squeeze %dma_start3A_157 : memref<1x128x128xf32, #tpu.memory_space<vmem>> -> memref<128x128xf32, #tpu.memory_space<vmem>>
          %dma_start3A_159 = arith.constant 0 : i32
          %dma_start3A_160 = tpu.memref_slice %arg11[%add3A_134, %dma_start3A_159] : memref<40x128xi32, #tpu.memory_space<vmem>> -> memref<1x128xi32, #tpu.memory_space<vmem>>
          %dma_start3A_161 = tpu.memref_squeeze %dma_start3A_160 : memref<1x128xi32, #tpu.memory_space<vmem>> -> memref<128xi32, #tpu.memory_space<vmem>>
          %dma_start3A_162 = arith.constant 0 : i32
          %dma_start3A_163 = arith.constant 0 : i32
          %dma_start3A_164 = tpu.memref_slice %arg8[%dma_start3A_162, %dma_start3A_163] : memref<10240x128xf32, #tpu.memory_space<vmem_shared>> -> memref<10240x128xf32, #tpu.memory_space<vmem_shared>>
          tpu.enqueue_indirect_dma source(%dma_start3A_158 : memref<128x128xf32, #tpu.memory_space<vmem>>) target(%dma_start3A_164 : memref<10240x128xf32, #tpu.memory_space<vmem_shared>>) offsets(%dma_start3A_161 : memref<128xi32, #tpu.memory_space<vmem>>) semaphore(%run_scoped3A_154 : memref<!tpu.dma_semaphore, #tpu.memory_space<semaphore_mem>>) {add = true}
          %dma_wait3A_165 = arith.constant 0 : i32
          %dma_wait3A_166 = arith.constant 0 : i32
          %dma_wait3A_167 = tpu.memref_slice %arg12[%run_scoped3A_153, %dma_wait3A_165, %dma_wait3A_166] : memref<2x128x128xf32, #tpu.memory_space<vmem>> -> memref<1x128x128xf32, #tpu.memory_space<vmem>>
          %dma_wait3A_168 = tpu.memref_squeeze %dma_wait3A_167 : memref<1x128x128xf32, #tpu.memory_space<vmem>> -> memref<128x128xf32, #tpu.memory_space<vmem>>
          %dma_wait3A_169 = arith.constant 0 : i32
          %dma_wait3A_170 = tpu.memref_slice %arg11[%add3A_134, %dma_wait3A_169] : memref<40x128xi32, #tpu.memory_space<vmem>> -> memref<1x128xi32, #tpu.memory_space<vmem>>
          %dma_wait3A_171 = tpu.memref_squeeze %dma_wait3A_170 : memref<1x128xi32, #tpu.memory_space<vmem>> -> memref<128xi32, #tpu.memory_space<vmem>>
          %dma_wait3A_172 = arith.constant 0 : i32
          %dma_wait3A_173 = arith.constant 0 : i32
          %dma_wait3A_174 = tpu.memref_slice %arg8[%dma_wait3A_172, %dma_wait3A_173] : memref<10240x128xf32, #tpu.memory_space<vmem_shared>> -> memref<10240x128xf32, #tpu.memory_space<vmem_shared>>
          tpu.wait_indirect_dma semaphore(%run_scoped3A_154 : memref<!tpu.dma_semaphore, #tpu.memory_space<semaphore_mem>>) src(%dma_wait3A_168 : memref<128x128xf32, #tpu.memory_space<vmem>>) dst(%dma_wait3A_174 : memref<10240x128xf32, #tpu.memory_space<vmem_shared>>)
          tpu.yield
        }) : () -> ()
      }
      %scan3A_91 = arith.constant 20 : i32
      "tpu.region"() ({
        %run_scoped3A_109 = tpu.sem_alloc : memref<!tpu.dma_semaphore, #tpu.memory_space<semaphore_mem>>
        %dma_start3A_110 = arith.constant 40 : i32
        %dma_start3A_111 = arith.constant 0 : i32
        %dma_start3A_112 = tpu.memref_slice %arg4[%arg1, %dma_start3A_110, %dma_start3A_111] : memref<16x80x128xi32, #tpu.memory_space<hbm>> -> memref<1x40x128xi32, #tpu.memory_space<hbm>>
        %dma_start3A_113 = tpu.memref_squeeze %dma_start3A_112 : memref<1x40x128xi32, #tpu.memory_space<hbm>> -> memref<40x128xi32, #tpu.memory_space<hbm>>
        %dma_start3A_114 = arith.constant 40 : i32
        %dma_start3A_115 = arith.constant 0 : i32
        %dma_start3A_116 = tpu.memref_slice %arg4[%arg1, %dma_start3A_114, %dma_start3A_115] : memref<16x80x128xi32, #tpu.memory_space<hbm>> -> memref<1x40x128xi32, #tpu.memory_space<hbm>>
        %dma_start3A_117 = tpu.memref_squeeze %dma_start3A_116 : memref<1x40x128xi32, #tpu.memory_space<hbm>> -> memref<40x128xi32, #tpu.memory_space<hbm>>
        tpu.enqueue_dma source(%dma_start3A_117 : memref<40x128xi32, #tpu.memory_space<hbm>>) target(%arg10 : memref<40x128xi32, #tpu.memory_space<vmem>>) target_semaphore(%run_scoped3A_109 : memref<!tpu.dma_semaphore, #tpu.memory_space<semaphore_mem>>)
        %dma_wait3A = arith.constant 40 : i32
        %dma_wait3A_118 = arith.constant 0 : i32
        %dma_wait3A_119 = tpu.memref_slice %arg4[%arg1, %dma_wait3A, %dma_wait3A_118] : memref<16x80x128xi32, #tpu.memory_space<hbm>> -> memref<1x40x128xi32, #tpu.memory_space<hbm>>
        %dma_wait3A_120 = tpu.memref_squeeze %dma_wait3A_119 : memref<1x40x128xi32, #tpu.memory_space<hbm>> -> memref<40x128xi32, #tpu.memory_space<hbm>>
        %dma_wait3A_121 = arith.constant 40 : i32
        %dma_wait3A_122 = arith.constant 0 : i32
        %dma_wait3A_123 = tpu.memref_slice %arg4[%arg1, %dma_wait3A_121, %dma_wait3A_122] : memref<16x80x128xi32, #tpu.memory_space<hbm>> -> memref<1x40x128xi32, #tpu.memory_space<hbm>>
        %dma_wait3A_124 = tpu.memref_squeeze %dma_wait3A_123 : memref<1x40x128xi32, #tpu.memory_space<hbm>> -> memref<40x128xi32, #tpu.memory_space<hbm>>
        tpu.wait_dma2 semaphore(%run_scoped3A_109 : memref<!tpu.dma_semaphore, #tpu.memory_space<semaphore_mem>>) src(%dma_wait3A_124 : memref<40x128xi32, #tpu.memory_space<hbm>>) dst(%arg10 : memref<40x128xi32, #tpu.memory_space<vmem>>)
        tpu.yield
      }) : () -> ()
      "tpu.region"() ({
        %run_scoped3A_109 = tpu.sem_alloc : memref<!tpu.dma_semaphore, #tpu.memory_space<semaphore_mem>>
        %dma_start3A_110 = arith.constant 40 : i32
        %dma_start3A_111 = arith.constant 0 : i32
        %dma_start3A_112 = tpu.memref_slice %arg5[%arg1, %dma_start3A_110, %dma_start3A_111] : memref<16x80x128xi32, #tpu.memory_space<hbm>> -> memref<1x40x128xi32, #tpu.memory_space<hbm>>
        %dma_start3A_113 = tpu.memref_squeeze %dma_start3A_112 : memref<1x40x128xi32, #tpu.memory_space<hbm>> -> memref<40x128xi32, #tpu.memory_space<hbm>>
        %dma_start3A_114 = arith.constant 40 : i32
        %dma_start3A_115 = arith.constant 0 : i32
        %dma_start3A_116 = tpu.memref_slice %arg5[%arg1, %dma_start3A_114, %dma_start3A_115] : memref<16x80x128xi32, #tpu.memory_space<hbm>> -> memref<1x40x128xi32, #tpu.memory_space<hbm>>
        %dma_start3A_117 = tpu.memref_squeeze %dma_start3A_116 : memref<1x40x128xi32, #tpu.memory_space<hbm>> -> memref<40x128xi32, #tpu.memory_space<hbm>>
        tpu.enqueue_dma source(%dma_start3A_117 : memref<40x128xi32, #tpu.memory_space<hbm>>) target(%arg11 : memref<40x128xi32, #tpu.memory_space<vmem>>) target_semaphore(%run_scoped3A_109 : memref<!tpu.dma_semaphore, #tpu.memory_space<semaphore_mem>>)
        %dma_wait3A = arith.constant 40 : i32
        %dma_wait3A_118 = arith.constant 0 : i32
        %dma_wait3A_119 = tpu.memref_slice %arg5[%arg1, %dma_wait3A, %dma_wait3A_118] : memref<16x80x128xi32, #tpu.memory_space<hbm>> -> memref<1x40x128xi32, #tpu.memory_space<hbm>>
        %dma_wait3A_120 = tpu.memref_squeeze %dma_wait3A_119 : memref<1x40x128xi32, #tpu.memory_space<hbm>> -> memref<40x128xi32, #tpu.memory_space<hbm>>
        %dma_wait3A_121 = arith.constant 40 : i32
        %dma_wait3A_122 = arith.constant 0 : i32
        %dma_wait3A_123 = tpu.memref_slice %arg5[%arg1, %dma_wait3A_121, %dma_wait3A_122] : memref<16x80x128xi32, #tpu.memory_space<hbm>> -> memref<1x40x128xi32, #tpu.memory_space<hbm>>
        %dma_wait3A_124 = tpu.memref_squeeze %dma_wait3A_123 : memref<1x40x128xi32, #tpu.memory_space<hbm>> -> memref<40x128xi32, #tpu.memory_space<hbm>>
        tpu.wait_dma2 semaphore(%run_scoped3A_109 : memref<!tpu.dma_semaphore, #tpu.memory_space<semaphore_mem>>) src(%dma_wait3A_124 : memref<40x128xi32, #tpu.memory_space<hbm>>) dst(%arg11 : memref<40x128xi32, #tpu.memory_space<vmem>>)
        tpu.yield
      }) : () -> ()
      %dma_start3A_92 = arith.constant 0 : i32
      %dma_start3A_93 = arith.constant 0 : i32
      %dma_start3A_94 = arith.constant 0 : i32
      %dma_start3A_95 = arith.constant 0 : i32
      %dma_start3A_96 = tpu.memref_slice %arg12[%dma_start3A_93, %dma_start3A_94, %dma_start3A_95] : memref<2x128x128xf32, #tpu.memory_space<vmem>> -> memref<1x128x128xf32, #tpu.memory_space<vmem>>
      %dma_start3A_97 = tpu.memref_squeeze %dma_start3A_96 : memref<1x128x128xf32, #tpu.memory_space<vmem>> -> memref<128x128xf32, #tpu.memory_space<vmem>>
      %dma_start3A_98 = arith.constant 0 : i32
      %dma_start3A_99 = tpu.memref_slice %arg10[%dma_start3A_92, %dma_start3A_98] : memref<40x128xi32, #tpu.memory_space<vmem>> -> memref<1x128xi32, #tpu.memory_space<vmem>>
      %dma_start3A_100 = tpu.memref_squeeze %dma_start3A_99 : memref<1x128xi32, #tpu.memory_space<vmem>> -> memref<128xi32, #tpu.memory_space<vmem>>
      %dma_start3A_101 = arith.constant 0 : i32
      %dma_start3A_102 = arith.constant 0 : i32
      %dma_start3A_103 = tpu.memref_slice %arg3[%dma_start3A_101, %dma_start3A_102] : memref<10000x128xf32, #tpu.memory_space<hbm>> -> memref<10000x128xf32, #tpu.memory_space<hbm>>
      tpu.enqueue_indirect_dma source(%dma_start3A_103 : memref<10000x128xf32, #tpu.memory_space<hbm>>) target(%dma_start3A_97 : memref<128x128xf32, #tpu.memory_space<vmem>>) offsets(%dma_start3A_100 : memref<128xi32, #tpu.memory_space<vmem>>) semaphore(%arg15 : memref<!tpu.dma_semaphore, #tpu.memory_space<semaphore_mem>>)
      %scan3A_104 = arith.constant 0 : i32
      %scan3A_105 = arith.constant 20 : i32
      %scan3A_106 = arith.addi %scan3A_104, %scan3A_105 : i32
      %scan3A_107 = arith.constant 1 : i32
      scf.for %scan3A_109 = %scan3A_104 to %scan3A_106 step %scan3A_107  : i32 {
        %mul3A_110 = arith.constant 2 : i32
        %mul3A_111 = arith.muli %scan3A_109, %mul3A_110 : i32
        %add3A_112 = arith.constant 0 : i32
        %add3A_113 = arith.addi %add3A_112, %mul3A_111 : i32
        %add3A_114 = arith.constant 0 : i32
        %add3A_115 = arith.addi %add3A_113, %add3A_114 : i32
        %add3A_116 = arith.constant 1 : i32
        %add3A_117 = arith.addi %add3A_115, %add3A_116 : i32
        %lt3A = arith.constant 40 : i32
        %lt3A_118 = arith.cmpi slt, %add3A_117, %lt3A : i32
        %convert_element_type3A_119 = arith.extui %lt3A_118 : i1 to i32
        %cond3A_120 = arith.constant 0 : i32
        %cond3A_121 = arith.cmpi ne, %convert_element_type3A_119, %cond3A_120 : i32
        scf.if %cond3A_121 {
          %add3A_154 = arith.constant 1 : i32
          %add3A_155 = arith.addi %add3A_115, %add3A_154 : i32
          %dma_start3A_156 = arith.constant 1 : i32
          %dma_start3A_157 = arith.constant 0 : i32
          %dma_start3A_158 = arith.constant 0 : i32
          %dma_start3A_159 = tpu.memref_slice %arg12[%dma_start3A_156, %dma_start3A_157, %dma_start3A_158] : memref<2x128x128xf32, #tpu.memory_space<vmem>> -> memref<1x128x128xf32, #tpu.memory_space<vmem>>
          %dma_start3A_160 = tpu.memref_squeeze %dma_start3A_159 : memref<1x128x128xf32, #tpu.memory_space<vmem>> -> memref<128x128xf32, #tpu.memory_space<vmem>>
          %dma_start3A_161 = arith.constant 0 : i32
          %dma_start3A_162 = tpu.memref_slice %arg10[%add3A_155, %dma_start3A_161] : memref<40x128xi32, #tpu.memory_space<vmem>> -> memref<1x128xi32, #tpu.memory_space<vmem>>
          %dma_start3A_163 = tpu.memref_squeeze %dma_start3A_162 : memref<1x128xi32, #tpu.memory_space<vmem>> -> memref<128xi32, #tpu.memory_space<vmem>>
          %dma_start3A_164 = arith.constant 0 : i32
          %dma_start3A_165 = arith.constant 0 : i32
          %dma_start3A_166 = tpu.memref_slice %arg3[%dma_start3A_164, %dma_start3A_165] : memref<10000x128xf32, #tpu.memory_space<hbm>> -> memref<10000x128xf32, #tpu.memory_space<hbm>>
          tpu.enqueue_indirect_dma source(%dma_start3A_166 : memref<10000x128xf32, #tpu.memory_space<hbm>>) target(%dma_start3A_160 : memref<128x128xf32, #tpu.memory_space<vmem>>) offsets(%dma_start3A_163 : memref<128xi32, #tpu.memory_space<vmem>>) semaphore(%arg16 : memref<!tpu.dma_semaphore, #tpu.memory_space<semaphore_mem>>)
        } else {
        }
        %dma_wait3A = arith.constant 0 : i32
        %dma_wait3A_122 = arith.constant 0 : i32
        %dma_wait3A_123 = arith.constant 0 : i32
        %dma_wait3A_124 = tpu.memref_slice %arg12[%dma_wait3A, %dma_wait3A_122, %dma_wait3A_123] : memref<2x128x128xf32, #tpu.memory_space<vmem>> -> memref<1x128x128xf32, #tpu.memory_space<vmem>>
        %dma_wait3A_125 = tpu.memref_squeeze %dma_wait3A_124 : memref<1x128x128xf32, #tpu.memory_space<vmem>> -> memref<128x128xf32, #tpu.memory_space<vmem>>
        %dma_wait3A_126 = arith.constant 0 : i32
        %dma_wait3A_127 = tpu.memref_slice %arg10[%add3A_115, %dma_wait3A_126] : memref<40x128xi32, #tpu.memory_space<vmem>> -> memref<1x128xi32, #tpu.memory_space<vmem>>
        %dma_wait3A_128 = tpu.memref_squeeze %dma_wait3A_127 : memref<1x128xi32, #tpu.memory_space<vmem>> -> memref<128xi32, #tpu.memory_space<vmem>>
        %dma_wait3A_129 = arith.constant 0 : i32
        %dma_wait3A_130 = arith.constant 0 : i32
        %dma_wait3A_131 = tpu.memref_slice %arg3[%dma_wait3A_129, %dma_wait3A_130] : memref<10000x128xf32, #tpu.memory_space<hbm>> -> memref<10000x128xf32, #tpu.memory_space<hbm>>
        tpu.wait_indirect_dma semaphore(%arg15 : memref<!tpu.dma_semaphore, #tpu.memory_space<semaphore_mem>>) src(%dma_wait3A_131 : memref<10000x128xf32, #tpu.memory_space<hbm>>) dst(%dma_wait3A_125 : memref<128x128xf32, #tpu.memory_space<vmem>>)
        %run_scoped3A_132 = arith.constant 0 : i32
        "tpu.region"() ({
          %run_scoped3A_154 = tpu.sem_alloc : memref<!tpu.dma_semaphore, #tpu.memory_space<semaphore_mem>>
          %dma_start3A_155 = arith.constant 0 : i32
          %dma_start3A_156 = arith.constant 0 : i32
          %dma_start3A_157 = tpu.memref_slice %arg12[%run_scoped3A_132, %dma_start3A_155, %dma_start3A_156] : memref<2x128x128xf32, #tpu.memory_space<vmem>> -> memref<1x128x128xf32, #tpu.memory_space<vmem>>
          %dma_start3A_158 = tpu.memref_squeeze %dma_start3A_157 : memref<1x128x128xf32, #tpu.memory_space<vmem>> -> memref<128x128xf32, #tpu.memory_space<vmem>>
          %dma_start3A_159 = arith.constant 0 : i32
          %dma_start3A_160 = tpu.memref_slice %arg11[%add3A_115, %dma_start3A_159] : memref<40x128xi32, #tpu.memory_space<vmem>> -> memref<1x128xi32, #tpu.memory_space<vmem>>
          %dma_start3A_161 = tpu.memref_squeeze %dma_start3A_160 : memref<1x128xi32, #tpu.memory_space<vmem>> -> memref<128xi32, #tpu.memory_space<vmem>>
          %dma_start3A_162 = arith.constant 0 : i32
          %dma_start3A_163 = arith.constant 0 : i32
          %dma_start3A_164 = tpu.memref_slice %arg8[%dma_start3A_162, %dma_start3A_163] : memref<10240x128xf32, #tpu.memory_space<vmem_shared>> -> memref<10240x128xf32, #tpu.memory_space<vmem_shared>>
          tpu.enqueue_indirect_dma source(%dma_start3A_158 : memref<128x128xf32, #tpu.memory_space<vmem>>) target(%dma_start3A_164 : memref<10240x128xf32, #tpu.memory_space<vmem_shared>>) offsets(%dma_start3A_161 : memref<128xi32, #tpu.memory_space<vmem>>) semaphore(%run_scoped3A_154 : memref<!tpu.dma_semaphore, #tpu.memory_space<semaphore_mem>>) {add = true}
          %dma_wait3A_165 = arith.constant 0 : i32
          %dma_wait3A_166 = arith.constant 0 : i32
          %dma_wait3A_167 = tpu.memref_slice %arg12[%run_scoped3A_132, %dma_wait3A_165, %dma_wait3A_166] : memref<2x128x128xf32, #tpu.memory_space<vmem>> -> memref<1x128x128xf32, #tpu.memory_space<vmem>>
          %dma_wait3A_168 = tpu.memref_squeeze %dma_wait3A_167 : memref<1x128x128xf32, #tpu.memory_space<vmem>> -> memref<128x128xf32, #tpu.memory_space<vmem>>
          %dma_wait3A_169 = arith.constant 0 : i32
          %dma_wait3A_170 = tpu.memref_slice %arg11[%add3A_115, %dma_wait3A_169] : memref<40x128xi32, #tpu.memory_space<vmem>> -> memref<1x128xi32, #tpu.memory_space<vmem>>
          %dma_wait3A_171 = tpu.memref_squeeze %dma_wait3A_170 : memref<1x128xi32, #tpu.memory_space<vmem>> -> memref<128xi32, #tpu.memory_space<vmem>>
          %dma_wait3A_172 = arith.constant 0 : i32
          %dma_wait3A_173 = arith.constant 0 : i32
          %dma_wait3A_174 = tpu.memref_slice %arg8[%dma_wait3A_172, %dma_wait3A_173] : memref<10240x128xf32, #tpu.memory_space<vmem_shared>> -> memref<10240x128xf32, #tpu.memory_space<vmem_shared>>
          tpu.wait_indirect_dma semaphore(%run_scoped3A_154 : memref<!tpu.dma_semaphore, #tpu.memory_space<semaphore_mem>>) src(%dma_wait3A_168 : memref<128x128xf32, #tpu.memory_space<vmem>>) dst(%dma_wait3A_174 : memref<10240x128xf32, #tpu.memory_space<vmem_shared>>)
          tpu.yield
        }) : () -> ()
        %add3A_133 = arith.constant 1 : i32
        %add3A_134 = arith.addi %add3A_113, %add3A_133 : i32
        %add3A_135 = arith.constant 1 : i32
        %add3A_136 = arith.addi %add3A_134, %add3A_135 : i32
        %lt3A_137 = arith.constant 40 : i32
        %lt3A_138 = arith.cmpi slt, %add3A_136, %lt3A_137 : i32
        %convert_element_type3A_139 = arith.extui %lt3A_138 : i1 to i32
        %cond3A_140 = arith.constant 0 : i32
        %cond3A_141 = arith.cmpi ne, %convert_element_type3A_139, %cond3A_140 : i32
        scf.if %cond3A_141 {
          %add3A_154 = arith.constant 1 : i32
          %add3A_155 = arith.addi %add3A_134, %add3A_154 : i32
          %dma_start3A_156 = arith.constant 0 : i32
          %dma_start3A_157 = arith.constant 0 : i32
          %dma_start3A_158 = arith.constant 0 : i32
          %dma_start3A_159 = tpu.memref_slice %arg12[%dma_start3A_156, %dma_start3A_157, %dma_start3A_158] : memref<2x128x128xf32, #tpu.memory_space<vmem>> -> memref<1x128x128xf32, #tpu.memory_space<vmem>>
          %dma_start3A_160 = tpu.memref_squeeze %dma_start3A_159 : memref<1x128x128xf32, #tpu.memory_space<vmem>> -> memref<128x128xf32, #tpu.memory_space<vmem>>
          %dma_start3A_161 = arith.constant 0 : i32
          %dma_start3A_162 = tpu.memref_slice %arg10[%add3A_155, %dma_start3A_161] : memref<40x128xi32, #tpu.memory_space<vmem>> -> memref<1x128xi32, #tpu.memory_space<vmem>>
          %dma_start3A_163 = tpu.memref_squeeze %dma_start3A_162 : memref<1x128xi32, #tpu.memory_space<vmem>> -> memref<128xi32, #tpu.memory_space<vmem>>
          %dma_start3A_164 = arith.constant 0 : i32
          %dma_start3A_165 = arith.constant 0 : i32
          %dma_start3A_166 = tpu.memref_slice %arg3[%dma_start3A_164, %dma_start3A_165] : memref<10000x128xf32, #tpu.memory_space<hbm>> -> memref<10000x128xf32, #tpu.memory_space<hbm>>
          tpu.enqueue_indirect_dma source(%dma_start3A_166 : memref<10000x128xf32, #tpu.memory_space<hbm>>) target(%dma_start3A_160 : memref<128x128xf32, #tpu.memory_space<vmem>>) offsets(%dma_start3A_163 : memref<128xi32, #tpu.memory_space<vmem>>) semaphore(%arg15 : memref<!tpu.dma_semaphore, #tpu.memory_space<semaphore_mem>>)
        } else {
        }
        %dma_wait3A_142 = arith.constant 1 : i32
        %dma_wait3A_143 = arith.constant 0 : i32
        %dma_wait3A_144 = arith.constant 0 : i32
        %dma_wait3A_145 = tpu.memref_slice %arg12[%dma_wait3A_142, %dma_wait3A_143, %dma_wait3A_144] : memref<2x128x128xf32, #tpu.memory_space<vmem>> -> memref<1x128x128xf32, #tpu.memory_space<vmem>>
        %dma_wait3A_146 = tpu.memref_squeeze %dma_wait3A_145 : memref<1x128x128xf32, #tpu.memory_space<vmem>> -> memref<128x128xf32, #tpu.memory_space<vmem>>
        %dma_wait3A_147 = arith.constant 0 : i32
        %dma_wait3A_148 = tpu.memref_slice %arg10[%add3A_134, %dma_wait3A_147] : memref<40x128xi32, #tpu.memory_space<vmem>> -> memref<1x128xi32, #tpu.memory_space<vmem>>
        %dma_wait3A_149 = tpu.memref_squeeze %dma_wait3A_148 : memref<1x128xi32, #tpu.memory_space<vmem>> -> memref<128xi32, #tpu.memory_space<vmem>>
        %dma_wait3A_150 = arith.constant 0 : i32
        %dma_wait3A_151 = arith.constant 0 : i32
        %dma_wait3A_152 = tpu.memref_slice %arg3[%dma_wait3A_150, %dma_wait3A_151] : memref<10000x128xf32, #tpu.memory_space<hbm>> -> memref<10000x128xf32, #tpu.memory_space<hbm>>
        tpu.wait_indirect_dma semaphore(%arg16 : memref<!tpu.dma_semaphore, #tpu.memory_space<semaphore_mem>>) src(%dma_wait3A_152 : memref<10000x128xf32, #tpu.memory_space<hbm>>) dst(%dma_wait3A_146 : memref<128x128xf32, #tpu.memory_space<vmem>>)
        %run_scoped3A_153 = arith.constant 1 : i32
        "tpu.region"() ({
          %run_scoped3A_154 = tpu.sem_alloc : memref<!tpu.dma_semaphore, #tpu.memory_space<semaphore_mem>>
          %dma_start3A_155 = arith.constant 0 : i32
          %dma_start3A_156 = arith.constant 0 : i32
          %dma_start3A_157 = tpu.memref_slice %arg12[%run_scoped3A_153, %dma_start3A_155, %dma_start3A_156] : memref<2x128x128xf32, #tpu.memory_space<vmem>> -> memref<1x128x128xf32, #tpu.memory_space<vmem>>
          %dma_start3A_158 = tpu.memref_squeeze %dma_start3A_157 : memref<1x128x128xf32, #tpu.memory_space<vmem>> -> memref<128x128xf32, #tpu.memory_space<vmem>>
          %dma_start3A_159 = arith.constant 0 : i32
          %dma_start3A_160 = tpu.memref_slice %arg11[%add3A_134, %dma_start3A_159] : memref<40x128xi32, #tpu.memory_space<vmem>> -> memref<1x128xi32, #tpu.memory_space<vmem>>
          %dma_start3A_161 = tpu.memref_squeeze %dma_start3A_160 : memref<1x128xi32, #tpu.memory_space<vmem>> -> memref<128xi32, #tpu.memory_space<vmem>>
          %dma_start3A_162 = arith.constant 0 : i32
          %dma_start3A_163 = arith.constant 0 : i32
          %dma_start3A_164 = tpu.memref_slice %arg8[%dma_start3A_162, %dma_start3A_163] : memref<10240x128xf32, #tpu.memory_space<vmem_shared>> -> memref<10240x128xf32, #tpu.memory_space<vmem_shared>>
          tpu.enqueue_indirect_dma source(%dma_start3A_158 : memref<128x128xf32, #tpu.memory_space<vmem>>) target(%dma_start3A_164 : memref<10240x128xf32, #tpu.memory_space<vmem_shared>>) offsets(%dma_start3A_161 : memref<128xi32, #tpu.memory_space<vmem>>) semaphore(%run_scoped3A_154 : memref<!tpu.dma_semaphore, #tpu.memory_space<semaphore_mem>>) {add = true}
          %dma_wait3A_165 = arith.constant 0 : i32
          %dma_wait3A_166 = arith.constant 0 : i32
          %dma_wait3A_167 = tpu.memref_slice %arg12[%run_scoped3A_153, %dma_wait3A_165, %dma_wait3A_166] : memref<2x128x128xf32, #tpu.memory_space<vmem>> -> memref<1x128x128xf32, #tpu.memory_space<vmem>>
          %dma_wait3A_168 = tpu.memref_squeeze %dma_wait3A_167 : memref<1x128x128xf32, #tpu.memory_space<vmem>> -> memref<128x128xf32, #tpu.memory_space<vmem>>
          %dma_wait3A_169 = arith.constant 0 : i32
          %dma_wait3A_170 = tpu.memref_slice %arg11[%add3A_134, %dma_wait3A_169] : memref<40x128xi32, #tpu.memory_space<vmem>> -> memref<1x128xi32, #tpu.memory_space<vmem>>
          %dma_wait3A_171 = tpu.memref_squeeze %dma_wait3A_170 : memref<1x128xi32, #tpu.memory_space<vmem>> -> memref<128xi32, #tpu.memory_space<vmem>>
          %dma_wait3A_172 = arith.constant 0 : i32
          %dma_wait3A_173 = arith.constant 0 : i32
          %dma_wait3A_174 = tpu.memref_slice %arg8[%dma_wait3A_172, %dma_wait3A_173] : memref<10240x128xf32, #tpu.memory_space<vmem_shared>> -> memref<10240x128xf32, #tpu.memory_space<vmem_shared>>
          tpu.wait_indirect_dma semaphore(%run_scoped3A_154 : memref<!tpu.dma_semaphore, #tpu.memory_space<semaphore_mem>>) src(%dma_wait3A_168 : memref<128x128xf32, #tpu.memory_space<vmem>>) dst(%dma_wait3A_174 : memref<10240x128xf32, #tpu.memory_space<vmem_shared>>)
          tpu.yield
        }) : () -> ()
      }
      %scan3A_108 = arith.constant 20 : i32
    } else {
    }
    %barrier3A_45 = arith.constant 0 : index
    tpu.barrier barrier_id(%barrier3A_45)
    %mul3A_46 = arith.constant 640 : i32
    %mul3A_47 = arith.muli %arg1, %mul3A_46 : i32
    %add3A_48 = arith.constant 0 : i32
    %add3A_49 = arith.addi %mul3A_47, %add3A_48 : i32
    %run_scoped3A_50 = arith.constant 0 : i32
    "tpu.region"() ({
      %run_scoped3A_76 = tpu.sem_alloc : memref<!tpu.dma_semaphore, #tpu.memory_space<semaphore_mem>>
      %dma_start3A = arith.constant 0 : i32
      %dma_start3A_77 = arith.constant 0 : i32
      %dma_start3A_78 = tpu.memref_slice %arg12[%run_scoped3A_50, %dma_start3A, %dma_start3A_77] : memref<2x128x128xf32, #tpu.memory_space<vmem>> -> memref<1x128x128xf32, #tpu.memory_space<vmem>>
      %dma_start3A_79 = tpu.memref_squeeze %dma_start3A_78 : memref<1x128x128xf32, #tpu.memory_space<vmem>> -> memref<128x128xf32, #tpu.memory_space<vmem>>
      %dma_start3A_80 = arith.constant 0 : i32
      %dma_start3A_81 = tpu.memref_slice %arg8[%add3A_49, %dma_start3A_80] : memref<10240x128xf32, #tpu.memory_space<vmem_shared>> -> memref<128x128xf32, #tpu.memory_space<vmem_shared>>
      %dma_start3A_82 = arith.constant 0 : i32
      %dma_start3A_83 = arith.constant 0 : i32
      %dma_start3A_84 = tpu.memref_slice %arg12[%run_scoped3A_50, %dma_start3A_82, %dma_start3A_83] : memref<2x128x128xf32, #tpu.memory_space<vmem>> -> memref<1x128x128xf32, #tpu.memory_space<vmem>>
      %dma_start3A_85 = tpu.memref_squeeze %dma_start3A_84 : memref<1x128x128xf32, #tpu.memory_space<vmem>> -> memref<128x128xf32, #tpu.memory_space<vmem>>
      %dma_start3A_86 = arith.constant 0 : i32
      %dma_start3A_87 = tpu.memref_slice %arg8[%add3A_49, %dma_start3A_86] : memref<10240x128xf32, #tpu.memory_space<vmem_shared>> -> memref<128x128xf32, #tpu.memory_space<vmem_shared>>
      tpu.enqueue_dma source(%dma_start3A_87 : memref<128x128xf32, #tpu.memory_space<vmem_shared>>) target(%dma_start3A_85 : memref<128x128xf32, #tpu.memory_space<vmem>>) target_semaphore(%run_scoped3A_76 : memref<!tpu.dma_semaphore, #tpu.memory_space<semaphore_mem>>)
      %dma_wait3A = arith.constant 0 : i32
      %dma_wait3A_88 = arith.constant 0 : i32
      %dma_wait3A_89 = tpu.memref_slice %arg12[%run_scoped3A_50, %dma_wait3A, %dma_wait3A_88] : memref<2x128x128xf32, #tpu.memory_space<vmem>> -> memref<1x128x128xf32, #tpu.memory_space<vmem>>
      %dma_wait3A_90 = tpu.memref_squeeze %dma_wait3A_89 : memref<1x128x128xf32, #tpu.memory_space<vmem>> -> memref<128x128xf32, #tpu.memory_space<vmem>>
      %dma_wait3A_91 = arith.constant 0 : i32
      %dma_wait3A_92 = tpu.memref_slice %arg8[%add3A_49, %dma_wait3A_91] : memref<10240x128xf32, #tpu.memory_space<vmem_shared>> -> memref<128x128xf32, #tpu.memory_space<vmem_shared>>
      %dma_wait3A_93 = arith.constant 0 : i32
      %dma_wait3A_94 = arith.constant 0 : i32
      %dma_wait3A_95 = tpu.memref_slice %arg12[%run_scoped3A_50, %dma_wait3A_93, %dma_wait3A_94] : memref<2x128x128xf32, #tpu.memory_space<vmem>> -> memref<1x128x128xf32, #tpu.memory_space<vmem>>
      %dma_wait3A_96 = tpu.memref_squeeze %dma_wait3A_95 : memref<1x128x128xf32, #tpu.memory_space<vmem>> -> memref<128x128xf32, #tpu.memory_space<vmem>>
      %dma_wait3A_97 = arith.constant 0 : i32
      %dma_wait3A_98 = tpu.memref_slice %arg8[%add3A_49, %dma_wait3A_97] : memref<10240x128xf32, #tpu.memory_space<vmem_shared>> -> memref<128x128xf32, #tpu.memory_space<vmem_shared>>
      tpu.wait_dma2 semaphore(%run_scoped3A_76 : memref<!tpu.dma_semaphore, #tpu.memory_space<semaphore_mem>>) src(%dma_wait3A_98 : memref<128x128xf32, #tpu.memory_space<vmem_shared>>) dst(%dma_wait3A_96 : memref<128x128xf32, #tpu.memory_space<vmem>>)
      tpu.yield
    }) : () -> ()
    %run_scoped3A_51 = arith.constant 0 : i32
    "tpu.region"() ({
      %run_scoped3A_76 = tpu.sem_alloc : memref<!tpu.dma_semaphore, #tpu.memory_space<semaphore_mem>>
      %dma_start3A = arith.constant 0 : i32
      %dma_start3A_77 = arith.constant 0 : i32
      %dma_start3A_78 = tpu.memref_slice %arg12[%run_scoped3A_51, %dma_start3A, %dma_start3A_77] : memref<2x128x128xf32, #tpu.memory_space<vmem>> -> memref<1x128x128xf32, #tpu.memory_space<vmem>>
      %dma_start3A_79 = tpu.memref_squeeze %dma_start3A_78 : memref<1x128x128xf32, #tpu.memory_space<vmem>> -> memref<128x128xf32, #tpu.memory_space<vmem>>
      %dma_start3A_80 = arith.constant 0 : i32
      %dma_start3A_81 = tpu.memref_slice %arg6[%arg0, %add3A_49, %dma_start3A_80] : memref<2x10240x128xf32, #tpu.memory_space<hbm>> -> memref<1x128x128xf32, #tpu.memory_space<hbm>>
      %dma_start3A_82 = tpu.memref_squeeze %dma_start3A_81 : memref<1x128x128xf32, #tpu.memory_space<hbm>> -> memref<128x128xf32, #tpu.memory_space<hbm>>
      %dma_start3A_83 = arith.constant 0 : i32
      %dma_start3A_84 = tpu.memref_slice %arg6[%arg0, %add3A_49, %dma_start3A_83] : memref<2x10240x128xf32, #tpu.memory_space<hbm>> -> memref<1x128x128xf32, #tpu.memory_space<hbm>>
      %dma_start3A_85 = tpu.memref_squeeze %dma_start3A_84 : memref<1x128x128xf32, #tpu.memory_space<hbm>> -> memref<128x128xf32, #tpu.memory_space<hbm>>
      %dma_start3A_86 = arith.constant 0 : i32
      %dma_start3A_87 = arith.constant 0 : i32
      %dma_start3A_88 = tpu.memref_slice %arg12[%run_scoped3A_51, %dma_start3A_86, %dma_start3A_87] : memref<2x128x128xf32, #tpu.memory_space<vmem>> -> memref<1x128x128xf32, #tpu.memory_space<vmem>>
      %dma_start3A_89 = tpu.memref_squeeze %dma_start3A_88 : memref<1x128x128xf32, #tpu.memory_space<vmem>> -> memref<128x128xf32, #tpu.memory_space<vmem>>
      tpu.enqueue_dma source(%dma_start3A_89 : memref<128x128xf32, #tpu.memory_space<vmem>>) target(%dma_start3A_85 : memref<128x128xf32, #tpu.memory_space<hbm>>) target_semaphore(%run_scoped3A_76 : memref<!tpu.dma_semaphore, #tpu.memory_space<semaphore_mem>>)
      %dma_wait3A = arith.constant 0 : i32
      %dma_wait3A_90 = arith.constant 0 : i32
      %dma_wait3A_91 = tpu.memref_slice %arg12[%run_scoped3A_51, %dma_wait3A, %dma_wait3A_90] : memref<2x128x128xf32, #tpu.memory_space<vmem>> -> memref<1x128x128xf32, #tpu.memory_space<vmem>>
      %dma_wait3A_92 = tpu.memref_squeeze %dma_wait3A_91 : memref<1x128x128xf32, #tpu.memory_space<vmem>> -> memref<128x128xf32, #tpu.memory_space<vmem>>
      %dma_wait3A_93 = arith.constant 0 : i32
      %dma_wait3A_94 = tpu.memref_slice %arg6[%arg0, %add3A_49, %dma_wait3A_93] : memref<2x10240x128xf32, #tpu.memory_space<hbm>> -> memref<1x128x128xf32, #tpu.memory_space<hbm>>
      %dma_wait3A_95 = tpu.memref_squeeze %dma_wait3A_94 : memref<1x128x128xf32, #tpu.memory_space<hbm>> -> memref<128x128xf32, #tpu.memory_space<hbm>>
      %dma_wait3A_96 = arith.constant 0 : i32
      %dma_wait3A_97 = tpu.memref_slice %arg6[%arg0, %add3A_49, %dma_wait3A_96] : memref<2x10240x128xf32, #tpu.memory_space<hbm>> -> memref<1x128x128xf32, #tpu.memory_space<hbm>>
      %dma_wait3A_98 = tpu.memref_squeeze %dma_wait3A_97 : memref<1x128x128xf32, #tpu.memory_space<hbm>> -> memref<128x128xf32, #tpu.memory_space<hbm>>
      %dma_wait3A_99 = arith.constant 0 : i32
      %dma_wait3A_100 = arith.constant 0 : i32
      %dma_wait3A_101 = tpu.memref_slice %arg12[%run_scoped3A_51, %dma_wait3A_99, %dma_wait3A_100] : memref<2x128x128xf32, #tpu.memory_space<vmem>> -> memref<1x128x128xf32, #tpu.memory_space<vmem>>
      %dma_wait3A_102 = tpu.memref_squeeze %dma_wait3A_101 : memref<1x128x128xf32, #tpu.memory_space<vmem>> -> memref<128x128xf32, #tpu.memory_space<vmem>>
      tpu.wait_dma2 semaphore(%run_scoped3A_76 : memref<!tpu.dma_semaphore, #tpu.memory_space<semaphore_mem>>) src(%dma_wait3A_102 : memref<128x128xf32, #tpu.memory_space<vmem>>) dst(%dma_wait3A_98 : memref<128x128xf32, #tpu.memory_space<hbm>>)
      tpu.yield
    }) : () -> ()
    %mul3A_52 = arith.constant 640 : i32
    %mul3A_53 = arith.muli %arg1, %mul3A_52 : i32
    %add3A_54 = arith.constant 128 : i32
    %add3A_55 = arith.addi %mul3A_53, %add3A_54 : i32
    %run_scoped3A_56 = arith.constant 0 : i32
    "tpu.region"() ({
      %run_scoped3A_76 = tpu.sem_alloc : memref<!tpu.dma_semaphore, #tpu.memory_space<semaphore_mem>>
      %dma_start3A = arith.constant 0 : i32
      %dma_start3A_77 = arith.constant 0 : i32
      %dma_start3A_78 = tpu.memref_slice %arg12[%run_scoped3A_56, %dma_start3A, %dma_start3A_77] : memref<2x128x128xf32, #tpu.memory_space<vmem>> -> memref<1x128x128xf32, #tpu.memory_space<vmem>>
      %dma_start3A_79 = tpu.memref_squeeze %dma_start3A_78 : memref<1x128x128xf32, #tpu.memory_space<vmem>> -> memref<128x128xf32, #tpu.memory_space<vmem>>
      %dma_start3A_80 = arith.constant 0 : i32
      %dma_start3A_81 = tpu.memref_slice %arg8[%add3A_55, %dma_start3A_80] : memref<10240x128xf32, #tpu.memory_space<vmem_shared>> -> memref<128x128xf32, #tpu.memory_space<vmem_shared>>
      %dma_start3A_82 = arith.constant 0 : i32
      %dma_start3A_83 = arith.constant 0 : i32
      %dma_start3A_84 = tpu.memref_slice %arg12[%run_scoped3A_56, %dma_start3A_82, %dma_start3A_83] : memref<2x128x128xf32, #tpu.memory_space<vmem>> -> memref<1x128x128xf32, #tpu.memory_space<vmem>>
      %dma_start3A_85 = tpu.memref_squeeze %dma_start3A_84 : memref<1x128x128xf32, #tpu.memory_space<vmem>> -> memref<128x128xf32, #tpu.memory_space<vmem>>
      %dma_start3A_86 = arith.constant 0 : i32
      %dma_start3A_87 = tpu.memref_slice %arg8[%add3A_55, %dma_start3A_86] : memref<10240x128xf32, #tpu.memory_space<vmem_shared>> -> memref<128x128xf32, #tpu.memory_space<vmem_shared>>
      tpu.enqueue_dma source(%dma_start3A_87 : memref<128x128xf32, #tpu.memory_space<vmem_shared>>) target(%dma_start3A_85 : memref<128x128xf32, #tpu.memory_space<vmem>>) target_semaphore(%run_scoped3A_76 : memref<!tpu.dma_semaphore, #tpu.memory_space<semaphore_mem>>)
      %dma_wait3A = arith.constant 0 : i32
      %dma_wait3A_88 = arith.constant 0 : i32
      %dma_wait3A_89 = tpu.memref_slice %arg12[%run_scoped3A_56, %dma_wait3A, %dma_wait3A_88] : memref<2x128x128xf32, #tpu.memory_space<vmem>> -> memref<1x128x128xf32, #tpu.memory_space<vmem>>
      %dma_wait3A_90 = tpu.memref_squeeze %dma_wait3A_89 : memref<1x128x128xf32, #tpu.memory_space<vmem>> -> memref<128x128xf32, #tpu.memory_space<vmem>>
      %dma_wait3A_91 = arith.constant 0 : i32
      %dma_wait3A_92 = tpu.memref_slice %arg8[%add3A_55, %dma_wait3A_91] : memref<10240x128xf32, #tpu.memory_space<vmem_shared>> -> memref<128x128xf32, #tpu.memory_space<vmem_shared>>
      %dma_wait3A_93 = arith.constant 0 : i32
      %dma_wait3A_94 = arith.constant 0 : i32
      %dma_wait3A_95 = tpu.memref_slice %arg12[%run_scoped3A_56, %dma_wait3A_93, %dma_wait3A_94] : memref<2x128x128xf32, #tpu.memory_space<vmem>> -> memref<1x128x128xf32, #tpu.memory_space<vmem>>
      %dma_wait3A_96 = tpu.memref_squeeze %dma_wait3A_95 : memref<1x128x128xf32, #tpu.memory_space<vmem>> -> memref<128x128xf32, #tpu.memory_space<vmem>>
      %dma_wait3A_97 = arith.constant 0 : i32
      %dma_wait3A_98 = tpu.memref_slice %arg8[%add3A_55, %dma_wait3A_97] : memref<10240x128xf32, #tpu.memory_space<vmem_shared>> -> memref<128x128xf32, #tpu.memory_space<vmem_shared>>
      tpu.wait_dma2 semaphore(%run_scoped3A_76 : memref<!tpu.dma_semaphore, #tpu.memory_space<semaphore_mem>>) src(%dma_wait3A_98 : memref<128x128xf32, #tpu.memory_space<vmem_shared>>) dst(%dma_wait3A_96 : memref<128x128xf32, #tpu.memory_space<vmem>>)
      tpu.yield
    }) : () -> ()
    %run_scoped3A_57 = arith.constant 0 : i32
    "tpu.region"() ({
      %run_scoped3A_76 = tpu.sem_alloc : memref<!tpu.dma_semaphore, #tpu.memory_space<semaphore_mem>>
      %dma_start3A = arith.constant 0 : i32
      %dma_start3A_77 = arith.constant 0 : i32
      %dma_start3A_78 = tpu.memref_slice %arg12[%run_scoped3A_57, %dma_start3A, %dma_start3A_77] : memref<2x128x128xf32, #tpu.memory_space<vmem>> -> memref<1x128x128xf32, #tpu.memory_space<vmem>>
      %dma_start3A_79 = tpu.memref_squeeze %dma_start3A_78 : memref<1x128x128xf32, #tpu.memory_space<vmem>> -> memref<128x128xf32, #tpu.memory_space<vmem>>
      %dma_start3A_80 = arith.constant 0 : i32
      %dma_start3A_81 = tpu.memref_slice %arg6[%arg0, %add3A_55, %dma_start3A_80] : memref<2x10240x128xf32, #tpu.memory_space<hbm>> -> memref<1x128x128xf32, #tpu.memory_space<hbm>>
      %dma_start3A_82 = tpu.memref_squeeze %dma_start3A_81 : memref<1x128x128xf32, #tpu.memory_space<hbm>> -> memref<128x128xf32, #tpu.memory_space<hbm>>
      %dma_start3A_83 = arith.constant 0 : i32
      %dma_start3A_84 = tpu.memref_slice %arg6[%arg0, %add3A_55, %dma_start3A_83] : memref<2x10240x128xf32, #tpu.memory_space<hbm>> -> memref<1x128x128xf32, #tpu.memory_space<hbm>>
      %dma_start3A_85 = tpu.memref_squeeze %dma_start3A_84 : memref<1x128x128xf32, #tpu.memory_space<hbm>> -> memref<128x128xf32, #tpu.memory_space<hbm>>
      %dma_start3A_86 = arith.constant 0 : i32
      %dma_start3A_87 = arith.constant 0 : i32
      %dma_start3A_88 = tpu.memref_slice %arg12[%run_scoped3A_57, %dma_start3A_86, %dma_start3A_87] : memref<2x128x128xf32, #tpu.memory_space<vmem>> -> memref<1x128x128xf32, #tpu.memory_space<vmem>>
      %dma_start3A_89 = tpu.memref_squeeze %dma_start3A_88 : memref<1x128x128xf32, #tpu.memory_space<vmem>> -> memref<128x128xf32, #tpu.memory_space<vmem>>
      tpu.enqueue_dma source(%dma_start3A_89 : memref<128x128xf32, #tpu.memory_space<vmem>>) target(%dma_start3A_85 : memref<128x128xf32, #tpu.memory_space<hbm>>) target_semaphore(%run_scoped3A_76 : memref<!tpu.dma_semaphore, #tpu.memory_space<semaphore_mem>>)
      %dma_wait3A = arith.constant 0 : i32
      %dma_wait3A_90 = arith.constant 0 : i32
      %dma_wait3A_91 = tpu.memref_slice %arg12[%run_scoped3A_57, %dma_wait3A, %dma_wait3A_90] : memref<2x128x128xf32, #tpu.memory_space<vmem>> -> memref<1x128x128xf32, #tpu.memory_space<vmem>>
      %dma_wait3A_92 = tpu.memref_squeeze %dma_wait3A_91 : memref<1x128x128xf32, #tpu.memory_space<vmem>> -> memref<128x128xf32, #tpu.memory_space<vmem>>
      %dma_wait3A_93 = arith.constant 0 : i32
      %dma_wait3A_94 = tpu.memref_slice %arg6[%arg0, %add3A_55, %dma_wait3A_93] : memref<2x10240x128xf32, #tpu.memory_space<hbm>> -> memref<1x128x128xf32, #tpu.memory_space<hbm>>
      %dma_wait3A_95 = tpu.memref_squeeze %dma_wait3A_94 : memref<1x128x128xf32, #tpu.memory_space<hbm>> -> memref<128x128xf32, #tpu.memory_space<hbm>>
      %dma_wait3A_96 = arith.constant 0 : i32
      %dma_wait3A_97 = tpu.memref_slice %arg6[%arg0, %add3A_55, %dma_wait3A_96] : memref<2x10240x128xf32, #tpu.memory_space<hbm>> -> memref<1x128x128xf32, #tpu.memory_space<hbm>>
      %dma_wait3A_98 = tpu.memref_squeeze %dma_wait3A_97 : memref<1x128x128xf32, #tpu.memory_space<hbm>> -> memref<128x128xf32, #tpu.memory_space<hbm>>
      %dma_wait3A_99 = arith.constant 0 : i32
      %dma_wait3A_100 = arith.constant 0 : i32
      %dma_wait3A_101 = tpu.memref_slice %arg12[%run_scoped3A_57, %dma_wait3A_99, %dma_wait3A_100] : memref<2x128x128xf32, #tpu.memory_space<vmem>> -> memref<1x128x128xf32, #tpu.memory_space<vmem>>
      %dma_wait3A_102 = tpu.memref_squeeze %dma_wait3A_101 : memref<1x128x128xf32, #tpu.memory_space<vmem>> -> memref<128x128xf32, #tpu.memory_space<vmem>>
      tpu.wait_dma2 semaphore(%run_scoped3A_76 : memref<!tpu.dma_semaphore, #tpu.memory_space<semaphore_mem>>) src(%dma_wait3A_102 : memref<128x128xf32, #tpu.memory_space<vmem>>) dst(%dma_wait3A_98 : memref<128x128xf32, #tpu.memory_space<hbm>>)
      tpu.yield
    }) : () -> ()
    %mul3A_58 = arith.constant 640 : i32
    %mul3A_59 = arith.muli %arg1, %mul3A_58 : i32
    %add3A_60 = arith.constant 256 : i32
    %add3A_61 = arith.addi %mul3A_59, %add3A_60 : i32
    %run_scoped3A_62 = arith.constant 0 : i32
    "tpu.region"() ({
      %run_scoped3A_76 = tpu.sem_alloc : memref<!tpu.dma_semaphore, #tpu.memory_space<semaphore_mem>>
      %dma_start3A = arith.constant 0 : i32
      %dma_start3A_77 = arith.constant 0 : i32
      %dma_start3A_78 = tpu.memref_slice %arg12[%run_scoped3A_62, %dma_start3A, %dma_start3A_77] : memref<2x128x128xf32, #tpu.memory_space<vmem>> -> memref<1x128x128xf32, #tpu.memory_space<vmem>>
      %dma_start3A_79 = tpu.memref_squeeze %dma_start3A_78 : memref<1x128x128xf32, #tpu.memory_space<vmem>> -> memref<128x128xf32, #tpu.memory_space<vmem>>
      %dma_start3A_80 = arith.constant 0 : i32
      %dma_start3A_81 = tpu.memref_slice %arg8[%add3A_61, %dma_start3A_80] : memref<10240x128xf32, #tpu.memory_space<vmem_shared>> -> memref<128x128xf32, #tpu.memory_space<vmem_shared>>
      %dma_start3A_82 = arith.constant 0 : i32
      %dma_start3A_83 = arith.constant 0 : i32
      %dma_start3A_84 = tpu.memref_slice %arg12[%run_scoped3A_62, %dma_start3A_82, %dma_start3A_83] : memref<2x128x128xf32, #tpu.memory_space<vmem>> -> memref<1x128x128xf32, #tpu.memory_space<vmem>>
      %dma_start3A_85 = tpu.memref_squeeze %dma_start3A_84 : memref<1x128x128xf32, #tpu.memory_space<vmem>> -> memref<128x128xf32, #tpu.memory_space<vmem>>
      %dma_start3A_86 = arith.constant 0 : i32
      %dma_start3A_87 = tpu.memref_slice %arg8[%add3A_61, %dma_start3A_86] : memref<10240x128xf32, #tpu.memory_space<vmem_shared>> -> memref<128x128xf32, #tpu.memory_space<vmem_shared>>
      tpu.enqueue_dma source(%dma_start3A_87 : memref<128x128xf32, #tpu.memory_space<vmem_shared>>) target(%dma_start3A_85 : memref<128x128xf32, #tpu.memory_space<vmem>>) target_semaphore(%run_scoped3A_76 : memref<!tpu.dma_semaphore, #tpu.memory_space<semaphore_mem>>)
      %dma_wait3A = arith.constant 0 : i32
      %dma_wait3A_88 = arith.constant 0 : i32
      %dma_wait3A_89 = tpu.memref_slice %arg12[%run_scoped3A_62, %dma_wait3A, %dma_wait3A_88] : memref<2x128x128xf32, #tpu.memory_space<vmem>> -> memref<1x128x128xf32, #tpu.memory_space<vmem>>
      %dma_wait3A_90 = tpu.memref_squeeze %dma_wait3A_89 : memref<1x128x128xf32, #tpu.memory_space<vmem>> -> memref<128x128xf32, #tpu.memory_space<vmem>>
      %dma_wait3A_91 = arith.constant 0 : i32
      %dma_wait3A_92 = tpu.memref_slice %arg8[%add3A_61, %dma_wait3A_91] : memref<10240x128xf32, #tpu.memory_space<vmem_shared>> -> memref<128x128xf32, #tpu.memory_space<vmem_shared>>
      %dma_wait3A_93 = arith.constant 0 : i32
      %dma_wait3A_94 = arith.constant 0 : i32
      %dma_wait3A_95 = tpu.memref_slice %arg12[%run_scoped3A_62, %dma_wait3A_93, %dma_wait3A_94] : memref<2x128x128xf32, #tpu.memory_space<vmem>> -> memref<1x128x128xf32, #tpu.memory_space<vmem>>
      %dma_wait3A_96 = tpu.memref_squeeze %dma_wait3A_95 : memref<1x128x128xf32, #tpu.memory_space<vmem>> -> memref<128x128xf32, #tpu.memory_space<vmem>>
      %dma_wait3A_97 = arith.constant 0 : i32
      %dma_wait3A_98 = tpu.memref_slice %arg8[%add3A_61, %dma_wait3A_97] : memref<10240x128xf32, #tpu.memory_space<vmem_shared>> -> memref<128x128xf32, #tpu.memory_space<vmem_shared>>
      tpu.wait_dma2 semaphore(%run_scoped3A_76 : memref<!tpu.dma_semaphore, #tpu.memory_space<semaphore_mem>>) src(%dma_wait3A_98 : memref<128x128xf32, #tpu.memory_space<vmem_shared>>) dst(%dma_wait3A_96 : memref<128x128xf32, #tpu.memory_space<vmem>>)
      tpu.yield
    }) : () -> ()
    %run_scoped3A_63 = arith.constant 0 : i32
    "tpu.region"() ({
      %run_scoped3A_76 = tpu.sem_alloc : memref<!tpu.dma_semaphore, #tpu.memory_space<semaphore_mem>>
      %dma_start3A = arith.constant 0 : i32
      %dma_start3A_77 = arith.constant 0 : i32
      %dma_start3A_78 = tpu.memref_slice %arg12[%run_scoped3A_63, %dma_start3A, %dma_start3A_77] : memref<2x128x128xf32, #tpu.memory_space<vmem>> -> memref<1x128x128xf32, #tpu.memory_space<vmem>>
      %dma_start3A_79 = tpu.memref_squeeze %dma_start3A_78 : memref<1x128x128xf32, #tpu.memory_space<vmem>> -> memref<128x128xf32, #tpu.memory_space<vmem>>
      %dma_start3A_80 = arith.constant 0 : i32
      %dma_start3A_81 = tpu.memref_slice %arg6[%arg0, %add3A_61, %dma_start3A_80] : memref<2x10240x128xf32, #tpu.memory_space<hbm>> -> memref<1x128x128xf32, #tpu.memory_space<hbm>>
      %dma_start3A_82 = tpu.memref_squeeze %dma_start3A_81 : memref<1x128x128xf32, #tpu.memory_space<hbm>> -> memref<128x128xf32, #tpu.memory_space<hbm>>
      %dma_start3A_83 = arith.constant 0 : i32
      %dma_start3A_84 = tpu.memref_slice %arg6[%arg0, %add3A_61, %dma_start3A_83] : memref<2x10240x128xf32, #tpu.memory_space<hbm>> -> memref<1x128x128xf32, #tpu.memory_space<hbm>>
      %dma_start3A_85 = tpu.memref_squeeze %dma_start3A_84 : memref<1x128x128xf32, #tpu.memory_space<hbm>> -> memref<128x128xf32, #tpu.memory_space<hbm>>
      %dma_start3A_86 = arith.constant 0 : i32
      %dma_start3A_87 = arith.constant 0 : i32
      %dma_start3A_88 = tpu.memref_slice %arg12[%run_scoped3A_63, %dma_start3A_86, %dma_start3A_87] : memref<2x128x128xf32, #tpu.memory_space<vmem>> -> memref<1x128x128xf32, #tpu.memory_space<vmem>>
      %dma_start3A_89 = tpu.memref_squeeze %dma_start3A_88 : memref<1x128x128xf32, #tpu.memory_space<vmem>> -> memref<128x128xf32, #tpu.memory_space<vmem>>
      tpu.enqueue_dma source(%dma_start3A_89 : memref<128x128xf32, #tpu.memory_space<vmem>>) target(%dma_start3A_85 : memref<128x128xf32, #tpu.memory_space<hbm>>) target_semaphore(%run_scoped3A_76 : memref<!tpu.dma_semaphore, #tpu.memory_space<semaphore_mem>>)
      %dma_wait3A = arith.constant 0 : i32
      %dma_wait3A_90 = arith.constant 0 : i32
      %dma_wait3A_91 = tpu.memref_slice %arg12[%run_scoped3A_63, %dma_wait3A, %dma_wait3A_90] : memref<2x128x128xf32, #tpu.memory_space<vmem>> -> memref<1x128x128xf32, #tpu.memory_space<vmem>>
      %dma_wait3A_92 = tpu.memref_squeeze %dma_wait3A_91 : memref<1x128x128xf32, #tpu.memory_space<vmem>> -> memref<128x128xf32, #tpu.memory_space<vmem>>
      %dma_wait3A_93 = arith.constant 0 : i32
      %dma_wait3A_94 = tpu.memref_slice %arg6[%arg0, %add3A_61, %dma_wait3A_93] : memref<2x10240x128xf32, #tpu.memory_space<hbm>> -> memref<1x128x128xf32, #tpu.memory_space<hbm>>
      %dma_wait3A_95 = tpu.memref_squeeze %dma_wait3A_94 : memref<1x128x128xf32, #tpu.memory_space<hbm>> -> memref<128x128xf32, #tpu.memory_space<hbm>>
      %dma_wait3A_96 = arith.constant 0 : i32
      %dma_wait3A_97 = tpu.memref_slice %arg6[%arg0, %add3A_61, %dma_wait3A_96] : memref<2x10240x128xf32, #tpu.memory_space<hbm>> -> memref<1x128x128xf32, #tpu.memory_space<hbm>>
      %dma_wait3A_98 = tpu.memref_squeeze %dma_wait3A_97 : memref<1x128x128xf32, #tpu.memory_space<hbm>> -> memref<128x128xf32, #tpu.memory_space<hbm>>
      %dma_wait3A_99 = arith.constant 0 : i32
      %dma_wait3A_100 = arith.constant 0 : i32
      %dma_wait3A_101 = tpu.memref_slice %arg12[%run_scoped3A_63, %dma_wait3A_99, %dma_wait3A_100] : memref<2x128x128xf32, #tpu.memory_space<vmem>> -> memref<1x128x128xf32, #tpu.memory_space<vmem>>
      %dma_wait3A_102 = tpu.memref_squeeze %dma_wait3A_101 : memref<1x128x128xf32, #tpu.memory_space<vmem>> -> memref<128x128xf32, #tpu.memory_space<vmem>>
      tpu.wait_dma2 semaphore(%run_scoped3A_76 : memref<!tpu.dma_semaphore, #tpu.memory_space<semaphore_mem>>) src(%dma_wait3A_102 : memref<128x128xf32, #tpu.memory_space<vmem>>) dst(%dma_wait3A_98 : memref<128x128xf32, #tpu.memory_space<hbm>>)
      tpu.yield
    }) : () -> ()
    %mul3A_64 = arith.constant 640 : i32
    %mul3A_65 = arith.muli %arg1, %mul3A_64 : i32
    %add3A_66 = arith.constant 384 : i32
    %add3A_67 = arith.addi %mul3A_65, %add3A_66 : i32
    %run_scoped3A_68 = arith.constant 0 : i32
    "tpu.region"() ({
      %run_scoped3A_76 = tpu.sem_alloc : memref<!tpu.dma_semaphore, #tpu.memory_space<semaphore_mem>>
      %dma_start3A = arith.constant 0 : i32
      %dma_start3A_77 = arith.constant 0 : i32
      %dma_start3A_78 = tpu.memref_slice %arg12[%run_scoped3A_68, %dma_start3A, %dma_start3A_77] : memref<2x128x128xf32, #tpu.memory_space<vmem>> -> memref<1x128x128xf32, #tpu.memory_space<vmem>>
      %dma_start3A_79 = tpu.memref_squeeze %dma_start3A_78 : memref<1x128x128xf32, #tpu.memory_space<vmem>> -> memref<128x128xf32, #tpu.memory_space<vmem>>
      %dma_start3A_80 = arith.constant 0 : i32
      %dma_start3A_81 = tpu.memref_slice %arg8[%add3A_67, %dma_start3A_80] : memref<10240x128xf32, #tpu.memory_space<vmem_shared>> -> memref<128x128xf32, #tpu.memory_space<vmem_shared>>
      %dma_start3A_82 = arith.constant 0 : i32
      %dma_start3A_83 = arith.constant 0 : i32
      %dma_start3A_84 = tpu.memref_slice %arg12[%run_scoped3A_68, %dma_start3A_82, %dma_start3A_83] : memref<2x128x128xf32, #tpu.memory_space<vmem>> -> memref<1x128x128xf32, #tpu.memory_space<vmem>>
      %dma_start3A_85 = tpu.memref_squeeze %dma_start3A_84 : memref<1x128x128xf32, #tpu.memory_space<vmem>> -> memref<128x128xf32, #tpu.memory_space<vmem>>
      %dma_start3A_86 = arith.constant 0 : i32
      %dma_start3A_87 = tpu.memref_slice %arg8[%add3A_67, %dma_start3A_86] : memref<10240x128xf32, #tpu.memory_space<vmem_shared>> -> memref<128x128xf32, #tpu.memory_space<vmem_shared>>
      tpu.enqueue_dma source(%dma_start3A_87 : memref<128x128xf32, #tpu.memory_space<vmem_shared>>) target(%dma_start3A_85 : memref<128x128xf32, #tpu.memory_space<vmem>>) target_semaphore(%run_scoped3A_76 : memref<!tpu.dma_semaphore, #tpu.memory_space<semaphore_mem>>)
      %dma_wait3A = arith.constant 0 : i32
      %dma_wait3A_88 = arith.constant 0 : i32
      %dma_wait3A_89 = tpu.memref_slice %arg12[%run_scoped3A_68, %dma_wait3A, %dma_wait3A_88] : memref<2x128x128xf32, #tpu.memory_space<vmem>> -> memref<1x128x128xf32, #tpu.memory_space<vmem>>
      %dma_wait3A_90 = tpu.memref_squeeze %dma_wait3A_89 : memref<1x128x128xf32, #tpu.memory_space<vmem>> -> memref<128x128xf32, #tpu.memory_space<vmem>>
      %dma_wait3A_91 = arith.constant 0 : i32
      %dma_wait3A_92 = tpu.memref_slice %arg8[%add3A_67, %dma_wait3A_91] : memref<10240x128xf32, #tpu.memory_space<vmem_shared>> -> memref<128x128xf32, #tpu.memory_space<vmem_shared>>
      %dma_wait3A_93 = arith.constant 0 : i32
      %dma_wait3A_94 = arith.constant 0 : i32
      %dma_wait3A_95 = tpu.memref_slice %arg12[%run_scoped3A_68, %dma_wait3A_93, %dma_wait3A_94] : memref<2x128x128xf32, #tpu.memory_space<vmem>> -> memref<1x128x128xf32, #tpu.memory_space<vmem>>
      %dma_wait3A_96 = tpu.memref_squeeze %dma_wait3A_95 : memref<1x128x128xf32, #tpu.memory_space<vmem>> -> memref<128x128xf32, #tpu.memory_space<vmem>>
      %dma_wait3A_97 = arith.constant 0 : i32
      %dma_wait3A_98 = tpu.memref_slice %arg8[%add3A_67, %dma_wait3A_97] : memref<10240x128xf32, #tpu.memory_space<vmem_shared>> -> memref<128x128xf32, #tpu.memory_space<vmem_shared>>
      tpu.wait_dma2 semaphore(%run_scoped3A_76 : memref<!tpu.dma_semaphore, #tpu.memory_space<semaphore_mem>>) src(%dma_wait3A_98 : memref<128x128xf32, #tpu.memory_space<vmem_shared>>) dst(%dma_wait3A_96 : memref<128x128xf32, #tpu.memory_space<vmem>>)
      tpu.yield
    }) : () -> ()
    %run_scoped3A_69 = arith.constant 0 : i32
    "tpu.region"() ({
      %run_scoped3A_76 = tpu.sem_alloc : memref<!tpu.dma_semaphore, #tpu.memory_space<semaphore_mem>>
      %dma_start3A = arith.constant 0 : i32
      %dma_start3A_77 = arith.constant 0 : i32
      %dma_start3A_78 = tpu.memref_slice %arg12[%run_scoped3A_69, %dma_start3A, %dma_start3A_77] : memref<2x128x128xf32, #tpu.memory_space<vmem>> -> memref<1x128x128xf32, #tpu.memory_space<vmem>>
      %dma_start3A_79 = tpu.memref_squeeze %dma_start3A_78 : memref<1x128x128xf32, #tpu.memory_space<vmem>> -> memref<128x128xf32, #tpu.memory_space<vmem>>
      %dma_start3A_80 = arith.constant 0 : i32
      %dma_start3A_81 = tpu.memref_slice %arg6[%arg0, %add3A_67, %dma_start3A_80] : memref<2x10240x128xf32, #tpu.memory_space<hbm>> -> memref<1x128x128xf32, #tpu.memory_space<hbm>>
      %dma_start3A_82 = tpu.memref_squeeze %dma_start3A_81 : memref<1x128x128xf32, #tpu.memory_space<hbm>> -> memref<128x128xf32, #tpu.memory_space<hbm>>
      %dma_start3A_83 = arith.constant 0 : i32
      %dma_start3A_84 = tpu.memref_slice %arg6[%arg0, %add3A_67, %dma_start3A_83] : memref<2x10240x128xf32, #tpu.memory_space<hbm>> -> memref<1x128x128xf32, #tpu.memory_space<hbm>>
      %dma_start3A_85 = tpu.memref_squeeze %dma_start3A_84 : memref<1x128x128xf32, #tpu.memory_space<hbm>> -> memref<128x128xf32, #tpu.memory_space<hbm>>
      %dma_start3A_86 = arith.constant 0 : i32
      %dma_start3A_87 = arith.constant 0 : i32
      %dma_start3A_88 = tpu.memref_slice %arg12[%run_scoped3A_69, %dma_start3A_86, %dma_start3A_87] : memref<2x128x128xf32, #tpu.memory_space<vmem>> -> memref<1x128x128xf32, #tpu.memory_space<vmem>>
      %dma_start3A_89 = tpu.memref_squeeze %dma_start3A_88 : memref<1x128x128xf32, #tpu.memory_space<vmem>> -> memref<128x128xf32, #tpu.memory_space<vmem>>
      tpu.enqueue_dma source(%dma_start3A_89 : memref<128x128xf32, #tpu.memory_space<vmem>>) target(%dma_start3A_85 : memref<128x128xf32, #tpu.memory_space<hbm>>) target_semaphore(%run_scoped3A_76 : memref<!tpu.dma_semaphore, #tpu.memory_space<semaphore_mem>>)
      %dma_wait3A = arith.constant 0 : i32
      %dma_wait3A_90 = arith.constant 0 : i32
      %dma_wait3A_91 = tpu.memref_slice %arg12[%run_scoped3A_69, %dma_wait3A, %dma_wait3A_90] : memref<2x128x128xf32, #tpu.memory_space<vmem>> -> memref<1x128x128xf32, #tpu.memory_space<vmem>>
      %dma_wait3A_92 = tpu.memref_squeeze %dma_wait3A_91 : memref<1x128x128xf32, #tpu.memory_space<vmem>> -> memref<128x128xf32, #tpu.memory_space<vmem>>
      %dma_wait3A_93 = arith.constant 0 : i32
      %dma_wait3A_94 = tpu.memref_slice %arg6[%arg0, %add3A_67, %dma_wait3A_93] : memref<2x10240x128xf32, #tpu.memory_space<hbm>> -> memref<1x128x128xf32, #tpu.memory_space<hbm>>
      %dma_wait3A_95 = tpu.memref_squeeze %dma_wait3A_94 : memref<1x128x128xf32, #tpu.memory_space<hbm>> -> memref<128x128xf32, #tpu.memory_space<hbm>>
      %dma_wait3A_96 = arith.constant 0 : i32
      %dma_wait3A_97 = tpu.memref_slice %arg6[%arg0, %add3A_67, %dma_wait3A_96] : memref<2x10240x128xf32, #tpu.memory_space<hbm>> -> memref<1x128x128xf32, #tpu.memory_space<hbm>>
      %dma_wait3A_98 = tpu.memref_squeeze %dma_wait3A_97 : memref<1x128x128xf32, #tpu.memory_space<hbm>> -> memref<128x128xf32, #tpu.memory_space<hbm>>
      %dma_wait3A_99 = arith.constant 0 : i32
      %dma_wait3A_100 = arith.constant 0 : i32
      %dma_wait3A_101 = tpu.memref_slice %arg12[%run_scoped3A_69, %dma_wait3A_99, %dma_wait3A_100] : memref<2x128x128xf32, #tpu.memory_space<vmem>> -> memref<1x128x128xf32, #tpu.memory_space<vmem>>
      %dma_wait3A_102 = tpu.memref_squeeze %dma_wait3A_101 : memref<1x128x128xf32, #tpu.memory_space<vmem>> -> memref<128x128xf32, #tpu.memory_space<vmem>>
      tpu.wait_dma2 semaphore(%run_scoped3A_76 : memref<!tpu.dma_semaphore, #tpu.memory_space<semaphore_mem>>) src(%dma_wait3A_102 : memref<128x128xf32, #tpu.memory_space<vmem>>) dst(%dma_wait3A_98 : memref<128x128xf32, #tpu.memory_space<hbm>>)
      tpu.yield
    }) : () -> ()
    %mul3A_70 = arith.constant 640 : i32
    %mul3A_71 = arith.muli %arg1, %mul3A_70 : i32
    %add3A_72 = arith.constant 512 : i32
    %add3A_73 = arith.addi %mul3A_71, %add3A_72 : i32
    %run_scoped3A_74 = arith.constant 0 : i32
    "tpu.region"() ({
      %run_scoped3A_76 = tpu.sem_alloc : memref<!tpu.dma_semaphore, #tpu.memory_space<semaphore_mem>>
      %dma_start3A = arith.constant 0 : i32
      %dma_start3A_77 = arith.constant 0 : i32
      %dma_start3A_78 = tpu.memref_slice %arg12[%run_scoped3A_74, %dma_start3A, %dma_start3A_77] : memref<2x128x128xf32, #tpu.memory_space<vmem>> -> memref<1x128x128xf32, #tpu.memory_space<vmem>>
      %dma_start3A_79 = tpu.memref_squeeze %dma_start3A_78 : memref<1x128x128xf32, #tpu.memory_space<vmem>> -> memref<128x128xf32, #tpu.memory_space<vmem>>
      %dma_start3A_80 = arith.constant 0 : i32
      %dma_start3A_81 = tpu.memref_slice %arg8[%add3A_73, %dma_start3A_80] : memref<10240x128xf32, #tpu.memory_space<vmem_shared>> -> memref<128x128xf32, #tpu.memory_space<vmem_shared>>
      %dma_start3A_82 = arith.constant 0 : i32
      %dma_start3A_83 = arith.constant 0 : i32
      %dma_start3A_84 = tpu.memref_slice %arg12[%run_scoped3A_74, %dma_start3A_82, %dma_start3A_83] : memref<2x128x128xf32, #tpu.memory_space<vmem>> -> memref<1x128x128xf32, #tpu.memory_space<vmem>>
      %dma_start3A_85 = tpu.memref_squeeze %dma_start3A_84 : memref<1x128x128xf32, #tpu.memory_space<vmem>> -> memref<128x128xf32, #tpu.memory_space<vmem>>
      %dma_start3A_86 = arith.constant 0 : i32
      %dma_start3A_87 = tpu.memref_slice %arg8[%add3A_73, %dma_start3A_86] : memref<10240x128xf32, #tpu.memory_space<vmem_shared>> -> memref<128x128xf32, #tpu.memory_space<vmem_shared>>
      tpu.enqueue_dma source(%dma_start3A_87 : memref<128x128xf32, #tpu.memory_space<vmem_shared>>) target(%dma_start3A_85 : memref<128x128xf32, #tpu.memory_space<vmem>>) target_semaphore(%run_scoped3A_76 : memref<!tpu.dma_semaphore, #tpu.memory_space<semaphore_mem>>)
      %dma_wait3A = arith.constant 0 : i32
      %dma_wait3A_88 = arith.constant 0 : i32
      %dma_wait3A_89 = tpu.memref_slice %arg12[%run_scoped3A_74, %dma_wait3A, %dma_wait3A_88] : memref<2x128x128xf32, #tpu.memory_space<vmem>> -> memref<1x128x128xf32, #tpu.memory_space<vmem>>
      %dma_wait3A_90 = tpu.memref_squeeze %dma_wait3A_89 : memref<1x128x128xf32, #tpu.memory_space<vmem>> -> memref<128x128xf32, #tpu.memory_space<vmem>>
      %dma_wait3A_91 = arith.constant 0 : i32
      %dma_wait3A_92 = tpu.memref_slice %arg8[%add3A_73, %dma_wait3A_91] : memref<10240x128xf32, #tpu.memory_space<vmem_shared>> -> memref<128x128xf32, #tpu.memory_space<vmem_shared>>
      %dma_wait3A_93 = arith.constant 0 : i32
      %dma_wait3A_94 = arith.constant 0 : i32
      %dma_wait3A_95 = tpu.memref_slice %arg12[%run_scoped3A_74, %dma_wait3A_93, %dma_wait3A_94] : memref<2x128x128xf32, #tpu.memory_space<vmem>> -> memref<1x128x128xf32, #tpu.memory_space<vmem>>
      %dma_wait3A_96 = tpu.memref_squeeze %dma_wait3A_95 : memref<1x128x128xf32, #tpu.memory_space<vmem>> -> memref<128x128xf32, #tpu.memory_space<vmem>>
      %dma_wait3A_97 = arith.constant 0 : i32
      %dma_wait3A_98 = tpu.memref_slice %arg8[%add3A_73, %dma_wait3A_97] : memref<10240x128xf32, #tpu.memory_space<vmem_shared>> -> memref<128x128xf32, #tpu.memory_space<vmem_shared>>
      tpu.wait_dma2 semaphore(%run_scoped3A_76 : memref<!tpu.dma_semaphore, #tpu.memory_space<semaphore_mem>>) src(%dma_wait3A_98 : memref<128x128xf32, #tpu.memory_space<vmem_shared>>) dst(%dma_wait3A_96 : memref<128x128xf32, #tpu.memory_space<vmem>>)
      tpu.yield
    }) : () -> ()
    %run_scoped3A_75 = arith.constant 0 : i32
    "tpu.region"() ({
      %run_scoped3A_76 = tpu.sem_alloc : memref<!tpu.dma_semaphore, #tpu.memory_space<semaphore_mem>>
      %dma_start3A = arith.constant 0 : i32
      %dma_start3A_77 = arith.constant 0 : i32
      %dma_start3A_78 = tpu.memref_slice %arg12[%run_scoped3A_75, %dma_start3A, %dma_start3A_77] : memref<2x128x128xf32, #tpu.memory_space<vmem>> -> memref<1x128x128xf32, #tpu.memory_space<vmem>>
      %dma_start3A_79 = tpu.memref_squeeze %dma_start3A_78 : memref<1x128x128xf32, #tpu.memory_space<vmem>> -> memref<128x128xf32, #tpu.memory_space<vmem>>
      %dma_start3A_80 = arith.constant 0 : i32
      %dma_start3A_81 = tpu.memref_slice %arg6[%arg0, %add3A_73, %dma_start3A_80] : memref<2x10240x128xf32, #tpu.memory_space<hbm>> -> memref<1x128x128xf32, #tpu.memory_space<hbm>>
      %dma_start3A_82 = tpu.memref_squeeze %dma_start3A_81 : memref<1x128x128xf32, #tpu.memory_space<hbm>> -> memref<128x128xf32, #tpu.memory_space<hbm>>
      %dma_start3A_83 = arith.constant 0 : i32
      %dma_start3A_84 = tpu.memref_slice %arg6[%arg0, %add3A_73, %dma_start3A_83] : memref<2x10240x128xf32, #tpu.memory_space<hbm>> -> memref<1x128x128xf32, #tpu.memory_space<hbm>>
      %dma_start3A_85 = tpu.memref_squeeze %dma_start3A_84 : memref<1x128x128xf32, #tpu.memory_space<hbm>> -> memref<128x128xf32, #tpu.memory_space<hbm>>
      %dma_start3A_86 = arith.constant 0 : i32
      %dma_start3A_87 = arith.constant 0 : i32
      %dma_start3A_88 = tpu.memref_slice %arg12[%run_scoped3A_75, %dma_start3A_86, %dma_start3A_87] : memref<2x128x128xf32, #tpu.memory_space<vmem>> -> memref<1x128x128xf32, #tpu.memory_space<vmem>>
      %dma_start3A_89 = tpu.memref_squeeze %dma_start3A_88 : memref<1x128x128xf32, #tpu.memory_space<vmem>> -> memref<128x128xf32, #tpu.memory_space<vmem>>
      tpu.enqueue_dma source(%dma_start3A_89 : memref<128x128xf32, #tpu.memory_space<vmem>>) target(%dma_start3A_85 : memref<128x128xf32, #tpu.memory_space<hbm>>) target_semaphore(%run_scoped3A_76 : memref<!tpu.dma_semaphore, #tpu.memory_space<semaphore_mem>>)
      %dma_wait3A = arith.constant 0 : i32
      %dma_wait3A_90 = arith.constant 0 : i32
      %dma_wait3A_91 = tpu.memref_slice %arg12[%run_scoped3A_75, %dma_wait3A, %dma_wait3A_90] : memref<2x128x128xf32, #tpu.memory_space<vmem>> -> memref<1x128x128xf32, #tpu.memory_space<vmem>>
      %dma_wait3A_92 = tpu.memref_squeeze %dma_wait3A_91 : memref<1x128x128xf32, #tpu.memory_space<vmem>> -> memref<128x128xf32, #tpu.memory_space<vmem>>
      %dma_wait3A_93 = arith.constant 0 : i32
      %dma_wait3A_94 = tpu.memref_slice %arg6[%arg0, %add3A_73, %dma_wait3A_93] : memref<2x10240x128xf32, #tpu.memory_space<hbm>> -> memref<1x128x128xf32, #tpu.memory_space<hbm>>
      %dma_wait3A_95 = tpu.memref_squeeze %dma_wait3A_94 : memref<1x128x128xf32, #tpu.memory_space<hbm>> -> memref<128x128xf32, #tpu.memory_space<hbm>>
      %dma_wait3A_96 = arith.constant 0 : i32
      %dma_wait3A_97 = tpu.memref_slice %arg6[%arg0, %add3A_73, %dma_wait3A_96] : memref<2x10240x128xf32, #tpu.memory_space<hbm>> -> memref<1x128x128xf32, #tpu.memory_space<hbm>>
      %dma_wait3A_98 = tpu.memref_squeeze %dma_wait3A_97 : memref<1x128x128xf32, #tpu.memory_space<hbm>> -> memref<128x128xf32, #tpu.memory_space<hbm>>
      %dma_wait3A_99 = arith.constant 0 : i32
      %dma_wait3A_100 = arith.constant 0 : i32
      %dma_wait3A_101 = tpu.memref_slice %arg12[%run_scoped3A_75, %dma_wait3A_99, %dma_wait3A_100] : memref<2x128x128xf32, #tpu.memory_space<vmem>> -> memref<1x128x128xf32, #tpu.memory_space<vmem>>
      %dma_wait3A_102 = tpu.memref_squeeze %dma_wait3A_101 : memref<1x128x128xf32, #tpu.memory_space<vmem>> -> memref<128x128xf32, #tpu.memory_space<vmem>>
      tpu.wait_dma2 semaphore(%run_scoped3A_76 : memref<!tpu.dma_semaphore, #tpu.memory_space<semaphore_mem>>) src(%dma_wait3A_102 : memref<128x128xf32, #tpu.memory_space<vmem>>) dst(%dma_wait3A_98 : memref<128x128xf32, #tpu.memory_space<hbm>>)
      tpu.yield
    }) : () -> ()
    return
  }
}

module attributes {stable_mosaic.version = 14 : i64} {
  func.func @sage_tc_layer_relu1(%arg0: i32, %arg1: memref<1x400x128xf32, #tpu.memory_space<vmem>>, %arg2: memref<1x400x128xf32, #tpu.memory_space<vmem>>, %arg3: memref<400x1xf32, #tpu.memory_space<vmem>>, %arg4: memref<400x1xf32, #tpu.memory_space<vmem>>, %arg5: memref<400x128xf32, #tpu.memory_space<vmem>>, %arg6: memref<400x128xf32, #tpu.memory_space<vmem>>, %arg7: memref<256x256xf32, #tpu.memory_space<vmem>>, %arg8: memref<128x256xf32, #tpu.memory_space<vmem>>, %arg9: memref<128x256xf32, #tpu.memory_space<vmem>>, %arg10: memref<1x256xf32, #tpu.memory_space<vmem>>, %arg11: memref<400x128xf32, #tpu.memory_space<vmem>>, %arg12: memref<400x128xf32, #tpu.memory_space<vmem>>) attributes {dimension_semantics = [#tpu.dimension_semantics<arbitrary>], iteration_bounds = array<i64: 25>, scalar_prefetch = 0 : i64, scratch_operands = 0 : i64, tpu.core_type = #tpu.core_type<tc>, window_params = [{transform_indices = @transform_0, window_bounds = array<i64: 1, 400, 128>}, {transform_indices = @transform_1, window_bounds = array<i64: 1, 400, 128>}, {transform_indices = @transform_2, window_bounds = array<i64: 400, 1>}, {transform_indices = @transform_3, window_bounds = array<i64: 400, 1>}, {transform_indices = @transform_4, window_bounds = array<i64: 400, 128>}, {transform_indices = @transform_5, window_bounds = array<i64: 400, 128>}, {pipeline_mode = #tpu.pipeline_mode<synchronous>, transform_indices = @transform_6, window_bounds = array<i64: 256, 256>}, {pipeline_mode = #tpu.pipeline_mode<synchronous>, transform_indices = @transform_7, window_bounds = array<i64: 128, 256>}, {pipeline_mode = #tpu.pipeline_mode<synchronous>, transform_indices = @transform_8, window_bounds = array<i64: 128, 256>}, {pipeline_mode = #tpu.pipeline_mode<synchronous>, transform_indices = @transform_9, window_bounds = array<i64: 1, 256>}, {transform_indices = @transform_10, window_bounds = array<i64: 400, 128>}, {transform_indices = @transform_11, window_bounds = array<i64: 400, 128>}]} {
    %get3A = arith.constant 0 : index
    %get3A_0 = arith.constant 0 : index
    %get3A_1 = vector.load %arg3[%get3A, %get3A_0] : memref<400x1xf32, #tpu.memory_space<vmem>>, vector<400x1xf32>
    %get3A_2 = arith.constant 0 : index
    %get3A_3 = arith.constant 0 : index
    %get3A_4 = vector.load %arg4[%get3A_2, %get3A_3] : memref<400x1xf32, #tpu.memory_space<vmem>>, vector<400x1xf32>
    %add3A = arith.addf %get3A_1, %get3A_4 : vector<400x1xf32>
    %max3A = arith.constant 1.000000e+00 : f32
    %max3A_5 = vector.broadcast %max3A : f32 to vector<400x1xf32>
    %max3A_6 = arith.maximumf %add3A, %max3A_5 : vector<400x1xf32>
    %div3A = arith.constant 1.000000e+00 : f32
    %div3A_7 = vector.broadcast %div3A : f32 to vector<400x1xf32>
    %div3A_8 = arith.divf %div3A_7, %max3A_6 : vector<400x1xf32>
    %get3A_9 = arith.constant 0 : index
    %get3A_10 = arith.constant 0 : index
    %get3A_11 = arith.constant 0 : index
    %get3A_12 = vector.load %arg1[%get3A_9, %get3A_10, %get3A_11] : memref<1x400x128xf32, #tpu.memory_space<vmem>>, vector<1x400x128xf32>
    %get3A_13 = vector.shape_cast %get3A_12 : vector<1x400x128xf32> to vector<400x128xf32>
    %get3A_14 = arith.constant 0 : index
    %get3A_15 = arith.constant 0 : index
    %get3A_16 = arith.constant 0 : index
    %get3A_17 = vector.load %arg2[%get3A_14, %get3A_15, %get3A_16] : memref<1x400x128xf32, #tpu.memory_space<vmem>>, vector<1x400x128xf32>
    %get3A_18 = vector.shape_cast %get3A_17 : vector<1x400x128xf32> to vector<400x128xf32>
    %concatenate3A = tpu.concatenate %get3A_13, %get3A_18 in 1 : vector<400x128xf32>, vector<400x128xf32> -> vector<400x256xf32>
    %mul3A = vector.broadcast %div3A_8 : vector<400x1xf32> to vector<400x256xf32>
    %mul3A_19 = arith.mulf %concatenate3A, %mul3A : vector<400x256xf32>
    %get3A_20 = arith.constant 0 : index
    %get3A_21 = arith.constant 0 : index
    %get3A_22 = vector.load %arg7[%get3A_20, %get3A_21] : memref<256x256xf32, #tpu.memory_space<vmem>>, vector<256x256xf32>
    %dot_general3A = arith.constant dense<0.000000e+00> : vector<400x256xf32>
    %dot_general3A_23 = tpu.matmul %mul3A_19, %get3A_22, %dot_general3A {dimension_numbers = #tpu.dot_dimension_numbers<[1], [0], [0], [1], [0, 0, 1, 1], [], []>, transpose_lhs_hint = false} : vector<400x256xf32>, vector<256x256xf32>, vector<400x256xf32> -> vector<400x256xf32>
    %get3A_24 = arith.constant 0 : index
    %get3A_25 = arith.constant 0 : index
    %get3A_26 = vector.load %arg5[%get3A_24, %get3A_25] : memref<400x128xf32, #tpu.memory_space<vmem>>, vector<400x128xf32>
    %get3A_27 = arith.constant 0 : index
    %get3A_28 = arith.constant 0 : index
    %get3A_29 = vector.load %arg8[%get3A_27, %get3A_28] : memref<128x256xf32, #tpu.memory_space<vmem>>, vector<128x256xf32>
    %dot_general3A_30 = arith.constant dense<0.000000e+00> : vector<400x256xf32>
    %dot_general3A_31 = tpu.matmul %get3A_26, %get3A_29, %dot_general3A_30 {dimension_numbers = #tpu.dot_dimension_numbers<[1], [0], [0], [1], [0, 0, 1, 1], [], []>, transpose_lhs_hint = false} : vector<400x128xf32>, vector<128x256xf32>, vector<400x256xf32> -> vector<400x256xf32>
    %add3A_32 = arith.addf %dot_general3A_23, %dot_general3A_31 : vector<400x256xf32>
    %get3A_33 = arith.constant 0 : index
    %get3A_34 = arith.constant 0 : index
    %get3A_35 = vector.load %arg6[%get3A_33, %get3A_34] : memref<400x128xf32, #tpu.memory_space<vmem>>, vector<400x128xf32>
    %get3A_36 = arith.constant 0 : index
    %get3A_37 = arith.constant 0 : index
    %get3A_38 = vector.load %arg9[%get3A_36, %get3A_37] : memref<128x256xf32, #tpu.memory_space<vmem>>, vector<128x256xf32>
    %dot_general3A_39 = arith.constant dense<0.000000e+00> : vector<400x256xf32>
    %dot_general3A_40 = tpu.matmul %get3A_35, %get3A_38, %dot_general3A_39 {dimension_numbers = #tpu.dot_dimension_numbers<[1], [0], [0], [1], [0, 0, 1, 1], [], []>, transpose_lhs_hint = false} : vector<400x128xf32>, vector<128x256xf32>, vector<400x256xf32> -> vector<400x256xf32>
    %add3A_41 = arith.addf %add3A_32, %dot_general3A_40 : vector<400x256xf32>
    %get3A_42 = arith.constant 0 : index
    %get3A_43 = arith.constant 0 : index
    %get3A_44 = vector.load %arg10[%get3A_42, %get3A_43] : memref<1x256xf32, #tpu.memory_space<vmem>>, vector<1x256xf32>
    %add3A_45 = vector.broadcast %get3A_44 : vector<1x256xf32> to vector<400x256xf32>
    %add3A_46 = arith.addf %add3A_41, %add3A_45 : vector<400x256xf32>
    %max3A_47 = arith.constant 0.000000e+00 : f32
    %max3A_48 = vector.broadcast %max3A_47 : f32 to vector<400x256xf32>
    %max3A_49 = arith.maximumf %add3A_46, %max3A_48 : vector<400x256xf32>
    %slice3A = vector.extract_strided_slice %max3A_49 {offsets = [0, 0], sizes = [400, 128], strides = [1, 1]} : vector<400x256xf32> to vector<400x128xf32>
    %swap3A = arith.constant 0 : index
    %swap3A_50 = arith.constant 0 : index
    %swap3A_51 = vector.load %arg11[%swap3A, %swap3A_50] : memref<400x128xf32, #tpu.memory_space<vmem>>, vector<400x128xf32>
    tpu.vector_store %arg11[%swap3A, %swap3A_50], %slice3A {strides = array<i32>} : memref<400x128xf32, #tpu.memory_space<vmem>>, vector<400x128xf32>,
    %slice3A_52 = vector.extract_strided_slice %max3A_49 {offsets = [0, 128], sizes = [400, 128], strides = [1, 1]} : vector<400x256xf32> to vector<400x128xf32>
    %swap3A_53 = arith.constant 0 : index
    %swap3A_54 = arith.constant 0 : index
    %swap3A_55 = vector.load %arg12[%swap3A_53, %swap3A_54] : memref<400x128xf32, #tpu.memory_space<vmem>>, vector<400x128xf32>
    tpu.vector_store %arg12[%swap3A_53, %swap3A_54], %slice3A_52 {strides = array<i32>} : memref<400x128xf32, #tpu.memory_space<vmem>>, vector<400x128xf32>,
    return
  }
  func.func @transform_0(%arg0: i32) -> (i32, i32, i32) {
    %c0_i32 = arith.constant 0 : i32
    %c0_i32_0 = arith.constant 0 : i32
    %c0_i32_1 = arith.constant 0 : i32
    return %c0_i32, %arg0, %c0_i32_0 : i32, i32, i32
  }
  func.func @transform_1(%arg0: i32) -> (i32, i32, i32) {
    %c1_i32 = arith.constant 1 : i32
    %c0_i32 = arith.constant 0 : i32
    %c0_i32_0 = arith.constant 0 : i32
    return %c1_i32, %arg0, %c0_i32 : i32, i32, i32
  }
  func.func @transform_2(%arg0: i32) -> (i32, i32) {
    %c0_i32 = arith.constant 0 : i32
    %c0_i32_0 = arith.constant 0 : i32
    return %arg0, %c0_i32 : i32, i32
  }
  func.func @transform_3(%arg0: i32) -> (i32, i32) {
    %c0_i32 = arith.constant 0 : i32
    %c0_i32_0 = arith.constant 0 : i32
    return %arg0, %c0_i32 : i32, i32
  }
  func.func @transform_4(%arg0: i32) -> (i32, i32) {
    %c0_i32 = arith.constant 0 : i32
    %c0_i32_0 = arith.constant 0 : i32
    return %arg0, %c0_i32 : i32, i32
  }
  func.func @transform_5(%arg0: i32) -> (i32, i32) {
    %c0_i32 = arith.constant 0 : i32
    %c0_i32_0 = arith.constant 0 : i32
    return %arg0, %c0_i32 : i32, i32
  }
  func.func @transform_6(%arg0: i32) -> (i32, i32) {
    %c0_i32 = arith.constant 0 : i32
    %c0_i32_0 = arith.constant 0 : i32
    %c0_i32_1 = arith.constant 0 : i32
    return %c0_i32, %c0_i32_0 : i32, i32
  }
  func.func @transform_7(%arg0: i32) -> (i32, i32) {
    %c0_i32 = arith.constant 0 : i32
    %c0_i32_0 = arith.constant 0 : i32
    %c0_i32_1 = arith.constant 0 : i32
    return %c0_i32, %c0_i32_0 : i32, i32
  }
  func.func @transform_8(%arg0: i32) -> (i32, i32) {
    %c0_i32 = arith.constant 0 : i32
    %c0_i32_0 = arith.constant 0 : i32
    %c0_i32_1 = arith.constant 0 : i32
    return %c0_i32, %c0_i32_0 : i32, i32
  }
  func.func @transform_9(%arg0: i32) -> (i32, i32) {
    %c0_i32 = arith.constant 0 : i32
    %c0_i32_0 = arith.constant 0 : i32
    %c0_i32_1 = arith.constant 0 : i32
    return %c0_i32, %c0_i32_0 : i32, i32
  }
  func.func @transform_10(%arg0: i32) -> (i32, i32) {
    %c0_i32 = arith.constant 0 : i32
    %c0_i32_0 = arith.constant 0 : i32
    return %arg0, %c0_i32 : i32, i32
  }
  func.func @transform_11(%arg0: i32) -> (i32, i32) {
    %c0_i32 = arith.constant 0 : i32
    %c0_i32_0 = arith.constant 0 : i32
    return %arg0, %c0_i32 : i32, i32
  }
}

module attributes {stable_mosaic.version = 14 : i64} {
  func.func @sage_tc_layer_relu0(%arg0: i32, %arg1: memref<1x400x128xf32, #tpu.memory_space<vmem>>, %arg2: memref<1x400x128xf32, #tpu.memory_space<vmem>>, %arg3: memref<400x1xf32, #tpu.memory_space<vmem>>, %arg4: memref<400x1xf32, #tpu.memory_space<vmem>>, %arg5: memref<400x128xf32, #tpu.memory_space<vmem>>, %arg6: memref<400x128xf32, #tpu.memory_space<vmem>>, %arg7: memref<256x256xf32, #tpu.memory_space<vmem>>, %arg8: memref<128x256xf32, #tpu.memory_space<vmem>>, %arg9: memref<128x256xf32, #tpu.memory_space<vmem>>, %arg10: memref<1x256xf32, #tpu.memory_space<vmem>>, %arg11: memref<400x256xf32, #tpu.memory_space<vmem>>) attributes {dimension_semantics = [#tpu.dimension_semantics<arbitrary>], iteration_bounds = array<i64: 25>, scalar_prefetch = 0 : i64, scratch_operands = 0 : i64, tpu.core_type = #tpu.core_type<tc>, window_params = [{transform_indices = @transform_0, window_bounds = array<i64: 1, 400, 128>}, {transform_indices = @transform_1, window_bounds = array<i64: 1, 400, 128>}, {transform_indices = @transform_2, window_bounds = array<i64: 400, 1>}, {transform_indices = @transform_3, window_bounds = array<i64: 400, 1>}, {transform_indices = @transform_4, window_bounds = array<i64: 400, 128>}, {transform_indices = @transform_5, window_bounds = array<i64: 400, 128>}, {pipeline_mode = #tpu.pipeline_mode<synchronous>, transform_indices = @transform_6, window_bounds = array<i64: 256, 256>}, {pipeline_mode = #tpu.pipeline_mode<synchronous>, transform_indices = @transform_7, window_bounds = array<i64: 128, 256>}, {pipeline_mode = #tpu.pipeline_mode<synchronous>, transform_indices = @transform_8, window_bounds = array<i64: 128, 256>}, {pipeline_mode = #tpu.pipeline_mode<synchronous>, transform_indices = @transform_9, window_bounds = array<i64: 1, 256>}, {transform_indices = @transform_10, window_bounds = array<i64: 400, 256>}]} {
    %get3A = arith.constant 0 : index
    %get3A_0 = arith.constant 0 : index
    %get3A_1 = vector.load %arg3[%get3A, %get3A_0] : memref<400x1xf32, #tpu.memory_space<vmem>>, vector<400x1xf32>
    %get3A_2 = arith.constant 0 : index
    %get3A_3 = arith.constant 0 : index
    %get3A_4 = vector.load %arg4[%get3A_2, %get3A_3] : memref<400x1xf32, #tpu.memory_space<vmem>>, vector<400x1xf32>
    %add3A = arith.addf %get3A_1, %get3A_4 : vector<400x1xf32>
    %max3A = arith.constant 1.000000e+00 : f32
    %max3A_5 = vector.broadcast %max3A : f32 to vector<400x1xf32>
    %max3A_6 = arith.maximumf %add3A, %max3A_5 : vector<400x1xf32>
    %div3A = arith.constant 1.000000e+00 : f32
    %div3A_7 = vector.broadcast %div3A : f32 to vector<400x1xf32>
    %div3A_8 = arith.divf %div3A_7, %max3A_6 : vector<400x1xf32>
    %get3A_9 = arith.constant 0 : index
    %get3A_10 = arith.constant 0 : index
    %get3A_11 = arith.constant 0 : index
    %get3A_12 = vector.load %arg1[%get3A_9, %get3A_10, %get3A_11] : memref<1x400x128xf32, #tpu.memory_space<vmem>>, vector<1x400x128xf32>
    %get3A_13 = vector.shape_cast %get3A_12 : vector<1x400x128xf32> to vector<400x128xf32>
    %get3A_14 = arith.constant 0 : index
    %get3A_15 = arith.constant 0 : index
    %get3A_16 = arith.constant 0 : index
    %get3A_17 = vector.load %arg2[%get3A_14, %get3A_15, %get3A_16] : memref<1x400x128xf32, #tpu.memory_space<vmem>>, vector<1x400x128xf32>
    %get3A_18 = vector.shape_cast %get3A_17 : vector<1x400x128xf32> to vector<400x128xf32>
    %concatenate3A = tpu.concatenate %get3A_13, %get3A_18 in 1 : vector<400x128xf32>, vector<400x128xf32> -> vector<400x256xf32>
    %mul3A = vector.broadcast %div3A_8 : vector<400x1xf32> to vector<400x256xf32>
    %mul3A_19 = arith.mulf %concatenate3A, %mul3A : vector<400x256xf32>
    %get3A_20 = arith.constant 0 : index
    %get3A_21 = arith.constant 0 : index
    %get3A_22 = vector.load %arg7[%get3A_20, %get3A_21] : memref<256x256xf32, #tpu.memory_space<vmem>>, vector<256x256xf32>
    %dot_general3A = arith.constant dense<0.000000e+00> : vector<400x256xf32>
    %dot_general3A_23 = tpu.matmul %mul3A_19, %get3A_22, %dot_general3A {dimension_numbers = #tpu.dot_dimension_numbers<[1], [0], [0], [1], [0, 0, 1, 1], [], []>, transpose_lhs_hint = false} : vector<400x256xf32>, vector<256x256xf32>, vector<400x256xf32> -> vector<400x256xf32>
    %get3A_24 = arith.constant 0 : index
    %get3A_25 = arith.constant 0 : index
    %get3A_26 = vector.load %arg5[%get3A_24, %get3A_25] : memref<400x128xf32, #tpu.memory_space<vmem>>, vector<400x128xf32>
    %get3A_27 = arith.constant 0 : index
    %get3A_28 = arith.constant 0 : index
    %get3A_29 = vector.load %arg8[%get3A_27, %get3A_28] : memref<128x256xf32, #tpu.memory_space<vmem>>, vector<128x256xf32>
    %dot_general3A_30 = arith.constant dense<0.000000e+00> : vector<400x256xf32>
    %dot_general3A_31 = tpu.matmul %get3A_26, %get3A_29, %dot_general3A_30 {dimension_numbers = #tpu.dot_dimension_numbers<[1], [0], [0], [1], [0, 0, 1, 1], [], []>, transpose_lhs_hint = false} : vector<400x128xf32>, vector<128x256xf32>, vector<400x256xf32> -> vector<400x256xf32>
    %add3A_32 = arith.addf %dot_general3A_23, %dot_general3A_31 : vector<400x256xf32>
    %get3A_33 = arith.constant 0 : index
    %get3A_34 = arith.constant 0 : index
    %get3A_35 = vector.load %arg6[%get3A_33, %get3A_34] : memref<400x128xf32, #tpu.memory_space<vmem>>, vector<400x128xf32>
    %get3A_36 = arith.constant 0 : index
    %get3A_37 = arith.constant 0 : index
    %get3A_38 = vector.load %arg9[%get3A_36, %get3A_37] : memref<128x256xf32, #tpu.memory_space<vmem>>, vector<128x256xf32>
    %dot_general3A_39 = arith.constant dense<0.000000e+00> : vector<400x256xf32>
    %dot_general3A_40 = tpu.matmul %get3A_35, %get3A_38, %dot_general3A_39 {dimension_numbers = #tpu.dot_dimension_numbers<[1], [0], [0], [1], [0, 0, 1, 1], [], []>, transpose_lhs_hint = false} : vector<400x128xf32>, vector<128x256xf32>, vector<400x256xf32> -> vector<400x256xf32>
    %add3A_41 = arith.addf %add3A_32, %dot_general3A_40 : vector<400x256xf32>
    %get3A_42 = arith.constant 0 : index
    %get3A_43 = arith.constant 0 : index
    %get3A_44 = vector.load %arg10[%get3A_42, %get3A_43] : memref<1x256xf32, #tpu.memory_space<vmem>>, vector<1x256xf32>
    %add3A_45 = vector.broadcast %get3A_44 : vector<1x256xf32> to vector<400x256xf32>
    %add3A_46 = arith.addf %add3A_41, %add3A_45 : vector<400x256xf32>
    %swap3A = arith.constant 0 : index
    %swap3A_47 = arith.constant 0 : index
    %swap3A_48 = vector.load %arg11[%swap3A, %swap3A_47] : memref<400x256xf32, #tpu.memory_space<vmem>>, vector<400x256xf32>
    tpu.vector_store %arg11[%swap3A, %swap3A_47], %add3A_46 {strides = array<i32>} : memref<400x256xf32, #tpu.memory_space<vmem>>, vector<400x256xf32>,
    return
  }
  func.func @transform_0(%arg0: i32) -> (i32, i32, i32) {
    %c0_i32 = arith.constant 0 : i32
    %c0_i32_0 = arith.constant 0 : i32
    %c0_i32_1 = arith.constant 0 : i32
    return %c0_i32, %arg0, %c0_i32_0 : i32, i32, i32
  }
  func.func @transform_1(%arg0: i32) -> (i32, i32, i32) {
    %c1_i32 = arith.constant 1 : i32
    %c0_i32 = arith.constant 0 : i32
    %c0_i32_0 = arith.constant 0 : i32
    return %c1_i32, %arg0, %c0_i32 : i32, i32, i32
  }
  func.func @transform_2(%arg0: i32) -> (i32, i32) {
    %c0_i32 = arith.constant 0 : i32
    %c0_i32_0 = arith.constant 0 : i32
    return %arg0, %c0_i32 : i32, i32
  }
  func.func @transform_3(%arg0: i32) -> (i32, i32) {
    %c0_i32 = arith.constant 0 : i32
    %c0_i32_0 = arith.constant 0 : i32
    return %arg0, %c0_i32 : i32, i32
  }
  func.func @transform_4(%arg0: i32) -> (i32, i32) {
    %c0_i32 = arith.constant 0 : i32
    %c0_i32_0 = arith.constant 0 : i32
    return %arg0, %c0_i32 : i32, i32
  }
  func.func @transform_5(%arg0: i32) -> (i32, i32) {
    %c0_i32 = arith.constant 0 : i32
    %c0_i32_0 = arith.constant 0 : i32
    return %arg0, %c0_i32 : i32, i32
  }
  func.func @transform_6(%arg0: i32) -> (i32, i32) {
    %c0_i32 = arith.constant 0 : i32
    %c0_i32_0 = arith.constant 0 : i32
    %c0_i32_1 = arith.constant 0 : i32
    return %c0_i32, %c0_i32_0 : i32, i32
  }
  func.func @transform_7(%arg0: i32) -> (i32, i32) {
    %c0_i32 = arith.constant 0 : i32
    %c0_i32_0 = arith.constant 0 : i32
    %c0_i32_1 = arith.constant 0 : i32
    return %c0_i32, %c0_i32_0 : i32, i32
  }
  func.func @transform_8(%arg0: i32) -> (i32, i32) {
    %c0_i32 = arith.constant 0 : i32
    %c0_i32_0 = arith.constant 0 : i32
    %c0_i32_1 = arith.constant 0 : i32
    return %c0_i32, %c0_i32_0 : i32, i32
  }
  func.func @transform_9(%arg0: i32) -> (i32, i32) {
    %c0_i32 = arith.constant 0 : i32
    %c0_i32_0 = arith.constant 0 : i32
    %c0_i32_1 = arith.constant 0 : i32
    return %c0_i32, %c0_i32_0 : i32, i32
  }
  func.func @transform_10(%arg0: i32) -> (i32, i32) {
    %c0_i32 = arith.constant 0 : i32
    %c0_i32_0 = arith.constant 0 : i32
    return %arg0, %c0_i32 : i32, i32
  }
}

</mosaic_0001>

<sc_bundles>
// kernel: sage_sc_agg_cnt0.3.cloned.1.call-start
scs
__scs_entry_jumppad:
0x0: {  	(pc) =	sbr.rel $0x88, $3  }
0x1: {  	(tag) =	ssettag $0x0;
	lr =	simm.s32 $0x1  }
0x2: {  	[smem:$0x3F99] =	sst lr;
	_ =	strace $0xD0000000  }
0x3: {  	_ = 	snop  }
0x4: {  	_ = 	snop  }
0x5: {  	_ = 	snop  }
0x6: {  	_ = 	snop  }
0x7: {  	_ = 	snop  }
__scs_overlays_trampoline_lowered:
0x8: {  	[smem:$0x3FA8] =	sst s0  }
0x9: {  	[smem:$0x3FA9] =	sst s1  }
0xa: {  	[smem:$0x3FAA] =	sst s2  }
0xb: {  	[smem:$0x3FAB] =	sst s3  }
0xc: {  	[smem:$0x3FAC] =	sst s4  }
0xd: {  	[smem:$0x3FAD] =	sst s5  }
0xe: {  	[smem:$0x3FAE] =	sst s6  }
0xf: {  	[smem:$0x3FAF] =	sst s7  }
0x10: {  	[smem:$0x3FB0] =	sst s8  }
0x11: {  	[smem:$0x3FB1] =	sst s9;
	s0 =	simm.s32 @!p0 $0x0  }
0x12: {  	s1 =	sld [smem:$0x3F97];
	s0 =	simm.s32 @p0 $0x1  }
0x13: {  	[smem:$0x3FB2] =	sst s0;
	s0 =	simm.s32 @!p1 $0x0  }
0x14: {  	s2 =	sld [smem:$0x3F96];
	s0 =	simm.s32 @p1 $0x1  }
0x15: {  	[smem:$0x3FB3] =	sst s0;
	s0 =	simm.s32 @!p2 $0x0  }
0x16: {  	s3 =	sld [smem:$0x3FDB];
	s0 =	simm.s32 @p2 $0x1  }
0x17: {  	s4 =	simm.s32 $0x1BF5;
	[smem:$0x3FB5] =	sst s0  }
0x18: {  	s0 =	sld [smem:$0x3F98];
	_ =	swait.ge [sflag:s4], $0x0  }
0x19: {  	s7 =	sld [smem:$0x3F99]  }
0x1a: {  	s8 =	sadd.s32 $0xFFFFE003, lr  }
0x1b: {  	s9 =	sadd.s32 $0xFFFFFEF7, lr;
	s5 =	simm.s32 $0xFFFFFFFF;
	p2 =	slt.u32 s8, $0xFFFFF086  }
0x1c: {  	p1 =	slt.u32 s9, $0xF7A;
	s5 =	simm.s32 @!p2 $0x0  }
0x1d: {  	s5 =	simm.s32 @p1 $0x1;
	p0 =	seq.s32 s7, s2  }
0x1e: {  	s7 =	smul.u32 @!p0 $0xF7A, s2;
	p2 =	seq.s32 @!p0 s5, $0x0  }
0x1f: {  	s9 =	smul.u32 $0xF7A, s1;
	s8 =	simm.s32 @!p0 $0x1BF5;
	p2 =	por !p2, p0  }
0x20: {  	[sflag:s8] =	ssyncset.s32 @!p0 $0xFFFFF086;
	s6 =	sadd.s32 @!p0 s3, s7;
	s7 =	simm.s32 @!p0 $0x108  }
0x21: {  	s3 =	sadd.s32 s3, s9;
	s6 =	sadd.s32 @!p0 $0x88, s6;
	s7 =	simm.s32 @p2 $0x1082  }
0x22: {  	[simem:s7], [sflag:s8] =	dma.local @!p0 [hbm:s6], $0xF7A  }
0x23: {  	s9 =	sor.u32 $0xD0000000, s2;
	s6 =	simm.s32 $0x108;
	_ =	swait.ge @!p0 [sflag:s8], $0x0  }
0x24: {  	s3 =	sadd.s32 $0x88, s3;
	s6 =	simm.s32 @!p1 $0x1082;
	[sflag:s4] =	ssyncset.s32 $0xFFFFF086  }
0x25: {  	[simem:s6], [sflag:s4] =	dma.local [hbm:s3], $0xF7A  }
0x26: {  	[smem:$0x3F99] =	sst s1;
	(tag) =	ssettag s2;
	_ =	strace s9  }
0x27: {  	s1 =	sld [smem:$0x3FA9]  }
0x28: {  	s2 =	sld [smem:$0x3FAA]  }
0x29: {  	s4 =	sld [smem:$0x3FAC]  }
0x2a: {  	p0 =	seq.s32 s5, $0x0;
	s5 =	sld [smem:$0x3FAD]  }
0x2b: {  	s6 =	sld [smem:$0x3FAE]  }
0x2c: {  	s7 =	sld [smem:$0x3FAF]  }
0x2d: {  	s3 =	simm.s32 $0x108;
	s8 =	sld [smem:$0x3FB0]  }
0x2e: {  	s3 =	simm.s32 @!p0 $0x1082;
	s9 =	sld [smem:$0x3FB1]  }
0x2f: {  	lr =	sadd.s32 s0, s3;
	s0 =	sld [smem:$0x3FA8]  }
0x30: {  	s3 =	sld [smem:$0x3FAB]  }
0x31: {  	[smem:$0x3FB4] =	sst s10  }
0x32: {  	s10 =	sld [smem:$0x3FB2];
	_ =	sdelay $0x3  }
0x33: {  	p0 =	seq.s32 s10, $0x1;
	s10 =	sld [smem:$0x3FB4];
	_ =	sdelay $0x3  }
0x34: {  	[smem:$0x3FB4] =	sst s10  }
0x35: {  	s10 =	sld [smem:$0x3FB3];
	_ =	sdelay $0x3  }
0x36: {  	p1 =	seq.s32 s10, $0x1;
	s10 =	sld [smem:$0x3FB4];
	_ =	sdelay $0x3  }
0x37: {  	[smem:$0x3FB4] =	sst s10  }
0x38: {  	s10 =	sld [smem:$0x3FB5]  }
0x39: {  	_ = 	snop;
	(pc) =	sbr.ind lr, $3  }
0x3a: {  	_ = 	snop  }
0x3b: {  	_ = 	snop  }
0x3c: {  	p2 =	seq.s32 s10, $0x1;
	s10 =	sld [smem:$0x3FB4]  }
0x3d: {  	_ =	shalt  }
0x3e: {  	_ =	shalt  }
0x3f: {  	_ =	shalt  }
0x40: {  	_ =	shalt  }
0x41: {  	_ =	shalt  }
0x42: {  	_ =	shalt  }
0x43: {  	_ =	shalt  }
0x44: {  	_ =	shalt  }
0x45: {  	_ =	shalt  }
0x46: {  	_ =	shalt  }
0x47: {  	_ =	shalt  }
0x48: {  	_ =	shalt  }
0x49: {  	_ =	shalt  }
0x4a: {  	_ =	shalt  }
0x4b: {  	_ =	shalt  }
0x4c: {  	_ =	shalt  }
0x4d: {  	_ =	shalt  }
0x4e: {  	_ =	shalt  }
0x4f: {  	_ =	shalt  }
0x50: {  	_ =	shalt  }
0x51: {  	_ =	shalt  }
0x52: {  	_ =	shalt  }
0x53: {  	_ =	shalt  }
0x54: {  	_ =	shalt  }
0x55: {  	_ =	shalt  }
0x56: {  	_ =	shalt  }
0x57: {  	_ =	shalt  }
0x58: {  	_ =	shalt  }
0x59: {  	_ =	shalt  }
0x5a: {  	_ =	shalt  }
0x5b: {  	_ =	shalt  }
0x5c: {  	_ =	shalt  }
0x5d: {  	_ =	shalt  }
0x5e: {  	_ =	shalt  }
0x5f: {  	_ =	shalt  }
0x60: {  	_ =	shalt  }
0x61: {  	_ =	shalt  }
0x62: {  	_ =	shalt  }
0x63: {  	_ =	shalt  }
0x64: {  	_ =	shalt  }
0x65: {  	_ =	shalt  }
0x66: {  	_ =	shalt  }
0x67: {  	_ =	shalt  }
0x68: {  	_ =	shalt  }
0x69: {  	_ =	shalt  }
0x6a: {  	_ =	shalt  }
0x6b: {  	_ =	shalt  }
0x6c: {  	_ =	shalt  }
0x6d: {  	_ =	shalt  }
0x6e: {  	_ =	shalt  }
0x6f: {  	_ =	shalt  }
0x70: {  	_ =	shalt  }
0x71: {  	_ =	shalt  }
0x72: {  	_ =	shalt  }
0x73: {  	_ =	shalt  }
0x74: {  	_ =	shalt  }
0x75: {  	_ =	shalt  }
0x76: {  	_ =	shalt  }
0x77: {  	_ =	shalt  }
0x78: {  	_ =	shalt  }
0x79: {  	_ =	shalt  }
0x7a: {  	_ =	shalt  }
0x7b: {  	_ =	shalt  }
0x7c: {  	_ =	shalt  }
0x7d: {  	_ =	shalt  }
0x7e: {  	_ =	shalt  }
0x7f: {  	_ =	shalt  }
0x80: {  	_ =	shalt  }
0x81: {  	_ =	shalt  }
0x82: {  	_ =	shalt  }
0x83: {  	_ =	shalt  }
0x84: {  	_ =	shalt  }
0x85: {  	_ =	shalt  }
0x86: {  	_ =	shalt  }
0x87: {  	_ =	shalt  }
.Lfunc_end0:
.L_simem_size_0:
called_computation.1_lowered:
.L_overlay_start_0:
0x88: {  	s2 =	sld [smem:$0x3FD9]  }
0x89: {  	s3 =	sld [smem:$0x3FFE];
	_ =	sdelay $0x1  }
0x8a: {  	s1 =	srdreg.scid  }
0x8b: {  	s0 =	sand.u32 $0x1, s1  }
0x8c: {  	s16 =	sshll.u32 s0, $0xA;
	s2 =	sadd.s32 s3, s2  }
0x8d: {  	s2 =	sadd.s32 s2, s16  }
0x8e: {  	[smem:$0x3FC0] =	sst s2  }
0x8f: {  	_ = 	snop  }
0x90: {  	(tm) =	ssettm $0x1  }
0x91: {  	s17 =	sld [smem:$0x3FFB];
	_ =	sdelay $0x3  }
0x92: {  	_ =	strace s17  }
0x93: {  	s2 =	sld [smem:$0x3FFC];
	_ =	sdelay $0x3  }
0x94: {  	_ =	strace s2  }
0x95: {  	s2 =	sld [smem:$0x3FFD];
	_ =	sdelay $0x3  }
0x96: {  	_ =	strace s2  }
0x97: {  	_ =	strace $0x8FFFFFFF  }
0x98: {  	s18 =	sld [smem:$0x3FDB];
	_ =	sdelay $0x1  }
0x99: {  	s19 =	simm.s32 $_scs_section_size  }
0x9a: {  	s4 =	simm.s32 $_size__tile_overlayer_lowered;
	s5 =	simm.s32 $_tile_overlayer_lowered  }
0x9b: {  	s22 =	simm.s32 $0x1BFF;
	s21 =	sshll.u32 s5, $0x1;
	s2 =	sadd.s32 s19, s18  }
0x9c: {  	s6 =	simm.s32 $0x0;
	s20 =	sshll.u32 s4, $0x1;
	s4 =	sadd.s32 s21, s2  }
0x9d: {  	[timem:s6], [sflag:s22] =	dma.local [hbm:s4], s20  }
0x9e: {  	_ =	swait.ge [sflag:s22], s20  }
0x9f: {  	s3 =	ssub.s32 $0x0, s20;
	[sflag:s22] =	ssyncset.done $0x0  }
0xa0: {  	[sflag:s22] =	ssyncadd.s32 s3;
	_ =	sdelay $0x1  }
0xa1: {  	s23 =	simm.s32 $0x1B8B  }
0xa2: {  	_ =	swait.ge [sflag:s23], $0x1  }
0xa3: {  	[sflag:s23] =	ssyncset.done $0x0  }
0xa4: {  	s25 =	simm.s32 $0x1B8E;
	s24 =	sld [smem:$0x3FFE];
	[sflag:s23] =	ssyncadd.s32 $0xFFFFFFFF  }
0xa5: {  	s26 =	simm.s32 $execute0_lowered;
	[smem:$0x3FD2] =	sst s25  }
0xa6: {  	s4 =	sshll.u32 s26, $0x1;
	_ =	strace $0x80000049;
	[dreg:$0x1] =	wrdreg $0xFFFFFFFF  }
0xa7: {  	s28 =	simm.s32 $_size_execute0_lowered;
	s2 =	sadd.s32 s2, s4;
	[dreg:$0x0] =	wrdreg $0x0  }
0xa8: {  	s4 =	sshll.u32 s28, $0x1;
	[dreg:$0x2] =	wrdreg s2  }
0xa9: {  	[dreg:$0x3] =	wrdreg s4  }
0xaa: {  	[dreg:$0x4] =	wrdreg $0xC0  }
0xab: {  	_ =	task [dreg:s6], $0x5FFFF  }
0xac: {  	[dreg:$0x1] =	wrdreg $0xFFFFFFFF  }
0xad: {  	[dreg:$0x0] =	wrdreg $0x60  }
0xae: {  	[dreg:$0x2] =	wrdreg s24  }
0xaf: {  	[dreg:$0x3] =	wrdreg $0x0  }
0xb0: {  	[dreg:$0x4] =	wrdreg $0x140000  }
0xb1: {  	[dreg:$0x5] =	wrdreg $0x9  }
0xb2: {  	_ =	task.clear_ibuf [dreg:s6], $0x6FFFF;
	_ =	strace $0x90000049  }
0xb3: {  	s29 =	simm.s32 $0x9;
	_ =	strace $0x8000004B  }
0xb4: {  	_ =	swait.ge [sflag:s29], $0x1  }
0xb5: {  	[sflag:s29] =	ssyncadd.s32 $0xFFFFFFFF  }
0xb6: {  	_ =	strace $0x9000004B  }
0xb7: {  	_ =	sfence  }
0xb8: {  	s30 =	sld [smem:$0x0];
	_ =	sdelay $0x2  }
0xb9: {  	s31 =	sshll.u32 s1, $0xD;
	s1 =	sshrl.u32 s1, $0x2  }
0xba: {  	s3 =	sand.u32 $0x4000, s31;
	s1 =	sadd.s32 s1, s30  }
0xbb: {  	s0 =	sor.u32 s3, s0;
	s1 =	sshll.u32 s1, $0x11  }
0xbc: {  	s0 =	sor.u32 s1, s0  }
0xbd: {  	s0 =	sadd.s32 $0x8F2B, s0  }
0xbe: {  	[sflag:s0] =	ssyncadd.remote.s32 $0x1  }
0xbf: {  	_ =	sfence.sel $0xFFFF  }
0xc0: {  	[dreg:$0x0] =	wrdreg $0xFFFFFFFF;
	(pc) =	sbr.abs _section_cstart, $3  }
0xc1: {  	[dreg:$0x1] =	wrdreg $0xFFFFFFFF  }
0xc2: {  	_ =	task.clear_ibuf [dreg:s6], $0x2FFFF;
	_ =	strace $0x9FFFFFFF  }
0xc3: {  	(tm) =	ssettm $0x7FFFFFFF  }
tec
execute0_lowered:
.L_overlay_start_1:
0x0: {  	(tag) =	ssettag $0x1  }
0x1: {  	s0 =	rddreg [dreg:$0x0]  }
0x2: {  	s1 =	rddreg [dreg:$0x1]  }
0x3: {  	s3 =	rddreg [dreg:$0x2];
	s2 =	simm.s32 $0x0  }
0x4: {  	s6 =	srdreg.scid;
	s17 =	stileid.u32;
	s28 =	simm.s32 $0x80  }
0x5: {  	s29 =	simm.s32 $0x1AA80;
	s30 =	simm.s32 $0x1;
	s31 =	simm.s32 $0x2  }
0x6: {  	[smem:$0x7FF] =	sst s2;
	s4 =	sadd.s32 $0x4000, s0;
	s13 =	smul.u32 $0x280, s17  }
0x7: {  	s5 =	sadd.s32 $0x2B200, s0;
	s11 =	sadd.s32 $0x52400, s0;
	s7 =	smul.u32 $0x50000, s17  }
0x8: {  	s12 =	sand.u32 $0x1, s6;
	s15 =	sadd.s32 $0x57400, s0;
	s14 =	smul.u32 $0x2800, s17  }
0x9: {  	s0 =	sadd.s32 $0x5CA00, s0;
	s17 =	smul.u32 $0x14000, s17;
	s6 =	ssub.s32 $0x2, s12  }
0xa: {  	_ =	strace $0x8000004A;
	p0 =	seq.s32 s12, $0x1;
	s8 =	sshrl.u32 s6, $0x1  }
0xb: {  	s10 =	sshll.u32 s13, $0x7;
	s22 =	sshrl.u32 s7, $0x2;
	s14 =	sshrl.u32 s14, $0x3  }
0xc: {  	s3 =	sadd.s32 s13, s3;
	s21 =	ssub.s32 s6, s8;
	s16 =	sadd.s32 $0x4000, s10  }
0xd: {  	s6 =	sadd.s32 s22, s1;
	s18 =	sadd.s32 $0x8000, s10;
	s19 =	sadd.s32 $0xC000, s10  }
0xe: {  	s20 =	sadd.s32 $0x10000, s10;
	s22 =	smul.u32 $0x140000, s12;
	[dreg:$0x4] =	wrdreg s3  }
0xf: {  	s23 =	sadd.s32 s11, s14;
	s24 =	sadd.s32 s15, s14;
	s25 =	sadd.s32 $0x280, s14  }
0x10: {  	s7 =	sadd.s32 s16, s1;
	s8 =	sadd.s32 s18, s1;
	[dreg:$0x5] =	wrdreg s23  }
0x11: {  	s9 =	sadd.s32 s19, s1;
	s10 =	sadd.s32 s20, s1;
	[dreg:$0x6] =	wrdreg s24  }
0x12: {  	s11 =	sadd.s32 s11, s25;
	s3 =	sadd.s32 s15, s25;
	s21 =	smax.u32 s21, $0x1  }
0x13: {  	s26 =	sadd.s32 s17, s22;
	[dreg:$0x7] =	wrdreg s11;
	s14 =	sadd.s32 s22, s16  }
0x14: {  	[dreg:$0x8] =	wrdreg s3;
	s23 =	sadd.s32 s22, s18;
	s24 =	sadd.s32 s22, s19  }
0x15: {  	s25 =	sadd.s32 s22, s20;
	s22 =	simm.s32 $0x16A80;
	s13 =	sshrl.u32 s26, $0x3  }
0x16: {  	s17 =	sshrl.u32 s14, $0x3;
	s3 =	sshrl.u32 s23, $0x3;
	s11 =	sshrl.u32 s24, $0x3  }
.Ltmp0:
0x17: {  	s26 =	sshrl.u32 s25, $0x3;
	s23 =	simm.s32 $0x3;
	(pc) =	sbr.rel .LBB2_1-.Ltmp0, $4  }
0x18: {  	s25 =	simm.s32 $0x14280;
	s24 =	simm.s32 $0x16A00;
	s16 =	sadd.s32 s0, s13  }
0x19: {  	s17 =	sadd.s32 s0, s17;
	s18 =	sadd.s32 s0, s3;
	s19 =	sadd.s32 s0, s11  }
0x1a: {  	s20 =	sadd.s32 s0, s26;
	s26 =	simm.s32 $0x15680;
	s0 =	simm.s32 $0x15600  }
0x1b: {  	v0 =	vimm.f32 $0.0e+00;
	v1 =	vimm.f32 $1.000000000e+00;
	s3 =	simm.s32 $0x16980;
	s11 =	simm.s32 $0x0;
	[dreg:$0x9] =	wrdreg s16  }
.LBB2_8:
0x1c: {  	s13 =	sadd.s32 $0x14300, s12;
	[sflag:s23] =	ssyncadd.s32 $0xFFFFC000  }
0x1d: {  	[tilespmem:s29], [sflag:$0x2] =	stream.indirect.gather [hbm4b:s4+s28], $0x80, s13, s28, $0xb8;
	[tilespmem:$0x1ED80] =	vst v63  }
0x1e: {  	_ =	swait.ge [sflag:s30], $0x4000  }
0x1f: {  	[sflag:s30] =	ssyncset.done $0x0  }
0x20: {  	s14 =	sadd.s32 $0x15680, s12;
	[sflag:s30] =	ssyncadd.s32 $0xFFFFC000  }
0x21: {  	[spmem:s1] =	stream.indirect.scatter.add.f32 [tilespmem:s22], [sflag:$0x3], $0x80, s14, s28, $0xb8;
	[tilespmem:$0x1ED80] =	vst v63  }
0x22: {  	_ =	swait.ge [sflag:s23], $0x4000  }
0x23: {  	[sflag:s23] =	ssyncset.done $0x0  }
0x24: {  	s15 =	sadd.s32 $0x14380, s12;
	[sflag:s23] =	ssyncadd.s32 $0xFFFFC000  }
0x25: {  	[tilespmem:s22], [sflag:$0x1] =	stream.indirect.gather [hbm4b:s4+s28], $0x80, s15, s28, $0xb8;
	[tilespmem:$0x1ED80] =	vst v63  }
0x26: {  	_ =	swait.ge [sflag:s31], $0x4000  }
0x27: {  	[sflag:s31] =	ssyncset.done $0x0  }
0x28: {  	s16 =	sadd.s32 $0x15700, s12;
	[sflag:s31] =	ssyncadd.s32 $0xFFFFC000  }
0x29: {  	[spmem:s1] =	stream.indirect.scatter.add.f32 [tilespmem:s29], [sflag:$0x3], $0x80, s16, s28, $0xb8;
	[tilespmem:$0x1ED80] =	vst v63  }
0x2a: {  	_ =	swait.ge [sflag:s23], $0x4000  }
0x2b: {  	[sflag:s23] =	ssyncset.done $0x0  }
0x2c: {  	[sflag:s23] =	ssyncadd.s32 $0xFFFFC000  }
0x2d: {  	[tilespmem:s29], [sflag:$0x2] =	stream.indirect.gather [hbm4b:s4+s28], $0x80, s0, s28, $0xb8;
	[tilespmem:$0x1ED80] =	vst v63  }
.LBB2_14:
0x2e: {  	_ =	swait.ge [sflag:s30], $0x4000  }
0x2f: {  	[sflag:s30] =	ssyncset.done $0x0  }
0x30: {  	[sflag:s30] =	ssyncadd.s32 $0xFFFFC000  }
0x31: {  	[spmem:s1] =	stream.indirect.scatter.add.f32 [tilespmem:s22], [sflag:$0x3], $0x80, s3, s28, $0xb8;
	[tilespmem:$0x1ED80] =	vst v63  }
0x32: {  	_ =	swait.ge [sflag:s23], $0x4000  }
0x33: {  	[sflag:s23] =	ssyncset.done $0x0  }
0x34: {  	[sflag:s23] =	ssyncadd.s32 $0xFFFFC000  }
0x35: {  	_ =	swait.ge [sflag:s31], $0x4000  }
0x36: {  	[sflag:s31] =	ssyncset.done $0x0  }
0x37: {  	[sflag:s31] =	ssyncadd.s32 $0xFFFFC000  }
0x38: {  	[spmem:s1] =	stream.indirect.scatter.add.f32 [tilespmem:s29], [sflag:$0x3], $0x80, s24, s28, $0xb8;
	[tilespmem:$0x1ED80] =	vst v63  }
0x39: {  	_ =	swait.ge [sflag:s23], $0x4000  }
0x3a: {  	[sflag:s23] =	ssyncset.done $0x0  }
0x3b: {  	[sflag:s23] =	ssyncadd.s32 $0xFFFFC000  }
0x3c: {  	[bflag:$0x0] =	sbarrier.arrive $0xFFFF  }
0x3d: {  	[tilespmem:s22], [sflag:$0x3] =	stream.linear.gather [spmem:s6], $0x4000, $0x38;
	[tilespmem:$0x1ED80] =	vst v63  }
0x3e: {  	_ =	swait.ge [sflag:s23], $0x4000  }
0x3f: {  	[sflag:s23] =	ssyncset.done $0x0  }
0x40: {  	s12 =	rddreg [dreg:$0x9];
	[sflag:s23] =	ssyncadd.s32 $0xFFFFC000  }
0x41: {  	[hbm4b:s12+s2] =	stream.linear.scatter [tilespmem:s22], [sflag:$0x3], $0x4000, $0x38;
	[tilespmem:$0x1ED80] =	vst v63  }
0x42: {  	_ =	swait.ge [sflag:s23], $0x4000  }
0x43: {  	[sflag:s23] =	ssyncset.done $0x0  }
0x44: {  	[sflag:s23] =	ssyncadd.s32 $0xFFFFC000  }
0x45: {  	[tilespmem:s22], [sflag:$0x3] =	stream.linear.gather [spmem:s7], $0x4000, $0x38;
	[tilespmem:$0x1ED80] =	vst v63  }
0x46: {  	_ =	swait.ge [sflag:s23], $0x4000  }
0x47: {  	[sflag:s23] =	ssyncset.done $0x0  }
0x48: {  	[sflag:s23] =	ssyncadd.s32 $0xFFFFC000  }
0x49: {  	[hbm4b:s17+s2] =	stream.linear.scatter [tilespmem:s22], [sflag:$0x3], $0x4000, $0x38;
	[tilespmem:$0x1ED80] =	vst v63  }
0x4a: {  	_ =	swait.ge [sflag:s23], $0x4000  }
0x4b: {  	[sflag:s23] =	ssyncset.done $0x0  }
0x4c: {  	[sflag:s23] =	ssyncadd.s32 $0xFFFFC000  }
0x4d: {  	[tilespmem:s22], [sflag:$0x3] =	stream.linear.gather [spmem:s8], $0x4000, $0x38;
	[tilespmem:$0x1ED80] =	vst v63  }
0x4e: {  	_ =	swait.ge [sflag:s23], $0x4000  }
0x4f: {  	[sflag:s23] =	ssyncset.done $0x0  }
0x50: {  	[sflag:s23] =	ssyncadd.s32 $0xFFFFC000  }
0x51: {  	[hbm4b:s18+s2] =	stream.linear.scatter [tilespmem:s22], [sflag:$0x3], $0x4000, $0x38;
	[tilespmem:$0x1ED80] =	vst v63  }
0x52: {  	_ =	swait.ge [sflag:s23], $0x4000  }
0x53: {  	[sflag:s23] =	ssyncset.done $0x0  }
0x54: {  	[sflag:s23] =	ssyncadd.s32 $0xFFFFC000  }
0x55: {  	[tilespmem:s22], [sflag:$0x3] =	stream.linear.gather [spmem:s9], $0x4000, $0x38;
	[tilespmem:$0x1ED80] =	vst v63  }
0x56: {  	_ =	swait.ge [sflag:s23], $0x4000  }
0x57: {  	[sflag:s23] =	ssyncset.done $0x0  }
0x58: {  	[sflag:s23] =	ssyncadd.s32 $0xFFFFC000  }
0x59: {  	[hbm4b:s19+s2] =	stream.linear.scatter [tilespmem:s22], [sflag:$0x3], $0x4000, $0x38;
	[tilespmem:$0x1ED80] =	vst v63  }
0x5a: {  	_ =	swait.ge [sflag:s23], $0x4000  }
0x5b: {  	[sflag:s23] =	ssyncset.done $0x0  }
0x5c: {  	[sflag:s23] =	ssyncadd.s32 $0xFFFFC000  }
0x5d: {  	[tilespmem:s22], [sflag:$0x3] =	stream.linear.gather [spmem:s10], $0x4000, $0x38;
	[tilespmem:$0x1ED80] =	vst v63  }
0x5e: {  	s11 =	sadd.s32 $0x1, s11;
	_ =	swait.ge [sflag:s23], $0x4000  }
0x5f: {  	p1 =	sne.s32 s11, s21;
	[sflag:s23] =	ssyncset.done $0x0  }
.Ltmp1:
0x60: {  	[sflag:s23] =	ssyncadd.s32 $0xFFFFC000;
	(pc) =	sbr.rel @!p1 .LBB2_15-.Ltmp1, $4  }
0x61: {  	[hbm4b:s20+s2] =	stream.linear.scatter [tilespmem:s22], [sflag:$0x3], $0x4000, $0x38;
	[tilespmem:$0x1ED80] =	vst v63  }
0x62: {  	_ =	swait.ge [sflag:s23], $0x4000  }
0x63: {  	[sflag:s23] =	ssyncset.done $0x0  }
0x64: {  	[sflag:s23] =	ssyncadd.s32 $0xFFFFC000  }
.LBB2_1:
0x65: {  	s12 =	simm.s32 $0x0;
	s13 =	simm.s32 $0x200  }
.LBB2_2:
0x66: {  	p1 =	sne.s32 s13, $0xFE00;
	[tilespmem:s12+$0x16AF0] =	vst v0  }
0x67: {  	[tilespmem:s12+$0x16A80] =	vst v0  }
0x68: {  	[tilespmem:s12+$0x16A90] =	vst v0  }
.Ltmp2:
0x69: {  	[tilespmem:s12+$0x16AA0] =	vst v0;
	(pc) =	sbr.rel @p1 .LBB2_2-.Ltmp2, $4  }
0x6a: {  	[tilespmem:s12+$0x16AB0] =	vst v0  }
0x6b: {  	[tilespmem:s12+$0x16AC0] =	vst v0  }
0x6c: {  	[tilespmem:s12+$0x16AD0] =	vst v0  }
0x6d: {  	[tilespmem:s12+$0x16AE0] =	vst v0;
	s12 =	sshra.s32 s13, $0x2;
	s13 =	sadd.s32 $0x200, s13  }
0x6e: {  	[tilespmem:s12+$0x16AF0] =	vst v0  }
0x6f: {  	[tilespmem:s12+$0x16A80] =	vst v0  }
0x70: {  	[tilespmem:s12+$0x16A90] =	vst v0  }
0x71: {  	[tilespmem:s12+$0x16AA0] =	vst v0  }
0x72: {  	[tilespmem:s12+$0x16AB0] =	vst v0  }
0x73: {  	[tilespmem:s12+$0x16AC0] =	vst v0  }
0x74: {  	[tilespmem:s12+$0x16AD0] =	vst v0  }
0x75: {  	[tilespmem:s12+$0x16AE0] =	vst v0  }
0x76: {  	[tilespmem:$0x1EA80] =	vst v1  }
0x77: {  	[tilespmem:$0x1EA90] =	vst v1  }
0x78: {  	[tilespmem:$0x1EAA0] =	vst v1  }
0x79: {  	[tilespmem:$0x1EAB0] =	vst v1  }
0x7a: {  	[tilespmem:$0x1EAC0] =	vst v1  }
0x7b: {  	[tilespmem:$0x1EAD0] =	vst v1  }
0x7c: {  	[tilespmem:$0x1EAE0] =	vst v1  }
0x7d: {  	[tilespmem:$0x1EAF0] =	vst v1  }
0x7e: {  	[tilespmem:$0x1EB00] =	vst v0  }
0x7f: {  	[tilespmem:$0x1EB10] =	vst v0  }
0x80: {  	[tilespmem:$0x1EB20] =	vst v0  }
0x81: {  	[tilespmem:$0x1EB30] =	vst v0  }
0x82: {  	[tilespmem:$0x1EB40] =	vst v0  }
0x83: {  	[tilespmem:$0x1EB50] =	vst v0  }
0x84: {  	[tilespmem:$0x1EB60] =	vst v0  }
0x85: {  	[tilespmem:$0x1EB70] =	vst v0  }
0x86: {  	[tilespmem:$0x1EB80] =	vst v0  }
0x87: {  	[tilespmem:$0x1EB90] =	vst v0  }
0x88: {  	[tilespmem:$0x1EBA0] =	vst v0  }
0x89: {  	[tilespmem:$0x1EBB0] =	vst v0  }
0x8a: {  	[tilespmem:$0x1EBC0] =	vst v0  }
0x8b: {  	[tilespmem:$0x1EBD0] =	vst v0  }
0x8c: {  	[tilespmem:$0x1EBE0] =	vst v0  }
0x8d: {  	[tilespmem:$0x1EBF0] =	vst v0  }
0x8e: {  	[tilespmem:$0x1EC00] =	vst v0  }
0x8f: {  	[tilespmem:$0x1EC10] =	vst v0  }
0x90: {  	[tilespmem:$0x1EC20] =	vst v0  }
0x91: {  	[tilespmem:$0x1EC30] =	vst v0  }
0x92: {  	[tilespmem:$0x1EC40] =	vst v0  }
0x93: {  	[tilespmem:$0x1EC50] =	vst v0  }
0x94: {  	[tilespmem:$0x1EC60] =	vst v0  }
0x95: {  	[tilespmem:$0x1EC70] =	vst v0  }
0x96: {  	[tilespmem:$0x1EC80] =	vst v0  }
0x97: {  	[tilespmem:$0x1EC90] =	vst v0  }
0x98: {  	[tilespmem:$0x1ECA0] =	vst v0  }
0x99: {  	[tilespmem:$0x1ECB0] =	vst v0  }
0x9a: {  	[tilespmem:$0x1ECC0] =	vst v0  }
0x9b: {  	[tilespmem:$0x1ECD0] =	vst v0  }
0x9c: {  	[tilespmem:$0x1ECE0] =	vst v0  }
0x9d: {  	[tilespmem:$0x1ECF0] =	vst v0  }
0x9e: {  	[tilespmem:$0x1ED00] =	vst v0  }
0x9f: {  	[tilespmem:$0x1ED10] =	vst v0  }
0xa0: {  	[tilespmem:$0x1ED20] =	vst v0  }
0xa1: {  	[tilespmem:$0x1ED30] =	vst v0  }
0xa2: {  	[tilespmem:$0x1ED40] =	vst v0  }
0xa3: {  	[tilespmem:$0x1ED50] =	vst v0  }
0xa4: {  	[tilespmem:$0x1ED60] =	vst v0  }
0xa5: {  	[tilespmem:$0x1ED70] =	vst v0  }
0xa6: {  	[spmem:s6] =	stream.linear.scatter [tilespmem:s22], [sflag:$0x3], $0x4000, $0x38;
	[tilespmem:$0x1ED80] =	vst v63  }
0xa7: {  	_ =	swait.ge [sflag:s23], $0x4000  }
0xa8: {  	[sflag:s23] =	ssyncset.done $0x0  }
0xa9: {  	[sflag:s23] =	ssyncadd.s32 $0xFFFFC000  }
0xaa: {  	[spmem:s7] =	stream.linear.scatter [tilespmem:s22], [sflag:$0x3], $0x4000, $0x38;
	[tilespmem:$0x1ED80] =	vst v63  }
0xab: {  	_ =	swait.ge [sflag:s23], $0x4000  }
0xac: {  	[sflag:s23] =	ssyncset.done $0x0  }
0xad: {  	[sflag:s23] =	ssyncadd.s32 $0xFFFFC000  }
0xae: {  	[spmem:s8] =	stream.linear.scatter [tilespmem:s22], [sflag:$0x3], $0x4000, $0x38;
	[tilespmem:$0x1ED80] =	vst v63  }
0xaf: {  	_ =	swait.ge [sflag:s23], $0x4000  }
0xb0: {  	[sflag:s23] =	ssyncset.done $0x0  }
0xb1: {  	[sflag:s23] =	ssyncadd.s32 $0xFFFFC000  }
0xb2: {  	[spmem:s9] =	stream.linear.scatter [tilespmem:s22], [sflag:$0x3], $0x4000, $0x38;
	[tilespmem:$0x1ED80] =	vst v63  }
0xb3: {  	_ =	swait.ge [sflag:s23], $0x4000  }
0xb4: {  	[sflag:s23] =	ssyncset.done $0x0  }
0xb5: {  	[sflag:s23] =	ssyncadd.s32 $0xFFFFC000  }
0xb6: {  	[spmem:s10] =	stream.linear.scatter [tilespmem:s22], [sflag:$0x3], $0x4000, $0x38;
	[tilespmem:$0x1ED80] =	vst v63  }
0xb7: {  	_ =	swait.ge [sflag:s23], $0x4000  }
0xb8: {  	[sflag:s23] =	ssyncset.done $0x0  }
0xb9: {  	s13 =	simm.s32 $0x1EB00;
	s14 =	rddreg [dreg:$0x4];
	[sflag:s23] =	ssyncadd.s32 $0xFFFFC000  }
0xba: {  	[spmem:s14] =	stream.linear.scatter [tilespmem:s13], [sflag:$0x3], $0x280, $0x38;
	[tilespmem:$0x1ED80] =	vst v63  }
0xbb: {  	_ =	swait.ge [sflag:s23], $0x280  }
0xbc: {  	[sflag:s23] =	ssyncset.done $0x0  }
0xbd: {  	[sflag:s23] =	ssyncadd.s32 $0xFFFFFD80  }
0xbe: {  	[bflag:$0x0] =	sbarrier.arrive $0xFFFF  }
0xbf: {  	s15 =	rddreg [dreg:$0x5]  }
0xc0: {  	[tilespmem:s25], [sflag:$0x3] =	stream.linear.gather [hbm4b:s15+s2], $0x1400, $0x38;
	[tilespmem:$0x1ED80] =	vst v63  }
0xc1: {  	_ =	swait.ge [sflag:s23], $0x1400  }
0xc2: {  	[sflag:s23] =	ssyncset.done $0x0  }
.Ltmp3:
0xc3: {  	s16 =	rddreg [dreg:$0x6];
	[sflag:s23] =	ssyncadd.s32 $0xFFFFEC00;
	(pc) =	sbr.rel @!p0 .LBB2_4-.Ltmp3, $4  }
0xc4: {  	[tilespmem:s26], [sflag:$0x3] =	stream.linear.gather [hbm4b:s16+s2], $0x1400, $0x38;
	[tilespmem:$0x1ED80] =	vst v63  }
0xc5: {  	_ =	swait.ge [sflag:s23], $0x1400  }
0xc6: {  	[sflag:s23] =	ssyncset.done $0x0  }
0xc7: {  	[sflag:s23] =	ssyncadd.s32 $0xFFFFEC00  }
0xc8: {  	[tilespmem:s22], [sflag:$0x1] =	stream.indirect.gather [hbm4b:s5+s28], $0x80, s25, s28, $0xb8;
	[tilespmem:$0x1ED80] =	vst v63  }
0xc9: {  	s12 =	simm.s32 $0x14300  }
0xca: {  	[tilespmem:s29], [sflag:$0x2] =	stream.indirect.gather [hbm4b:s5+s28], $0x80, s12, s28, $0xb8;
	[tilespmem:$0x1ED80] =	vst v63  }
0xcb: {  	_ =	swait.ge [sflag:s30], $0x4000  }
0xcc: {  	[sflag:s30] =	ssyncset.done $0x0  }
0xcd: {  	s14 =	simm.s32 $0x15680;
	[sflag:s30] =	ssyncadd.s32 $0xFFFFC000  }
0xce: {  	[spmem:s1] =	stream.indirect.scatter.add.f32 [tilespmem:s22], [sflag:$0x3], $0x80, s14, s28, $0xb8;
	[tilespmem:$0x1ED80] =	vst v63  }
0xcf: {  	_ =	swait.ge [sflag:s23], $0x4000  }
0xd0: {  	[sflag:s23] =	ssyncset.done $0x0  }
0xd1: {  	s15 =	simm.s32 $0x14380;
	[sflag:s23] =	ssyncadd.s32 $0xFFFFC000  }
0xd2: {  	[tilespmem:s22], [sflag:$0x1] =	stream.indirect.gather [hbm4b:s5+s28], $0x80, s15, s28, $0xb8;
	[tilespmem:$0x1ED80] =	vst v63  }
0xd3: {  	_ =	swait.ge [sflag:s31], $0x4000  }
0xd4: {  	[sflag:s31] =	ssyncset.done $0x0  }
0xd5: {  	s16 =	simm.s32 $0x15700;
	[sflag:s31] =	ssyncadd.s32 $0xFFFFC000  }
0xd6: {  	[spmem:s1] =	stream.indirect.scatter.add.f32 [tilespmem:s29], [sflag:$0x3], $0x80, s16, s28, $0xb8;
	[tilespmem:$0x1ED80] =	vst v63  }
0xd7: {  	_ =	swait.ge [sflag:s23], $0x4000  }
0xd8: {  	s13 =	simm.s32 $0x800;
	s12 =	simm.s32 $0x100;
	[sflag:s23] =	ssyncset.done $0x0  }
.LBB2_10:
0xd9: {  	s14 =	sadd.s32 $0x14300, s12  }
0xda: {  	[sflag:s23] =	ssyncadd.s32 $0xFFFFC000;
	s15 =	smov.u32 s13;
	s16 =	sadd.s32 $0x400, s13  }
0xdb: {  	[tilespmem:s29], [sflag:$0x2] =	stream.indirect.gather [hbm4b:s5+s28], $0x80, s14, s28, $0xb8;
	[tilespmem:$0x1ED80] =	vst v63  }
0xdc: {  	p1 =	sne.s32 s13, $0x4800;
	_ =	swait.ge [sflag:s30], $0x4000  }
0xdd: {  	[sflag:s30] =	ssyncset.done $0x0  }
0xde: {  	s13 =	sadd.s32 $0x15680, s12;
	[sflag:s30] =	ssyncadd.s32 $0xFFFFC000  }
0xdf: {  	[spmem:s1] =	stream.indirect.scatter.add.f32 [tilespmem:s22], [sflag:$0x3], $0x80, s13, s28, $0xb8;
	[tilespmem:$0x1ED80] =	vst v63  }
0xe0: {  	_ =	swait.ge [sflag:s23], $0x4000  }
0xe1: {  	[sflag:s23] =	ssyncset.done $0x0  }
0xe2: {  	s13 =	sadd.s32 $0x14380, s12;
	[sflag:s23] =	ssyncadd.s32 $0xFFFFC000  }
0xe3: {  	[tilespmem:s22], [sflag:$0x1] =	stream.indirect.gather [hbm4b:s5+s28], $0x80, s13, s28, $0xb8;
	[tilespmem:$0x1ED80] =	vst v63  }
0xe4: {  	_ =	swait.ge [sflag:s31], $0x4000  }
.Ltmp4:
0xe5: {  	[sflag:s31] =	ssyncset.done $0x0;
	(pc) =	sbr.rel @p1 .LBB2_10-.Ltmp4, $4  }
0xe6: {  	s12 =	sadd.s32 $0x15700, s12;
	[sflag:s31] =	ssyncadd.s32 $0xFFFFC000  }
0xe7: {  	[spmem:s1] =	stream.indirect.scatter.add.f32 [tilespmem:s29], [sflag:$0x3], $0x80, s12, s28, $0xb8;
	[tilespmem:$0x1ED80] =	vst v63  }
0xe8: {  	_ =	swait.ge [sflag:s23], $0x4000  }
0xe9: {  	s13 =	smov.u32 s16;
	s12 =	sshra.s32 s15, $0x2;
	[sflag:s23] =	ssyncset.done $0x0  }
0xea: {  	s13 =	sadd.s32 $0x14300, s12;
	[sflag:s23] =	ssyncadd.s32 $0xFFFFC000  }
0xeb: {  	[tilespmem:s29], [sflag:$0x2] =	stream.indirect.gather [hbm4b:s5+s28], $0x80, s13, s28, $0xb8;
	[tilespmem:$0x1ED80] =	vst v63  }
0xec: {  	_ =	swait.ge [sflag:s30], $0x4000  }
0xed: {  	[sflag:s30] =	ssyncset.done $0x0  }
0xee: {  	s15 =	sadd.s32 $0x15680, s12;
	[sflag:s30] =	ssyncadd.s32 $0xFFFFC000  }
0xef: {  	[spmem:s1] =	stream.indirect.scatter.add.f32 [tilespmem:s22], [sflag:$0x3], $0x80, s15, s28, $0xb8;
	[tilespmem:$0x1ED80] =	vst v63  }
0xf0: {  	_ =	swait.ge [sflag:s23], $0x4000  }
0xf1: {  	[sflag:s23] =	ssyncset.done $0x0  }
0xf2: {  	s16 =	sadd.s32 $0x14380, s12;
	[sflag:s23] =	ssyncadd.s32 $0xFFFFC000  }
0xf3: {  	[tilespmem:s22], [sflag:$0x1] =	stream.indirect.gather [hbm4b:s5+s28], $0x80, s16, s28, $0xb8;
	[tilespmem:$0x1ED80] =	vst v63  }
0xf4: {  	_ =	swait.ge [sflag:s31], $0x4000  }
0xf5: {  	[sflag:s31] =	ssyncset.done $0x0  }
0xf6: {  	s13 =	sadd.s32 $0x15700, s12;
	[sflag:s31] =	ssyncadd.s32 $0xFFFFC000  }
0xf7: {  	[spmem:s1] =	stream.indirect.scatter.add.f32 [tilespmem:s29], [sflag:$0x3], $0x80, s13, s28, $0xb8;
	[tilespmem:$0x1ED80] =	vst v63  }
0xf8: {  	_ =	swait.ge [sflag:s23], $0x4000  }
0xf9: {  	[sflag:s23] =	ssyncset.done $0x0  }
0xfa: {  	[sflag:s23] =	ssyncadd.s32 $0xFFFFC000  }
0xfb: {  	[tilespmem:s29], [sflag:$0x2] =	stream.indirect.gather [hbm4b:s5+s28], $0x80, s0, s28, $0xb8;
	[tilespmem:$0x1ED80] =	vst v63  }
0xfc: {  	_ =	swait.ge [sflag:s30], $0x4000  }
0xfd: {  	[sflag:s30] =	ssyncset.done $0x0  }
0xfe: {  	[sflag:s30] =	ssyncadd.s32 $0xFFFFC000  }
0xff: {  	[spmem:s1] =	stream.indirect.scatter.add.f32 [tilespmem:s22], [sflag:$0x3], $0x80, s3, s28, $0xb8;
	[tilespmem:$0x1ED80] =	vst v63  }
0x100: {  	_ =	swait.ge [sflag:s23], $0x4000  }
0x101: {  	[sflag:s23] =	ssyncset.done $0x0  }
0x102: {  	[sflag:s23] =	ssyncadd.s32 $0xFFFFC000  }
0x103: {  	_ =	swait.ge [sflag:s31], $0x4000  }
0x104: {  	[sflag:s31] =	ssyncset.done $0x0  }
0x105: {  	[sflag:s31] =	ssyncadd.s32 $0xFFFFC000  }
0x106: {  	[spmem:s1] =	stream.indirect.scatter.add.f32 [tilespmem:s29], [sflag:$0x3], $0x80, s24, s28, $0xb8;
	[tilespmem:$0x1ED80] =	vst v63  }
0x107: {  	_ =	swait.ge [sflag:s23], $0x4000  }
0x108: {  	[sflag:s23] =	ssyncset.done $0x0  }
0x109: {  	s14 =	simm.s32 $0x0;
	s15 =	rddreg [dreg:$0x7];
	[sflag:s23] =	ssyncadd.s32 $0xFFFFC000  }
0x10a: {  	[tilespmem:s25], [sflag:$0x3] =	stream.linear.gather [hbm4b:s15+s14], $0x1400, $0x38;
	[tilespmem:$0x1ED80] =	vst v63  }
0x10b: {  	_ =	swait.ge [sflag:s23], $0x1400  }
0x10c: {  	[sflag:s23] =	ssyncset.done $0x0  }
0x10d: {  	s16 =	rddreg [dreg:$0x8];
	[sflag:s23] =	ssyncadd.s32 $0xFFFFEC00  }
0x10e: {  	[tilespmem:s26], [sflag:$0x3] =	stream.linear.gather [hbm4b:s16+s14], $0x1400, $0x38;
	[tilespmem:$0x1ED80] =	vst v63  }
0x10f: {  	_ =	swait.ge [sflag:s23], $0x1400  }
0x110: {  	[sflag:s23] =	ssyncset.done $0x0  }
0x111: {  	[sflag:s23] =	ssyncadd.s32 $0xFFFFEC00  }
0x112: {  	[tilespmem:s22], [sflag:$0x1] =	stream.indirect.gather [hbm4b:s5+s28], $0x80, s25, s28, $0xb8;
	[tilespmem:$0x1ED80] =	vst v63  }
0x113: {  	s13 =	simm.s32 $0x14300  }
0x114: {  	[tilespmem:s29], [sflag:$0x2] =	stream.indirect.gather [hbm4b:s5+s28], $0x80, s13, s28, $0xb8;
	[tilespmem:$0x1ED80] =	vst v63  }
0x115: {  	_ =	swait.ge [sflag:s30], $0x4000  }
0x116: {  	[sflag:s30] =	ssyncset.done $0x0  }
0x117: {  	s14 =	simm.s32 $0x15680;
	[sflag:s30] =	ssyncadd.s32 $0xFFFFC000  }
0x118: {  	[spmem:s1] =	stream.indirect.scatter.add.f32 [tilespmem:s22], [sflag:$0x3], $0x80, s14, s28, $0xb8;
	[tilespmem:$0x1ED80] =	vst v63  }
0x119: {  	_ =	swait.ge [sflag:s23], $0x4000  }
0x11a: {  	[sflag:s23] =	ssyncset.done $0x0  }
0x11b: {  	s15 =	simm.s32 $0x14380;
	[sflag:s23] =	ssyncadd.s32 $0xFFFFC000  }
0x11c: {  	[tilespmem:s22], [sflag:$0x1] =	stream.indirect.gather [hbm4b:s5+s28], $0x80, s15, s28, $0xb8;
	[tilespmem:$0x1ED80] =	vst v63  }
0x11d: {  	_ =	swait.ge [sflag:s31], $0x4000  }
0x11e: {  	[sflag:s31] =	ssyncset.done $0x0  }
0x11f: {  	s16 =	simm.s32 $0x15700;
	[sflag:s31] =	ssyncadd.s32 $0xFFFFC000  }
0x120: {  	[spmem:s1] =	stream.indirect.scatter.add.f32 [tilespmem:s29], [sflag:$0x3], $0x80, s16, s28, $0xb8;
	[tilespmem:$0x1ED80] =	vst v63  }
0x121: {  	_ =	swait.ge [sflag:s23], $0x4000  }
0x122: {  	s12 =	simm.s32 $0x100;
	s13 =	simm.s32 $0x800;
	[sflag:s23] =	ssyncset.done $0x0  }
.LBB2_12:
0x123: {  	s14 =	sadd.s32 $0x14300, s12  }
0x124: {  	[sflag:s23] =	ssyncadd.s32 $0xFFFFC000;
	s15 =	smov.u32 s13;
	s16 =	sadd.s32 $0x400, s13  }
0x125: {  	[tilespmem:s29], [sflag:$0x2] =	stream.indirect.gather [hbm4b:s5+s28], $0x80, s14, s28, $0xb8;
	[tilespmem:$0x1ED80] =	vst v63  }
0x126: {  	p1 =	sne.s32 s13, $0x4800;
	_ =	swait.ge [sflag:s30], $0x4000  }
0x127: {  	[sflag:s30] =	ssyncset.done $0x0  }
0x128: {  	s13 =	sadd.s32 $0x15680, s12;
	[sflag:s30] =	ssyncadd.s32 $0xFFFFC000  }
0x129: {  	[spmem:s1] =	stream.indirect.scatter.add.f32 [tilespmem:s22], [sflag:$0x3], $0x80, s13, s28, $0xb8;
	[tilespmem:$0x1ED80] =	vst v63  }
0x12a: {  	_ =	swait.ge [sflag:s23], $0x4000  }
0x12b: {  	[sflag:s23] =	ssyncset.done $0x0  }
0x12c: {  	s13 =	sadd.s32 $0x14380, s12;
	[sflag:s23] =	ssyncadd.s32 $0xFFFFC000  }
0x12d: {  	[tilespmem:s22], [sflag:$0x1] =	stream.indirect.gather [hbm4b:s5+s28], $0x80, s13, s28, $0xb8;
	[tilespmem:$0x1ED80] =	vst v63  }
0x12e: {  	_ =	swait.ge [sflag:s31], $0x4000  }
.Ltmp5:
0x12f: {  	[sflag:s31] =	ssyncset.done $0x0;
	(pc) =	sbr.rel @p1 .LBB2_12-.Ltmp5, $4  }
0x130: {  	s12 =	sadd.s32 $0x15700, s12;
	[sflag:s31] =	ssyncadd.s32 $0xFFFFC000  }
0x131: {  	[spmem:s1] =	stream.indirect.scatter.add.f32 [tilespmem:s29], [sflag:$0x3], $0x80, s12, s28, $0xb8;
	[tilespmem:$0x1ED80] =	vst v63  }
0x132: {  	_ =	swait.ge [sflag:s23], $0x4000  }
0x133: {  	s13 =	smov.u32 s16;
	s12 =	sshra.s32 s15, $0x2;
	[sflag:s23] =	ssyncset.done $0x0  }
0x134: {  	s13 =	sadd.s32 $0x14300, s12;
	[sflag:s23] =	ssyncadd.s32 $0xFFFFC000  }
0x135: {  	[tilespmem:s29], [sflag:$0x2] =	stream.indirect.gather [hbm4b:s5+s28], $0x80, s13, s28, $0xb8;
	[tilespmem:$0x1ED80] =	vst v63  }
0x136: {  	_ =	swait.ge [sflag:s30], $0x4000  }
0x137: {  	[sflag:s30] =	ssyncset.done $0x0  }
0x138: {  	s14 =	sadd.s32 $0x15680, s12;
	[sflag:s30] =	ssyncadd.s32 $0xFFFFC000  }
0x139: {  	[spmem:s1] =	stream.indirect.scatter.add.f32 [tilespmem:s22], [sflag:$0x3], $0x80, s14, s28, $0xb8;
	[tilespmem:$0x1ED80] =	vst v63  }
0x13a: {  	_ =	swait.ge [sflag:s23], $0x4000  }
0x13b: {  	[sflag:s23] =	ssyncset.done $0x0  }
0x13c: {  	s15 =	sadd.s32 $0x14380, s12;
	[sflag:s23] =	ssyncadd.s32 $0xFFFFC000  }
0x13d: {  	[tilespmem:s22], [sflag:$0x1] =	stream.indirect.gather [hbm4b:s5+s28], $0x80, s15, s28, $0xb8;
	[tilespmem:$0x1ED80] =	vst v63  }
0x13e: {  	_ =	swait.ge [sflag:s31], $0x4000  }
0x13f: {  	[sflag:s31] =	ssyncset.done $0x0  }
0x140: {  	s16 =	sadd.s32 $0x15700, s12;
	[sflag:s31] =	ssyncadd.s32 $0xFFFFC000  }
0x141: {  	[spmem:s1] =	stream.indirect.scatter.add.f32 [tilespmem:s29], [sflag:$0x3], $0x80, s16, s28, $0xb8;
	[tilespmem:$0x1ED80] =	vst v63  }
.Ltmp6:
0x142: {  	_ = 	snop;
	(pc) =	sbr.rel .LBB2_14-.Ltmp6, $4  }
0x143: {  	_ =	swait.ge [sflag:s23], $0x4000  }
0x144: {  	[sflag:s23] =	ssyncset.done $0x0  }
0x145: {  	[sflag:s23] =	ssyncadd.s32 $0xFFFFC000  }
0x146: {  	[tilespmem:s29], [sflag:$0x2] =	stream.indirect.gather [hbm4b:s5+s28], $0x80, s0, s28, $0xb8;
	[tilespmem:$0x1ED80] =	vst v63  }
.LBB2_4:
0x147: {  	[tilespmem:s22], [sflag:$0x1] =	stream.indirect.gather [hbm4b:s4+s28], $0x80, s25, s28, $0xb8;
	[tilespmem:$0x1ED80] =	vst v63  }
0x148: {  	s12 =	simm.s32 $0x14300  }
0x149: {  	[tilespmem:s29], [sflag:$0x2] =	stream.indirect.gather [hbm4b:s4+s28], $0x80, s12, s28, $0xb8;
	[tilespmem:$0x1ED80] =	vst v63  }
0x14a: {  	_ =	swait.ge [sflag:s30], $0x4000  }
0x14b: {  	[sflag:s30] =	ssyncset.done $0x0  }
0x14c: {  	s14 =	simm.s32 $0x15680;
	[sflag:s30] =	ssyncadd.s32 $0xFFFFC000  }
0x14d: {  	[spmem:s1] =	stream.indirect.scatter.add.f32 [tilespmem:s22], [sflag:$0x3], $0x80, s14, s28, $0xb8;
	[tilespmem:$0x1ED80] =	vst v63  }
0x14e: {  	_ =	swait.ge [sflag:s23], $0x4000  }
0x14f: {  	[sflag:s23] =	ssyncset.done $0x0  }
0x150: {  	s15 =	simm.s32 $0x14380;
	[sflag:s23] =	ssyncadd.s32 $0xFFFFC000  }
0x151: {  	[tilespmem:s22], [sflag:$0x1] =	stream.indirect.gather [hbm4b:s4+s28], $0x80, s15, s28, $0xb8;
	[tilespmem:$0x1ED80] =	vst v63  }
0x152: {  	_ =	swait.ge [sflag:s31], $0x4000  }
0x153: {  	[sflag:s31] =	ssyncset.done $0x0  }
0x154: {  	s16 =	simm.s32 $0x15700;
	[sflag:s31] =	ssyncadd.s32 $0xFFFFC000  }
0x155: {  	[spmem:s1] =	stream.indirect.scatter.add.f32 [tilespmem:s29], [sflag:$0x3], $0x80, s16, s28, $0xb8;
	[tilespmem:$0x1ED80] =	vst v63  }
0x156: {  	_ =	swait.ge [sflag:s23], $0x4000  }
0x157: {  	s13 =	simm.s32 $0x800;
	s12 =	simm.s32 $0x100;
	[sflag:s23] =	ssyncset.done $0x0  }
.LBB2_5:
0x158: {  	s14 =	sadd.s32 $0x14300, s12  }
0x159: {  	[sflag:s23] =	ssyncadd.s32 $0xFFFFC000;
	s15 =	smov.u32 s13;
	s16 =	sadd.s32 $0x400, s13  }
0x15a: {  	[tilespmem:s29], [sflag:$0x2] =	stream.indirect.gather [hbm4b:s4+s28], $0x80, s14, s28, $0xb8;
	[tilespmem:$0x1ED80] =	vst v63  }
0x15b: {  	p1 =	sne.s32 s13, $0x4800;
	_ =	swait.ge [sflag:s30], $0x4000  }
0x15c: {  	[sflag:s30] =	ssyncset.done $0x0  }
0x15d: {  	s13 =	sadd.s32 $0x15680, s12;
	[sflag:s30] =	ssyncadd.s32 $0xFFFFC000  }
0x15e: {  	[spmem:s1] =	stream.indirect.scatter.add.f32 [tilespmem:s22], [sflag:$0x3], $0x80, s13, s28, $0xb8;
	[tilespmem:$0x1ED80] =	vst v63  }
0x15f: {  	_ =	swait.ge [sflag:s23], $0x4000  }
0x160: {  	[sflag:s23] =	ssyncset.done $0x0  }
0x161: {  	s13 =	sadd.s32 $0x14380, s12;
	[sflag:s23] =	ssyncadd.s32 $0xFFFFC000  }
0x162: {  	[tilespmem:s22], [sflag:$0x1] =	stream.indirect.gather [hbm4b:s4+s28], $0x80, s13, s28, $0xb8;
	[tilespmem:$0x1ED80] =	vst v63  }
0x163: {  	_ =	swait.ge [sflag:s31], $0x4000  }
.Ltmp7:
0x164: {  	[sflag:s31] =	ssyncset.done $0x0;
	(pc) =	sbr.rel @p1 .LBB2_5-.Ltmp7, $4  }
0x165: {  	s12 =	sadd.s32 $0x15700, s12;
	[sflag:s31] =	ssyncadd.s32 $0xFFFFC000  }
0x166: {  	[spmem:s1] =	stream.indirect.scatter.add.f32 [tilespmem:s29], [sflag:$0x3], $0x80, s12, s28, $0xb8;
	[tilespmem:$0x1ED80] =	vst v63  }
0x167: {  	_ =	swait.ge [sflag:s23], $0x4000  }
0x168: {  	s13 =	smov.u32 s16;
	s12 =	sshra.s32 s15, $0x2;
	[sflag:s23] =	ssyncset.done $0x0  }
0x169: {  	s13 =	sadd.s32 $0x14300, s12;
	[sflag:s23] =	ssyncadd.s32 $0xFFFFC000  }
0x16a: {  	[tilespmem:s29], [sflag:$0x2] =	stream.indirect.gather [hbm4b:s4+s28], $0x80, s13, s28, $0xb8;
	[tilespmem:$0x1ED80] =	vst v63  }
0x16b: {  	_ =	swait.ge [sflag:s30], $0x4000  }
0x16c: {  	[sflag:s30] =	ssyncset.done $0x0  }
0x16d: {  	s15 =	sadd.s32 $0x15680, s12;
	[sflag:s30] =	ssyncadd.s32 $0xFFFFC000  }
0x16e: {  	[spmem:s1] =	stream.indirect.scatter.add.f32 [tilespmem:s22], [sflag:$0x3], $0x80, s15, s28, $0xb8;
	[tilespmem:$0x1ED80] =	vst v63  }
0x16f: {  	_ =	swait.ge [sflag:s23], $0x4000  }
0x170: {  	[sflag:s23] =	ssyncset.done $0x0  }
0x171: {  	s16 =	sadd.s32 $0x14380, s12;
	[sflag:s23] =	ssyncadd.s32 $0xFFFFC000  }
0x172: {  	[tilespmem:s22], [sflag:$0x1] =	stream.indirect.gather [hbm4b:s4+s28], $0x80, s16, s28, $0xb8;
	[tilespmem:$0x1ED80] =	vst v63  }
0x173: {  	_ =	swait.ge [sflag:s31], $0x4000  }
0x174: {  	[sflag:s31] =	ssyncset.done $0x0  }
0x175: {  	s13 =	sadd.s32 $0x15700, s12;
	[sflag:s31] =	ssyncadd.s32 $0xFFFFC000  }
0x176: {  	[spmem:s1] =	stream.indirect.scatter.add.f32 [tilespmem:s29], [sflag:$0x3], $0x80, s13, s28, $0xb8;
	[tilespmem:$0x1ED80] =	vst v63  }
0x177: {  	_ =	swait.ge [sflag:s23], $0x4000  }
0x178: {  	[sflag:s23] =	ssyncset.done $0x0  }
0x179: {  	[sflag:s23] =	ssyncadd.s32 $0xFFFFC000  }
0x17a: {  	[tilespmem:s29], [sflag:$0x2] =	stream.indirect.gather [hbm4b:s4+s28], $0x80, s0, s28, $0xb8;
	[tilespmem:$0x1ED80] =	vst v63  }
0x17b: {  	_ =	swait.ge [sflag:s30], $0x4000  }
0x17c: {  	[sflag:s30] =	ssyncset.done $0x0  }
0x17d: {  	[sflag:s30] =	ssyncadd.s32 $0xFFFFC000  }
0x17e: {  	[spmem:s1] =	stream.indirect.scatter.add.f32 [tilespmem:s22], [sflag:$0x3], $0x80, s3, s28, $0xb8;
	[tilespmem:$0x1ED80] =	vst v63  }
0x17f: {  	_ =	swait.ge [sflag:s23], $0x4000  }
0x180: {  	[sflag:s23] =	ssyncset.done $0x0  }
0x181: {  	[sflag:s23] =	ssyncadd.s32 $0xFFFFC000  }
0x182: {  	_ =	swait.ge [sflag:s31], $0x4000  }
0x183: {  	[sflag:s31] =	ssyncset.done $0x0  }
0x184: {  	[sflag:s31] =	ssyncadd.s32 $0xFFFFC000  }
0x185: {  	[spmem:s1] =	stream.indirect.scatter.add.f32 [tilespmem:s29], [sflag:$0x3], $0x80, s24, s28, $0xb8;
	[tilespmem:$0x1ED80] =	vst v63  }
0x186: {  	_ =	swait.ge [sflag:s23], $0x4000  }
0x187: {  	[sflag:s23] =	ssyncset.done $0x0  }
0x188: {  	s14 =	simm.s32 $0x0;
	s15 =	rddreg [dreg:$0x7];
	[sflag:s23] =	ssyncadd.s32 $0xFFFFC000  }
0x189: {  	[tilespmem:s25], [sflag:$0x3] =	stream.linear.gather [hbm4b:s15+s14], $0x1400, $0x38;
	[tilespmem:$0x1ED80] =	vst v63  }
0x18a: {  	_ =	swait.ge [sflag:s23], $0x1400  }
0x18b: {  	[sflag:s23] =	ssyncset.done $0x0  }
0x18c: {  	s16 =	rddreg [dreg:$0x8];
	[sflag:s23] =	ssyncadd.s32 $0xFFFFEC00  }
0x18d: {  	[tilespmem:s26], [sflag:$0x3] =	stream.linear.gather [hbm4b:s16+s14], $0x1400, $0x38;
	[tilespmem:$0x1ED80] =	vst v63  }
0x18e: {  	_ =	swait.ge [sflag:s23], $0x1400  }
0x18f: {  	[sflag:s23] =	ssyncset.done $0x0  }
0x190: {  	[sflag:s23] =	ssyncadd.s32 $0xFFFFEC00  }
0x191: {  	[tilespmem:s22], [sflag:$0x1] =	stream.indirect.gather [hbm4b:s4+s28], $0x80, s25, s28, $0xb8;
	[tilespmem:$0x1ED80] =	vst v63  }
0x192: {  	s13 =	simm.s32 $0x14300  }
0x193: {  	[tilespmem:s29], [sflag:$0x2] =	stream.indirect.gather [hbm4b:s4+s28], $0x80, s13, s28, $0xb8;
	[tilespmem:$0x1ED80] =	vst v63  }
0x194: {  	_ =	swait.ge [sflag:s30], $0x4000  }
0x195: {  	[sflag:s30] =	ssyncset.done $0x0  }
0x196: {  	s14 =	simm.s32 $0x15680;
	[sflag:s30] =	ssyncadd.s32 $0xFFFFC000  }
0x197: {  	[spmem:s1] =	stream.indirect.scatter.add.f32 [tilespmem:s22], [sflag:$0x3], $0x80, s14, s28, $0xb8;
	[tilespmem:$0x1ED80] =	vst v63  }
0x198: {  	_ =	swait.ge [sflag:s23], $0x4000  }
0x199: {  	[sflag:s23] =	ssyncset.done $0x0  }
0x19a: {  	s15 =	simm.s32 $0x14380;
	[sflag:s23] =	ssyncadd.s32 $0xFFFFC000  }
0x19b: {  	[tilespmem:s22], [sflag:$0x1] =	stream.indirect.gather [hbm4b:s4+s28], $0x80, s15, s28, $0xb8;
	[tilespmem:$0x1ED80] =	vst v63  }
0x19c: {  	_ =	swait.ge [sflag:s31], $0x4000  }
0x19d: {  	[sflag:s31] =	ssyncset.done $0x0  }
0x19e: {  	s16 =	simm.s32 $0x15700;
	[sflag:s31] =	ssyncadd.s32 $0xFFFFC000  }
0x19f: {  	[spmem:s1] =	stream.indirect.scatter.add.f32 [tilespmem:s29], [sflag:$0x3], $0x80, s16, s28, $0xb8;
	[tilespmem:$0x1ED80] =	vst v63  }
0x1a0: {  	_ =	swait.ge [sflag:s23], $0x4000  }
0x1a1: {  	s12 =	simm.s32 $0x100;
	s13 =	simm.s32 $0x800;
	[sflag:s23] =	ssyncset.done $0x0  }
.LBB2_7:
0x1a2: {  	s14 =	sadd.s32 $0x14300, s12  }
0x1a3: {  	[sflag:s23] =	ssyncadd.s32 $0xFFFFC000;
	s15 =	smov.u32 s13;
	s16 =	sadd.s32 $0x400, s13  }
0x1a4: {  	[tilespmem:s29], [sflag:$0x2] =	stream.indirect.gather [hbm4b:s4+s28], $0x80, s14, s28, $0xb8;
	[tilespmem:$0x1ED80] =	vst v63  }
0x1a5: {  	p1 =	seq.s32 s13, $0x4800;
	_ =	swait.ge [sflag:s30], $0x4000  }
0x1a6: {  	[sflag:s30] =	ssyncset.done $0x0  }
0x1a7: {  	s13 =	sadd.s32 $0x15680, s12;
	[sflag:s30] =	ssyncadd.s32 $0xFFFFC000  }
0x1a8: {  	[spmem:s1] =	stream.indirect.scatter.add.f32 [tilespmem:s22], [sflag:$0x3], $0x80, s13, s28, $0xb8;
	[tilespmem:$0x1ED80] =	vst v63  }
0x1a9: {  	_ =	swait.ge [sflag:s23], $0x4000  }
0x1aa: {  	[sflag:s23] =	ssyncset.done $0x0  }
0x1ab: {  	s13 =	sadd.s32 $0x14380, s12;
	[sflag:s23] =	ssyncadd.s32 $0xFFFFC000  }
0x1ac: {  	[tilespmem:s22], [sflag:$0x1] =	stream.indirect.gather [hbm4b:s4+s28], $0x80, s13, s28, $0xb8;
	[tilespmem:$0x1ED80] =	vst v63  }
0x1ad: {  	_ =	swait.ge [sflag:s31], $0x4000  }
.Ltmp8:
0x1ae: {  	[sflag:s31] =	ssyncset.done $0x0;
	(pc) =	sbr.rel @!p1 .LBB2_7-.Ltmp8, $4  }
0x1af: {  	s12 =	sadd.s32 $0x15700, s12;
	[sflag:s31] =	ssyncadd.s32 $0xFFFFC000  }
0x1b0: {  	[spmem:s1] =	stream.indirect.scatter.add.f32 [tilespmem:s29], [sflag:$0x3], $0x80, s12, s28, $0xb8;
	[tilespmem:$0x1ED80] =	vst v63  }
0x1b1: {  	_ =	swait.ge [sflag:s23], $0x4000  }
0x1b2: {  	s13 =	smov.u32 s16;
	s12 =	sshra.s32 s15, $0x2;
	[sflag:s23] =	ssyncset.done $0x0  }
.Ltmp9:
0x1b3: {  	_ = 	snop;
	(pc) =	sbr.rel .LBB2_8-.Ltmp9, $1  }
0x1b4: {  	_ =	sdelay $0x3  }
.LBB2_15:
0x1b5: {  	_ =	sfence.sel $0x180000  }
0x1b6: {  	[bflag:$0x0] =	sbarrier.arrive $0xFFFF  }
0x1b7: {  	_ =	strace $0x9000004A  }
0x1b8: {  	s0 =	stileid.u32;
	[bflag:$0x2] =	sbarrier.arrive $0xFFFF  }
0x1b9: {  	p0 =	sne.s32 s0, $0x0;
	s0 =	rddreg [dreg:$0x3]  }
0x1ba: {  	s0 =	sadd.s32 @!p0 $0x100000, s0  }
0x1bb: {  	[sflag:s0] =	ssyncadd.tile.s32 @!p0 $0x1;
	_ =	shalt  }
.Lfunc_end2:
_tile_overlayer_lowered:
.L_overlay_start_2:
0x1bc: {  	(tag) =	ssettag $0x2  }
0x1bd: {  	s0 =	rddreg [dreg:$0x0];
	s2 =	stileid.u32  }
0x1be: {  	s1 =	rddreg [dreg:$0x1];
	p0 =	sne.s32 s2, $0x0  }
0x1bf: {  	s3 =	rddreg [dreg:$0x2];
	[bflag:$0x3] =	sbarrier.arrive $0xFFFF;
	s2 =	simm.s32 @!p0 $0x1C03  }
0x1c0: {  	[timem:s3], [sflag:s2] =	dma.local @!p0 [hbm:s0], s1  }
0x1c1: {  	s0 =	simm.s32 @!p0 $0x3  }
0x1c2: {  	_ =	swait.ge @!p0 [sflag:s0], s1  }
0x1c3: {  	s1 =	ssub.s32 @!p0 $0x0, s1;
	[sflag:s0] =	ssyncset.done @!p0 $0x0  }
0x1c4: {  	[sflag:s0] =	ssyncadd.s32 @!p0 s1  }
0x1c5: {  	[bflag:$0x3] =	sbarrier.arrive $0xFFFF  }
0x1c6: {  	_ =	shalt  }

// kernel: sage_sc_agg_cnt1.3.cloned.1.call-start
scs
__scs_entry_jumppad:
0x0: {  	(pc) =	sbr.rel $0x88, $3  }
0x1: {  	(tag) =	ssettag $0x0;
	lr =	simm.s32 $0x1  }
0x2: {  	[smem:$0x3F99] =	sst lr;
	_ =	strace $0xD0000000  }
0x3: {  	_ = 	snop  }
0x4: {  	_ = 	snop  }
0x5: {  	_ = 	snop  }
0x6: {  	_ = 	snop  }
0x7: {  	_ = 	snop  }
__scs_overlays_trampoline_lowered:
0x8: {  	[smem:$0x3FA8] =	sst s0  }
0x9: {  	[smem:$0x3FA9] =	sst s1  }
0xa: {  	[smem:$0x3FAA] =	sst s2  }
0xb: {  	[smem:$0x3FAB] =	sst s3  }
0xc: {  	[smem:$0x3FAC] =	sst s4  }
0xd: {  	[smem:$0x3FAD] =	sst s5  }
0xe: {  	[smem:$0x3FAE] =	sst s6  }
0xf: {  	[smem:$0x3FAF] =	sst s7  }
0x10: {  	[smem:$0x3FB0] =	sst s8  }
0x11: {  	[smem:$0x3FB1] =	sst s9;
	s0 =	simm.s32 @!p0 $0x0  }
0x12: {  	s1 =	sld [smem:$0x3F97];
	s0 =	simm.s32 @p0 $0x1  }
0x13: {  	[smem:$0x3FB2] =	sst s0;
	s0 =	simm.s32 @!p1 $0x0  }
0x14: {  	s2 =	sld [smem:$0x3F96];
	s0 =	simm.s32 @p1 $0x1  }
0x15: {  	[smem:$0x3FB3] =	sst s0;
	s0 =	simm.s32 @!p2 $0x0  }
0x16: {  	s3 =	sld [smem:$0x3FDB];
	s0 =	simm.s32 @p2 $0x1  }
0x17: {  	s4 =	simm.s32 $0x1BF5;
	[smem:$0x3FB5] =	sst s0  }
0x18: {  	s0 =	sld [smem:$0x3F98];
	_ =	swait.ge [sflag:s4], $0x0  }
0x19: {  	s7 =	sld [smem:$0x3F99]  }
0x1a: {  	s8 =	sadd.s32 $0xFFFFE003, lr  }
0x1b: {  	s9 =	sadd.s32 $0xFFFFFEF7, lr;
	s5 =	simm.s32 $0xFFFFFFFF;
	p2 =	slt.u32 s8, $0xFFFFF086  }
0x1c: {  	p1 =	slt.u32 s9, $0xF7A;
	s5 =	simm.s32 @!p2 $0x0  }
0x1d: {  	s5 =	simm.s32 @p1 $0x1;
	p0 =	seq.s32 s7, s2  }
0x1e: {  	s7 =	smul.u32 @!p0 $0xF7A, s2;
	p2 =	seq.s32 @!p0 s5, $0x0  }
0x1f: {  	s9 =	smul.u32 $0xF7A, s1;
	s8 =	simm.s32 @!p0 $0x1BF5;
	p2 =	por !p2, p0  }
0x20: {  	[sflag:s8] =	ssyncset.s32 @!p0 $0xFFFFF086;
	s6 =	sadd.s32 @!p0 s3, s7;
	s7 =	simm.s32 @!p0 $0x108  }
0x21: {  	s3 =	sadd.s32 s3, s9;
	s6 =	sadd.s32 @!p0 $0x88, s6;
	s7 =	simm.s32 @p2 $0x1082  }
0x22: {  	[simem:s7], [sflag:s8] =	dma.local @!p0 [hbm:s6], $0xF7A  }
0x23: {  	s9 =	sor.u32 $0xD0000000, s2;
	s6 =	simm.s32 $0x108;
	_ =	swait.ge @!p0 [sflag:s8], $0x0  }
0x24: {  	s3 =	sadd.s32 $0x88, s3;
	s6 =	simm.s32 @!p1 $0x1082;
	[sflag:s4] =	ssyncset.s32 $0xFFFFF086  }
0x25: {  	[simem:s6], [sflag:s4] =	dma.local [hbm:s3], $0xF7A  }
0x26: {  	[smem:$0x3F99] =	sst s1;
	(tag) =	ssettag s2;
	_ =	strace s9  }
0x27: {  	s1 =	sld [smem:$0x3FA9]  }
0x28: {  	s2 =	sld [smem:$0x3FAA]  }
0x29: {  	s4 =	sld [smem:$0x3FAC]  }
0x2a: {  	p0 =	seq.s32 s5, $0x0;
	s5 =	sld [smem:$0x3FAD]  }
0x2b: {  	s6 =	sld [smem:$0x3FAE]  }
0x2c: {  	s7 =	sld [smem:$0x3FAF]  }
0x2d: {  	s3 =	simm.s32 $0x108;
	s8 =	sld [smem:$0x3FB0]  }
0x2e: {  	s3 =	simm.s32 @!p0 $0x1082;
	s9 =	sld [smem:$0x3FB1]  }
0x2f: {  	lr =	sadd.s32 s0, s3;
	s0 =	sld [smem:$0x3FA8]  }
0x30: {  	s3 =	sld [smem:$0x3FAB]  }
0x31: {  	[smem:$0x3FB4] =	sst s10  }
0x32: {  	s10 =	sld [smem:$0x3FB2];
	_ =	sdelay $0x3  }
0x33: {  	p0 =	seq.s32 s10, $0x1;
	s10 =	sld [smem:$0x3FB4];
	_ =	sdelay $0x3  }
0x34: {  	[smem:$0x3FB4] =	sst s10  }
0x35: {  	s10 =	sld [smem:$0x3FB3];
	_ =	sdelay $0x3  }
0x36: {  	p1 =	seq.s32 s10, $0x1;
	s10 =	sld [smem:$0x3FB4];
	_ =	sdelay $0x3  }
0x37: {  	[smem:$0x3FB4] =	sst s10  }
0x38: {  	s10 =	sld [smem:$0x3FB5]  }
0x39: {  	_ = 	snop;
	(pc) =	sbr.ind lr, $3  }
0x3a: {  	_ = 	snop  }
0x3b: {  	_ = 	snop  }
0x3c: {  	p2 =	seq.s32 s10, $0x1;
	s10 =	sld [smem:$0x3FB4]  }
0x3d: {  	_ =	shalt  }
0x3e: {  	_ =	shalt  }
0x3f: {  	_ =	shalt  }
0x40: {  	_ =	shalt  }
0x41: {  	_ =	shalt  }
0x42: {  	_ =	shalt  }
0x43: {  	_ =	shalt  }
0x44: {  	_ =	shalt  }
0x45: {  	_ =	shalt  }
0x46: {  	_ =	shalt  }
0x47: {  	_ =	shalt  }
0x48: {  	_ =	shalt  }
0x49: {  	_ =	shalt  }
0x4a: {  	_ =	shalt  }
0x4b: {  	_ =	shalt  }
0x4c: {  	_ =	shalt  }
0x4d: {  	_ =	shalt  }
0x4e: {  	_ =	shalt  }
0x4f: {  	_ =	shalt  }
0x50: {  	_ =	shalt  }
0x51: {  	_ =	shalt  }
0x52: {  	_ =	shalt  }
0x53: {  	_ =	shalt  }
0x54: {  	_ =	shalt  }
0x55: {  	_ =	shalt  }
0x56: {  	_ =	shalt  }
0x57: {  	_ =	shalt  }
0x58: {  	_ =	shalt  }
0x59: {  	_ =	shalt  }
0x5a: {  	_ =	shalt  }
0x5b: {  	_ =	shalt  }
0x5c: {  	_ =	shalt  }
0x5d: {  	_ =	shalt  }
0x5e: {  	_ =	shalt  }
0x5f: {  	_ =	shalt  }
0x60: {  	_ =	shalt  }
0x61: {  	_ =	shalt  }
0x62: {  	_ =	shalt  }
0x63: {  	_ =	shalt  }
0x64: {  	_ =	shalt  }
0x65: {  	_ =	shalt  }
0x66: {  	_ =	shalt  }
0x67: {  	_ =	shalt  }
0x68: {  	_ =	shalt  }
0x69: {  	_ =	shalt  }
0x6a: {  	_ =	shalt  }
0x6b: {  	_ =	shalt  }
0x6c: {  	_ =	shalt  }
0x6d: {  	_ =	shalt  }
0x6e: {  	_ =	shalt  }
0x6f: {  	_ =	shalt  }
0x70: {  	_ =	shalt  }
0x71: {  	_ =	shalt  }
0x72: {  	_ =	shalt  }
0x73: {  	_ =	shalt  }
0x74: {  	_ =	shalt  }
0x75: {  	_ =	shalt  }
0x76: {  	_ =	shalt  }
0x77: {  	_ =	shalt  }
0x78: {  	_ =	shalt  }
0x79: {  	_ =	shalt  }
0x7a: {  	_ =	shalt  }
0x7b: {  	_ =	shalt  }
0x7c: {  	_ =	shalt  }
0x7d: {  	_ =	shalt  }
0x7e: {  	_ =	shalt  }
0x7f: {  	_ =	shalt  }
0x80: {  	_ =	shalt  }
0x81: {  	_ =	shalt  }
0x82: {  	_ =	shalt  }
0x83: {  	_ =	shalt  }
0x84: {  	_ =	shalt  }
0x85: {  	_ =	shalt  }
0x86: {  	_ =	shalt  }
0x87: {  	_ =	shalt  }
.Lfunc_end0:
.L_simem_size_0:
called_computation_lowered:
.L_overlay_start_0:
0x88: {  	s2 =	sld [smem:$0x3FD9]  }
0x89: {  	s3 =	sld [smem:$0x3FFE];
	_ =	sdelay $0x1  }
0x8a: {  	s1 =	srdreg.scid  }
0x8b: {  	s0 =	sand.u32 $0x1, s1  }
0x8c: {  	s16 =	sshll.u32 s0, $0xA;
	s2 =	sadd.s32 s3, s2  }
0x8d: {  	s2 =	sadd.s32 s2, s16  }
0x8e: {  	[smem:$0x3FC0] =	sst s2  }
0x8f: {  	_ = 	snop  }
0x90: {  	(tm) =	ssettm $0x1  }
0x91: {  	s17 =	sld [smem:$0x3FFB];
	_ =	sdelay $0x3  }
0x92: {  	_ =	strace s17  }
0x93: {  	s2 =	sld [smem:$0x3FFC];
	_ =	sdelay $0x3  }
0x94: {  	_ =	strace s2  }
0x95: {  	s2 =	sld [smem:$0x3FFD];
	_ =	sdelay $0x3  }
0x96: {  	_ =	strace s2  }
0x97: {  	_ =	strace $0x8FFFFFFF  }
0x98: {  	s18 =	sld [smem:$0x3FDB];
	_ =	sdelay $0x1  }
0x99: {  	s19 =	simm.s32 $_scs_section_size  }
0x9a: {  	s4 =	simm.s32 $_size__tile_overlayer_lowered;
	s5 =	simm.s32 $_tile_overlayer_lowered  }
0x9b: {  	s22 =	simm.s32 $0x1BFF;
	s21 =	sshll.u32 s5, $0x1;
	s2 =	sadd.s32 s19, s18  }
0x9c: {  	s6 =	simm.s32 $0x0;
	s20 =	sshll.u32 s4, $0x1;
	s4 =	sadd.s32 s21, s2  }
0x9d: {  	[timem:s6], [sflag:s22] =	dma.local [hbm:s4], s20  }
0x9e: {  	_ =	swait.ge [sflag:s22], s20  }
0x9f: {  	s3 =	ssub.s32 $0x0, s20;
	[sflag:s22] =	ssyncset.done $0x0  }
0xa0: {  	[sflag:s22] =	ssyncadd.s32 s3;
	_ =	sdelay $0x1  }
0xa1: {  	s23 =	simm.s32 $0x1B8B  }
0xa2: {  	_ =	swait.ge [sflag:s23], $0x1  }
0xa3: {  	[sflag:s23] =	ssyncset.done $0x0  }
0xa4: {  	s25 =	simm.s32 $0x1B8E;
	s24 =	sld [smem:$0x3FFE];
	[sflag:s23] =	ssyncadd.s32 $0xFFFFFFFF  }
0xa5: {  	s26 =	simm.s32 $execute0_lowered;
	[smem:$0x3FD2] =	sst s25  }
0xa6: {  	s4 =	sshll.u32 s26, $0x1;
	_ =	strace $0x80000046;
	[dreg:$0x1] =	wrdreg $0xFFFFFFFF  }
0xa7: {  	s28 =	simm.s32 $_size_execute0_lowered;
	s2 =	sadd.s32 s2, s4;
	[dreg:$0x0] =	wrdreg $0x0  }
0xa8: {  	s4 =	sshll.u32 s28, $0x1;
	[dreg:$0x2] =	wrdreg s2  }
0xa9: {  	[dreg:$0x3] =	wrdreg s4  }
0xaa: {  	[dreg:$0x4] =	wrdreg $0xC0  }
0xab: {  	_ =	task [dreg:s6], $0x5FFFF  }
0xac: {  	[dreg:$0x1] =	wrdreg $0xFFFFFFFF  }
0xad: {  	[dreg:$0x0] =	wrdreg $0x60  }
0xae: {  	[dreg:$0x2] =	wrdreg s24  }
0xaf: {  	[dreg:$0x3] =	wrdreg $0x0  }
0xb0: {  	[dreg:$0x4] =	wrdreg $0x140000  }
0xb1: {  	[dreg:$0x5] =	wrdreg $0x9  }
0xb2: {  	_ =	task.clear_ibuf [dreg:s6], $0x6FFFF;
	_ =	strace $0x90000046  }
0xb3: {  	s29 =	simm.s32 $0x9;
	_ =	strace $0x80000048  }
0xb4: {  	_ =	swait.ge [sflag:s29], $0x1  }
0xb5: {  	[sflag:s29] =	ssyncadd.s32 $0xFFFFFFFF  }
0xb6: {  	_ =	strace $0x90000048  }
0xb7: {  	_ =	sfence  }
0xb8: {  	s30 =	sld [smem:$0x0];
	_ =	sdelay $0x2  }
0xb9: {  	s31 =	sshll.u32 s1, $0xD;
	s1 =	sshrl.u32 s1, $0x2  }
0xba: {  	s3 =	sand.u32 $0x4000, s31;
	s1 =	sadd.s32 s1, s30  }
0xbb: {  	s0 =	sor.u32 s3, s0;
	s1 =	sshll.u32 s1, $0x11  }
0xbc: {  	s0 =	sor.u32 s1, s0  }
0xbd: {  	s0 =	sadd.s32 $0x8F2B, s0  }
0xbe: {  	[sflag:s0] =	ssyncadd.remote.s32 $0x1  }
0xbf: {  	_ =	sfence.sel $0xFFFF  }
0xc0: {  	[dreg:$0x0] =	wrdreg $0xFFFFFFFF;
	(pc) =	sbr.abs _section_cstart, $3  }
0xc1: {  	[dreg:$0x1] =	wrdreg $0xFFFFFFFF  }
0xc2: {  	_ =	task.clear_ibuf [dreg:s6], $0x2FFFF;
	_ =	strace $0x9FFFFFFF  }
0xc3: {  	(tm) =	ssettm $0x7FFFFFFF  }
tec
execute0_lowered:
.L_overlay_start_1:
0x0: {  	(tag) =	ssettag $0x1  }
0x1: {  	s0 =	rddreg [dreg:$0x0]  }
0x2: {  	s1 =	rddreg [dreg:$0x1]  }
0x3: {  	s2 =	rddreg [dreg:$0x2]  }
0x4: {  	s4 =	simm.s32 $0x0;
	s22 =	stileid.u32;
	s7 =	srdreg.scid  }
0x5: {  	s28 =	simm.s32 $0x14280;
	s30 =	simm.s32 $0x80;
	s31 =	simm.s32 $0x1AA80  }
0x6: {  	[smem:$0x7FF] =	sst s4;
	s5 =	sadd.s32 $0x2B200, s0;
	s3 =	smul.u32 $0x280, s22  }
0x7: {  	s6 =	sadd.s32 $0x4000, s0;
	s10 =	sadd.s32 $0x52400, s0;
	s9 =	smul.u32 $0x50000, s22  }
0x8: {  	s11 =	sadd.s32 $0x57400, s0;
	s12 =	sand.u32 $0x1, s7;
	s14 =	smul.u32 $0x2800, s22  }
0x9: {  	s13 =	sadd.s32 $0x5CA00, s0;
	s22 =	smul.u32 $0x14000, s22;
	_ =	strace $0x80000047  }
0xa: {  	s8 =	ssub.s32 $0x2, s12;
	s20 =	smul.u32 $0x140000, s12;
	p0 =	sne.s32 s12, $0x0  }
0xb: {  	s12 =	simm.s32 $0x16A00;
	s24 =	sshrl.u32 s3, $0x3;
	s25 =	sshrl.u32 s8, $0x1  }
0xc: {  	s26 =	sshrl.u32 s9, $0x2;
	s15 =	sshll.u32 s3, $0x7;
	s14 =	sshrl.u32 s14, $0x3  }
0xd: {  	s0 =	sadd.s32 s24, s0;
	s17 =	ssub.s32 s8, s25;
	s16 =	sadd.s32 $0x4000, s15  }
0xe: {  	s18 =	sadd.s32 $0x8000, s15;
	s7 =	sadd.s32 s26, s1;
	s19 =	sadd.s32 $0xC000, s15  }
0xf: {  	s21 =	sadd.s32 s10, s14;
	s29 =	sadd.s32 $0x280, s14;
	s14 =	sadd.s32 s11, s14  }
0x10: {  	s24 =	sadd.s32 $0x10000, s15;
	s25 =	sadd.s32 s22, s20;
	[dreg:$0x4] =	wrdreg s21  }
0x11: {  	s8 =	sadd.s32 s16, s1;
	s9 =	sadd.s32 s18, s1;
	[dreg:$0x5] =	wrdreg s14  }
0x12: {  	s10 =	sadd.s32 s10, s29;
	s23 =	sadd.s32 s11, s29;
	s14 =	sadd.s32 s19, s1  }
0x13: {  	s26 =	sadd.s32 s20, s16;
	s18 =	sadd.s32 s20, s18;
	s19 =	sadd.s32 s20, s19  }
0x14: {  	s29 =	sadd.s32 s20, s24;
	s15 =	sadd.s32 s24, s1;
	s11 =	sshrl.u32 s25, $0x3  }
0x15: {  	s16 =	sadd.s32 s3, s2;
	s22 =	sadd.s32 $0x5C400, s0;
	[dreg:$0x6] =	wrdreg s10  }
0x16: {  	s0 =	simm.s32 $0x1;
	[dreg:$0x7] =	wrdreg s23;
	s20 =	sadd.s32 s13, s11  }
0x17: {  	s23 =	sshrl.u32 s26, $0x3;
	s24 =	sshrl.u32 s18, $0x3;
	s25 =	sshrl.u32 s19, $0x3  }
0x18: {  	s29 =	sshrl.u32 s29, $0x3;
	s10 =	simm.s32 $0x15600;
	s11 =	simm.s32 $0x16980  }
.Ltmp0:
0x19: {  	[dreg:$0x8] =	wrdreg s20;
	s3 =	sadd.s32 s13, s23;
	(pc) =	sbr.rel .LBB2_1-.Ltmp0, $4  }
0x1a: {  	s26 =	sadd.s32 s13, s25;
	s21 =	sadd.s32 s13, s29;
	s23 =	smax.u32 s17, $0x1  }
0x1b: {  	s25 =	simm.s32 $0x3;
	[dreg:$0x9] =	wrdreg s3;
	s3 =	sadd.s32 s13, s24  }
0x1c: {  	[dreg:$0xb] =	wrdreg s26;
	s24 =	simm.s32 $0x16A80;
	s26 =	simm.s32 $0x2  }
0x1d: {  	v0 =	vimm.f32 $0.0e+00;
	v1 =	vimm.f32 $1.000000000e+00;
	s13 =	simm.s32 $0x0;
	[dreg:$0xa] =	wrdreg s3;
	s3 =	simm.s32 $0x1EA80  }
.LBB2_13:
0x1e: {  	s18 =	sadd.s32 $0x14300, s17;
	[sflag:s25] =	ssyncadd.s32 $0xFFFFC000  }
0x1f: {  	[tilespmem:s31], [sflag:$0x2] =	stream.indirect.gather [hbm4b:s6+s30], $0x80, s18, s30, $0xb8;
	[tilespmem:$0x1ED80] =	vst v63  }
0x20: {  	_ =	swait.ge [sflag:s0], $0x4000  }
0x21: {  	[sflag:s0] =	ssyncset.done $0x0  }
0x22: {  	s19 =	sadd.s32 $0x15680, s17;
	[sflag:s0] =	ssyncadd.s32 $0xFFFFC000  }
0x23: {  	[spmem:s1] =	stream.indirect.scatter.add.f32 [tilespmem:s24], [sflag:$0x3], $0x80, s19, s30, $0xb8;
	[tilespmem:$0x1ED80] =	vst v63  }
0x24: {  	_ =	swait.ge [sflag:s25], $0x4000  }
0x25: {  	[sflag:s25] =	ssyncset.done $0x0  }
0x26: {  	s20 =	sadd.s32 $0x14380, s17;
	[sflag:s25] =	ssyncadd.s32 $0xFFFFC000  }
0x27: {  	[tilespmem:s24], [sflag:$0x1] =	stream.indirect.gather [hbm4b:s6+s30], $0x80, s20, s30, $0xb8;
	[tilespmem:$0x1ED80] =	vst v63  }
0x28: {  	_ =	swait.ge [sflag:s26], $0x4000  }
0x29: {  	[sflag:s26] =	ssyncset.done $0x0  }
0x2a: {  	s29 =	sadd.s32 $0x15700, s17;
	[sflag:s26] =	ssyncadd.s32 $0xFFFFC000  }
0x2b: {  	[spmem:s1] =	stream.indirect.scatter.add.f32 [tilespmem:s31], [sflag:$0x3], $0x80, s29, s30, $0xb8;
	[tilespmem:$0x1ED80] =	vst v63  }
0x2c: {  	_ =	swait.ge [sflag:s25], $0x4000  }
0x2d: {  	[sflag:s25] =	ssyncset.done $0x0  }
0x2e: {  	[sflag:s25] =	ssyncadd.s32 $0xFFFFC000  }
0x2f: {  	[tilespmem:s31], [sflag:$0x2] =	stream.indirect.gather [hbm4b:s6+s30], $0x80, s10, s30, $0xb8;
	[tilespmem:$0x1ED80] =	vst v63  }
0x30: {  	_ =	swait.ge [sflag:s0], $0x4000  }
0x31: {  	[sflag:s0] =	ssyncset.done $0x0  }
0x32: {  	[sflag:s0] =	ssyncadd.s32 $0xFFFFC000  }
0x33: {  	[spmem:s1] =	stream.indirect.scatter.add.f32 [tilespmem:s24], [sflag:$0x3], $0x80, s11, s30, $0xb8;
	[tilespmem:$0x1ED80] =	vst v63  }
0x34: {  	_ =	swait.ge [sflag:s25], $0x4000  }
0x35: {  	[sflag:s25] =	ssyncset.done $0x0  }
0x36: {  	[sflag:s25] =	ssyncadd.s32 $0xFFFFC000  }
0x37: {  	_ =	swait.ge [sflag:s26], $0x4000  }
0x38: {  	[sflag:s26] =	ssyncset.done $0x0  }
0x39: {  	[sflag:s26] =	ssyncadd.s32 $0xFFFFC000  }
0x3a: {  	[spmem:s1] =	stream.indirect.scatter.add.f32 [tilespmem:s31], [sflag:$0x3], $0x80, s12, s30, $0xb8;
	[tilespmem:$0x1ED80] =	vst v63  }
0x3b: {  	_ =	swait.ge [sflag:s25], $0x4000  }
0x3c: {  	[sflag:s25] =	ssyncset.done $0x0  }
0x3d: {  	[sflag:s25] =	ssyncadd.s32 $0xFFFFC000  }
.LBB2_14:
0x3e: {  	[bflag:$0x0] =	sbarrier.arrive $0xFFFF  }
0x3f: {  	[tilespmem:s24], [sflag:$0x3] =	stream.linear.gather [spmem:s7], $0x4000, $0x38;
	[tilespmem:$0x1ED80] =	vst v63  }
0x40: {  	_ =	swait.ge [sflag:s25], $0x4000  }
0x41: {  	[sflag:s25] =	ssyncset.done $0x0  }
0x42: {  	s17 =	rddreg [dreg:$0x8];
	[sflag:s25] =	ssyncadd.s32 $0xFFFFC000  }
0x43: {  	[hbm4b:s17+s4] =	stream.linear.scatter [tilespmem:s24], [sflag:$0x3], $0x4000, $0x38;
	[tilespmem:$0x1ED80] =	vst v63  }
0x44: {  	_ =	swait.ge [sflag:s25], $0x4000  }
0x45: {  	[sflag:s25] =	ssyncset.done $0x0  }
0x46: {  	[sflag:s25] =	ssyncadd.s32 $0xFFFFC000  }
0x47: {  	[tilespmem:s24], [sflag:$0x3] =	stream.linear.gather [spmem:s8], $0x4000, $0x38;
	[tilespmem:$0x1ED80] =	vst v63  }
0x48: {  	_ =	swait.ge [sflag:s25], $0x4000  }
0x49: {  	[sflag:s25] =	ssyncset.done $0x0  }
0x4a: {  	s19 =	rddreg [dreg:$0x9];
	[sflag:s25] =	ssyncadd.s32 $0xFFFFC000  }
0x4b: {  	[hbm4b:s19+s4] =	stream.linear.scatter [tilespmem:s24], [sflag:$0x3], $0x4000, $0x38;
	[tilespmem:$0x1ED80] =	vst v63  }
0x4c: {  	_ =	swait.ge [sflag:s25], $0x4000  }
0x4d: {  	[sflag:s25] =	ssyncset.done $0x0  }
0x4e: {  	[sflag:s25] =	ssyncadd.s32 $0xFFFFC000  }
0x4f: {  	[tilespmem:s24], [sflag:$0x3] =	stream.linear.gather [spmem:s9], $0x4000, $0x38;
	[tilespmem:$0x1ED80] =	vst v63  }
0x50: {  	_ =	swait.ge [sflag:s25], $0x4000  }
0x51: {  	[sflag:s25] =	ssyncset.done $0x0  }
0x52: {  	s20 =	rddreg [dreg:$0xa];
	[sflag:s25] =	ssyncadd.s32 $0xFFFFC000  }
0x53: {  	[hbm4b:s20+s4] =	stream.linear.scatter [tilespmem:s24], [sflag:$0x3], $0x4000, $0x38;
	[tilespmem:$0x1ED80] =	vst v63  }
0x54: {  	_ =	swait.ge [sflag:s25], $0x4000  }
0x55: {  	[sflag:s25] =	ssyncset.done $0x0  }
0x56: {  	[sflag:s25] =	ssyncadd.s32 $0xFFFFC000  }
0x57: {  	[tilespmem:s24], [sflag:$0x3] =	stream.linear.gather [spmem:s14], $0x4000, $0x38;
	[tilespmem:$0x1ED80] =	vst v63  }
0x58: {  	_ =	swait.ge [sflag:s25], $0x4000  }
0x59: {  	[sflag:s25] =	ssyncset.done $0x0  }
0x5a: {  	s29 =	rddreg [dreg:$0xb];
	[sflag:s25] =	ssyncadd.s32 $0xFFFFC000  }
0x5b: {  	[hbm4b:s29+s4] =	stream.linear.scatter [tilespmem:s24], [sflag:$0x3], $0x4000, $0x38;
	[tilespmem:$0x1ED80] =	vst v63  }
0x5c: {  	_ =	swait.ge [sflag:s25], $0x4000  }
0x5d: {  	[sflag:s25] =	ssyncset.done $0x0  }
0x5e: {  	[sflag:s25] =	ssyncadd.s32 $0xFFFFC000  }
0x5f: {  	[tilespmem:s24], [sflag:$0x3] =	stream.linear.gather [spmem:s15], $0x4000, $0x38;
	[tilespmem:$0x1ED80] =	vst v63  }
0x60: {  	_ =	swait.ge [sflag:s25], $0x4000  }
0x61: {  	[sflag:s25] =	ssyncset.done $0x0  }
0x62: {  	[sflag:s25] =	ssyncadd.s32 $0xFFFFC000  }
0x63: {  	[hbm4b:s21+s4] =	stream.linear.scatter [tilespmem:s24], [sflag:$0x3], $0x4000, $0x38;
	[tilespmem:$0x1ED80] =	vst v63  }
0x64: {  	_ =	swait.ge [sflag:s25], $0x4000  }
0x65: {  	[sflag:s25] =	ssyncset.done $0x0  }
0x66: {  	s18 =	simm.s32 @!p0 $0x3;
	s17 =	simm.s32 @!p0 $0x1EB00;
	[sflag:s25] =	ssyncadd.s32 $0xFFFFC000  }
0x67: {  	[tilespmem:s17], [sflag:$0x3] =	stream.linear.gather @!p0 [spmem:s16], $0x280, $0x38;
	[tilespmem:$0x1ED80] =	vst v63  }
0x68: {  	s13 =	sadd.s32 $0x1, s13;
	_ =	swait.ge @!p0 [sflag:s18], $0x280  }
0x69: {  	p1 =	sne.s32 s13, s23;
	[sflag:s18] =	ssyncset.done @!p0 $0x0  }
.Ltmp1:
0x6a: {  	s19 =	simm.s32 @!p0 $0x0;
	[sflag:s18] =	ssyncadd.s32 @!p0 $0xFFFFFD80;
	(pc) =	sbr.rel @!p1 .LBB2_15-.Ltmp1, $4  }
0x6b: {  	[hbm4b:s22+s19] =	stream.linear.scatter @!p0 [tilespmem:s17], [sflag:$0x3], $0x280, $0x38;
	[tilespmem:$0x1ED80] =	vst v63  }
0x6c: {  	_ =	swait.ge @!p0 [sflag:s18], $0x280  }
0x6d: {  	[sflag:s18] =	ssyncset.done @!p0 $0x0  }
0x6e: {  	[sflag:s18] =	ssyncadd.s32 @!p0 $0xFFFFFD80  }
.LBB2_1:
0x6f: {  	s17 =	simm.s32 $0x0;
	s18 =	simm.s32 $0x200  }
.LBB2_2:
0x70: {  	p1 =	sne.s32 s18, $0xFE00;
	[tilespmem:s17+$0x16AF0] =	vst v0  }
0x71: {  	[tilespmem:s17+$0x16A80] =	vst v0  }
0x72: {  	[tilespmem:s17+$0x16A90] =	vst v0  }
.Ltmp2:
0x73: {  	[tilespmem:s17+$0x16AA0] =	vst v0;
	(pc) =	sbr.rel @p1 .LBB2_2-.Ltmp2, $4  }
0x74: {  	[tilespmem:s17+$0x16AB0] =	vst v0  }
0x75: {  	[tilespmem:s17+$0x16AC0] =	vst v0  }
0x76: {  	[tilespmem:s17+$0x16AD0] =	vst v0  }
0x77: {  	[tilespmem:s17+$0x16AE0] =	vst v0;
	s17 =	sshra.s32 s18, $0x2;
	s18 =	sadd.s32 $0x200, s18  }
0x78: {  	[tilespmem:s17+$0x16AF0] =	vst v0  }
0x79: {  	[tilespmem:s17+$0x16A80] =	vst v0  }
0x7a: {  	[tilespmem:s17+$0x16A90] =	vst v0  }
0x7b: {  	[tilespmem:s17+$0x16AA0] =	vst v0  }
0x7c: {  	[tilespmem:s17+$0x16AB0] =	vst v0  }
0x7d: {  	[tilespmem:s17+$0x16AC0] =	vst v0  }
0x7e: {  	[tilespmem:s17+$0x16AD0] =	vst v0  }
0x7f: {  	[tilespmem:s17+$0x16AE0] =	vst v0  }
0x80: {  	[tilespmem:$0x1EA80] =	vst v1  }
0x81: {  	[tilespmem:$0x1EA90] =	vst v1  }
0x82: {  	[tilespmem:$0x1EAA0] =	vst v1  }
0x83: {  	[tilespmem:$0x1EAB0] =	vst v1  }
0x84: {  	[tilespmem:$0x1EAC0] =	vst v1  }
0x85: {  	[tilespmem:$0x1EAD0] =	vst v1  }
0x86: {  	[tilespmem:$0x1EAE0] =	vst v1  }
0x87: {  	[tilespmem:$0x1EAF0] =	vst v1  }
0x88: {  	[tilespmem:$0x1EB00] =	vst v0  }
0x89: {  	[tilespmem:$0x1EB10] =	vst v0  }
0x8a: {  	[tilespmem:$0x1EB20] =	vst v0  }
0x8b: {  	[tilespmem:$0x1EB30] =	vst v0  }
0x8c: {  	[tilespmem:$0x1EB40] =	vst v0  }
0x8d: {  	[tilespmem:$0x1EB50] =	vst v0  }
0x8e: {  	[tilespmem:$0x1EB60] =	vst v0  }
0x8f: {  	[tilespmem:$0x1EB70] =	vst v0  }
0x90: {  	[tilespmem:$0x1EB80] =	vst v0  }
0x91: {  	[tilespmem:$0x1EB90] =	vst v0  }
0x92: {  	[tilespmem:$0x1EBA0] =	vst v0  }
0x93: {  	[tilespmem:$0x1EBB0] =	vst v0  }
0x94: {  	[tilespmem:$0x1EBC0] =	vst v0  }
0x95: {  	[tilespmem:$0x1EBD0] =	vst v0  }
0x96: {  	[tilespmem:$0x1EBE0] =	vst v0  }
0x97: {  	[tilespmem:$0x1EBF0] =	vst v0  }
0x98: {  	[tilespmem:$0x1EC00] =	vst v0  }
0x99: {  	[tilespmem:$0x1EC10] =	vst v0  }
0x9a: {  	[tilespmem:$0x1EC20] =	vst v0  }
0x9b: {  	[tilespmem:$0x1EC30] =	vst v0  }
0x9c: {  	[tilespmem:$0x1EC40] =	vst v0  }
0x9d: {  	[tilespmem:$0x1EC50] =	vst v0  }
0x9e: {  	[tilespmem:$0x1EC60] =	vst v0  }
0x9f: {  	[tilespmem:$0x1EC70] =	vst v0  }
0xa0: {  	[tilespmem:$0x1EC80] =	vst v0  }
0xa1: {  	[tilespmem:$0x1EC90] =	vst v0  }
0xa2: {  	[tilespmem:$0x1ECA0] =	vst v0  }
0xa3: {  	[tilespmem:$0x1ECB0] =	vst v0  }
0xa4: {  	[tilespmem:$0x1ECC0] =	vst v0  }
0xa5: {  	[tilespmem:$0x1ECD0] =	vst v0  }
0xa6: {  	[tilespmem:$0x1ECE0] =	vst v0  }
0xa7: {  	[tilespmem:$0x1ECF0] =	vst v0  }
0xa8: {  	[tilespmem:$0x1ED00] =	vst v0  }
0xa9: {  	[tilespmem:$0x1ED10] =	vst v0  }
0xaa: {  	[tilespmem:$0x1ED20] =	vst v0  }
0xab: {  	[tilespmem:$0x1ED30] =	vst v0  }
0xac: {  	[tilespmem:$0x1ED40] =	vst v0  }
0xad: {  	[tilespmem:$0x1ED50] =	vst v0  }
0xae: {  	[tilespmem:$0x1ED60] =	vst v0  }
0xaf: {  	[tilespmem:$0x1ED70] =	vst v0  }
0xb0: {  	[spmem:s7] =	stream.linear.scatter [tilespmem:s24], [sflag:$0x3], $0x4000, $0x38;
	[tilespmem:$0x1ED80] =	vst v63  }
0xb1: {  	_ =	swait.ge [sflag:s25], $0x4000  }
0xb2: {  	[sflag:s25] =	ssyncset.done $0x0  }
0xb3: {  	[sflag:s25] =	ssyncadd.s32 $0xFFFFC000  }
0xb4: {  	[spmem:s8] =	stream.linear.scatter [tilespmem:s24], [sflag:$0x3], $0x4000, $0x38;
	[tilespmem:$0x1ED80] =	vst v63  }
0xb5: {  	_ =	swait.ge [sflag:s25], $0x4000  }
0xb6: {  	[sflag:s25] =	ssyncset.done $0x0  }
0xb7: {  	[sflag:s25] =	ssyncadd.s32 $0xFFFFC000  }
0xb8: {  	[spmem:s9] =	stream.linear.scatter [tilespmem:s24], [sflag:$0x3], $0x4000, $0x38;
	[tilespmem:$0x1ED80] =	vst v63  }
0xb9: {  	_ =	swait.ge [sflag:s25], $0x4000  }
0xba: {  	[sflag:s25] =	ssyncset.done $0x0  }
0xbb: {  	[sflag:s25] =	ssyncadd.s32 $0xFFFFC000  }
0xbc: {  	[spmem:s14] =	stream.linear.scatter [tilespmem:s24], [sflag:$0x3], $0x4000, $0x38;
	[tilespmem:$0x1ED80] =	vst v63  }
0xbd: {  	_ =	swait.ge [sflag:s25], $0x4000  }
0xbe: {  	[sflag:s25] =	ssyncset.done $0x0  }
0xbf: {  	[sflag:s25] =	ssyncadd.s32 $0xFFFFC000  }
0xc0: {  	[spmem:s15] =	stream.linear.scatter [tilespmem:s24], [sflag:$0x3], $0x4000, $0x38;
	[tilespmem:$0x1ED80] =	vst v63  }
0xc1: {  	_ =	swait.ge [sflag:s25], $0x4000  }
0xc2: {  	[sflag:s25] =	ssyncset.done $0x0  }
0xc3: {  	s19 =	simm.s32 $0x1EB00;
	[sflag:s25] =	ssyncadd.s32 $0xFFFFC000  }
0xc4: {  	[spmem:s16] =	stream.linear.scatter [tilespmem:s19], [sflag:$0x3], $0x280, $0x38;
	[tilespmem:$0x1ED80] =	vst v63  }
0xc5: {  	_ =	swait.ge [sflag:s25], $0x280  }
0xc6: {  	[sflag:s25] =	ssyncset.done $0x0  }
0xc7: {  	[sflag:s25] =	ssyncadd.s32 $0xFFFFFD80  }
0xc8: {  	[bflag:$0x0] =	sbarrier.arrive $0xFFFF  }
0xc9: {  	s20 =	rddreg [dreg:$0x4]  }
0xca: {  	[tilespmem:s28], [sflag:$0x3] =	stream.linear.gather [hbm4b:s20+s4], $0x1400, $0x38;
	[tilespmem:$0x1ED80] =	vst v63  }
0xcb: {  	_ =	swait.ge [sflag:s25], $0x1400  }
0xcc: {  	s18 =	simm.s32 $0x15680;
	[sflag:s25] =	ssyncset.done $0x0  }
.Ltmp3:
0xcd: {  	s29 =	rddreg [dreg:$0x5];
	[sflag:s25] =	ssyncadd.s32 $0xFFFFEC00;
	(pc) =	sbr.rel @p0 .LBB2_9-.Ltmp3, $4  }
0xce: {  	[tilespmem:s18], [sflag:$0x3] =	stream.linear.gather [hbm4b:s29+s4], $0x1400, $0x38;
	[tilespmem:$0x1ED80] =	vst v63  }
0xcf: {  	_ =	swait.ge [sflag:s25], $0x1400  }
0xd0: {  	[sflag:s25] =	ssyncset.done $0x0  }
0xd1: {  	[sflag:s25] =	ssyncadd.s32 $0xFFFFEC00  }
0xd2: {  	[tilespmem:s24], [sflag:$0x1] =	stream.indirect.gather [hbm4b:s5+s30], $0x80, s28, s30, $0xb8;
	[tilespmem:$0x1ED80] =	vst v63  }
0xd3: {  	s17 =	simm.s32 $0x14300  }
0xd4: {  	[tilespmem:s31], [sflag:$0x2] =	stream.indirect.gather [hbm4b:s5+s30], $0x80, s17, s30, $0xb8;
	[tilespmem:$0x1ED80] =	vst v63  }
0xd5: {  	_ =	swait.ge [sflag:s0], $0x4000  }
0xd6: {  	[sflag:s0] =	ssyncset.done $0x0  }
0xd7: {  	s19 =	simm.s32 $0x15680;
	[sflag:s0] =	ssyncadd.s32 $0xFFFFC000  }
0xd8: {  	[spmem:s1] =	stream.indirect.scatter.add.f32 [tilespmem:s24], [sflag:$0x3], $0x80, s19, s30, $0xb8;
	[tilespmem:$0x1ED80] =	vst v63  }
0xd9: {  	_ =	swait.ge [sflag:s25], $0x4000  }
0xda: {  	[sflag:s25] =	ssyncset.done $0x0  }
0xdb: {  	[sflag:s25] =	ssyncadd.s32 $0xFFFFC000  }
0xdc: {  	[spmem:s2] =	stream.indirect.scatter.add.f32 [tilespmem:s3], [sflag:$0x3], $0x1, s19, s30, $0xb8;
	[tilespmem:$0x1ED80] =	vst v63  }
0xdd: {  	_ =	swait.ge [sflag:s25], $0x80  }
0xde: {  	[sflag:s25] =	ssyncset.done $0x0  }
0xdf: {  	s20 =	simm.s32 $0x14380;
	[sflag:s25] =	ssyncadd.s32 $0xFFFFFF80  }
0xe0: {  	[tilespmem:s24], [sflag:$0x1] =	stream.indirect.gather [hbm4b:s5+s30], $0x80, s20, s30, $0xb8;
	[tilespmem:$0x1ED80] =	vst v63  }
0xe1: {  	_ =	swait.ge [sflag:s26], $0x4000  }
0xe2: {  	[sflag:s26] =	ssyncset.done $0x0  }
0xe3: {  	s29 =	simm.s32 $0x15700;
	[sflag:s26] =	ssyncadd.s32 $0xFFFFC000  }
0xe4: {  	[spmem:s1] =	stream.indirect.scatter.add.f32 [tilespmem:s31], [sflag:$0x3], $0x80, s29, s30, $0xb8;
	[tilespmem:$0x1ED80] =	vst v63  }
0xe5: {  	_ =	swait.ge [sflag:s25], $0x4000  }
0xe6: {  	[sflag:s25] =	ssyncset.done $0x0  }
0xe7: {  	[sflag:s25] =	ssyncadd.s32 $0xFFFFC000  }
0xe8: {  	[spmem:s2] =	stream.indirect.scatter.add.f32 [tilespmem:s3], [sflag:$0x3], $0x1, s29, s30, $0xb8;
	[tilespmem:$0x1ED80] =	vst v63  }
0xe9: {  	_ =	swait.ge [sflag:s25], $0x80  }
0xea: {  	s18 =	simm.s32 $0x800;
	s17 =	simm.s32 $0x100;
	[sflag:s25] =	ssyncset.done $0x0  }
.LBB2_5:
0xeb: {  	s29 =	sadd.s32 $0x14300, s17  }
0xec: {  	[sflag:s25] =	ssyncadd.s32 $0xFFFFFF80;
	s19 =	smov.u32 s18;
	s20 =	sadd.s32 $0x400, s18  }
0xed: {  	[tilespmem:s31], [sflag:$0x2] =	stream.indirect.gather [hbm4b:s5+s30], $0x80, s29, s30, $0xb8;
	[tilespmem:$0x1ED80] =	vst v63  }
0xee: {  	p1 =	sne.s32 s18, $0x4800;
	_ =	swait.ge [sflag:s0], $0x4000  }
0xef: {  	[sflag:s0] =	ssyncset.done $0x0  }
0xf0: {  	s18 =	sadd.s32 $0x15680, s17;
	[sflag:s0] =	ssyncadd.s32 $0xFFFFC000  }
0xf1: {  	[spmem:s1] =	stream.indirect.scatter.add.f32 [tilespmem:s24], [sflag:$0x3], $0x80, s18, s30, $0xb8;
	[tilespmem:$0x1ED80] =	vst v63  }
0xf2: {  	_ =	swait.ge [sflag:s25], $0x4000  }
0xf3: {  	[sflag:s25] =	ssyncset.done $0x0  }
0xf4: {  	[sflag:s25] =	ssyncadd.s32 $0xFFFFC000  }
0xf5: {  	[spmem:s2] =	stream.indirect.scatter.add.f32 [tilespmem:s3], [sflag:$0x3], $0x1, s18, s30, $0xb8;
	[tilespmem:$0x1ED80] =	vst v63  }
0xf6: {  	_ =	swait.ge [sflag:s25], $0x80  }
0xf7: {  	[sflag:s25] =	ssyncset.done $0x0  }
0xf8: {  	s18 =	sadd.s32 $0x14380, s17;
	[sflag:s25] =	ssyncadd.s32 $0xFFFFFF80  }
0xf9: {  	[tilespmem:s24], [sflag:$0x1] =	stream.indirect.gather [hbm4b:s5+s30], $0x80, s18, s30, $0xb8;
	[tilespmem:$0x1ED80] =	vst v63  }
0xfa: {  	_ =	swait.ge [sflag:s26], $0x4000  }
0xfb: {  	[sflag:s26] =	ssyncset.done $0x0  }
0xfc: {  	s17 =	sadd.s32 $0x15700, s17;
	[sflag:s26] =	ssyncadd.s32 $0xFFFFC000  }
0xfd: {  	[spmem:s1] =	stream.indirect.scatter.add.f32 [tilespmem:s31], [sflag:$0x3], $0x80, s17, s30, $0xb8;
	[tilespmem:$0x1ED80] =	vst v63  }
0xfe: {  	_ =	swait.ge [sflag:s25], $0x4000  }
.Ltmp4:
0xff: {  	[sflag:s25] =	ssyncset.done $0x0;
	(pc) =	sbr.rel @p1 .LBB2_5-.Ltmp4, $4  }
0x100: {  	[sflag:s25] =	ssyncadd.s32 $0xFFFFC000  }
0x101: {  	[spmem:s2] =	stream.indirect.scatter.add.f32 [tilespmem:s3], [sflag:$0x3], $0x1, s17, s30, $0xb8;
	[tilespmem:$0x1ED80] =	vst v63  }
0x102: {  	_ =	swait.ge [sflag:s25], $0x80  }
0x103: {  	s18 =	smov.u32 s20;
	s17 =	sshra.s32 s19, $0x2;
	[sflag:s25] =	ssyncset.done $0x0  }
0x104: {  	s18 =	sadd.s32 $0x14300, s17;
	[sflag:s25] =	ssyncadd.s32 $0xFFFFFF80  }
0x105: {  	[tilespmem:s31], [sflag:$0x2] =	stream.indirect.gather [hbm4b:s5+s30], $0x80, s18, s30, $0xb8;
	[tilespmem:$0x1ED80] =	vst v63  }
0x106: {  	_ =	swait.ge [sflag:s0], $0x4000  }
0x107: {  	[sflag:s0] =	ssyncset.done $0x0  }
0x108: {  	s20 =	sadd.s32 $0x15680, s17;
	[sflag:s0] =	ssyncadd.s32 $0xFFFFC000  }
0x109: {  	[spmem:s1] =	stream.indirect.scatter.add.f32 [tilespmem:s24], [sflag:$0x3], $0x80, s20, s30, $0xb8;
	[tilespmem:$0x1ED80] =	vst v63  }
0x10a: {  	_ =	swait.ge [sflag:s25], $0x4000  }
0x10b: {  	[sflag:s25] =	ssyncset.done $0x0  }
0x10c: {  	[sflag:s25] =	ssyncadd.s32 $0xFFFFC000  }
0x10d: {  	[spmem:s2] =	stream.indirect.scatter.add.f32 [tilespmem:s3], [sflag:$0x3], $0x1, s20, s30, $0xb8;
	[tilespmem:$0x1ED80] =	vst v63  }
0x10e: {  	_ =	swait.ge [sflag:s25], $0x80  }
0x10f: {  	[sflag:s25] =	ssyncset.done $0x0  }
0x110: {  	s29 =	sadd.s32 $0x14380, s17;
	[sflag:s25] =	ssyncadd.s32 $0xFFFFFF80  }
0x111: {  	[tilespmem:s24], [sflag:$0x1] =	stream.indirect.gather [hbm4b:s5+s30], $0x80, s29, s30, $0xb8;
	[tilespmem:$0x1ED80] =	vst v63  }
0x112: {  	_ =	swait.ge [sflag:s26], $0x4000  }
0x113: {  	[sflag:s26] =	ssyncset.done $0x0  }
0x114: {  	s19 =	sadd.s32 $0x15700, s17;
	[sflag:s26] =	ssyncadd.s32 $0xFFFFC000  }
0x115: {  	[spmem:s1] =	stream.indirect.scatter.add.f32 [tilespmem:s31], [sflag:$0x3], $0x80, s19, s30, $0xb8;
	[tilespmem:$0x1ED80] =	vst v63  }
0x116: {  	_ =	swait.ge [sflag:s25], $0x4000  }
0x117: {  	[sflag:s25] =	ssyncset.done $0x0  }
0x118: {  	[sflag:s25] =	ssyncadd.s32 $0xFFFFC000  }
0x119: {  	[spmem:s2] =	stream.indirect.scatter.add.f32 [tilespmem:s3], [sflag:$0x3], $0x1, s19, s30, $0xb8;
	[tilespmem:$0x1ED80] =	vst v63  }
0x11a: {  	_ =	swait.ge [sflag:s25], $0x80  }
0x11b: {  	[sflag:s25] =	ssyncset.done $0x0  }
0x11c: {  	[sflag:s25] =	ssyncadd.s32 $0xFFFFFF80  }
0x11d: {  	[tilespmem:s31], [sflag:$0x2] =	stream.indirect.gather [hbm4b:s5+s30], $0x80, s10, s30, $0xb8;
	[tilespmem:$0x1ED80] =	vst v63  }
0x11e: {  	_ =	swait.ge [sflag:s0], $0x4000  }
0x11f: {  	[sflag:s0] =	ssyncset.done $0x0  }
0x120: {  	[sflag:s0] =	ssyncadd.s32 $0xFFFFC000  }
0x121: {  	[spmem:s1] =	stream.indirect.scatter.add.f32 [tilespmem:s24], [sflag:$0x3], $0x80, s11, s30, $0xb8;
	[tilespmem:$0x1ED80] =	vst v63  }
0x122: {  	_ =	swait.ge [sflag:s25], $0x4000  }
0x123: {  	[sflag:s25] =	ssyncset.done $0x0  }
0x124: {  	[sflag:s25] =	ssyncadd.s32 $0xFFFFC000  }
0x125: {  	[spmem:s2] =	stream.indirect.scatter.add.f32 [tilespmem:s3], [sflag:$0x3], $0x1, s11, s30, $0xb8;
	[tilespmem:$0x1ED80] =	vst v63  }
0x126: {  	_ =	swait.ge [sflag:s25], $0x80  }
0x127: {  	[sflag:s25] =	ssyncset.done $0x0  }
0x128: {  	[sflag:s25] =	ssyncadd.s32 $0xFFFFFF80  }
0x129: {  	_ =	swait.ge [sflag:s26], $0x4000  }
0x12a: {  	[sflag:s26] =	ssyncset.done $0x0  }
0x12b: {  	[sflag:s26] =	ssyncadd.s32 $0xFFFFC000  }
0x12c: {  	[spmem:s1] =	stream.indirect.scatter.add.f32 [tilespmem:s31], [sflag:$0x3], $0x80, s12, s30, $0xb8;
	[tilespmem:$0x1ED80] =	vst v63  }
0x12d: {  	_ =	swait.ge [sflag:s25], $0x4000  }
0x12e: {  	[sflag:s25] =	ssyncset.done $0x0  }
0x12f: {  	[sflag:s25] =	ssyncadd.s32 $0xFFFFC000  }
0x130: {  	[spmem:s2] =	stream.indirect.scatter.add.f32 [tilespmem:s3], [sflag:$0x3], $0x1, s12, s30, $0xb8;
	[tilespmem:$0x1ED80] =	vst v63  }
0x131: {  	_ =	swait.ge [sflag:s25], $0x80  }
0x132: {  	[sflag:s25] =	ssyncset.done $0x0  }
0x133: {  	s17 =	simm.s32 $0x0;
	s20 =	rddreg [dreg:$0x6];
	[sflag:s25] =	ssyncadd.s32 $0xFFFFFF80  }
0x134: {  	[tilespmem:s28], [sflag:$0x3] =	stream.linear.gather [hbm4b:s20+s17], $0x1400, $0x38;
	[tilespmem:$0x1ED80] =	vst v63  }
0x135: {  	_ =	swait.ge [sflag:s25], $0x1400  }
0x136: {  	[sflag:s25] =	ssyncset.done $0x0  }
0x137: {  	s19 =	simm.s32 $0x15680;
	s29 =	rddreg [dreg:$0x7];
	[sflag:s25] =	ssyncadd.s32 $0xFFFFEC00  }
0x138: {  	[tilespmem:s19], [sflag:$0x3] =	stream.linear.gather [hbm4b:s29+s17], $0x1400, $0x38;
	[tilespmem:$0x1ED80] =	vst v63  }
0x139: {  	_ =	swait.ge [sflag:s25], $0x1400  }
0x13a: {  	[sflag:s25] =	ssyncset.done $0x0  }
0x13b: {  	[sflag:s25] =	ssyncadd.s32 $0xFFFFEC00  }
0x13c: {  	[tilespmem:s24], [sflag:$0x1] =	stream.indirect.gather [hbm4b:s5+s30], $0x80, s28, s30, $0xb8;
	[tilespmem:$0x1ED80] =	vst v63  }
0x13d: {  	s18 =	simm.s32 $0x14300  }
0x13e: {  	[tilespmem:s31], [sflag:$0x2] =	stream.indirect.gather [hbm4b:s5+s30], $0x80, s18, s30, $0xb8;
	[tilespmem:$0x1ED80] =	vst v63  }
0x13f: {  	_ =	swait.ge [sflag:s0], $0x4000  }
0x140: {  	[sflag:s0] =	ssyncset.done $0x0  }
0x141: {  	s19 =	simm.s32 $0x15680;
	[sflag:s0] =	ssyncadd.s32 $0xFFFFC000  }
0x142: {  	[spmem:s1] =	stream.indirect.scatter.add.f32 [tilespmem:s24], [sflag:$0x3], $0x80, s19, s30, $0xb8;
	[tilespmem:$0x1ED80] =	vst v63  }
0x143: {  	_ =	swait.ge [sflag:s25], $0x4000  }
0x144: {  	[sflag:s25] =	ssyncset.done $0x0  }
0x145: {  	[sflag:s25] =	ssyncadd.s32 $0xFFFFC000  }
0x146: {  	[spmem:s2] =	stream.indirect.scatter.add.f32 [tilespmem:s3], [sflag:$0x3], $0x1, s19, s30, $0xb8;
	[tilespmem:$0x1ED80] =	vst v63  }
0x147: {  	_ =	swait.ge [sflag:s25], $0x80  }
0x148: {  	[sflag:s25] =	ssyncset.done $0x0  }
0x149: {  	s20 =	simm.s32 $0x14380;
	[sflag:s25] =	ssyncadd.s32 $0xFFFFFF80  }
0x14a: {  	[tilespmem:s24], [sflag:$0x1] =	stream.indirect.gather [hbm4b:s5+s30], $0x80, s20, s30, $0xb8;
	[tilespmem:$0x1ED80] =	vst v63  }
0x14b: {  	_ =	swait.ge [sflag:s26], $0x4000  }
0x14c: {  	[sflag:s26] =	ssyncset.done $0x0  }
0x14d: {  	s29 =	simm.s32 $0x15700;
	[sflag:s26] =	ssyncadd.s32 $0xFFFFC000  }
0x14e: {  	[spmem:s1] =	stream.indirect.scatter.add.f32 [tilespmem:s31], [sflag:$0x3], $0x80, s29, s30, $0xb8;
	[tilespmem:$0x1ED80] =	vst v63  }
0x14f: {  	_ =	swait.ge [sflag:s25], $0x4000  }
0x150: {  	[sflag:s25] =	ssyncset.done $0x0  }
0x151: {  	[sflag:s25] =	ssyncadd.s32 $0xFFFFC000  }
0x152: {  	[spmem:s2] =	stream.indirect.scatter.add.f32 [tilespmem:s3], [sflag:$0x3], $0x1, s29, s30, $0xb8;
	[tilespmem:$0x1ED80] =	vst v63  }
0x153: {  	_ =	swait.ge [sflag:s25], $0x80  }
0x154: {  	s17 =	simm.s32 $0x100;
	s18 =	simm.s32 $0x800;
	[sflag:s25] =	ssyncset.done $0x0  }
.LBB2_7:
0x155: {  	s19 =	sadd.s32 $0x14300, s17  }
0x156: {  	[sflag:s25] =	ssyncadd.s32 $0xFFFFFF80;
	s20 =	smov.u32 s18;
	s29 =	sadd.s32 $0x400, s18  }
0x157: {  	[tilespmem:s31], [sflag:$0x2] =	stream.indirect.gather [hbm4b:s5+s30], $0x80, s19, s30, $0xb8;
	[tilespmem:$0x1ED80] =	vst v63  }
0x158: {  	p1 =	seq.s32 s18, $0x4800;
	_ =	swait.ge [sflag:s0], $0x4000  }
0x159: {  	[sflag:s0] =	ssyncset.done $0x0  }
0x15a: {  	s18 =	sadd.s32 $0x15680, s17;
	[sflag:s0] =	ssyncadd.s32 $0xFFFFC000  }
0x15b: {  	[spmem:s1] =	stream.indirect.scatter.add.f32 [tilespmem:s24], [sflag:$0x3], $0x80, s18, s30, $0xb8;
	[tilespmem:$0x1ED80] =	vst v63  }
0x15c: {  	_ =	swait.ge [sflag:s25], $0x4000  }
0x15d: {  	[sflag:s25] =	ssyncset.done $0x0  }
0x15e: {  	[sflag:s25] =	ssyncadd.s32 $0xFFFFC000  }
0x15f: {  	[spmem:s2] =	stream.indirect.scatter.add.f32 [tilespmem:s3], [sflag:$0x3], $0x1, s18, s30, $0xb8;
	[tilespmem:$0x1ED80] =	vst v63  }
0x160: {  	_ =	swait.ge [sflag:s25], $0x80  }
0x161: {  	[sflag:s25] =	ssyncset.done $0x0  }
0x162: {  	s18 =	sadd.s32 $0x14380, s17;
	[sflag:s25] =	ssyncadd.s32 $0xFFFFFF80  }
0x163: {  	[tilespmem:s24], [sflag:$0x1] =	stream.indirect.gather [hbm4b:s5+s30], $0x80, s18, s30, $0xb8;
	[tilespmem:$0x1ED80] =	vst v63  }
0x164: {  	_ =	swait.ge [sflag:s26], $0x4000  }
0x165: {  	[sflag:s26] =	ssyncset.done $0x0  }
0x166: {  	s17 =	sadd.s32 $0x15700, s17;
	[sflag:s26] =	ssyncadd.s32 $0xFFFFC000  }
0x167: {  	[spmem:s1] =	stream.indirect.scatter.add.f32 [tilespmem:s31], [sflag:$0x3], $0x80, s17, s30, $0xb8;
	[tilespmem:$0x1ED80] =	vst v63  }
0x168: {  	_ =	swait.ge [sflag:s25], $0x4000  }
.Ltmp5:
0x169: {  	[sflag:s25] =	ssyncset.done $0x0;
	(pc) =	sbr.rel @!p1 .LBB2_7-.Ltmp5, $4  }
0x16a: {  	[sflag:s25] =	ssyncadd.s32 $0xFFFFC000  }
0x16b: {  	[spmem:s2] =	stream.indirect.scatter.add.f32 [tilespmem:s3], [sflag:$0x3], $0x1, s17, s30, $0xb8;
	[tilespmem:$0x1ED80] =	vst v63  }
0x16c: {  	_ =	swait.ge [sflag:s25], $0x80  }
0x16d: {  	s18 =	smov.u32 s29;
	s17 =	sshra.s32 s20, $0x2;
	[sflag:s25] =	ssyncset.done $0x0  }
0x16e: {  	s18 =	sadd.s32 $0x14300, s17;
	[sflag:s25] =	ssyncadd.s32 $0xFFFFFF80  }
0x16f: {  	[tilespmem:s31], [sflag:$0x2] =	stream.indirect.gather [hbm4b:s5+s30], $0x80, s18, s30, $0xb8;
	[tilespmem:$0x1ED80] =	vst v63  }
0x170: {  	_ =	swait.ge [sflag:s0], $0x4000  }
0x171: {  	[sflag:s0] =	ssyncset.done $0x0  }
0x172: {  	s19 =	sadd.s32 $0x15680, s17;
	[sflag:s0] =	ssyncadd.s32 $0xFFFFC000  }
0x173: {  	[spmem:s1] =	stream.indirect.scatter.add.f32 [tilespmem:s24], [sflag:$0x3], $0x80, s19, s30, $0xb8;
	[tilespmem:$0x1ED80] =	vst v63  }
0x174: {  	_ =	swait.ge [sflag:s25], $0x4000  }
0x175: {  	[sflag:s25] =	ssyncset.done $0x0  }
0x176: {  	[sflag:s25] =	ssyncadd.s32 $0xFFFFC000  }
0x177: {  	[spmem:s2] =	stream.indirect.scatter.add.f32 [tilespmem:s3], [sflag:$0x3], $0x1, s19, s30, $0xb8;
	[tilespmem:$0x1ED80] =	vst v63  }
0x178: {  	_ =	swait.ge [sflag:s25], $0x80  }
0x179: {  	[sflag:s25] =	ssyncset.done $0x0  }
0x17a: {  	s20 =	sadd.s32 $0x14380, s17;
	[sflag:s25] =	ssyncadd.s32 $0xFFFFFF80  }
0x17b: {  	[tilespmem:s24], [sflag:$0x1] =	stream.indirect.gather [hbm4b:s5+s30], $0x80, s20, s30, $0xb8;
	[tilespmem:$0x1ED80] =	vst v63  }
0x17c: {  	_ =	swait.ge [sflag:s26], $0x4000  }
0x17d: {  	[sflag:s26] =	ssyncset.done $0x0  }
0x17e: {  	s29 =	sadd.s32 $0x15700, s17;
	[sflag:s26] =	ssyncadd.s32 $0xFFFFC000  }
0x17f: {  	[spmem:s1] =	stream.indirect.scatter.add.f32 [tilespmem:s31], [sflag:$0x3], $0x80, s29, s30, $0xb8;
	[tilespmem:$0x1ED80] =	vst v63  }
0x180: {  	_ =	swait.ge [sflag:s25], $0x4000  }
0x181: {  	[sflag:s25] =	ssyncset.done $0x0  }
0x182: {  	[sflag:s25] =	ssyncadd.s32 $0xFFFFC000  }
0x183: {  	[spmem:s2] =	stream.indirect.scatter.add.f32 [tilespmem:s3], [sflag:$0x3], $0x1, s29, s30, $0xb8;
	[tilespmem:$0x1ED80] =	vst v63  }
0x184: {  	_ =	swait.ge [sflag:s25], $0x80  }
0x185: {  	[sflag:s25] =	ssyncset.done $0x0  }
0x186: {  	[sflag:s25] =	ssyncadd.s32 $0xFFFFFF80  }
0x187: {  	[tilespmem:s31], [sflag:$0x2] =	stream.indirect.gather [hbm4b:s5+s30], $0x80, s10, s30, $0xb8;
	[tilespmem:$0x1ED80] =	vst v63  }
0x188: {  	_ =	swait.ge [sflag:s0], $0x4000  }
0x189: {  	[sflag:s0] =	ssyncset.done $0x0  }
0x18a: {  	[sflag:s0] =	ssyncadd.s32 $0xFFFFC000  }
0x18b: {  	[spmem:s1] =	stream.indirect.scatter.add.f32 [tilespmem:s24], [sflag:$0x3], $0x80, s11, s30, $0xb8;
	[tilespmem:$0x1ED80] =	vst v63  }
0x18c: {  	_ =	swait.ge [sflag:s25], $0x4000  }
0x18d: {  	[sflag:s25] =	ssyncset.done $0x0  }
0x18e: {  	[sflag:s25] =	ssyncadd.s32 $0xFFFFC000  }
0x18f: {  	[spmem:s2] =	stream.indirect.scatter.add.f32 [tilespmem:s3], [sflag:$0x3], $0x1, s11, s30, $0xb8;
	[tilespmem:$0x1ED80] =	vst v63  }
0x190: {  	_ =	swait.ge [sflag:s25], $0x80  }
0x191: {  	[sflag:s25] =	ssyncset.done $0x0  }
0x192: {  	[sflag:s25] =	ssyncadd.s32 $0xFFFFFF80  }
0x193: {  	_ =	swait.ge [sflag:s26], $0x4000  }
0x194: {  	[sflag:s26] =	ssyncset.done $0x0  }
0x195: {  	[sflag:s26] =	ssyncadd.s32 $0xFFFFC000  }
0x196: {  	[spmem:s1] =	stream.indirect.scatter.add.f32 [tilespmem:s31], [sflag:$0x3], $0x80, s12, s30, $0xb8;
	[tilespmem:$0x1ED80] =	vst v63  }
0x197: {  	_ =	swait.ge [sflag:s25], $0x4000  }
0x198: {  	[sflag:s25] =	ssyncset.done $0x0  }
.Ltmp6:
0x199: {  	[sflag:s25] =	ssyncadd.s32 $0xFFFFC000;
	(pc) =	sbr.rel .LBB2_14-.Ltmp6, $4  }
0x19a: {  	[spmem:s2] =	stream.indirect.scatter.add.f32 [tilespmem:s3], [sflag:$0x3], $0x1, s12, s30, $0xb8;
	[tilespmem:$0x1ED80] =	vst v63  }
0x19b: {  	_ =	swait.ge [sflag:s25], $0x80  }
0x19c: {  	[sflag:s25] =	ssyncset.done $0x0  }
0x19d: {  	[sflag:s25] =	ssyncadd.s32 $0xFFFFFF80  }
.LBB2_9:
0x19e: {  	[tilespmem:s24], [sflag:$0x1] =	stream.indirect.gather [hbm4b:s6+s30], $0x80, s28, s30, $0xb8;
	[tilespmem:$0x1ED80] =	vst v63  }
0x19f: {  	s17 =	simm.s32 $0x14300  }
0x1a0: {  	[tilespmem:s31], [sflag:$0x2] =	stream.indirect.gather [hbm4b:s6+s30], $0x80, s17, s30, $0xb8;
	[tilespmem:$0x1ED80] =	vst v63  }
0x1a1: {  	_ =	swait.ge [sflag:s0], $0x4000  }
0x1a2: {  	[sflag:s0] =	ssyncset.done $0x0  }
0x1a3: {  	s19 =	simm.s32 $0x15680;
	[sflag:s0] =	ssyncadd.s32 $0xFFFFC000  }
0x1a4: {  	[spmem:s1] =	stream.indirect.scatter.add.f32 [tilespmem:s24], [sflag:$0x3], $0x80, s19, s30, $0xb8;
	[tilespmem:$0x1ED80] =	vst v63  }
0x1a5: {  	_ =	swait.ge [sflag:s25], $0x4000  }
0x1a6: {  	[sflag:s25] =	ssyncset.done $0x0  }
0x1a7: {  	s20 =	simm.s32 $0x14380;
	[sflag:s25] =	ssyncadd.s32 $0xFFFFC000  }
0x1a8: {  	[tilespmem:s24], [sflag:$0x1] =	stream.indirect.gather [hbm4b:s6+s30], $0x80, s20, s30, $0xb8;
	[tilespmem:$0x1ED80] =	vst v63  }
0x1a9: {  	_ =	swait.ge [sflag:s26], $0x4000  }
0x1aa: {  	[sflag:s26] =	ssyncset.done $0x0  }
0x1ab: {  	s29 =	simm.s32 $0x15700;
	[sflag:s26] =	ssyncadd.s32 $0xFFFFC000  }
0x1ac: {  	[spmem:s1] =	stream.indirect.scatter.add.f32 [tilespmem:s31], [sflag:$0x3], $0x80, s29, s30, $0xb8;
	[tilespmem:$0x1ED80] =	vst v63  }
0x1ad: {  	_ =	swait.ge [sflag:s25], $0x4000  }
0x1ae: {  	s18 =	simm.s32 $0x800;
	s17 =	simm.s32 $0x100;
	[sflag:s25] =	ssyncset.done $0x0  }
.LBB2_10:
0x1af: {  	s19 =	sadd.s32 $0x14300, s17  }
0x1b0: {  	[sflag:s25] =	ssyncadd.s32 $0xFFFFC000;
	s20 =	smov.u32 s18;
	s29 =	sadd.s32 $0x400, s18  }
0x1b1: {  	[tilespmem:s31], [sflag:$0x2] =	stream.indirect.gather [hbm4b:s6+s30], $0x80, s19, s30, $0xb8;
	[tilespmem:$0x1ED80] =	vst v63  }
0x1b2: {  	p1 =	sne.s32 s18, $0x4800;
	_ =	swait.ge [sflag:s0], $0x4000  }
0x1b3: {  	[sflag:s0] =	ssyncset.done $0x0  }
0x1b4: {  	s18 =	sadd.s32 $0x15680, s17;
	[sflag:s0] =	ssyncadd.s32 $0xFFFFC000  }
0x1b5: {  	[spmem:s1] =	stream.indirect.scatter.add.f32 [tilespmem:s24], [sflag:$0x3], $0x80, s18, s30, $0xb8;
	[tilespmem:$0x1ED80] =	vst v63  }
0x1b6: {  	_ =	swait.ge [sflag:s25], $0x4000  }
0x1b7: {  	[sflag:s25] =	ssyncset.done $0x0  }
0x1b8: {  	s18 =	sadd.s32 $0x14380, s17;
	[sflag:s25] =	ssyncadd.s32 $0xFFFFC000  }
0x1b9: {  	[tilespmem:s24], [sflag:$0x1] =	stream.indirect.gather [hbm4b:s6+s30], $0x80, s18, s30, $0xb8;
	[tilespmem:$0x1ED80] =	vst v63  }
0x1ba: {  	_ =	swait.ge [sflag:s26], $0x4000  }
.Ltmp7:
0x1bb: {  	[sflag:s26] =	ssyncset.done $0x0;
	(pc) =	sbr.rel @p1 .LBB2_10-.Ltmp7, $4  }
0x1bc: {  	s17 =	sadd.s32 $0x15700, s17;
	[sflag:s26] =	ssyncadd.s32 $0xFFFFC000  }
0x1bd: {  	[spmem:s1] =	stream.indirect.scatter.add.f32 [tilespmem:s31], [sflag:$0x3], $0x80, s17, s30, $0xb8;
	[tilespmem:$0x1ED80] =	vst v63  }
0x1be: {  	_ =	swait.ge [sflag:s25], $0x4000  }
0x1bf: {  	s18 =	smov.u32 s29;
	s17 =	sshra.s32 s20, $0x2;
	[sflag:s25] =	ssyncset.done $0x0  }
0x1c0: {  	s18 =	sadd.s32 $0x14300, s17;
	[sflag:s25] =	ssyncadd.s32 $0xFFFFC000  }
0x1c1: {  	[tilespmem:s31], [sflag:$0x2] =	stream.indirect.gather [hbm4b:s6+s30], $0x80, s18, s30, $0xb8;
	[tilespmem:$0x1ED80] =	vst v63  }
0x1c2: {  	_ =	swait.ge [sflag:s0], $0x4000  }
0x1c3: {  	[sflag:s0] =	ssyncset.done $0x0  }
0x1c4: {  	s20 =	sadd.s32 $0x15680, s17;
	[sflag:s0] =	ssyncadd.s32 $0xFFFFC000  }
0x1c5: {  	[spmem:s1] =	stream.indirect.scatter.add.f32 [tilespmem:s24], [sflag:$0x3], $0x80, s20, s30, $0xb8;
	[tilespmem:$0x1ED80] =	vst v63  }
0x1c6: {  	_ =	swait.ge [sflag:s25], $0x4000  }
0x1c7: {  	[sflag:s25] =	ssyncset.done $0x0  }
0x1c8: {  	s29 =	sadd.s32 $0x14380, s17;
	[sflag:s25] =	ssyncadd.s32 $0xFFFFC000  }
0x1c9: {  	[tilespmem:s24], [sflag:$0x1] =	stream.indirect.gather [hbm4b:s6+s30], $0x80, s29, s30, $0xb8;
	[tilespmem:$0x1ED80] =	vst v63  }
0x1ca: {  	_ =	swait.ge [sflag:s26], $0x4000  }
0x1cb: {  	[sflag:s26] =	ssyncset.done $0x0  }
0x1cc: {  	s19 =	sadd.s32 $0x15700, s17;
	[sflag:s26] =	ssyncadd.s32 $0xFFFFC000  }
0x1cd: {  	[spmem:s1] =	stream.indirect.scatter.add.f32 [tilespmem:s31], [sflag:$0x3], $0x80, s19, s30, $0xb8;
	[tilespmem:$0x1ED80] =	vst v63  }
0x1ce: {  	_ =	swait.ge [sflag:s25], $0x4000  }
0x1cf: {  	[sflag:s25] =	ssyncset.done $0x0  }
0x1d0: {  	[sflag:s25] =	ssyncadd.s32 $0xFFFFC000  }
0x1d1: {  	[tilespmem:s31], [sflag:$0x2] =	stream.indirect.gather [hbm4b:s6+s30], $0x80, s10, s30, $0xb8;
	[tilespmem:$0x1ED80] =	vst v63  }
0x1d2: {  	_ =	swait.ge [sflag:s0], $0x4000  }
0x1d3: {  	[sflag:s0] =	ssyncset.done $0x0  }
0x1d4: {  	[sflag:s0] =	ssyncadd.s32 $0xFFFFC000  }
0x1d5: {  	[spmem:s1] =	stream.indirect.scatter.add.f32 [tilespmem:s24], [sflag:$0x3], $0x80, s11, s30, $0xb8;
	[tilespmem:$0x1ED80] =	vst v63  }
0x1d6: {  	_ =	swait.ge [sflag:s25], $0x4000  }
0x1d7: {  	[sflag:s25] =	ssyncset.done $0x0  }
0x1d8: {  	[sflag:s25] =	ssyncadd.s32 $0xFFFFC000  }
0x1d9: {  	_ =	swait.ge [sflag:s26], $0x4000  }
0x1da: {  	[sflag:s26] =	ssyncset.done $0x0  }
0x1db: {  	[sflag:s26] =	ssyncadd.s32 $0xFFFFC000  }
0x1dc: {  	[spmem:s1] =	stream.indirect.scatter.add.f32 [tilespmem:s31], [sflag:$0x3], $0x80, s12, s30, $0xb8;
	[tilespmem:$0x1ED80] =	vst v63  }
0x1dd: {  	_ =	swait.ge [sflag:s25], $0x4000  }
0x1de: {  	[sflag:s25] =	ssyncset.done $0x0  }
0x1df: {  	s17 =	simm.s32 $0x0;
	s20 =	rddreg [dreg:$0x6];
	[sflag:s25] =	ssyncadd.s32 $0xFFFFC000  }
0x1e0: {  	[tilespmem:s28], [sflag:$0x3] =	stream.linear.gather [hbm4b:s20+s17], $0x1400, $0x38;
	[tilespmem:$0x1ED80] =	vst v63  }
0x1e1: {  	_ =	swait.ge [sflag:s25], $0x1400  }
0x1e2: {  	[sflag:s25] =	ssyncset.done $0x0  }
0x1e3: {  	s19 =	simm.s32 $0x15680;
	s29 =	rddreg [dreg:$0x7];
	[sflag:s25] =	ssyncadd.s32 $0xFFFFEC00  }
0x1e4: {  	[tilespmem:s19], [sflag:$0x3] =	stream.linear.gather [hbm4b:s29+s17], $0x1400, $0x38;
	[tilespmem:$0x1ED80] =	vst v63  }
0x1e5: {  	_ =	swait.ge [sflag:s25], $0x1400  }
0x1e6: {  	[sflag:s25] =	ssyncset.done $0x0  }
0x1e7: {  	[sflag:s25] =	ssyncadd.s32 $0xFFFFEC00  }
0x1e8: {  	[tilespmem:s24], [sflag:$0x1] =	stream.indirect.gather [hbm4b:s6+s30], $0x80, s28, s30, $0xb8;
	[tilespmem:$0x1ED80] =	vst v63  }
0x1e9: {  	s18 =	simm.s32 $0x14300  }
0x1ea: {  	[tilespmem:s31], [sflag:$0x2] =	stream.indirect.gather [hbm4b:s6+s30], $0x80, s18, s30, $0xb8;
	[tilespmem:$0x1ED80] =	vst v63  }
0x1eb: {  	_ =	swait.ge [sflag:s0], $0x4000  }
0x1ec: {  	[sflag:s0] =	ssyncset.done $0x0  }
0x1ed: {  	s19 =	simm.s32 $0x15680;
	[sflag:s0] =	ssyncadd.s32 $0xFFFFC000  }
0x1ee: {  	[spmem:s1] =	stream.indirect.scatter.add.f32 [tilespmem:s24], [sflag:$0x3], $0x80, s19, s30, $0xb8;
	[tilespmem:$0x1ED80] =	vst v63  }
0x1ef: {  	_ =	swait.ge [sflag:s25], $0x4000  }
0x1f0: {  	[sflag:s25] =	ssyncset.done $0x0  }
0x1f1: {  	s20 =	simm.s32 $0x14380;
	[sflag:s25] =	ssyncadd.s32 $0xFFFFC000  }
0x1f2: {  	[tilespmem:s24], [sflag:$0x1] =	stream.indirect.gather [hbm4b:s6+s30], $0x80, s20, s30, $0xb8;
	[tilespmem:$0x1ED80] =	vst v63  }
0x1f3: {  	_ =	swait.ge [sflag:s26], $0x4000  }
0x1f4: {  	[sflag:s26] =	ssyncset.done $0x0  }
0x1f5: {  	s29 =	simm.s32 $0x15700;
	[sflag:s26] =	ssyncadd.s32 $0xFFFFC000  }
0x1f6: {  	[spmem:s1] =	stream.indirect.scatter.add.f32 [tilespmem:s31], [sflag:$0x3], $0x80, s29, s30, $0xb8;
	[tilespmem:$0x1ED80] =	vst v63  }
0x1f7: {  	_ =	swait.ge [sflag:s25], $0x4000  }
0x1f8: {  	s17 =	simm.s32 $0x100;
	s18 =	simm.s32 $0x800;
	[sflag:s25] =	ssyncset.done $0x0  }
.LBB2_12:
0x1f9: {  	s19 =	sadd.s32 $0x14300, s17  }
0x1fa: {  	[sflag:s25] =	ssyncadd.s32 $0xFFFFC000;
	s20 =	smov.u32 s18;
	s29 =	sadd.s32 $0x400, s18  }
0x1fb: {  	[tilespmem:s31], [sflag:$0x2] =	stream.indirect.gather [hbm4b:s6+s30], $0x80, s19, s30, $0xb8;
	[tilespmem:$0x1ED80] =	vst v63  }
0x1fc: {  	p1 =	seq.s32 s18, $0x4800;
	_ =	swait.ge [sflag:s0], $0x4000  }
0x1fd: {  	[sflag:s0] =	ssyncset.done $0x0  }
0x1fe: {  	s18 =	sadd.s32 $0x15680, s17;
	[sflag:s0] =	ssyncadd.s32 $0xFFFFC000  }
0x1ff: {  	[spmem:s1] =	stream.indirect.scatter.add.f32 [tilespmem:s24], [sflag:$0x3], $0x80, s18, s30, $0xb8;
	[tilespmem:$0x1ED80] =	vst v63  }
0x200: {  	_ =	swait.ge [sflag:s25], $0x4000  }
0x201: {  	[sflag:s25] =	ssyncset.done $0x0  }
0x202: {  	s18 =	sadd.s32 $0x14380, s17;
	[sflag:s25] =	ssyncadd.s32 $0xFFFFC000  }
0x203: {  	[tilespmem:s24], [sflag:$0x1] =	stream.indirect.gather [hbm4b:s6+s30], $0x80, s18, s30, $0xb8;
	[tilespmem:$0x1ED80] =	vst v63  }
0x204: {  	_ =	swait.ge [sflag:s26], $0x4000  }
.Ltmp8:
0x205: {  	[sflag:s26] =	ssyncset.done $0x0;
	(pc) =	sbr.rel @!p1 .LBB2_12-.Ltmp8, $4  }
0x206: {  	s17 =	sadd.s32 $0x15700, s17;
	[sflag:s26] =	ssyncadd.s32 $0xFFFFC000  }
0x207: {  	[spmem:s1] =	stream.indirect.scatter.add.f32 [tilespmem:s31], [sflag:$0x3], $0x80, s17, s30, $0xb8;
	[tilespmem:$0x1ED80] =	vst v63  }
0x208: {  	_ =	swait.ge [sflag:s25], $0x4000  }
0x209: {  	s18 =	smov.u32 s29;
	s17 =	sshra.s32 s20, $0x2;
	[sflag:s25] =	ssyncset.done $0x0  }
.Ltmp9:
0x20a: {  	_ = 	snop;
	(pc) =	sbr.rel .LBB2_13-.Ltmp9, $1  }
0x20b: {  	_ =	sdelay $0x3  }
.LBB2_15:
0x20c: {  	_ =	sfence.sel $0x180000  }
0x20d: {  	[bflag:$0x0] =	sbarrier.arrive $0xFFFF  }
0x20e: {  	_ =	strace $0x90000047  }
0x20f: {  	s0 =	stileid.u32;
	[bflag:$0x2] =	sbarrier.arrive $0xFFFF  }
0x210: {  	p0 =	sne.s32 s0, $0x0;
	s0 =	rddreg [dreg:$0x3]  }
0x211: {  	s0 =	sadd.s32 @!p0 $0x100000, s0  }
0x212: {  	[sflag:s0] =	ssyncadd.tile.s32 @!p0 $0x1;
	_ =	shalt  }
.Lfunc_end2:
_tile_overlayer_lowered:
.L_overlay_start_2:
0x213: {  	(tag) =	ssettag $0x2  }
0x214: {  	s0 =	rddreg [dreg:$0x0];
	s2 =	stileid.u32  }
0x215: {  	s1 =	rddreg [dreg:$0x1];
	p0 =	sne.s32 s2, $0x0  }
0x216: {  	s3 =	rddreg [dreg:$0x2];
	[bflag:$0x3] =	sbarrier.arrive $0xFFFF;
	s2 =	simm.s32 @!p0 $0x1C03  }
0x217: {  	[timem:s3], [sflag:s2] =	dma.local @!p0 [hbm:s0], s1  }
0x218: {  	s0 =	simm.s32 @!p0 $0x3  }
0x219: {  	_ =	swait.ge @!p0 [sflag:s0], s1  }
0x21a: {  	s1 =	ssub.s32 @!p0 $0x0, s1;
	[sflag:s0] =	ssyncset.done @!p0 $0x0  }
0x21b: {  	[sflag:s0] =	ssyncadd.s32 @!p0 s1  }
0x21c: {  	[bflag:$0x3] =	sbarrier.arrive $0xFFFF  }
0x21d: {  	_ =	shalt  }

</sc_bundles>
